<compile_context>
chip_gen: v7x
topology: tpu7x:2x2x1
jax: 0.10.2.dev20260603
libtpu: 0.0.44.dev20260713+nightly
codegen_flags: <defaults>
</compile_context>

<pallas_src>
import jax
import jax.numpy as jnp
from jax import lax
from jax.experimental import pallas as pl
from jax.experimental.pallas import tpu as pltpu, tpu_sc as plsc

B = 16384
EMBED = 64
SUB = 8
NC, NS, L = 2, 16, 16
NW = NC * NS
BPW = B // NW
NCHUNK = BPW // L


def _rsqrt(x):
    i = plsc.bitcast(x, jnp.int32)
    i = jnp.int32(0x5F3759DF) - (i >> 1)
    y = plsc.bitcast(i, jnp.float32)
    for _ in range(3):
        y = y * (1.5 - 0.5 * x * y * y)
    return y


def _body(fidx, tidx, ftab, ttab, wvec_h, bvec_h, out_h,
          idx_fv, idx_tv, bf0, bt0, bf1, bt1, out_v, wb_v,
          sf0, st0, sf1, st1):
    wid = lax.axis_index("s") * NC + lax.axis_index("c")
    base = wid * BPW

    pltpu.sync_copy(fidx.at[pl.ds(base, BPW)], idx_fv)
    pltpu.sync_copy(tidx.at[pl.ds(base, BPW)], idx_tv)
    pltpu.sync_copy(wvec_h, wb_v.at[0])
    pltpu.sync_copy(bvec_h, wb_v.at[1])

    w = wb_v[0]
    b = wb_v[1]
    eps = jnp.full((L,), 1e-12, jnp.float32)
    lane = lax.iota(jnp.int32, L)
    zero = jnp.zeros((L,), jnp.float32)

    def fire(c, bf, bt, sf, st):
        tv_f = idx_fv[pl.ds(c * L, L)] >> 3
        tv_t = idx_tv[pl.ds(c * L, L)] >> 3
        for k in range(L):
            pltpu.async_copy(ftab.at[tv_f[k]], bf.at[k], sf)
            pltpu.async_copy(ttab.at[tv_t[k]], bt.at[k], st)

    def drain(bf, bt, sf, st):
        pltpu.make_async_copy(ftab.at[pl.ds(0, L)], bf, sf).wait()
        pltpu.make_async_copy(ttab.at[pl.ds(0, L)], bt, st).wait()

    def compute(c, bf, bt):
        iv_f = idx_fv[pl.ds(c * L, L)]
        iv_t = idx_tv[pl.ds(c * L, L)]
        sub_f = iv_f & 7
        sub_t = iv_t & 7

        def body(d, carry):
            acc_d, acc_a, acc_b = carry
            col = jnp.full((L,), d, jnp.int32)
            gf = plsc.load_gather(bf, [lane, sub_f, col])
            gt = plsc.load_gather(bt, [lane, sub_t, col])
            return (acc_d + gf * gt, acc_a + gf * gf, acc_b + gt * gt)

        acc_d, acc_a, acc_b = lax.fori_loop(
            0, EMBED, body, (zero, zero, zero), unroll=16)

        inv = _rsqrt(jnp.maximum(acc_a, eps) * jnp.maximum(acc_b, eps))
        z = acc_d * inv * w + b
        out_v[pl.ds(c * L, L)] = 1.0 / (1.0 + jnp.exp(-z))

    fire(0, bf0, bt0, sf0, st0)

    def step(i, _):
        c0 = 2 * i
        fire(c0 + 1, bf1, bt1, sf1, st1)
        drain(bf0, bt0, sf0, st0)
        compute(c0, bf0, bt0)

        @pl.when(c0 + 2 < NCHUNK)
        def _():
            fire(c0 + 2, bf0, bt0, sf0, st0)

        drain(bf1, bt1, sf1, st1)
        compute(c0 + 1, bf1, bt1)
        return 0

    lax.fori_loop(0, NCHUNK // 2, step, 0)
    pltpu.sync_copy(out_v, out_h.at[pl.ds(base, BPW)])


@jax.jit
def kernel(file, test, file_table, test_table, dense_w, dense_b):
    fidx = file.astype(jnp.int32)
    tidx = test.astype(jnp.int32)
    ft3 = file_table.reshape(file_table.shape[0] // SUB, SUB, EMBED)
    tt3 = test_table.reshape(test_table.shape[0] // SUB, SUB, EMBED)
    wvec = jnp.broadcast_to(dense_w.reshape(1), (L,)).astype(jnp.float32)
    bvec = jnp.broadcast_to(dense_b.reshape(1), (L,)).astype(jnp.float32)

    mesh = plsc.VectorSubcoreMesh(core_axis_name="c", subcore_axis_name="s")
    out = pl.kernel(
        _body,
        out_type=jax.ShapeDtypeStruct((B,), jnp.float32),
        mesh=mesh,
        compiler_params=pltpu.CompilerParams(needs_layout_passes=False),
        scratch_types=[
            pltpu.VMEM((BPW,), jnp.int32),
            pltpu.VMEM((BPW,), jnp.int32),
            pltpu.VMEM((L, SUB, EMBED), jnp.float32),
            pltpu.VMEM((L, SUB, EMBED), jnp.float32),
            pltpu.VMEM((L, SUB, EMBED), jnp.float32),
            pltpu.VMEM((L, SUB, EMBED), jnp.float32),
            pltpu.VMEM((BPW,), jnp.float32),
            pltpu.VMEM((2, L), jnp.float32),
            pltpu.SemaphoreType.DMA,
            pltpu.SemaphoreType.DMA,
            pltpu.SemaphoreType.DMA,
            pltpu.SemaphoreType.DMA,
        ],
    )(fidx, tidx, ft3, tt3, wvec, bvec)
    return out.reshape(B, 1)

# --- scband reference (transcript-rebuilt; emitter-appended) ---
"""Pipeline reference for scband-nnembeddings-78941498901197 (READ-ONLY COPY).

The authoritative reference and input builder live on the scoring server;
editing this copy changes nothing except your own understanding.
"""

import jax, jax.numpy as jnp
import numpy as np

B = 16384
NUM_FILES = 1000000
NUM_TESTS = 100000
EMBED = 64

def setup_inputs(seed: int = 0) -> dict:
    key = jax.random.key(seed)
    k1, k2, k3, k4, k5, k6 = jax.random.split(key, 6)
    file_idx = jax.random.randint(k1, (B,), 0, NUM_FILES)
    test_idx = jax.random.randint(k2, (B,), 0, NUM_TESTS)
    # learned parameters (keras Embedding default: uniform init; Dense: glorot)
    file_table = jax.random.uniform(k3, (NUM_FILES, EMBED), minval=-0.05, maxval=0.05, dtype=jnp.float32)
    test_table = jax.random.uniform(k4, (NUM_TESTS, EMBED), minval=-0.05, maxval=0.05, dtype=jnp.float32)
    dense_w = jax.random.normal(k5, (1, 1), dtype=jnp.float32)
    dense_b = jnp.zeros((1,), dtype=jnp.float32)
    return {"file": file_idx, "test": test_idx, "file_table": file_table,
            "test_table": test_table, "dense_w": dense_w, "dense_b": dense_b}

def _l2_normalize(x, eps=1e-12):
    # matches keras Dot(normalize=True) which uses tf.nn.l2_normalize
    sq = jnp.sum(x * x, axis=-1, keepdims=True)
    return x * jax.lax.rsqrt(jnp.maximum(sq, eps))

def reference(file, test, file_table, test_table, dense_w, dense_b):
    # Embedding lookups (gather) — SparseCore-friendly
    fe = jnp.take(file_table, file, axis=0)   # [B, EMBED]
    te = jnp.take(test_table, test, axis=0)   # [B, EMBED]
    # Dot(normalize=True, axes=2) == cosine similarity along embed dim
    fe_n = _l2_normalize(fe)
    te_n = _l2_normalize(te)
    merged = jnp.sum(fe_n * te_n, axis=-1, keepdims=True)  # [B, 1] (Reshape to [1])
    # classification head: Dense(1, sigmoid)
    out = jax.nn.sigmoid(merged @ dense_w + dense_b)        # [B, 1]
    return out

if __name__ == "__main__":
    import jax
    _d = setup_inputs()
    print(jax.jit(kernel)(*tuple(_d.values())))

</pallas_src>

<mosaic_0001>
#map = affine_map<(d0, d1) -> (0)>
#map1 = affine_map<(d0, d1) -> (0, 0, 0)>
module attributes {stable_mosaic.version = 14 : i64} {
  func.func @_body(%arg0: i32, %arg1: i32, %arg2: memref<16384xi32, #tpu.memory_space<hbm>>, %arg3: memref<16384xi32, #tpu.memory_space<hbm>>, %arg4: memref<125000x8x64xf32, #tpu.memory_space<hbm>>, %arg5: memref<12500x8x64xf32, #tpu.memory_space<hbm>>, %arg6: memref<16xf32, #tpu.memory_space<hbm>>, %arg7: memref<16xf32, #tpu.memory_space<hbm>>, %arg8: memref<16384xf32, #tpu.memory_space<hbm>>, %arg9: memref<512xi32, #tpu.memory_space<vmem>>, %arg10: memref<512xi32, #tpu.memory_space<vmem>>, %arg11: memref<16x8x64xf32, #tpu.memory_space<vmem>>, %arg12: memref<16x8x64xf32, #tpu.memory_space<vmem>>, %arg13: memref<16x8x64xf32, #tpu.memory_space<vmem>>, %arg14: memref<16x8x64xf32, #tpu.memory_space<vmem>>, %arg15: memref<512xf32, #tpu.memory_space<vmem>>, %arg16: memref<2x16xf32, #tpu.memory_space<vmem>>, %arg17: memref<!tpu.dma_semaphore, #tpu.memory_space<semaphore_mem>>, %arg18: memref<!tpu.dma_semaphore, #tpu.memory_space<semaphore_mem>>, %arg19: memref<!tpu.dma_semaphore, #tpu.memory_space<semaphore_mem>>, %arg20: memref<!tpu.dma_semaphore, #tpu.memory_space<semaphore_mem>>) attributes {dimension_semantics = [#tpu.dimension_semantics<core_parallel>, #tpu.dimension_semantics<subcore_parallel>], iteration_bounds = array<i64: 2, 16>, scalar_prefetch = 0 : i64, scratch_operands = 12 : i64, tpu.core_type = #tpu.core_type<sc_vector_subcore>, window_params = [{transform_indices = #map}, {transform_indices = #map}, {transform_indices = #map1}, {transform_indices = #map1}, {transform_indices = #map}, {transform_indices = #map}, {transform_indices = #map}]} {
    %mul3A = arith.constant 2 : i32
    %mul3A_0 = arith.muli %arg1, %mul3A : i32
    %add3A = arith.addi %mul3A_0, %arg0 : i32
    %mul3A_1 = arith.constant 512 : i32
    %mul3A_2 = arith.muli %add3A, %mul3A_1 : i32
    "tpu.region"() ({
      %run_scoped3A_634 = tpu.sem_alloc : memref<!tpu.dma_semaphore, #tpu.memory_space<semaphore_mem>>
      %dma_start3A_635 = tpu.memref_slice %arg2[%mul3A_2] : memref<16384xi32, #tpu.memory_space<hbm>> -> memref<512xi32, #tpu.memory_space<hbm>>
      %dma_start3A_636 = tpu.memref_slice %arg2[%mul3A_2] : memref<16384xi32, #tpu.memory_space<hbm>> -> memref<512xi32, #tpu.memory_space<hbm>>
      tpu.enqueue_dma source(%dma_start3A_636 : memref<512xi32, #tpu.memory_space<hbm>>) target(%arg9 : memref<512xi32, #tpu.memory_space<vmem>>) target_semaphore(%run_scoped3A_634 : memref<!tpu.dma_semaphore, #tpu.memory_space<semaphore_mem>>)
      %dma_wait3A = tpu.memref_slice %arg2[%mul3A_2] : memref<16384xi32, #tpu.memory_space<hbm>> -> memref<512xi32, #tpu.memory_space<hbm>>
      %dma_wait3A_637 = tpu.memref_slice %arg2[%mul3A_2] : memref<16384xi32, #tpu.memory_space<hbm>> -> memref<512xi32, #tpu.memory_space<hbm>>
      tpu.wait_dma2 semaphore(%run_scoped3A_634 : memref<!tpu.dma_semaphore, #tpu.memory_space<semaphore_mem>>) src(%dma_wait3A_637 : memref<512xi32, #tpu.memory_space<hbm>>) dst(%arg9 : memref<512xi32, #tpu.memory_space<vmem>>)
      tpu.yield
    }) : () -> ()
    "tpu.region"() ({
      %run_scoped3A_634 = tpu.sem_alloc : memref<!tpu.dma_semaphore, #tpu.memory_space<semaphore_mem>>
      %dma_start3A_635 = tpu.memref_slice %arg3[%mul3A_2] : memref<16384xi32, #tpu.memory_space<hbm>> -> memref<512xi32, #tpu.memory_space<hbm>>
      %dma_start3A_636 = tpu.memref_slice %arg3[%mul3A_2] : memref<16384xi32, #tpu.memory_space<hbm>> -> memref<512xi32, #tpu.memory_space<hbm>>
      tpu.enqueue_dma source(%dma_start3A_636 : memref<512xi32, #tpu.memory_space<hbm>>) target(%arg10 : memref<512xi32, #tpu.memory_space<vmem>>) target_semaphore(%run_scoped3A_634 : memref<!tpu.dma_semaphore, #tpu.memory_space<semaphore_mem>>)
      %dma_wait3A = tpu.memref_slice %arg3[%mul3A_2] : memref<16384xi32, #tpu.memory_space<hbm>> -> memref<512xi32, #tpu.memory_space<hbm>>
      %dma_wait3A_637 = tpu.memref_slice %arg3[%mul3A_2] : memref<16384xi32, #tpu.memory_space<hbm>> -> memref<512xi32, #tpu.memory_space<hbm>>
      tpu.wait_dma2 semaphore(%run_scoped3A_634 : memref<!tpu.dma_semaphore, #tpu.memory_space<semaphore_mem>>) src(%dma_wait3A_637 : memref<512xi32, #tpu.memory_space<hbm>>) dst(%arg10 : memref<512xi32, #tpu.memory_space<vmem>>)
      tpu.yield
    }) : () -> ()
    %run_scoped3A = arith.constant 0 : i32
    "tpu.region"() ({
      %run_scoped3A_634 = tpu.sem_alloc : memref<!tpu.dma_semaphore, #tpu.memory_space<semaphore_mem>>
      %dma_start3A_635 = arith.constant 0 : i32
      %dma_start3A_636 = tpu.memref_slice %arg16[%run_scoped3A, %dma_start3A_635] : memref<2x16xf32, #tpu.memory_space<vmem>> -> memref<1x16xf32, #tpu.memory_space<vmem>>
      %dma_start3A_637 = tpu.memref_squeeze %dma_start3A_636 : memref<1x16xf32, #tpu.memory_space<vmem>> -> memref<16xf32, #tpu.memory_space<vmem>>
      %dma_start3A_638 = arith.constant 0 : i32
      %dma_start3A_639 = tpu.memref_slice %arg16[%run_scoped3A, %dma_start3A_638] : memref<2x16xf32, #tpu.memory_space<vmem>> -> memref<1x16xf32, #tpu.memory_space<vmem>>
      %dma_start3A_640 = tpu.memref_squeeze %dma_start3A_639 : memref<1x16xf32, #tpu.memory_space<vmem>> -> memref<16xf32, #tpu.memory_space<vmem>>
      tpu.enqueue_dma source(%arg6 : memref<16xf32, #tpu.memory_space<hbm>>) target(%dma_start3A_640 : memref<16xf32, #tpu.memory_space<vmem>>) target_semaphore(%run_scoped3A_634 : memref<!tpu.dma_semaphore, #tpu.memory_space<semaphore_mem>>)
      %dma_wait3A = arith.constant 0 : i32
      %dma_wait3A_641 = tpu.memref_slice %arg16[%run_scoped3A, %dma_wait3A] : memref<2x16xf32, #tpu.memory_space<vmem>> -> memref<1x16xf32, #tpu.memory_space<vmem>>
      %dma_wait3A_642 = tpu.memref_squeeze %dma_wait3A_641 : memref<1x16xf32, #tpu.memory_space<vmem>> -> memref<16xf32, #tpu.memory_space<vmem>>
      %dma_wait3A_643 = arith.constant 0 : i32
      %dma_wait3A_644 = tpu.memref_slice %arg16[%run_scoped3A, %dma_wait3A_643] : memref<2x16xf32, #tpu.memory_space<vmem>> -> memref<1x16xf32, #tpu.memory_space<vmem>>
      %dma_wait3A_645 = tpu.memref_squeeze %dma_wait3A_644 : memref<1x16xf32, #tpu.memory_space<vmem>> -> memref<16xf32, #tpu.memory_space<vmem>>
      tpu.wait_dma2 semaphore(%run_scoped3A_634 : memref<!tpu.dma_semaphore, #tpu.memory_space<semaphore_mem>>) src(%arg6 : memref<16xf32, #tpu.memory_space<hbm>>) dst(%dma_wait3A_645 : memref<16xf32, #tpu.memory_space<vmem>>)
      tpu.yield
    }) : () -> ()
    %run_scoped3A_3 = arith.constant 1 : i32
    "tpu.region"() ({
      %run_scoped3A_634 = tpu.sem_alloc : memref<!tpu.dma_semaphore, #tpu.memory_space<semaphore_mem>>
      %dma_start3A_635 = arith.constant 0 : i32
      %dma_start3A_636 = tpu.memref_slice %arg16[%run_scoped3A_3, %dma_start3A_635] : memref<2x16xf32, #tpu.memory_space<vmem>> -> memref<1x16xf32, #tpu.memory_space<vmem>>
      %dma_start3A_637 = tpu.memref_squeeze %dma_start3A_636 : memref<1x16xf32, #tpu.memory_space<vmem>> -> memref<16xf32, #tpu.memory_space<vmem>>
      %dma_start3A_638 = arith.constant 0 : i32
      %dma_start3A_639 = tpu.memref_slice %arg16[%run_scoped3A_3, %dma_start3A_638] : memref<2x16xf32, #tpu.memory_space<vmem>> -> memref<1x16xf32, #tpu.memory_space<vmem>>
      %dma_start3A_640 = tpu.memref_squeeze %dma_start3A_639 : memref<1x16xf32, #tpu.memory_space<vmem>> -> memref<16xf32, #tpu.memory_space<vmem>>
      tpu.enqueue_dma source(%arg7 : memref<16xf32, #tpu.memory_space<hbm>>) target(%dma_start3A_640 : memref<16xf32, #tpu.memory_space<vmem>>) target_semaphore(%run_scoped3A_634 : memref<!tpu.dma_semaphore, #tpu.memory_space<semaphore_mem>>)
      %dma_wait3A = arith.constant 0 : i32
      %dma_wait3A_641 = tpu.memref_slice %arg16[%run_scoped3A_3, %dma_wait3A] : memref<2x16xf32, #tpu.memory_space<vmem>> -> memref<1x16xf32, #tpu.memory_space<vmem>>
      %dma_wait3A_642 = tpu.memref_squeeze %dma_wait3A_641 : memref<1x16xf32, #tpu.memory_space<vmem>> -> memref<16xf32, #tpu.memory_space<vmem>>
      %dma_wait3A_643 = arith.constant 0 : i32
      %dma_wait3A_644 = tpu.memref_slice %arg16[%run_scoped3A_3, %dma_wait3A_643] : memref<2x16xf32, #tpu.memory_space<vmem>> -> memref<1x16xf32, #tpu.memory_space<vmem>>
      %dma_wait3A_645 = tpu.memref_squeeze %dma_wait3A_644 : memref<1x16xf32, #tpu.memory_space<vmem>> -> memref<16xf32, #tpu.memory_space<vmem>>
      tpu.wait_dma2 semaphore(%run_scoped3A_634 : memref<!tpu.dma_semaphore, #tpu.memory_space<semaphore_mem>>) src(%arg7 : memref<16xf32, #tpu.memory_space<hbm>>) dst(%dma_wait3A_645 : memref<16xf32, #tpu.memory_space<vmem>>)
      tpu.yield
    }) : () -> ()
    %get3A = arith.constant 0 : i32
    %get3A_4 = arith.index_cast %get3A : i32 to index
    %get3A_5 = arith.constant 0 : index
    %get3A_6 = tpu.vector_load %arg16[%get3A_4, %get3A_5] {strides = array<i32>} : memref<2x16xf32, #tpu.memory_space<vmem>>, vector<16xf32>,
    %get3A_7 = arith.constant 1 : i32
    %get3A_8 = arith.index_cast %get3A_7 : i32 to index
    %get3A_9 = arith.constant 0 : index
    %get3A_10 = tpu.vector_load %arg16[%get3A_8, %get3A_9] {strides = array<i32>} : memref<2x16xf32, #tpu.memory_space<vmem>>, vector<16xf32>,
    %broadcast_in_dim3A = arith.constant 9.99999996E-13 : f32
    %broadcast_in_dim3A_11 = vector.broadcast %broadcast_in_dim3A : f32 to vector<16xf32>
    %iota3A = tpu.iota {dimensions = array<i32: 0>} : vector<16xi32>
    %broadcast_in_dim3A_12 = arith.constant 0.000000e+00 : f32
    %broadcast_in_dim3A_13 = vector.broadcast %broadcast_in_dim3A_12 : f32 to vector<16xf32>
    %get3A_14 = arith.constant 0 : index
    %get3A_15 = tpu.vector_load %arg9[%get3A_14] {strides = array<i32>} : memref<512xi32, #tpu.memory_space<vmem>>, vector<16xi32>,
    %shift_right_arithmetic3A = arith.constant 3 : i32
    %shift_right_arithmetic3A_16 = vector.broadcast %shift_right_arithmetic3A : i32 to vector<16xi32>
    %shift_right_arithmetic3A_17 = arith.shrsi %get3A_15, %shift_right_arithmetic3A_16 : vector<16xi32>
    %get3A_18 = arith.constant 0 : index
    %get3A_19 = tpu.vector_load %arg10[%get3A_18] {strides = array<i32>} : memref<512xi32, #tpu.memory_space<vmem>>, vector<16xi32>,
    %shift_right_arithmetic3A_20 = arith.constant 3 : i32
    %shift_right_arithmetic3A_21 = vector.broadcast %shift_right_arithmetic3A_20 : i32 to vector<16xi32>
    %shift_right_arithmetic3A_22 = arith.shrsi %get3A_19, %shift_right_arithmetic3A_21 : vector<16xi32>
    %slice3A = vector.extract_strided_slice %shift_right_arithmetic3A_17 {offsets = [0], sizes = [1], strides = [1]} : vector<16xi32> to vector<1xi32>
    %squeeze3A = vector.extract %slice3A[0] : i32 from vector<1xi32>
    %dma_start3A = arith.constant 0 : i32
    %dma_start3A_23 = arith.constant 0 : i32
    %dma_start3A_24 = arith.constant 0 : i32
    %dma_start3A_25 = tpu.memref_slice %arg11[%dma_start3A, %dma_start3A_23, %dma_start3A_24] : memref<16x8x64xf32, #tpu.memory_space<vmem>> -> memref<1x8x64xf32, #tpu.memory_space<vmem>>
    %dma_start3A_26 = tpu.memref_squeeze %dma_start3A_25 : memref<1x8x64xf32, #tpu.memory_space<vmem>> -> memref<8x64xf32, #tpu.memory_space<vmem>>
    %dma_start3A_27 = arith.constant 0 : i32
    %dma_start3A_28 = arith.constant 0 : i32
    %dma_start3A_29 = tpu.memref_slice %arg4[%squeeze3A, %dma_start3A_27, %dma_start3A_28] : memref<125000x8x64xf32, #tpu.memory_space<hbm>> -> memref<1x8x64xf32, #tpu.memory_space<hbm>>
    %dma_start3A_30 = tpu.memref_squeeze %dma_start3A_29 : memref<1x8x64xf32, #tpu.memory_space<hbm>> -> memref<8x64xf32, #tpu.memory_space<hbm>>
    %dma_start3A_31 = arith.constant 0 : i32
    %dma_start3A_32 = arith.constant 0 : i32
    %dma_start3A_33 = tpu.memref_slice %arg11[%dma_start3A, %dma_start3A_31, %dma_start3A_32] : memref<16x8x64xf32, #tpu.memory_space<vmem>> -> memref<1x8x64xf32, #tpu.memory_space<vmem>>
    %dma_start3A_34 = tpu.memref_squeeze %dma_start3A_33 : memref<1x8x64xf32, #tpu.memory_space<vmem>> -> memref<8x64xf32, #tpu.memory_space<vmem>>
    %dma_start3A_35 = arith.constant 0 : i32
    %dma_start3A_36 = arith.constant 0 : i32
    %dma_start3A_37 = tpu.memref_slice %arg4[%squeeze3A, %dma_start3A_35, %dma_start3A_36] : memref<125000x8x64xf32, #tpu.memory_space<hbm>> -> memref<1x8x64xf32, #tpu.memory_space<hbm>>
    %dma_start3A_38 = tpu.memref_squeeze %dma_start3A_37 : memref<1x8x64xf32, #tpu.memory_space<hbm>> -> memref<8x64xf32, #tpu.memory_space<hbm>>
    tpu.enqueue_dma source(%dma_start3A_38 : memref<8x64xf32, #tpu.memory_space<hbm>>) target(%dma_start3A_34 : memref<8x64xf32, #tpu.memory_space<vmem>>) target_semaphore(%arg17 : memref<!tpu.dma_semaphore, #tpu.memory_space<semaphore_mem>>)
    %slice3A_39 = vector.extract_strided_slice %shift_right_arithmetic3A_22 {offsets = [0], sizes = [1], strides = [1]} : vector<16xi32> to vector<1xi32>
    %squeeze3A_40 = vector.extract %slice3A_39[0] : i32 from vector<1xi32>
    %dma_start3A_41 = arith.constant 0 : i32
    %dma_start3A_42 = arith.constant 0 : i32
    %dma_start3A_43 = arith.constant 0 : i32
    %dma_start3A_44 = tpu.memref_slice %arg12[%dma_start3A_41, %dma_start3A_42, %dma_start3A_43] : memref<16x8x64xf32, #tpu.memory_space<vmem>> -> memref<1x8x64xf32, #tpu.memory_space<vmem>>
    %dma_start3A_45 = tpu.memref_squeeze %dma_start3A_44 : memref<1x8x64xf32, #tpu.memory_space<vmem>> -> memref<8x64xf32, #tpu.memory_space<vmem>>
    %dma_start3A_46 = arith.constant 0 : i32
    %dma_start3A_47 = arith.constant 0 : i32
    %dma_start3A_48 = tpu.memref_slice %arg5[%squeeze3A_40, %dma_start3A_46, %dma_start3A_47] : memref<12500x8x64xf32, #tpu.memory_space<hbm>> -> memref<1x8x64xf32, #tpu.memory_space<hbm>>
    %dma_start3A_49 = tpu.memref_squeeze %dma_start3A_48 : memref<1x8x64xf32, #tpu.memory_space<hbm>> -> memref<8x64xf32, #tpu.memory_space<hbm>>
    %dma_start3A_50 = arith.constant 0 : i32
    %dma_start3A_51 = arith.constant 0 : i32
    %dma_start3A_52 = tpu.memref_slice %arg12[%dma_start3A_41, %dma_start3A_50, %dma_start3A_51] : memref<16x8x64xf32, #tpu.memory_space<vmem>> -> memref<1x8x64xf32, #tpu.memory_space<vmem>>
    %dma_start3A_53 = tpu.memref_squeeze %dma_start3A_52 : memref<1x8x64xf32, #tpu.memory_space<vmem>> -> memref<8x64xf32, #tpu.memory_space<vmem>>
    %dma_start3A_54 = arith.constant 0 : i32
    %dma_start3A_55 = arith.constant 0 : i32
    %dma_start3A_56 = tpu.memref_slice %arg5[%squeeze3A_40, %dma_start3A_54, %dma_start3A_55] : memref<12500x8x64xf32, #tpu.memory_space<hbm>> -> memref<1x8x64xf32, #tpu.memory_space<hbm>>
    %dma_start3A_57 = tpu.memref_squeeze %dma_start3A_56 : memref<1x8x64xf32, #tpu.memory_space<hbm>> -> memref<8x64xf32, #tpu.memory_space<hbm>>
    tpu.enqueue_dma source(%dma_start3A_57 : memref<8x64xf32, #tpu.memory_space<hbm>>) target(%dma_start3A_53 : memref<8x64xf32, #tpu.memory_space<vmem>>) target_semaphore(%arg18 : memref<!tpu.dma_semaphore, #tpu.memory_space<semaphore_mem>>)
    %slice3A_58 = vector.extract_strided_slice %shift_right_arithmetic3A_17 {offsets = [1], sizes = [1], strides = [1]} : vector<16xi32> to vector<1xi32>
    %squeeze3A_59 = vector.extract %slice3A_58[0] : i32 from vector<1xi32>
    %dma_start3A_60 = arith.constant 1 : i32
    %dma_start3A_61 = arith.constant 0 : i32
    %dma_start3A_62 = arith.constant 0 : i32
    %dma_start3A_63 = tpu.memref_slice %arg11[%dma_start3A_60, %dma_start3A_61, %dma_start3A_62] : memref<16x8x64xf32, #tpu.memory_space<vmem>> -> memref<1x8x64xf32, #tpu.memory_space<vmem>>
    %dma_start3A_64 = tpu.memref_squeeze %dma_start3A_63 : memref<1x8x64xf32, #tpu.memory_space<vmem>> -> memref<8x64xf32, #tpu.memory_space<vmem>>
    %dma_start3A_65 = arith.constant 0 : i32
    %dma_start3A_66 = arith.constant 0 : i32
    %dma_start3A_67 = tpu.memref_slice %arg4[%squeeze3A_59, %dma_start3A_65, %dma_start3A_66] : memref<125000x8x64xf32, #tpu.memory_space<hbm>> -> memref<1x8x64xf32, #tpu.memory_space<hbm>>
    %dma_start3A_68 = tpu.memref_squeeze %dma_start3A_67 : memref<1x8x64xf32, #tpu.memory_space<hbm>> -> memref<8x64xf32, #tpu.memory_space<hbm>>
    %dma_start3A_69 = arith.constant 0 : i32
    %dma_start3A_70 = arith.constant 0 : i32
    %dma_start3A_71 = tpu.memref_slice %arg11[%dma_start3A_60, %dma_start3A_69, %dma_start3A_70] : memref<16x8x64xf32, #tpu.memory_space<vmem>> -> memref<1x8x64xf32, #tpu.memory_space<vmem>>
    %dma_start3A_72 = tpu.memref_squeeze %dma_start3A_71 : memref<1x8x64xf32, #tpu.memory_space<vmem>> -> memref<8x64xf32, #tpu.memory_space<vmem>>
    %dma_start3A_73 = arith.constant 0 : i32
    %dma_start3A_74 = arith.constant 0 : i32
    %dma_start3A_75 = tpu.memref_slice %arg4[%squeeze3A_59, %dma_start3A_73, %dma_start3A_74] : memref<125000x8x64xf32, #tpu.memory_space<hbm>> -> memref<1x8x64xf32, #tpu.memory_space<hbm>>
    %dma_start3A_76 = tpu.memref_squeeze %dma_start3A_75 : memref<1x8x64xf32, #tpu.memory_space<hbm>> -> memref<8x64xf32, #tpu.memory_space<hbm>>
    tpu.enqueue_dma source(%dma_start3A_76 : memref<8x64xf32, #tpu.memory_space<hbm>>) target(%dma_start3A_72 : memref<8x64xf32, #tpu.memory_space<vmem>>) target_semaphore(%arg17 : memref<!tpu.dma_semaphore, #tpu.memory_space<semaphore_mem>>)
    %slice3A_77 = vector.extract_strided_slice %shift_right_arithmetic3A_22 {offsets = [1], sizes = [1], strides = [1]} : vector<16xi32> to vector<1xi32>
    %squeeze3A_78 = vector.extract %slice3A_77[0] : i32 from vector<1xi32>
    %dma_start3A_79 = arith.constant 1 : i32
    %dma_start3A_80 = arith.constant 0 : i32
    %dma_start3A_81 = arith.constant 0 : i32
    %dma_start3A_82 = tpu.memref_slice %arg12[%dma_start3A_79, %dma_start3A_80, %dma_start3A_81] : memref<16x8x64xf32, #tpu.memory_space<vmem>> -> memref<1x8x64xf32, #tpu.memory_space<vmem>>
    %dma_start3A_83 = tpu.memref_squeeze %dma_start3A_82 : memref<1x8x64xf32, #tpu.memory_space<vmem>> -> memref<8x64xf32, #tpu.memory_space<vmem>>
    %dma_start3A_84 = arith.constant 0 : i32
    %dma_start3A_85 = arith.constant 0 : i32
    %dma_start3A_86 = tpu.memref_slice %arg5[%squeeze3A_78, %dma_start3A_84, %dma_start3A_85] : memref<12500x8x64xf32, #tpu.memory_space<hbm>> -> memref<1x8x64xf32, #tpu.memory_space<hbm>>
    %dma_start3A_87 = tpu.memref_squeeze %dma_start3A_86 : memref<1x8x64xf32, #tpu.memory_space<hbm>> -> memref<8x64xf32, #tpu.memory_space<hbm>>
    %dma_start3A_88 = arith.constant 0 : i32
    %dma_start3A_89 = arith.constant 0 : i32
    %dma_start3A_90 = tpu.memref_slice %arg12[%dma_start3A_79, %dma_start3A_88, %dma_start3A_89] : memref<16x8x64xf32, #tpu.memory_space<vmem>> -> memref<1x8x64xf32, #tpu.memory_space<vmem>>
    %dma_start3A_91 = tpu.memref_squeeze %dma_start3A_90 : memref<1x8x64xf32, #tpu.memory_space<vmem>> -> memref<8x64xf32, #tpu.memory_space<vmem>>
    %dma_start3A_92 = arith.constant 0 : i32
    %dma_start3A_93 = arith.constant 0 : i32
    %dma_start3A_94 = tpu.memref_slice %arg5[%squeeze3A_78, %dma_start3A_92, %dma_start3A_93] : memref<12500x8x64xf32, #tpu.memory_space<hbm>> -> memref<1x8x64xf32, #tpu.memory_space<hbm>>
    %dma_start3A_95 = tpu.memref_squeeze %dma_start3A_94 : memref<1x8x64xf32, #tpu.memory_space<hbm>> -> memref<8x64xf32, #tpu.memory_space<hbm>>
    tpu.enqueue_dma source(%dma_start3A_95 : memref<8x64xf32, #tpu.memory_space<hbm>>) target(%dma_start3A_91 : memref<8x64xf32, #tpu.memory_space<vmem>>) target_semaphore(%arg18 : memref<!tpu.dma_semaphore, #tpu.memory_space<semaphore_mem>>)
    %slice3A_96 = vector.extract_strided_slice %shift_right_arithmetic3A_17 {offsets = [2], sizes = [1], strides = [1]} : vector<16xi32> to vector<1xi32>
    %squeeze3A_97 = vector.extract %slice3A_96[0] : i32 from vector<1xi32>
    %dma_start3A_98 = arith.constant 2 : i32
    %dma_start3A_99 = arith.constant 0 : i32
    %dma_start3A_100 = arith.constant 0 : i32
    %dma_start3A_101 = tpu.memref_slice %arg11[%dma_start3A_98, %dma_start3A_99, %dma_start3A_100] : memref<16x8x64xf32, #tpu.memory_space<vmem>> -> memref<1x8x64xf32, #tpu.memory_space<vmem>>
    %dma_start3A_102 = tpu.memref_squeeze %dma_start3A_101 : memref<1x8x64xf32, #tpu.memory_space<vmem>> -> memref<8x64xf32, #tpu.memory_space<vmem>>
    %dma_start3A_103 = arith.constant 0 : i32
    %dma_start3A_104 = arith.constant 0 : i32
    %dma_start3A_105 = tpu.memref_slice %arg4[%squeeze3A_97, %dma_start3A_103, %dma_start3A_104] : memref<125000x8x64xf32, #tpu.memory_space<hbm>> -> memref<1x8x64xf32, #tpu.memory_space<hbm>>
    %dma_start3A_106 = tpu.memref_squeeze %dma_start3A_105 : memref<1x8x64xf32, #tpu.memory_space<hbm>> -> memref<8x64xf32, #tpu.memory_space<hbm>>
    %dma_start3A_107 = arith.constant 0 : i32
    %dma_start3A_108 = arith.constant 0 : i32
    %dma_start3A_109 = tpu.memref_slice %arg11[%dma_start3A_98, %dma_start3A_107, %dma_start3A_108] : memref<16x8x64xf32, #tpu.memory_space<vmem>> -> memref<1x8x64xf32, #tpu.memory_space<vmem>>
    %dma_start3A_110 = tpu.memref_squeeze %dma_start3A_109 : memref<1x8x64xf32, #tpu.memory_space<vmem>> -> memref<8x64xf32, #tpu.memory_space<vmem>>
    %dma_start3A_111 = arith.constant 0 : i32
    %dma_start3A_112 = arith.constant 0 : i32
    %dma_start3A_113 = tpu.memref_slice %arg4[%squeeze3A_97, %dma_start3A_111, %dma_start3A_112] : memref<125000x8x64xf32, #tpu.memory_space<hbm>> -> memref<1x8x64xf32, #tpu.memory_space<hbm>>
    %dma_start3A_114 = tpu.memref_squeeze %dma_start3A_113 : memref<1x8x64xf32, #tpu.memory_space<hbm>> -> memref<8x64xf32, #tpu.memory_space<hbm>>
    tpu.enqueue_dma source(%dma_start3A_114 : memref<8x64xf32, #tpu.memory_space<hbm>>) target(%dma_start3A_110 : memref<8x64xf32, #tpu.memory_space<vmem>>) target_semaphore(%arg17 : memref<!tpu.dma_semaphore, #tpu.memory_space<semaphore_mem>>)
    %slice3A_115 = vector.extract_strided_slice %shift_right_arithmetic3A_22 {offsets = [2], sizes = [1], strides = [1]} : vector<16xi32> to vector<1xi32>
    %squeeze3A_116 = vector.extract %slice3A_115[0] : i32 from vector<1xi32>
    %dma_start3A_117 = arith.constant 2 : i32
    %dma_start3A_118 = arith.constant 0 : i32
    %dma_start3A_119 = arith.constant 0 : i32
    %dma_start3A_120 = tpu.memref_slice %arg12[%dma_start3A_117, %dma_start3A_118, %dma_start3A_119] : memref<16x8x64xf32, #tpu.memory_space<vmem>> -> memref<1x8x64xf32, #tpu.memory_space<vmem>>
    %dma_start3A_121 = tpu.memref_squeeze %dma_start3A_120 : memref<1x8x64xf32, #tpu.memory_space<vmem>> -> memref<8x64xf32, #tpu.memory_space<vmem>>
    %dma_start3A_122 = arith.constant 0 : i32
    %dma_start3A_123 = arith.constant 0 : i32
    %dma_start3A_124 = tpu.memref_slice %arg5[%squeeze3A_116, %dma_start3A_122, %dma_start3A_123] : memref<12500x8x64xf32, #tpu.memory_space<hbm>> -> memref<1x8x64xf32, #tpu.memory_space<hbm>>
    %dma_start3A_125 = tpu.memref_squeeze %dma_start3A_124 : memref<1x8x64xf32, #tpu.memory_space<hbm>> -> memref<8x64xf32, #tpu.memory_space<hbm>>
    %dma_start3A_126 = arith.constant 0 : i32
    %dma_start3A_127 = arith.constant 0 : i32
    %dma_start3A_128 = tpu.memref_slice %arg12[%dma_start3A_117, %dma_start3A_126, %dma_start3A_127] : memref<16x8x64xf32, #tpu.memory_space<vmem>> -> memref<1x8x64xf32, #tpu.memory_space<vmem>>
    %dma_start3A_129 = tpu.memref_squeeze %dma_start3A_128 : memref<1x8x64xf32, #tpu.memory_space<vmem>> -> memref<8x64xf32, #tpu.memory_space<vmem>>
    %dma_start3A_130 = arith.constant 0 : i32
    %dma_start3A_131 = arith.constant 0 : i32
    %dma_start3A_132 = tpu.memref_slice %arg5[%squeeze3A_116, %dma_start3A_130, %dma_start3A_131] : memref<12500x8x64xf32, #tpu.memory_space<hbm>> -> memref<1x8x64xf32, #tpu.memory_space<hbm>>
    %dma_start3A_133 = tpu.memref_squeeze %dma_start3A_132 : memref<1x8x64xf32, #tpu.memory_space<hbm>> -> memref<8x64xf32, #tpu.memory_space<hbm>>
    tpu.enqueue_dma source(%dma_start3A_133 : memref<8x64xf32, #tpu.memory_space<hbm>>) target(%dma_start3A_129 : memref<8x64xf32, #tpu.memory_space<vmem>>) target_semaphore(%arg18 : memref<!tpu.dma_semaphore, #tpu.memory_space<semaphore_mem>>)
    %slice3A_134 = vector.extract_strided_slice %shift_right_arithmetic3A_17 {offsets = [3], sizes = [1], strides = [1]} : vector<16xi32> to vector<1xi32>
    %squeeze3A_135 = vector.extract %slice3A_134[0] : i32 from vector<1xi32>
    %dma_start3A_136 = arith.constant 3 : i32
    %dma_start3A_137 = arith.constant 0 : i32
    %dma_start3A_138 = arith.constant 0 : i32
    %dma_start3A_139 = tpu.memref_slice %arg11[%dma_start3A_136, %dma_start3A_137, %dma_start3A_138] : memref<16x8x64xf32, #tpu.memory_space<vmem>> -> memref<1x8x64xf32, #tpu.memory_space<vmem>>
    %dma_start3A_140 = tpu.memref_squeeze %dma_start3A_139 : memref<1x8x64xf32, #tpu.memory_space<vmem>> -> memref<8x64xf32, #tpu.memory_space<vmem>>
    %dma_start3A_141 = arith.constant 0 : i32
    %dma_start3A_142 = arith.constant 0 : i32
    %dma_start3A_143 = tpu.memref_slice %arg4[%squeeze3A_135, %dma_start3A_141, %dma_start3A_142] : memref<125000x8x64xf32, #tpu.memory_space<hbm>> -> memref<1x8x64xf32, #tpu.memory_space<hbm>>
    %dma_start3A_144 = tpu.memref_squeeze %dma_start3A_143 : memref<1x8x64xf32, #tpu.memory_space<hbm>> -> memref<8x64xf32, #tpu.memory_space<hbm>>
    %dma_start3A_145 = arith.constant 0 : i32
    %dma_start3A_146 = arith.constant 0 : i32
    %dma_start3A_147 = tpu.memref_slice %arg11[%dma_start3A_136, %dma_start3A_145, %dma_start3A_146] : memref<16x8x64xf32, #tpu.memory_space<vmem>> -> memref<1x8x64xf32, #tpu.memory_space<vmem>>
    %dma_start3A_148 = tpu.memref_squeeze %dma_start3A_147 : memref<1x8x64xf32, #tpu.memory_space<vmem>> -> memref<8x64xf32, #tpu.memory_space<vmem>>
    %dma_start3A_149 = arith.constant 0 : i32
    %dma_start3A_150 = arith.constant 0 : i32
    %dma_start3A_151 = tpu.memref_slice %arg4[%squeeze3A_135, %dma_start3A_149, %dma_start3A_150] : memref<125000x8x64xf32, #tpu.memory_space<hbm>> -> memref<1x8x64xf32, #tpu.memory_space<hbm>>
    %dma_start3A_152 = tpu.memref_squeeze %dma_start3A_151 : memref<1x8x64xf32, #tpu.memory_space<hbm>> -> memref<8x64xf32, #tpu.memory_space<hbm>>
    tpu.enqueue_dma source(%dma_start3A_152 : memref<8x64xf32, #tpu.memory_space<hbm>>) target(%dma_start3A_148 : memref<8x64xf32, #tpu.memory_space<vmem>>) target_semaphore(%arg17 : memref<!tpu.dma_semaphore, #tpu.memory_space<semaphore_mem>>)
    %slice3A_153 = vector.extract_strided_slice %shift_right_arithmetic3A_22 {offsets = [3], sizes = [1], strides = [1]} : vector<16xi32> to vector<1xi32>
    %squeeze3A_154 = vector.extract %slice3A_153[0] : i32 from vector<1xi32>
    %dma_start3A_155 = arith.constant 3 : i32
    %dma_start3A_156 = arith.constant 0 : i32
    %dma_start3A_157 = arith.constant 0 : i32
    %dma_start3A_158 = tpu.memref_slice %arg12[%dma_start3A_155, %dma_start3A_156, %dma_start3A_157] : memref<16x8x64xf32, #tpu.memory_space<vmem>> -> memref<1x8x64xf32, #tpu.memory_space<vmem>>
    %dma_start3A_159 = tpu.memref_squeeze %dma_start3A_158 : memref<1x8x64xf32, #tpu.memory_space<vmem>> -> memref<8x64xf32, #tpu.memory_space<vmem>>
    %dma_start3A_160 = arith.constant 0 : i32
    %dma_start3A_161 = arith.constant 0 : i32
    %dma_start3A_162 = tpu.memref_slice %arg5[%squeeze3A_154, %dma_start3A_160, %dma_start3A_161] : memref<12500x8x64xf32, #tpu.memory_space<hbm>> -> memref<1x8x64xf32, #tpu.memory_space<hbm>>
    %dma_start3A_163 = tpu.memref_squeeze %dma_start3A_162 : memref<1x8x64xf32, #tpu.memory_space<hbm>> -> memref<8x64xf32, #tpu.memory_space<hbm>>
    %dma_start3A_164 = arith.constant 0 : i32
    %dma_start3A_165 = arith.constant 0 : i32
    %dma_start3A_166 = tpu.memref_slice %arg12[%dma_start3A_155, %dma_start3A_164, %dma_start3A_165] : memref<16x8x64xf32, #tpu.memory_space<vmem>> -> memref<1x8x64xf32, #tpu.memory_space<vmem>>
    %dma_start3A_167 = tpu.memref_squeeze %dma_start3A_166 : memref<1x8x64xf32, #tpu.memory_space<vmem>> -> memref<8x64xf32, #tpu.memory_space<vmem>>
    %dma_start3A_168 = arith.constant 0 : i32
    %dma_start3A_169 = arith.constant 0 : i32
    %dma_start3A_170 = tpu.memref_slice %arg5[%squeeze3A_154, %dma_start3A_168, %dma_start3A_169] : memref<12500x8x64xf32, #tpu.memory_space<hbm>> -> memref<1x8x64xf32, #tpu.memory_space<hbm>>
    %dma_start3A_171 = tpu.memref_squeeze %dma_start3A_170 : memref<1x8x64xf32, #tpu.memory_space<hbm>> -> memref<8x64xf32, #tpu.memory_space<hbm>>
    tpu.enqueue_dma source(%dma_start3A_171 : memref<8x64xf32, #tpu.memory_space<hbm>>) target(%dma_start3A_167 : memref<8x64xf32, #tpu.memory_space<vmem>>) target_semaphore(%arg18 : memref<!tpu.dma_semaphore, #tpu.memory_space<semaphore_mem>>)
    %slice3A_172 = vector.extract_strided_slice %shift_right_arithmetic3A_17 {offsets = [4], sizes = [1], strides = [1]} : vector<16xi32> to vector<1xi32>
    %squeeze3A_173 = vector.extract %slice3A_172[0] : i32 from vector<1xi32>
    %dma_start3A_174 = arith.constant 4 : i32
    %dma_start3A_175 = arith.constant 0 : i32
    %dma_start3A_176 = arith.constant 0 : i32
    %dma_start3A_177 = tpu.memref_slice %arg11[%dma_start3A_174, %dma_start3A_175, %dma_start3A_176] : memref<16x8x64xf32, #tpu.memory_space<vmem>> -> memref<1x8x64xf32, #tpu.memory_space<vmem>>
    %dma_start3A_178 = tpu.memref_squeeze %dma_start3A_177 : memref<1x8x64xf32, #tpu.memory_space<vmem>> -> memref<8x64xf32, #tpu.memory_space<vmem>>
    %dma_start3A_179 = arith.constant 0 : i32
    %dma_start3A_180 = arith.constant 0 : i32
    %dma_start3A_181 = tpu.memref_slice %arg4[%squeeze3A_173, %dma_start3A_179, %dma_start3A_180] : memref<125000x8x64xf32, #tpu.memory_space<hbm>> -> memref<1x8x64xf32, #tpu.memory_space<hbm>>
    %dma_start3A_182 = tpu.memref_squeeze %dma_start3A_181 : memref<1x8x64xf32, #tpu.memory_space<hbm>> -> memref<8x64xf32, #tpu.memory_space<hbm>>
    %dma_start3A_183 = arith.constant 0 : i32
    %dma_start3A_184 = arith.constant 0 : i32
    %dma_start3A_185 = tpu.memref_slice %arg11[%dma_start3A_174, %dma_start3A_183, %dma_start3A_184] : memref<16x8x64xf32, #tpu.memory_space<vmem>> -> memref<1x8x64xf32, #tpu.memory_space<vmem>>
    %dma_start3A_186 = tpu.memref_squeeze %dma_start3A_185 : memref<1x8x64xf32, #tpu.memory_space<vmem>> -> memref<8x64xf32, #tpu.memory_space<vmem>>
    %dma_start3A_187 = arith.constant 0 : i32
    %dma_start3A_188 = arith.constant 0 : i32
    %dma_start3A_189 = tpu.memref_slice %arg4[%squeeze3A_173, %dma_start3A_187, %dma_start3A_188] : memref<125000x8x64xf32, #tpu.memory_space<hbm>> -> memref<1x8x64xf32, #tpu.memory_space<hbm>>
    %dma_start3A_190 = tpu.memref_squeeze %dma_start3A_189 : memref<1x8x64xf32, #tpu.memory_space<hbm>> -> memref<8x64xf32, #tpu.memory_space<hbm>>
    tpu.enqueue_dma source(%dma_start3A_190 : memref<8x64xf32, #tpu.memory_space<hbm>>) target(%dma_start3A_186 : memref<8x64xf32, #tpu.memory_space<vmem>>) target_semaphore(%arg17 : memref<!tpu.dma_semaphore, #tpu.memory_space<semaphore_mem>>)
    %slice3A_191 = vector.extract_strided_slice %shift_right_arithmetic3A_22 {offsets = [4], sizes = [1], strides = [1]} : vector<16xi32> to vector<1xi32>
    %squeeze3A_192 = vector.extract %slice3A_191[0] : i32 from vector<1xi32>
    %dma_start3A_193 = arith.constant 4 : i32
    %dma_start3A_194 = arith.constant 0 : i32
    %dma_start3A_195 = arith.constant 0 : i32
    %dma_start3A_196 = tpu.memref_slice %arg12[%dma_start3A_193, %dma_start3A_194, %dma_start3A_195] : memref<16x8x64xf32, #tpu.memory_space<vmem>> -> memref<1x8x64xf32, #tpu.memory_space<vmem>>
    %dma_start3A_197 = tpu.memref_squeeze %dma_start3A_196 : memref<1x8x64xf32, #tpu.memory_space<vmem>> -> memref<8x64xf32, #tpu.memory_space<vmem>>
    %dma_start3A_198 = arith.constant 0 : i32
    %dma_start3A_199 = arith.constant 0 : i32
    %dma_start3A_200 = tpu.memref_slice %arg5[%squeeze3A_192, %dma_start3A_198, %dma_start3A_199] : memref<12500x8x64xf32, #tpu.memory_space<hbm>> -> memref<1x8x64xf32, #tpu.memory_space<hbm>>
    %dma_start3A_201 = tpu.memref_squeeze %dma_start3A_200 : memref<1x8x64xf32, #tpu.memory_space<hbm>> -> memref<8x64xf32, #tpu.memory_space<hbm>>
    %dma_start3A_202 = arith.constant 0 : i32
    %dma_start3A_203 = arith.constant 0 : i32
    %dma_start3A_204 = tpu.memref_slice %arg12[%dma_start3A_193, %dma_start3A_202, %dma_start3A_203] : memref<16x8x64xf32, #tpu.memory_space<vmem>> -> memref<1x8x64xf32, #tpu.memory_space<vmem>>
    %dma_start3A_205 = tpu.memref_squeeze %dma_start3A_204 : memref<1x8x64xf32, #tpu.memory_space<vmem>> -> memref<8x64xf32, #tpu.memory_space<vmem>>
    %dma_start3A_206 = arith.constant 0 : i32
    %dma_start3A_207 = arith.constant 0 : i32
    %dma_start3A_208 = tpu.memref_slice %arg5[%squeeze3A_192, %dma_start3A_206, %dma_start3A_207] : memref<12500x8x64xf32, #tpu.memory_space<hbm>> -> memref<1x8x64xf32, #tpu.memory_space<hbm>>
    %dma_start3A_209 = tpu.memref_squeeze %dma_start3A_208 : memref<1x8x64xf32, #tpu.memory_space<hbm>> -> memref<8x64xf32, #tpu.memory_space<hbm>>
    tpu.enqueue_dma source(%dma_start3A_209 : memref<8x64xf32, #tpu.memory_space<hbm>>) target(%dma_start3A_205 : memref<8x64xf32, #tpu.memory_space<vmem>>) target_semaphore(%arg18 : memref<!tpu.dma_semaphore, #tpu.memory_space<semaphore_mem>>)
    %slice3A_210 = vector.extract_strided_slice %shift_right_arithmetic3A_17 {offsets = [5], sizes = [1], strides = [1]} : vector<16xi32> to vector<1xi32>
    %squeeze3A_211 = vector.extract %slice3A_210[0] : i32 from vector<1xi32>
    %dma_start3A_212 = arith.constant 5 : i32
    %dma_start3A_213 = arith.constant 0 : i32
    %dma_start3A_214 = arith.constant 0 : i32
    %dma_start3A_215 = tpu.memref_slice %arg11[%dma_start3A_212, %dma_start3A_213, %dma_start3A_214] : memref<16x8x64xf32, #tpu.memory_space<vmem>> -> memref<1x8x64xf32, #tpu.memory_space<vmem>>
    %dma_start3A_216 = tpu.memref_squeeze %dma_start3A_215 : memref<1x8x64xf32, #tpu.memory_space<vmem>> -> memref<8x64xf32, #tpu.memory_space<vmem>>
    %dma_start3A_217 = arith.constant 0 : i32
    %dma_start3A_218 = arith.constant 0 : i32
    %dma_start3A_219 = tpu.memref_slice %arg4[%squeeze3A_211, %dma_start3A_217, %dma_start3A_218] : memref<125000x8x64xf32, #tpu.memory_space<hbm>> -> memref<1x8x64xf32, #tpu.memory_space<hbm>>
    %dma_start3A_220 = tpu.memref_squeeze %dma_start3A_219 : memref<1x8x64xf32, #tpu.memory_space<hbm>> -> memref<8x64xf32, #tpu.memory_space<hbm>>
    %dma_start3A_221 = arith.constant 0 : i32
    %dma_start3A_222 = arith.constant 0 : i32
    %dma_start3A_223 = tpu.memref_slice %arg11[%dma_start3A_212, %dma_start3A_221, %dma_start3A_222] : memref<16x8x64xf32, #tpu.memory_space<vmem>> -> memref<1x8x64xf32, #tpu.memory_space<vmem>>
    %dma_start3A_224 = tpu.memref_squeeze %dma_start3A_223 : memref<1x8x64xf32, #tpu.memory_space<vmem>> -> memref<8x64xf32, #tpu.memory_space<vmem>>
    %dma_start3A_225 = arith.constant 0 : i32
    %dma_start3A_226 = arith.constant 0 : i32
    %dma_start3A_227 = tpu.memref_slice %arg4[%squeeze3A_211, %dma_start3A_225, %dma_start3A_226] : memref<125000x8x64xf32, #tpu.memory_space<hbm>> -> memref<1x8x64xf32, #tpu.memory_space<hbm>>
    %dma_start3A_228 = tpu.memref_squeeze %dma_start3A_227 : memref<1x8x64xf32, #tpu.memory_space<hbm>> -> memref<8x64xf32, #tpu.memory_space<hbm>>
    tpu.enqueue_dma source(%dma_start3A_228 : memref<8x64xf32, #tpu.memory_space<hbm>>) target(%dma_start3A_224 : memref<8x64xf32, #tpu.memory_space<vmem>>) target_semaphore(%arg17 : memref<!tpu.dma_semaphore, #tpu.memory_space<semaphore_mem>>)
    %slice3A_229 = vector.extract_strided_slice %shift_right_arithmetic3A_22 {offsets = [5], sizes = [1], strides = [1]} : vector<16xi32> to vector<1xi32>
    %squeeze3A_230 = vector.extract %slice3A_229[0] : i32 from vector<1xi32>
    %dma_start3A_231 = arith.constant 5 : i32
    %dma_start3A_232 = arith.constant 0 : i32
    %dma_start3A_233 = arith.constant 0 : i32
    %dma_start3A_234 = tpu.memref_slice %arg12[%dma_start3A_231, %dma_start3A_232, %dma_start3A_233] : memref<16x8x64xf32, #tpu.memory_space<vmem>> -> memref<1x8x64xf32, #tpu.memory_space<vmem>>
    %dma_start3A_235 = tpu.memref_squeeze %dma_start3A_234 : memref<1x8x64xf32, #tpu.memory_space<vmem>> -> memref<8x64xf32, #tpu.memory_space<vmem>>
    %dma_start3A_236 = arith.constant 0 : i32
    %dma_start3A_237 = arith.constant 0 : i32
    %dma_start3A_238 = tpu.memref_slice %arg5[%squeeze3A_230, %dma_start3A_236, %dma_start3A_237] : memref<12500x8x64xf32, #tpu.memory_space<hbm>> -> memref<1x8x64xf32, #tpu.memory_space<hbm>>
    %dma_start3A_239 = tpu.memref_squeeze %dma_start3A_238 : memref<1x8x64xf32, #tpu.memory_space<hbm>> -> memref<8x64xf32, #tpu.memory_space<hbm>>
    %dma_start3A_240 = arith.constant 0 : i32
    %dma_start3A_241 = arith.constant 0 : i32
    %dma_start3A_242 = tpu.memref_slice %arg12[%dma_start3A_231, %dma_start3A_240, %dma_start3A_241] : memref<16x8x64xf32, #tpu.memory_space<vmem>> -> memref<1x8x64xf32, #tpu.memory_space<vmem>>
    %dma_start3A_243 = tpu.memref_squeeze %dma_start3A_242 : memref<1x8x64xf32, #tpu.memory_space<vmem>> -> memref<8x64xf32, #tpu.memory_space<vmem>>
    %dma_start3A_244 = arith.constant 0 : i32
    %dma_start3A_245 = arith.constant 0 : i32
    %dma_start3A_246 = tpu.memref_slice %arg5[%squeeze3A_230, %dma_start3A_244, %dma_start3A_245] : memref<12500x8x64xf32, #tpu.memory_space<hbm>> -> memref<1x8x64xf32, #tpu.memory_space<hbm>>
    %dma_start3A_247 = tpu.memref_squeeze %dma_start3A_246 : memref<1x8x64xf32, #tpu.memory_space<hbm>> -> memref<8x64xf32, #tpu.memory_space<hbm>>
    tpu.enqueue_dma source(%dma_start3A_247 : memref<8x64xf32, #tpu.memory_space<hbm>>) target(%dma_start3A_243 : memref<8x64xf32, #tpu.memory_space<vmem>>) target_semaphore(%arg18 : memref<!tpu.dma_semaphore, #tpu.memory_space<semaphore_mem>>)
    %slice3A_248 = vector.extract_strided_slice %shift_right_arithmetic3A_17 {offsets = [6], sizes = [1], strides = [1]} : vector<16xi32> to vector<1xi32>
    %squeeze3A_249 = vector.extract %slice3A_248[0] : i32 from vector<1xi32>
    %dma_start3A_250 = arith.constant 6 : i32
    %dma_start3A_251 = arith.constant 0 : i32
    %dma_start3A_252 = arith.constant 0 : i32
    %dma_start3A_253 = tpu.memref_slice %arg11[%dma_start3A_250, %dma_start3A_251, %dma_start3A_252] : memref<16x8x64xf32, #tpu.memory_space<vmem>> -> memref<1x8x64xf32, #tpu.memory_space<vmem>>
    %dma_start3A_254 = tpu.memref_squeeze %dma_start3A_253 : memref<1x8x64xf32, #tpu.memory_space<vmem>> -> memref<8x64xf32, #tpu.memory_space<vmem>>
    %dma_start3A_255 = arith.constant 0 : i32
    %dma_start3A_256 = arith.constant 0 : i32
    %dma_start3A_257 = tpu.memref_slice %arg4[%squeeze3A_249, %dma_start3A_255, %dma_start3A_256] : memref<125000x8x64xf32, #tpu.memory_space<hbm>> -> memref<1x8x64xf32, #tpu.memory_space<hbm>>
    %dma_start3A_258 = tpu.memref_squeeze %dma_start3A_257 : memref<1x8x64xf32, #tpu.memory_space<hbm>> -> memref<8x64xf32, #tpu.memory_space<hbm>>
    %dma_start3A_259 = arith.constant 0 : i32
    %dma_start3A_260 = arith.constant 0 : i32
    %dma_start3A_261 = tpu.memref_slice %arg11[%dma_start3A_250, %dma_start3A_259, %dma_start3A_260] : memref<16x8x64xf32, #tpu.memory_space<vmem>> -> memref<1x8x64xf32, #tpu.memory_space<vmem>>
    %dma_start3A_262 = tpu.memref_squeeze %dma_start3A_261 : memref<1x8x64xf32, #tpu.memory_space<vmem>> -> memref<8x64xf32, #tpu.memory_space<vmem>>
    %dma_start3A_263 = arith.constant 0 : i32
    %dma_start3A_264 = arith.constant 0 : i32
    %dma_start3A_265 = tpu.memref_slice %arg4[%squeeze3A_249, %dma_start3A_263, %dma_start3A_264] : memref<125000x8x64xf32, #tpu.memory_space<hbm>> -> memref<1x8x64xf32, #tpu.memory_space<hbm>>
    %dma_start3A_266 = tpu.memref_squeeze %dma_start3A_265 : memref<1x8x64xf32, #tpu.memory_space<hbm>> -> memref<8x64xf32, #tpu.memory_space<hbm>>
    tpu.enqueue_dma source(%dma_start3A_266 : memref<8x64xf32, #tpu.memory_space<hbm>>) target(%dma_start3A_262 : memref<8x64xf32, #tpu.memory_space<vmem>>) target_semaphore(%arg17 : memref<!tpu.dma_semaphore, #tpu.memory_space<semaphore_mem>>)
    %slice3A_267 = vector.extract_strided_slice %shift_right_arithmetic3A_22 {offsets = [6], sizes = [1], strides = [1]} : vector<16xi32> to vector<1xi32>
    %squeeze3A_268 = vector.extract %slice3A_267[0] : i32 from vector<1xi32>
    %dma_start3A_269 = arith.constant 6 : i32
    %dma_start3A_270 = arith.constant 0 : i32
    %dma_start3A_271 = arith.constant 0 : i32
    %dma_start3A_272 = tpu.memref_slice %arg12[%dma_start3A_269, %dma_start3A_270, %dma_start3A_271] : memref<16x8x64xf32, #tpu.memory_space<vmem>> -> memref<1x8x64xf32, #tpu.memory_space<vmem>>
    %dma_start3A_273 = tpu.memref_squeeze %dma_start3A_272 : memref<1x8x64xf32, #tpu.memory_space<vmem>> -> memref<8x64xf32, #tpu.memory_space<vmem>>
    %dma_start3A_274 = arith.constant 0 : i32
    %dma_start3A_275 = arith.constant 0 : i32
    %dma_start3A_276 = tpu.memref_slice %arg5[%squeeze3A_268, %dma_start3A_274, %dma_start3A_275] : memref<12500x8x64xf32, #tpu.memory_space<hbm>> -> memref<1x8x64xf32, #tpu.memory_space<hbm>>
    %dma_start3A_277 = tpu.memref_squeeze %dma_start3A_276 : memref<1x8x64xf32, #tpu.memory_space<hbm>> -> memref<8x64xf32, #tpu.memory_space<hbm>>
    %dma_start3A_278 = arith.constant 0 : i32
    %dma_start3A_279 = arith.constant 0 : i32
    %dma_start3A_280 = tpu.memref_slice %arg12[%dma_start3A_269, %dma_start3A_278, %dma_start3A_279] : memref<16x8x64xf32, #tpu.memory_space<vmem>> -> memref<1x8x64xf32, #tpu.memory_space<vmem>>
    %dma_start3A_281 = tpu.memref_squeeze %dma_start3A_280 : memref<1x8x64xf32, #tpu.memory_space<vmem>> -> memref<8x64xf32, #tpu.memory_space<vmem>>
    %dma_start3A_282 = arith.constant 0 : i32
    %dma_start3A_283 = arith.constant 0 : i32
    %dma_start3A_284 = tpu.memref_slice %arg5[%squeeze3A_268, %dma_start3A_282, %dma_start3A_283] : memref<12500x8x64xf32, #tpu.memory_space<hbm>> -> memref<1x8x64xf32, #tpu.memory_space<hbm>>
    %dma_start3A_285 = tpu.memref_squeeze %dma_start3A_284 : memref<1x8x64xf32, #tpu.memory_space<hbm>> -> memref<8x64xf32, #tpu.memory_space<hbm>>
    tpu.enqueue_dma source(%dma_start3A_285 : memref<8x64xf32, #tpu.memory_space<hbm>>) target(%dma_start3A_281 : memref<8x64xf32, #tpu.memory_space<vmem>>) target_semaphore(%arg18 : memref<!tpu.dma_semaphore, #tpu.memory_space<semaphore_mem>>)
    %slice3A_286 = vector.extract_strided_slice %shift_right_arithmetic3A_17 {offsets = [7], sizes = [1], strides = [1]} : vector<16xi32> to vector<1xi32>
    %squeeze3A_287 = vector.extract %slice3A_286[0] : i32 from vector<1xi32>
    %dma_start3A_288 = arith.constant 7 : i32
    %dma_start3A_289 = arith.constant 0 : i32
    %dma_start3A_290 = arith.constant 0 : i32
    %dma_start3A_291 = tpu.memref_slice %arg11[%dma_start3A_288, %dma_start3A_289, %dma_start3A_290] : memref<16x8x64xf32, #tpu.memory_space<vmem>> -> memref<1x8x64xf32, #tpu.memory_space<vmem>>
    %dma_start3A_292 = tpu.memref_squeeze %dma_start3A_291 : memref<1x8x64xf32, #tpu.memory_space<vmem>> -> memref<8x64xf32, #tpu.memory_space<vmem>>
    %dma_start3A_293 = arith.constant 0 : i32
    %dma_start3A_294 = arith.constant 0 : i32
    %dma_start3A_295 = tpu.memref_slice %arg4[%squeeze3A_287, %dma_start3A_293, %dma_start3A_294] : memref<125000x8x64xf32, #tpu.memory_space<hbm>> -> memref<1x8x64xf32, #tpu.memory_space<hbm>>
    %dma_start3A_296 = tpu.memref_squeeze %dma_start3A_295 : memref<1x8x64xf32, #tpu.memory_space<hbm>> -> memref<8x64xf32, #tpu.memory_space<hbm>>
    %dma_start3A_297 = arith.constant 0 : i32
    %dma_start3A_298 = arith.constant 0 : i32
    %dma_start3A_299 = tpu.memref_slice %arg11[%dma_start3A_288, %dma_start3A_297, %dma_start3A_298] : memref<16x8x64xf32, #tpu.memory_space<vmem>> -> memref<1x8x64xf32, #tpu.memory_space<vmem>>
    %dma_start3A_300 = tpu.memref_squeeze %dma_start3A_299 : memref<1x8x64xf32, #tpu.memory_space<vmem>> -> memref<8x64xf32, #tpu.memory_space<vmem>>
    %dma_start3A_301 = arith.constant 0 : i32
    %dma_start3A_302 = arith.constant 0 : i32
    %dma_start3A_303 = tpu.memref_slice %arg4[%squeeze3A_287, %dma_start3A_301, %dma_start3A_302] : memref<125000x8x64xf32, #tpu.memory_space<hbm>> -> memref<1x8x64xf32, #tpu.memory_space<hbm>>
    %dma_start3A_304 = tpu.memref_squeeze %dma_start3A_303 : memref<1x8x64xf32, #tpu.memory_space<hbm>> -> memref<8x64xf32, #tpu.memory_space<hbm>>
    tpu.enqueue_dma source(%dma_start3A_304 : memref<8x64xf32, #tpu.memory_space<hbm>>) target(%dma_start3A_300 : memref<8x64xf32, #tpu.memory_space<vmem>>) target_semaphore(%arg17 : memref<!tpu.dma_semaphore, #tpu.memory_space<semaphore_mem>>)
    %slice3A_305 = vector.extract_strided_slice %shift_right_arithmetic3A_22 {offsets = [7], sizes = [1], strides = [1]} : vector<16xi32> to vector<1xi32>
    %squeeze3A_306 = vector.extract %slice3A_305[0] : i32 from vector<1xi32>
    %dma_start3A_307 = arith.constant 7 : i32
    %dma_start3A_308 = arith.constant 0 : i32
    %dma_start3A_309 = arith.constant 0 : i32
    %dma_start3A_310 = tpu.memref_slice %arg12[%dma_start3A_307, %dma_start3A_308, %dma_start3A_309] : memref<16x8x64xf32, #tpu.memory_space<vmem>> -> memref<1x8x64xf32, #tpu.memory_space<vmem>>
    %dma_start3A_311 = tpu.memref_squeeze %dma_start3A_310 : memref<1x8x64xf32, #tpu.memory_space<vmem>> -> memref<8x64xf32, #tpu.memory_space<vmem>>
    %dma_start3A_312 = arith.constant 0 : i32
    %dma_start3A_313 = arith.constant 0 : i32
    %dma_start3A_314 = tpu.memref_slice %arg5[%squeeze3A_306, %dma_start3A_312, %dma_start3A_313] : memref<12500x8x64xf32, #tpu.memory_space<hbm>> -> memref<1x8x64xf32, #tpu.memory_space<hbm>>
    %dma_start3A_315 = tpu.memref_squeeze %dma_start3A_314 : memref<1x8x64xf32, #tpu.memory_space<hbm>> -> memref<8x64xf32, #tpu.memory_space<hbm>>
    %dma_start3A_316 = arith.constant 0 : i32
    %dma_start3A_317 = arith.constant 0 : i32
    %dma_start3A_318 = tpu.memref_slice %arg12[%dma_start3A_307, %dma_start3A_316, %dma_start3A_317] : memref<16x8x64xf32, #tpu.memory_space<vmem>> -> memref<1x8x64xf32, #tpu.memory_space<vmem>>
    %dma_start3A_319 = tpu.memref_squeeze %dma_start3A_318 : memref<1x8x64xf32, #tpu.memory_space<vmem>> -> memref<8x64xf32, #tpu.memory_space<vmem>>
    %dma_start3A_320 = arith.constant 0 : i32
    %dma_start3A_321 = arith.constant 0 : i32
    %dma_start3A_322 = tpu.memref_slice %arg5[%squeeze3A_306, %dma_start3A_320, %dma_start3A_321] : memref<12500x8x64xf32, #tpu.memory_space<hbm>> -> memref<1x8x64xf32, #tpu.memory_space<hbm>>
    %dma_start3A_323 = tpu.memref_squeeze %dma_start3A_322 : memref<1x8x64xf32, #tpu.memory_space<hbm>> -> memref<8x64xf32, #tpu.memory_space<hbm>>
    tpu.enqueue_dma source(%dma_start3A_323 : memref<8x64xf32, #tpu.memory_space<hbm>>) target(%dma_start3A_319 : memref<8x64xf32, #tpu.memory_space<vmem>>) target_semaphore(%arg18 : memref<!tpu.dma_semaphore, #tpu.memory_space<semaphore_mem>>)
    %slice3A_324 = vector.extract_strided_slice %shift_right_arithmetic3A_17 {offsets = [8], sizes = [1], strides = [1]} : vector<16xi32> to vector<1xi32>
    %squeeze3A_325 = vector.extract %slice3A_324[0] : i32 from vector<1xi32>
    %dma_start3A_326 = arith.constant 8 : i32
    %dma_start3A_327 = arith.constant 0 : i32
    %dma_start3A_328 = arith.constant 0 : i32
    %dma_start3A_329 = tpu.memref_slice %arg11[%dma_start3A_326, %dma_start3A_327, %dma_start3A_328] : memref<16x8x64xf32, #tpu.memory_space<vmem>> -> memref<1x8x64xf32, #tpu.memory_space<vmem>>
    %dma_start3A_330 = tpu.memref_squeeze %dma_start3A_329 : memref<1x8x64xf32, #tpu.memory_space<vmem>> -> memref<8x64xf32, #tpu.memory_space<vmem>>
    %dma_start3A_331 = arith.constant 0 : i32
    %dma_start3A_332 = arith.constant 0 : i32
    %dma_start3A_333 = tpu.memref_slice %arg4[%squeeze3A_325, %dma_start3A_331, %dma_start3A_332] : memref<125000x8x64xf32, #tpu.memory_space<hbm>> -> memref<1x8x64xf32, #tpu.memory_space<hbm>>
    %dma_start3A_334 = tpu.memref_squeeze %dma_start3A_333 : memref<1x8x64xf32, #tpu.memory_space<hbm>> -> memref<8x64xf32, #tpu.memory_space<hbm>>
    %dma_start3A_335 = arith.constant 0 : i32
    %dma_start3A_336 = arith.constant 0 : i32
    %dma_start3A_337 = tpu.memref_slice %arg11[%dma_start3A_326, %dma_start3A_335, %dma_start3A_336] : memref<16x8x64xf32, #tpu.memory_space<vmem>> -> memref<1x8x64xf32, #tpu.memory_space<vmem>>
    %dma_start3A_338 = tpu.memref_squeeze %dma_start3A_337 : memref<1x8x64xf32, #tpu.memory_space<vmem>> -> memref<8x64xf32, #tpu.memory_space<vmem>>
    %dma_start3A_339 = arith.constant 0 : i32
    %dma_start3A_340 = arith.constant 0 : i32
    %dma_start3A_341 = tpu.memref_slice %arg4[%squeeze3A_325, %dma_start3A_339, %dma_start3A_340] : memref<125000x8x64xf32, #tpu.memory_space<hbm>> -> memref<1x8x64xf32, #tpu.memory_space<hbm>>
    %dma_start3A_342 = tpu.memref_squeeze %dma_start3A_341 : memref<1x8x64xf32, #tpu.memory_space<hbm>> -> memref<8x64xf32, #tpu.memory_space<hbm>>
    tpu.enqueue_dma source(%dma_start3A_342 : memref<8x64xf32, #tpu.memory_space<hbm>>) target(%dma_start3A_338 : memref<8x64xf32, #tpu.memory_space<vmem>>) target_semaphore(%arg17 : memref<!tpu.dma_semaphore, #tpu.memory_space<semaphore_mem>>)
    %slice3A_343 = vector.extract_strided_slice %shift_right_arithmetic3A_22 {offsets = [8], sizes = [1], strides = [1]} : vector<16xi32> to vector<1xi32>
    %squeeze3A_344 = vector.extract %slice3A_343[0] : i32 from vector<1xi32>
    %dma_start3A_345 = arith.constant 8 : i32
    %dma_start3A_346 = arith.constant 0 : i32
    %dma_start3A_347 = arith.constant 0 : i32
    %dma_start3A_348 = tpu.memref_slice %arg12[%dma_start3A_345, %dma_start3A_346, %dma_start3A_347] : memref<16x8x64xf32, #tpu.memory_space<vmem>> -> memref<1x8x64xf32, #tpu.memory_space<vmem>>
    %dma_start3A_349 = tpu.memref_squeeze %dma_start3A_348 : memref<1x8x64xf32, #tpu.memory_space<vmem>> -> memref<8x64xf32, #tpu.memory_space<vmem>>
    %dma_start3A_350 = arith.constant 0 : i32
    %dma_start3A_351 = arith.constant 0 : i32
    %dma_start3A_352 = tpu.memref_slice %arg5[%squeeze3A_344, %dma_start3A_350, %dma_start3A_351] : memref<12500x8x64xf32, #tpu.memory_space<hbm>> -> memref<1x8x64xf32, #tpu.memory_space<hbm>>
    %dma_start3A_353 = tpu.memref_squeeze %dma_start3A_352 : memref<1x8x64xf32, #tpu.memory_space<hbm>> -> memref<8x64xf32, #tpu.memory_space<hbm>>
    %dma_start3A_354 = arith.constant 0 : i32
    %dma_start3A_355 = arith.constant 0 : i32
    %dma_start3A_356 = tpu.memref_slice %arg12[%dma_start3A_345, %dma_start3A_354, %dma_start3A_355] : memref<16x8x64xf32, #tpu.memory_space<vmem>> -> memref<1x8x64xf32, #tpu.memory_space<vmem>>
    %dma_start3A_357 = tpu.memref_squeeze %dma_start3A_356 : memref<1x8x64xf32, #tpu.memory_space<vmem>> -> memref<8x64xf32, #tpu.memory_space<vmem>>
    %dma_start3A_358 = arith.constant 0 : i32
    %dma_start3A_359 = arith.constant 0 : i32
    %dma_start3A_360 = tpu.memref_slice %arg5[%squeeze3A_344, %dma_start3A_358, %dma_start3A_359] : memref<12500x8x64xf32, #tpu.memory_space<hbm>> -> memref<1x8x64xf32, #tpu.memory_space<hbm>>
    %dma_start3A_361 = tpu.memref_squeeze %dma_start3A_360 : memref<1x8x64xf32, #tpu.memory_space<hbm>> -> memref<8x64xf32, #tpu.memory_space<hbm>>
    tpu.enqueue_dma source(%dma_start3A_361 : memref<8x64xf32, #tpu.memory_space<hbm>>) target(%dma_start3A_357 : memref<8x64xf32, #tpu.memory_space<vmem>>) target_semaphore(%arg18 : memref<!tpu.dma_semaphore, #tpu.memory_space<semaphore_mem>>)
    %slice3A_362 = vector.extract_strided_slice %shift_right_arithmetic3A_17 {offsets = [9], sizes = [1], strides = [1]} : vector<16xi32> to vector<1xi32>
    %squeeze3A_363 = vector.extract %slice3A_362[0] : i32 from vector<1xi32>
    %dma_start3A_364 = arith.constant 9 : i32
    %dma_start3A_365 = arith.constant 0 : i32
    %dma_start3A_366 = arith.constant 0 : i32
    %dma_start3A_367 = tpu.memref_slice %arg11[%dma_start3A_364, %dma_start3A_365, %dma_start3A_366] : memref<16x8x64xf32, #tpu.memory_space<vmem>> -> memref<1x8x64xf32, #tpu.memory_space<vmem>>
    %dma_start3A_368 = tpu.memref_squeeze %dma_start3A_367 : memref<1x8x64xf32, #tpu.memory_space<vmem>> -> memref<8x64xf32, #tpu.memory_space<vmem>>
    %dma_start3A_369 = arith.constant 0 : i32
    %dma_start3A_370 = arith.constant 0 : i32
    %dma_start3A_371 = tpu.memref_slice %arg4[%squeeze3A_363, %dma_start3A_369, %dma_start3A_370] : memref<125000x8x64xf32, #tpu.memory_space<hbm>> -> memref<1x8x64xf32, #tpu.memory_space<hbm>>
    %dma_start3A_372 = tpu.memref_squeeze %dma_start3A_371 : memref<1x8x64xf32, #tpu.memory_space<hbm>> -> memref<8x64xf32, #tpu.memory_space<hbm>>
    %dma_start3A_373 = arith.constant 0 : i32
    %dma_start3A_374 = arith.constant 0 : i32
    %dma_start3A_375 = tpu.memref_slice %arg11[%dma_start3A_364, %dma_start3A_373, %dma_start3A_374] : memref<16x8x64xf32, #tpu.memory_space<vmem>> -> memref<1x8x64xf32, #tpu.memory_space<vmem>>
    %dma_start3A_376 = tpu.memref_squeeze %dma_start3A_375 : memref<1x8x64xf32, #tpu.memory_space<vmem>> -> memref<8x64xf32, #tpu.memory_space<vmem>>
    %dma_start3A_377 = arith.constant 0 : i32
    %dma_start3A_378 = arith.constant 0 : i32
    %dma_start3A_379 = tpu.memref_slice %arg4[%squeeze3A_363, %dma_start3A_377, %dma_start3A_378] : memref<125000x8x64xf32, #tpu.memory_space<hbm>> -> memref<1x8x64xf32, #tpu.memory_space<hbm>>
    %dma_start3A_380 = tpu.memref_squeeze %dma_start3A_379 : memref<1x8x64xf32, #tpu.memory_space<hbm>> -> memref<8x64xf32, #tpu.memory_space<hbm>>
    tpu.enqueue_dma source(%dma_start3A_380 : memref<8x64xf32, #tpu.memory_space<hbm>>) target(%dma_start3A_376 : memref<8x64xf32, #tpu.memory_space<vmem>>) target_semaphore(%arg17 : memref<!tpu.dma_semaphore, #tpu.memory_space<semaphore_mem>>)
    %slice3A_381 = vector.extract_strided_slice %shift_right_arithmetic3A_22 {offsets = [9], sizes = [1], strides = [1]} : vector<16xi32> to vector<1xi32>
    %squeeze3A_382 = vector.extract %slice3A_381[0] : i32 from vector<1xi32>
    %dma_start3A_383 = arith.constant 9 : i32
    %dma_start3A_384 = arith.constant 0 : i32
    %dma_start3A_385 = arith.constant 0 : i32
    %dma_start3A_386 = tpu.memref_slice %arg12[%dma_start3A_383, %dma_start3A_384, %dma_start3A_385] : memref<16x8x64xf32, #tpu.memory_space<vmem>> -> memref<1x8x64xf32, #tpu.memory_space<vmem>>
    %dma_start3A_387 = tpu.memref_squeeze %dma_start3A_386 : memref<1x8x64xf32, #tpu.memory_space<vmem>> -> memref<8x64xf32, #tpu.memory_space<vmem>>
    %dma_start3A_388 = arith.constant 0 : i32
    %dma_start3A_389 = arith.constant 0 : i32
    %dma_start3A_390 = tpu.memref_slice %arg5[%squeeze3A_382, %dma_start3A_388, %dma_start3A_389] : memref<12500x8x64xf32, #tpu.memory_space<hbm>> -> memref<1x8x64xf32, #tpu.memory_space<hbm>>
    %dma_start3A_391 = tpu.memref_squeeze %dma_start3A_390 : memref<1x8x64xf32, #tpu.memory_space<hbm>> -> memref<8x64xf32, #tpu.memory_space<hbm>>
    %dma_start3A_392 = arith.constant 0 : i32
    %dma_start3A_393 = arith.constant 0 : i32
    %dma_start3A_394 = tpu.memref_slice %arg12[%dma_start3A_383, %dma_start3A_392, %dma_start3A_393] : memref<16x8x64xf32, #tpu.memory_space<vmem>> -> memref<1x8x64xf32, #tpu.memory_space<vmem>>
    %dma_start3A_395 = tpu.memref_squeeze %dma_start3A_394 : memref<1x8x64xf32, #tpu.memory_space<vmem>> -> memref<8x64xf32, #tpu.memory_space<vmem>>
    %dma_start3A_396 = arith.constant 0 : i32
    %dma_start3A_397 = arith.constant 0 : i32
    %dma_start3A_398 = tpu.memref_slice %arg5[%squeeze3A_382, %dma_start3A_396, %dma_start3A_397] : memref<12500x8x64xf32, #tpu.memory_space<hbm>> -> memref<1x8x64xf32, #tpu.memory_space<hbm>>
    %dma_start3A_399 = tpu.memref_squeeze %dma_start3A_398 : memref<1x8x64xf32, #tpu.memory_space<hbm>> -> memref<8x64xf32, #tpu.memory_space<hbm>>
    tpu.enqueue_dma source(%dma_start3A_399 : memref<8x64xf32, #tpu.memory_space<hbm>>) target(%dma_start3A_395 : memref<8x64xf32, #tpu.memory_space<vmem>>) target_semaphore(%arg18 : memref<!tpu.dma_semaphore, #tpu.memory_space<semaphore_mem>>)
    %slice3A_400 = vector.extract_strided_slice %shift_right_arithmetic3A_17 {offsets = [10], sizes = [1], strides = [1]} : vector<16xi32> to vector<1xi32>
    %squeeze3A_401 = vector.extract %slice3A_400[0] : i32 from vector<1xi32>
    %dma_start3A_402 = arith.constant 10 : i32
    %dma_start3A_403 = arith.constant 0 : i32
    %dma_start3A_404 = arith.constant 0 : i32
    %dma_start3A_405 = tpu.memref_slice %arg11[%dma_start3A_402, %dma_start3A_403, %dma_start3A_404] : memref<16x8x64xf32, #tpu.memory_space<vmem>> -> memref<1x8x64xf32, #tpu.memory_space<vmem>>
    %dma_start3A_406 = tpu.memref_squeeze %dma_start3A_405 : memref<1x8x64xf32, #tpu.memory_space<vmem>> -> memref<8x64xf32, #tpu.memory_space<vmem>>
    %dma_start3A_407 = arith.constant 0 : i32
    %dma_start3A_408 = arith.constant 0 : i32
    %dma_start3A_409 = tpu.memref_slice %arg4[%squeeze3A_401, %dma_start3A_407, %dma_start3A_408] : memref<125000x8x64xf32, #tpu.memory_space<hbm>> -> memref<1x8x64xf32, #tpu.memory_space<hbm>>
    %dma_start3A_410 = tpu.memref_squeeze %dma_start3A_409 : memref<1x8x64xf32, #tpu.memory_space<hbm>> -> memref<8x64xf32, #tpu.memory_space<hbm>>
    %dma_start3A_411 = arith.constant 0 : i32
    %dma_start3A_412 = arith.constant 0 : i32
    %dma_start3A_413 = tpu.memref_slice %arg11[%dma_start3A_402, %dma_start3A_411, %dma_start3A_412] : memref<16x8x64xf32, #tpu.memory_space<vmem>> -> memref<1x8x64xf32, #tpu.memory_space<vmem>>
    %dma_start3A_414 = tpu.memref_squeeze %dma_start3A_413 : memref<1x8x64xf32, #tpu.memory_space<vmem>> -> memref<8x64xf32, #tpu.memory_space<vmem>>
    %dma_start3A_415 = arith.constant 0 : i32
    %dma_start3A_416 = arith.constant 0 : i32
    %dma_start3A_417 = tpu.memref_slice %arg4[%squeeze3A_401, %dma_start3A_415, %dma_start3A_416] : memref<125000x8x64xf32, #tpu.memory_space<hbm>> -> memref<1x8x64xf32, #tpu.memory_space<hbm>>
    %dma_start3A_418 = tpu.memref_squeeze %dma_start3A_417 : memref<1x8x64xf32, #tpu.memory_space<hbm>> -> memref<8x64xf32, #tpu.memory_space<hbm>>
    tpu.enqueue_dma source(%dma_start3A_418 : memref<8x64xf32, #tpu.memory_space<hbm>>) target(%dma_start3A_414 : memref<8x64xf32, #tpu.memory_space<vmem>>) target_semaphore(%arg17 : memref<!tpu.dma_semaphore, #tpu.memory_space<semaphore_mem>>)
    %slice3A_419 = vector.extract_strided_slice %shift_right_arithmetic3A_22 {offsets = [10], sizes = [1], strides = [1]} : vector<16xi32> to vector<1xi32>
    %squeeze3A_420 = vector.extract %slice3A_419[0] : i32 from vector<1xi32>
    %dma_start3A_421 = arith.constant 10 : i32
    %dma_start3A_422 = arith.constant 0 : i32
    %dma_start3A_423 = arith.constant 0 : i32
    %dma_start3A_424 = tpu.memref_slice %arg12[%dma_start3A_421, %dma_start3A_422, %dma_start3A_423] : memref<16x8x64xf32, #tpu.memory_space<vmem>> -> memref<1x8x64xf32, #tpu.memory_space<vmem>>
    %dma_start3A_425 = tpu.memref_squeeze %dma_start3A_424 : memref<1x8x64xf32, #tpu.memory_space<vmem>> -> memref<8x64xf32, #tpu.memory_space<vmem>>
    %dma_start3A_426 = arith.constant 0 : i32
    %dma_start3A_427 = arith.constant 0 : i32
    %dma_start3A_428 = tpu.memref_slice %arg5[%squeeze3A_420, %dma_start3A_426, %dma_start3A_427] : memref<12500x8x64xf32, #tpu.memory_space<hbm>> -> memref<1x8x64xf32, #tpu.memory_space<hbm>>
    %dma_start3A_429 = tpu.memref_squeeze %dma_start3A_428 : memref<1x8x64xf32, #tpu.memory_space<hbm>> -> memref<8x64xf32, #tpu.memory_space<hbm>>
    %dma_start3A_430 = arith.constant 0 : i32
    %dma_start3A_431 = arith.constant 0 : i32
    %dma_start3A_432 = tpu.memref_slice %arg12[%dma_start3A_421, %dma_start3A_430, %dma_start3A_431] : memref<16x8x64xf32, #tpu.memory_space<vmem>> -> memref<1x8x64xf32, #tpu.memory_space<vmem>>
    %dma_start3A_433 = tpu.memref_squeeze %dma_start3A_432 : memref<1x8x64xf32, #tpu.memory_space<vmem>> -> memref<8x64xf32, #tpu.memory_space<vmem>>
    %dma_start3A_434 = arith.constant 0 : i32
    %dma_start3A_435 = arith.constant 0 : i32
    %dma_start3A_436 = tpu.memref_slice %arg5[%squeeze3A_420, %dma_start3A_434, %dma_start3A_435] : memref<12500x8x64xf32, #tpu.memory_space<hbm>> -> memref<1x8x64xf32, #tpu.memory_space<hbm>>
    %dma_start3A_437 = tpu.memref_squeeze %dma_start3A_436 : memref<1x8x64xf32, #tpu.memory_space<hbm>> -> memref<8x64xf32, #tpu.memory_space<hbm>>
    tpu.enqueue_dma source(%dma_start3A_437 : memref<8x64xf32, #tpu.memory_space<hbm>>) target(%dma_start3A_433 : memref<8x64xf32, #tpu.memory_space<vmem>>) target_semaphore(%arg18 : memref<!tpu.dma_semaphore, #tpu.memory_space<semaphore_mem>>)
    %slice3A_438 = vector.extract_strided_slice %shift_right_arithmetic3A_17 {offsets = [11], sizes = [1], strides = [1]} : vector<16xi32> to vector<1xi32>
    %squeeze3A_439 = vector.extract %slice3A_438[0] : i32 from vector<1xi32>
    %dma_start3A_440 = arith.constant 11 : i32
    %dma_start3A_441 = arith.constant 0 : i32
    %dma_start3A_442 = arith.constant 0 : i32
    %dma_start3A_443 = tpu.memref_slice %arg11[%dma_start3A_440, %dma_start3A_441, %dma_start3A_442] : memref<16x8x64xf32, #tpu.memory_space<vmem>> -> memref<1x8x64xf32, #tpu.memory_space<vmem>>
    %dma_start3A_444 = tpu.memref_squeeze %dma_start3A_443 : memref<1x8x64xf32, #tpu.memory_space<vmem>> -> memref<8x64xf32, #tpu.memory_space<vmem>>
    %dma_start3A_445 = arith.constant 0 : i32
    %dma_start3A_446 = arith.constant 0 : i32
    %dma_start3A_447 = tpu.memref_slice %arg4[%squeeze3A_439, %dma_start3A_445, %dma_start3A_446] : memref<125000x8x64xf32, #tpu.memory_space<hbm>> -> memref<1x8x64xf32, #tpu.memory_space<hbm>>
    %dma_start3A_448 = tpu.memref_squeeze %dma_start3A_447 : memref<1x8x64xf32, #tpu.memory_space<hbm>> -> memref<8x64xf32, #tpu.memory_space<hbm>>
    %dma_start3A_449 = arith.constant 0 : i32
    %dma_start3A_450 = arith.constant 0 : i32
    %dma_start3A_451 = tpu.memref_slice %arg11[%dma_start3A_440, %dma_start3A_449, %dma_start3A_450] : memref<16x8x64xf32, #tpu.memory_space<vmem>> -> memref<1x8x64xf32, #tpu.memory_space<vmem>>
    %dma_start3A_452 = tpu.memref_squeeze %dma_start3A_451 : memref<1x8x64xf32, #tpu.memory_space<vmem>> -> memref<8x64xf32, #tpu.memory_space<vmem>>
    %dma_start3A_453 = arith.constant 0 : i32
    %dma_start3A_454 = arith.constant 0 : i32
    %dma_start3A_455 = tpu.memref_slice %arg4[%squeeze3A_439, %dma_start3A_453, %dma_start3A_454] : memref<125000x8x64xf32, #tpu.memory_space<hbm>> -> memref<1x8x64xf32, #tpu.memory_space<hbm>>
    %dma_start3A_456 = tpu.memref_squeeze %dma_start3A_455 : memref<1x8x64xf32, #tpu.memory_space<hbm>> -> memref<8x64xf32, #tpu.memory_space<hbm>>
    tpu.enqueue_dma source(%dma_start3A_456 : memref<8x64xf32, #tpu.memory_space<hbm>>) target(%dma_start3A_452 : memref<8x64xf32, #tpu.memory_space<vmem>>) target_semaphore(%arg17 : memref<!tpu.dma_semaphore, #tpu.memory_space<semaphore_mem>>)
    %slice3A_457 = vector.extract_strided_slice %shift_right_arithmetic3A_22 {offsets = [11], sizes = [1], strides = [1]} : vector<16xi32> to vector<1xi32>
    %squeeze3A_458 = vector.extract %slice3A_457[0] : i32 from vector<1xi32>
    %dma_start3A_459 = arith.constant 11 : i32
    %dma_start3A_460 = arith.constant 0 : i32
    %dma_start3A_461 = arith.constant 0 : i32
    %dma_start3A_462 = tpu.memref_slice %arg12[%dma_start3A_459, %dma_start3A_460, %dma_start3A_461] : memref<16x8x64xf32, #tpu.memory_space<vmem>> -> memref<1x8x64xf32, #tpu.memory_space<vmem>>
    %dma_start3A_463 = tpu.memref_squeeze %dma_start3A_462 : memref<1x8x64xf32, #tpu.memory_space<vmem>> -> memref<8x64xf32, #tpu.memory_space<vmem>>
    %dma_start3A_464 = arith.constant 0 : i32
    %dma_start3A_465 = arith.constant 0 : i32
    %dma_start3A_466 = tpu.memref_slice %arg5[%squeeze3A_458, %dma_start3A_464, %dma_start3A_465] : memref<12500x8x64xf32, #tpu.memory_space<hbm>> -> memref<1x8x64xf32, #tpu.memory_space<hbm>>
    %dma_start3A_467 = tpu.memref_squeeze %dma_start3A_466 : memref<1x8x64xf32, #tpu.memory_space<hbm>> -> memref<8x64xf32, #tpu.memory_space<hbm>>
    %dma_start3A_468 = arith.constant 0 : i32
    %dma_start3A_469 = arith.constant 0 : i32
    %dma_start3A_470 = tpu.memref_slice %arg12[%dma_start3A_459, %dma_start3A_468, %dma_start3A_469] : memref<16x8x64xf32, #tpu.memory_space<vmem>> -> memref<1x8x64xf32, #tpu.memory_space<vmem>>
    %dma_start3A_471 = tpu.memref_squeeze %dma_start3A_470 : memref<1x8x64xf32, #tpu.memory_space<vmem>> -> memref<8x64xf32, #tpu.memory_space<vmem>>
    %dma_start3A_472 = arith.constant 0 : i32
    %dma_start3A_473 = arith.constant 0 : i32
    %dma_start3A_474 = tpu.memref_slice %arg5[%squeeze3A_458, %dma_start3A_472, %dma_start3A_473] : memref<12500x8x64xf32, #tpu.memory_space<hbm>> -> memref<1x8x64xf32, #tpu.memory_space<hbm>>
    %dma_start3A_475 = tpu.memref_squeeze %dma_start3A_474 : memref<1x8x64xf32, #tpu.memory_space<hbm>> -> memref<8x64xf32, #tpu.memory_space<hbm>>
    tpu.enqueue_dma source(%dma_start3A_475 : memref<8x64xf32, #tpu.memory_space<hbm>>) target(%dma_start3A_471 : memref<8x64xf32, #tpu.memory_space<vmem>>) target_semaphore(%arg18 : memref<!tpu.dma_semaphore, #tpu.memory_space<semaphore_mem>>)
    %slice3A_476 = vector.extract_strided_slice %shift_right_arithmetic3A_17 {offsets = [12], sizes = [1], strides = [1]} : vector<16xi32> to vector<1xi32>
    %squeeze3A_477 = vector.extract %slice3A_476[0] : i32 from vector<1xi32>
    %dma_start3A_478 = arith.constant 12 : i32
    %dma_start3A_479 = arith.constant 0 : i32
    %dma_start3A_480 = arith.constant 0 : i32
    %dma_start3A_481 = tpu.memref_slice %arg11[%dma_start3A_478, %dma_start3A_479, %dma_start3A_480] : memref<16x8x64xf32, #tpu.memory_space<vmem>> -> memref<1x8x64xf32, #tpu.memory_space<vmem>>
    %dma_start3A_482 = tpu.memref_squeeze %dma_start3A_481 : memref<1x8x64xf32, #tpu.memory_space<vmem>> -> memref<8x64xf32, #tpu.memory_space<vmem>>
    %dma_start3A_483 = arith.constant 0 : i32
    %dma_start3A_484 = arith.constant 0 : i32
    %dma_start3A_485 = tpu.memref_slice %arg4[%squeeze3A_477, %dma_start3A_483, %dma_start3A_484] : memref<125000x8x64xf32, #tpu.memory_space<hbm>> -> memref<1x8x64xf32, #tpu.memory_space<hbm>>
    %dma_start3A_486 = tpu.memref_squeeze %dma_start3A_485 : memref<1x8x64xf32, #tpu.memory_space<hbm>> -> memref<8x64xf32, #tpu.memory_space<hbm>>
    %dma_start3A_487 = arith.constant 0 : i32
    %dma_start3A_488 = arith.constant 0 : i32
    %dma_start3A_489 = tpu.memref_slice %arg11[%dma_start3A_478, %dma_start3A_487, %dma_start3A_488] : memref<16x8x64xf32, #tpu.memory_space<vmem>> -> memref<1x8x64xf32, #tpu.memory_space<vmem>>
    %dma_start3A_490 = tpu.memref_squeeze %dma_start3A_489 : memref<1x8x64xf32, #tpu.memory_space<vmem>> -> memref<8x64xf32, #tpu.memory_space<vmem>>
    %dma_start3A_491 = arith.constant 0 : i32
    %dma_start3A_492 = arith.constant 0 : i32
    %dma_start3A_493 = tpu.memref_slice %arg4[%squeeze3A_477, %dma_start3A_491, %dma_start3A_492] : memref<125000x8x64xf32, #tpu.memory_space<hbm>> -> memref<1x8x64xf32, #tpu.memory_space<hbm>>
    %dma_start3A_494 = tpu.memref_squeeze %dma_start3A_493 : memref<1x8x64xf32, #tpu.memory_space<hbm>> -> memref<8x64xf32, #tpu.memory_space<hbm>>
    tpu.enqueue_dma source(%dma_start3A_494 : memref<8x64xf32, #tpu.memory_space<hbm>>) target(%dma_start3A_490 : memref<8x64xf32, #tpu.memory_space<vmem>>) target_semaphore(%arg17 : memref<!tpu.dma_semaphore, #tpu.memory_space<semaphore_mem>>)
    %slice3A_495 = vector.extract_strided_slice %shift_right_arithmetic3A_22 {offsets = [12], sizes = [1], strides = [1]} : vector<16xi32> to vector<1xi32>
    %squeeze3A_496 = vector.extract %slice3A_495[0] : i32 from vector<1xi32>
    %dma_start3A_497 = arith.constant 12 : i32
    %dma_start3A_498 = arith.constant 0 : i32
    %dma_start3A_499 = arith.constant 0 : i32
    %dma_start3A_500 = tpu.memref_slice %arg12[%dma_start3A_497, %dma_start3A_498, %dma_start3A_499] : memref<16x8x64xf32, #tpu.memory_space<vmem>> -> memref<1x8x64xf32, #tpu.memory_space<vmem>>
    %dma_start3A_501 = tpu.memref_squeeze %dma_start3A_500 : memref<1x8x64xf32, #tpu.memory_space<vmem>> -> memref<8x64xf32, #tpu.memory_space<vmem>>
    %dma_start3A_502 = arith.constant 0 : i32
    %dma_start3A_503 = arith.constant 0 : i32
    %dma_start3A_504 = tpu.memref_slice %arg5[%squeeze3A_496, %dma_start3A_502, %dma_start3A_503] : memref<12500x8x64xf32, #tpu.memory_space<hbm>> -> memref<1x8x64xf32, #tpu.memory_space<hbm>>
    %dma_start3A_505 = tpu.memref_squeeze %dma_start3A_504 : memref<1x8x64xf32, #tpu.memory_space<hbm>> -> memref<8x64xf32, #tpu.memory_space<hbm>>
    %dma_start3A_506 = arith.constant 0 : i32
    %dma_start3A_507 = arith.constant 0 : i32
    %dma_start3A_508 = tpu.memref_slice %arg12[%dma_start3A_497, %dma_start3A_506, %dma_start3A_507] : memref<16x8x64xf32, #tpu.memory_space<vmem>> -> memref<1x8x64xf32, #tpu.memory_space<vmem>>
    %dma_start3A_509 = tpu.memref_squeeze %dma_start3A_508 : memref<1x8x64xf32, #tpu.memory_space<vmem>> -> memref<8x64xf32, #tpu.memory_space<vmem>>
    %dma_start3A_510 = arith.constant 0 : i32
    %dma_start3A_511 = arith.constant 0 : i32
    %dma_start3A_512 = tpu.memref_slice %arg5[%squeeze3A_496, %dma_start3A_510, %dma_start3A_511] : memref<12500x8x64xf32, #tpu.memory_space<hbm>> -> memref<1x8x64xf32, #tpu.memory_space<hbm>>
    %dma_start3A_513 = tpu.memref_squeeze %dma_start3A_512 : memref<1x8x64xf32, #tpu.memory_space<hbm>> -> memref<8x64xf32, #tpu.memory_space<hbm>>
    tpu.enqueue_dma source(%dma_start3A_513 : memref<8x64xf32, #tpu.memory_space<hbm>>) target(%dma_start3A_509 : memref<8x64xf32, #tpu.memory_space<vmem>>) target_semaphore(%arg18 : memref<!tpu.dma_semaphore, #tpu.memory_space<semaphore_mem>>)
    %slice3A_514 = vector.extract_strided_slice %shift_right_arithmetic3A_17 {offsets = [13], sizes = [1], strides = [1]} : vector<16xi32> to vector<1xi32>
    %squeeze3A_515 = vector.extract %slice3A_514[0] : i32 from vector<1xi32>
    %dma_start3A_516 = arith.constant 13 : i32
    %dma_start3A_517 = arith.constant 0 : i32
    %dma_start3A_518 = arith.constant 0 : i32
    %dma_start3A_519 = tpu.memref_slice %arg11[%dma_start3A_516, %dma_start3A_517, %dma_start3A_518] : memref<16x8x64xf32, #tpu.memory_space<vmem>> -> memref<1x8x64xf32, #tpu.memory_space<vmem>>
    %dma_start3A_520 = tpu.memref_squeeze %dma_start3A_519 : memref<1x8x64xf32, #tpu.memory_space<vmem>> -> memref<8x64xf32, #tpu.memory_space<vmem>>
    %dma_start3A_521 = arith.constant 0 : i32
    %dma_start3A_522 = arith.constant 0 : i32
    %dma_start3A_523 = tpu.memref_slice %arg4[%squeeze3A_515, %dma_start3A_521, %dma_start3A_522] : memref<125000x8x64xf32, #tpu.memory_space<hbm>> -> memref<1x8x64xf32, #tpu.memory_space<hbm>>
    %dma_start3A_524 = tpu.memref_squeeze %dma_start3A_523 : memref<1x8x64xf32, #tpu.memory_space<hbm>> -> memref<8x64xf32, #tpu.memory_space<hbm>>
    %dma_start3A_525 = arith.constant 0 : i32
    %dma_start3A_526 = arith.constant 0 : i32
    %dma_start3A_527 = tpu.memref_slice %arg11[%dma_start3A_516, %dma_start3A_525, %dma_start3A_526] : memref<16x8x64xf32, #tpu.memory_space<vmem>> -> memref<1x8x64xf32, #tpu.memory_space<vmem>>
    %dma_start3A_528 = tpu.memref_squeeze %dma_start3A_527 : memref<1x8x64xf32, #tpu.memory_space<vmem>> -> memref<8x64xf32, #tpu.memory_space<vmem>>
    %dma_start3A_529 = arith.constant 0 : i32
    %dma_start3A_530 = arith.constant 0 : i32
    %dma_start3A_531 = tpu.memref_slice %arg4[%squeeze3A_515, %dma_start3A_529, %dma_start3A_530] : memref<125000x8x64xf32, #tpu.memory_space<hbm>> -> memref<1x8x64xf32, #tpu.memory_space<hbm>>
    %dma_start3A_532 = tpu.memref_squeeze %dma_start3A_531 : memref<1x8x64xf32, #tpu.memory_space<hbm>> -> memref<8x64xf32, #tpu.memory_space<hbm>>
    tpu.enqueue_dma source(%dma_start3A_532 : memref<8x64xf32, #tpu.memory_space<hbm>>) target(%dma_start3A_528 : memref<8x64xf32, #tpu.memory_space<vmem>>) target_semaphore(%arg17 : memref<!tpu.dma_semaphore, #tpu.memory_space<semaphore_mem>>)
    %slice3A_533 = vector.extract_strided_slice %shift_right_arithmetic3A_22 {offsets = [13], sizes = [1], strides = [1]} : vector<16xi32> to vector<1xi32>
    %squeeze3A_534 = vector.extract %slice3A_533[0] : i32 from vector<1xi32>
    %dma_start3A_535 = arith.constant 13 : i32
    %dma_start3A_536 = arith.constant 0 : i32
    %dma_start3A_537 = arith.constant 0 : i32
    %dma_start3A_538 = tpu.memref_slice %arg12[%dma_start3A_535, %dma_start3A_536, %dma_start3A_537] : memref<16x8x64xf32, #tpu.memory_space<vmem>> -> memref<1x8x64xf32, #tpu.memory_space<vmem>>
    %dma_start3A_539 = tpu.memref_squeeze %dma_start3A_538 : memref<1x8x64xf32, #tpu.memory_space<vmem>> -> memref<8x64xf32, #tpu.memory_space<vmem>>
    %dma_start3A_540 = arith.constant 0 : i32
    %dma_start3A_541 = arith.constant 0 : i32
    %dma_start3A_542 = tpu.memref_slice %arg5[%squeeze3A_534, %dma_start3A_540, %dma_start3A_541] : memref<12500x8x64xf32, #tpu.memory_space<hbm>> -> memref<1x8x64xf32, #tpu.memory_space<hbm>>
    %dma_start3A_543 = tpu.memref_squeeze %dma_start3A_542 : memref<1x8x64xf32, #tpu.memory_space<hbm>> -> memref<8x64xf32, #tpu.memory_space<hbm>>
    %dma_start3A_544 = arith.constant 0 : i32
    %dma_start3A_545 = arith.constant 0 : i32
    %dma_start3A_546 = tpu.memref_slice %arg12[%dma_start3A_535, %dma_start3A_544, %dma_start3A_545] : memref<16x8x64xf32, #tpu.memory_space<vmem>> -> memref<1x8x64xf32, #tpu.memory_space<vmem>>
    %dma_start3A_547 = tpu.memref_squeeze %dma_start3A_546 : memref<1x8x64xf32, #tpu.memory_space<vmem>> -> memref<8x64xf32, #tpu.memory_space<vmem>>
    %dma_start3A_548 = arith.constant 0 : i32
    %dma_start3A_549 = arith.constant 0 : i32
    %dma_start3A_550 = tpu.memref_slice %arg5[%squeeze3A_534, %dma_start3A_548, %dma_start3A_549] : memref<12500x8x64xf32, #tpu.memory_space<hbm>> -> memref<1x8x64xf32, #tpu.memory_space<hbm>>
    %dma_start3A_551 = tpu.memref_squeeze %dma_start3A_550 : memref<1x8x64xf32, #tpu.memory_space<hbm>> -> memref<8x64xf32, #tpu.memory_space<hbm>>
    tpu.enqueue_dma source(%dma_start3A_551 : memref<8x64xf32, #tpu.memory_space<hbm>>) target(%dma_start3A_547 : memref<8x64xf32, #tpu.memory_space<vmem>>) target_semaphore(%arg18 : memref<!tpu.dma_semaphore, #tpu.memory_space<semaphore_mem>>)
    %slice3A_552 = vector.extract_strided_slice %shift_right_arithmetic3A_17 {offsets = [14], sizes = [1], strides = [1]} : vector<16xi32> to vector<1xi32>
    %squeeze3A_553 = vector.extract %slice3A_552[0] : i32 from vector<1xi32>
    %dma_start3A_554 = arith.constant 14 : i32
    %dma_start3A_555 = arith.constant 0 : i32
    %dma_start3A_556 = arith.constant 0 : i32
    %dma_start3A_557 = tpu.memref_slice %arg11[%dma_start3A_554, %dma_start3A_555, %dma_start3A_556] : memref<16x8x64xf32, #tpu.memory_space<vmem>> -> memref<1x8x64xf32, #tpu.memory_space<vmem>>
    %dma_start3A_558 = tpu.memref_squeeze %dma_start3A_557 : memref<1x8x64xf32, #tpu.memory_space<vmem>> -> memref<8x64xf32, #tpu.memory_space<vmem>>
    %dma_start3A_559 = arith.constant 0 : i32
    %dma_start3A_560 = arith.constant 0 : i32
    %dma_start3A_561 = tpu.memref_slice %arg4[%squeeze3A_553, %dma_start3A_559, %dma_start3A_560] : memref<125000x8x64xf32, #tpu.memory_space<hbm>> -> memref<1x8x64xf32, #tpu.memory_space<hbm>>
    %dma_start3A_562 = tpu.memref_squeeze %dma_start3A_561 : memref<1x8x64xf32, #tpu.memory_space<hbm>> -> memref<8x64xf32, #tpu.memory_space<hbm>>
    %dma_start3A_563 = arith.constant 0 : i32
    %dma_start3A_564 = arith.constant 0 : i32
    %dma_start3A_565 = tpu.memref_slice %arg11[%dma_start3A_554, %dma_start3A_563, %dma_start3A_564] : memref<16x8x64xf32, #tpu.memory_space<vmem>> -> memref<1x8x64xf32, #tpu.memory_space<vmem>>
    %dma_start3A_566 = tpu.memref_squeeze %dma_start3A_565 : memref<1x8x64xf32, #tpu.memory_space<vmem>> -> memref<8x64xf32, #tpu.memory_space<vmem>>
    %dma_start3A_567 = arith.constant 0 : i32
    %dma_start3A_568 = arith.constant 0 : i32
    %dma_start3A_569 = tpu.memref_slice %arg4[%squeeze3A_553, %dma_start3A_567, %dma_start3A_568] : memref<125000x8x64xf32, #tpu.memory_space<hbm>> -> memref<1x8x64xf32, #tpu.memory_space<hbm>>
    %dma_start3A_570 = tpu.memref_squeeze %dma_start3A_569 : memref<1x8x64xf32, #tpu.memory_space<hbm>> -> memref<8x64xf32, #tpu.memory_space<hbm>>
    tpu.enqueue_dma source(%dma_start3A_570 : memref<8x64xf32, #tpu.memory_space<hbm>>) target(%dma_start3A_566 : memref<8x64xf32, #tpu.memory_space<vmem>>) target_semaphore(%arg17 : memref<!tpu.dma_semaphore, #tpu.memory_space<semaphore_mem>>)
    %slice3A_571 = vector.extract_strided_slice %shift_right_arithmetic3A_22 {offsets = [14], sizes = [1], strides = [1]} : vector<16xi32> to vector<1xi32>
    %squeeze3A_572 = vector.extract %slice3A_571[0] : i32 from vector<1xi32>
    %dma_start3A_573 = arith.constant 14 : i32
    %dma_start3A_574 = arith.constant 0 : i32
    %dma_start3A_575 = arith.constant 0 : i32
    %dma_start3A_576 = tpu.memref_slice %arg12[%dma_start3A_573, %dma_start3A_574, %dma_start3A_575] : memref<16x8x64xf32, #tpu.memory_space<vmem>> -> memref<1x8x64xf32, #tpu.memory_space<vmem>>
    %dma_start3A_577 = tpu.memref_squeeze %dma_start3A_576 : memref<1x8x64xf32, #tpu.memory_space<vmem>> -> memref<8x64xf32, #tpu.memory_space<vmem>>
    %dma_start3A_578 = arith.constant 0 : i32
    %dma_start3A_579 = arith.constant 0 : i32
    %dma_start3A_580 = tpu.memref_slice %arg5[%squeeze3A_572, %dma_start3A_578, %dma_start3A_579] : memref<12500x8x64xf32, #tpu.memory_space<hbm>> -> memref<1x8x64xf32, #tpu.memory_space<hbm>>
    %dma_start3A_581 = tpu.memref_squeeze %dma_start3A_580 : memref<1x8x64xf32, #tpu.memory_space<hbm>> -> memref<8x64xf32, #tpu.memory_space<hbm>>
    %dma_start3A_582 = arith.constant 0 : i32
    %dma_start3A_583 = arith.constant 0 : i32
    %dma_start3A_584 = tpu.memref_slice %arg12[%dma_start3A_573, %dma_start3A_582, %dma_start3A_583] : memref<16x8x64xf32, #tpu.memory_space<vmem>> -> memref<1x8x64xf32, #tpu.memory_space<vmem>>
    %dma_start3A_585 = tpu.memref_squeeze %dma_start3A_584 : memref<1x8x64xf32, #tpu.memory_space<vmem>> -> memref<8x64xf32, #tpu.memory_space<vmem>>
    %dma_start3A_586 = arith.constant 0 : i32
    %dma_start3A_587 = arith.constant 0 : i32
    %dma_start3A_588 = tpu.memref_slice %arg5[%squeeze3A_572, %dma_start3A_586, %dma_start3A_587] : memref<12500x8x64xf32, #tpu.memory_space<hbm>> -> memref<1x8x64xf32, #tpu.memory_space<hbm>>
    %dma_start3A_589 = tpu.memref_squeeze %dma_start3A_588 : memref<1x8x64xf32, #tpu.memory_space<hbm>> -> memref<8x64xf32, #tpu.memory_space<hbm>>
    tpu.enqueue_dma source(%dma_start3A_589 : memref<8x64xf32, #tpu.memory_space<hbm>>) target(%dma_start3A_585 : memref<8x64xf32, #tpu.memory_space<vmem>>) target_semaphore(%arg18 : memref<!tpu.dma_semaphore, #tpu.memory_space<semaphore_mem>>)
    %slice3A_590 = vector.extract_strided_slice %shift_right_arithmetic3A_17 {offsets = [15], sizes = [1], strides = [1]} : vector<16xi32> to vector<1xi32>
    %squeeze3A_591 = vector.extract %slice3A_590[0] : i32 from vector<1xi32>
    %dma_start3A_592 = arith.constant 15 : i32
    %dma_start3A_593 = arith.constant 0 : i32
    %dma_start3A_594 = arith.constant 0 : i32
    %dma_start3A_595 = tpu.memref_slice %arg11[%dma_start3A_592, %dma_start3A_593, %dma_start3A_594] : memref<16x8x64xf32, #tpu.memory_space<vmem>> -> memref<1x8x64xf32, #tpu.memory_space<vmem>>
    %dma_start3A_596 = tpu.memref_squeeze %dma_start3A_595 : memref<1x8x64xf32, #tpu.memory_space<vmem>> -> memref<8x64xf32, #tpu.memory_space<vmem>>
    %dma_start3A_597 = arith.constant 0 : i32
    %dma_start3A_598 = arith.constant 0 : i32
    %dma_start3A_599 = tpu.memref_slice %arg4[%squeeze3A_591, %dma_start3A_597, %dma_start3A_598] : memref<125000x8x64xf32, #tpu.memory_space<hbm>> -> memref<1x8x64xf32, #tpu.memory_space<hbm>>
    %dma_start3A_600 = tpu.memref_squeeze %dma_start3A_599 : memref<1x8x64xf32, #tpu.memory_space<hbm>> -> memref<8x64xf32, #tpu.memory_space<hbm>>
    %dma_start3A_601 = arith.constant 0 : i32
    %dma_start3A_602 = arith.constant 0 : i32
    %dma_start3A_603 = tpu.memref_slice %arg11[%dma_start3A_592, %dma_start3A_601, %dma_start3A_602] : memref<16x8x64xf32, #tpu.memory_space<vmem>> -> memref<1x8x64xf32, #tpu.memory_space<vmem>>
    %dma_start3A_604 = tpu.memref_squeeze %dma_start3A_603 : memref<1x8x64xf32, #tpu.memory_space<vmem>> -> memref<8x64xf32, #tpu.memory_space<vmem>>
    %dma_start3A_605 = arith.constant 0 : i32
    %dma_start3A_606 = arith.constant 0 : i32
    %dma_start3A_607 = tpu.memref_slice %arg4[%squeeze3A_591, %dma_start3A_605, %dma_start3A_606] : memref<125000x8x64xf32, #tpu.memory_space<hbm>> -> memref<1x8x64xf32, #tpu.memory_space<hbm>>
    %dma_start3A_608 = tpu.memref_squeeze %dma_start3A_607 : memref<1x8x64xf32, #tpu.memory_space<hbm>> -> memref<8x64xf32, #tpu.memory_space<hbm>>
    tpu.enqueue_dma source(%dma_start3A_608 : memref<8x64xf32, #tpu.memory_space<hbm>>) target(%dma_start3A_604 : memref<8x64xf32, #tpu.memory_space<vmem>>) target_semaphore(%arg17 : memref<!tpu.dma_semaphore, #tpu.memory_space<semaphore_mem>>)
    %slice3A_609 = vector.extract_strided_slice %shift_right_arithmetic3A_22 {offsets = [15], sizes = [1], strides = [1]} : vector<16xi32> to vector<1xi32>
    %squeeze3A_610 = vector.extract %slice3A_609[0] : i32 from vector<1xi32>
    %dma_start3A_611 = arith.constant 15 : i32
    %dma_start3A_612 = arith.constant 0 : i32
    %dma_start3A_613 = arith.constant 0 : i32
    %dma_start3A_614 = tpu.memref_slice %arg12[%dma_start3A_611, %dma_start3A_612, %dma_start3A_613] : memref<16x8x64xf32, #tpu.memory_space<vmem>> -> memref<1x8x64xf32, #tpu.memory_space<vmem>>
    %dma_start3A_615 = tpu.memref_squeeze %dma_start3A_614 : memref<1x8x64xf32, #tpu.memory_space<vmem>> -> memref<8x64xf32, #tpu.memory_space<vmem>>
    %dma_start3A_616 = arith.constant 0 : i32
    %dma_start3A_617 = arith.constant 0 : i32
    %dma_start3A_618 = tpu.memref_slice %arg5[%squeeze3A_610, %dma_start3A_616, %dma_start3A_617] : memref<12500x8x64xf32, #tpu.memory_space<hbm>> -> memref<1x8x64xf32, #tpu.memory_space<hbm>>
    %dma_start3A_619 = tpu.memref_squeeze %dma_start3A_618 : memref<1x8x64xf32, #tpu.memory_space<hbm>> -> memref<8x64xf32, #tpu.memory_space<hbm>>
    %dma_start3A_620 = arith.constant 0 : i32
    %dma_start3A_621 = arith.constant 0 : i32
    %dma_start3A_622 = tpu.memref_slice %arg12[%dma_start3A_611, %dma_start3A_620, %dma_start3A_621] : memref<16x8x64xf32, #tpu.memory_space<vmem>> -> memref<1x8x64xf32, #tpu.memory_space<vmem>>
    %dma_start3A_623 = tpu.memref_squeeze %dma_start3A_622 : memref<1x8x64xf32, #tpu.memory_space<vmem>> -> memref<8x64xf32, #tpu.memory_space<vmem>>
    %dma_start3A_624 = arith.constant 0 : i32
    %dma_start3A_625 = arith.constant 0 : i32
    %dma_start3A_626 = tpu.memref_slice %arg5[%squeeze3A_610, %dma_start3A_624, %dma_start3A_625] : memref<12500x8x64xf32, #tpu.memory_space<hbm>> -> memref<1x8x64xf32, #tpu.memory_space<hbm>>
    %dma_start3A_627 = tpu.memref_squeeze %dma_start3A_626 : memref<1x8x64xf32, #tpu.memory_space<hbm>> -> memref<8x64xf32, #tpu.memory_space<hbm>>
    tpu.enqueue_dma source(%dma_start3A_627 : memref<8x64xf32, #tpu.memory_space<hbm>>) target(%dma_start3A_623 : memref<8x64xf32, #tpu.memory_space<vmem>>) target_semaphore(%arg18 : memref<!tpu.dma_semaphore, #tpu.memory_space<semaphore_mem>>)
    %scan3A = arith.constant 0 : i32
    %scan3A_628 = arith.constant 0 : i32
    %scan3A_629 = arith.constant 16 : i32
    %scan3A_630 = arith.addi %scan3A_628, %scan3A_629 : i32
    %scan3A_631 = arith.constant 1 : i32
    %scan3A_632 = scf.for %scan3A_634 = %scan3A_628 to %scan3A_630 step %scan3A_631 iter_args(%scan3A_635 = %scan3A) -> (i32)  : i32 {
      %mul3A_636 = arith.constant 2 : i32
      %mul3A_637 = arith.muli %mul3A_636, %scan3A_634 : i32
      %add3A_638 = arith.constant 1 : i32
      %add3A_639 = arith.addi %mul3A_637, %add3A_638 : i32
      %mul3A_640 = arith.constant 16 : i32
      %mul3A_641 = arith.muli %add3A_639, %mul3A_640 : i32
      %get3A_642 = arith.index_cast %mul3A_641 : i32 to index
      %get3A_643 = tpu.vector_load %arg9[%get3A_642] {strides = array<i32>} : memref<512xi32, #tpu.memory_space<vmem>>, vector<16xi32>,
      %shift_right_arithmetic3A_644 = arith.constant 3 : i32
      %shift_right_arithmetic3A_645 = vector.broadcast %shift_right_arithmetic3A_644 : i32 to vector<16xi32>
      %shift_right_arithmetic3A_646 = arith.shrsi %get3A_643, %shift_right_arithmetic3A_645 : vector<16xi32>
      %mul3A_647 = arith.constant 16 : i32
      %mul3A_648 = arith.muli %add3A_639, %mul3A_647 : i32
      %get3A_649 = arith.index_cast %mul3A_648 : i32 to index
      %get3A_650 = tpu.vector_load %arg10[%get3A_649] {strides = array<i32>} : memref<512xi32, #tpu.memory_space<vmem>>, vector<16xi32>,
      %shift_right_arithmetic3A_651 = arith.constant 3 : i32
      %shift_right_arithmetic3A_652 = vector.broadcast %shift_right_arithmetic3A_651 : i32 to vector<16xi32>
      %shift_right_arithmetic3A_653 = arith.shrsi %get3A_650, %shift_right_arithmetic3A_652 : vector<16xi32>
      %slice3A_654 = vector.extract_strided_slice %shift_right_arithmetic3A_646 {offsets = [0], sizes = [1], strides = [1]} : vector<16xi32> to vector<1xi32>
      %squeeze3A_655 = vector.extract %slice3A_654[0] : i32 from vector<1xi32>
      %dma_start3A_656 = arith.constant 0 : i32
      %dma_start3A_657 = arith.constant 0 : i32
      %dma_start3A_658 = arith.constant 0 : i32
      %dma_start3A_659 = tpu.memref_slice %arg13[%dma_start3A_656, %dma_start3A_657, %dma_start3A_658] : memref<16x8x64xf32, #tpu.memory_space<vmem>> -> memref<1x8x64xf32, #tpu.memory_space<vmem>>
      %dma_start3A_660 = tpu.memref_squeeze %dma_start3A_659 : memref<1x8x64xf32, #tpu.memory_space<vmem>> -> memref<8x64xf32, #tpu.memory_space<vmem>>
      %dma_start3A_661 = arith.constant 0 : i32
      %dma_start3A_662 = arith.constant 0 : i32
      %dma_start3A_663 = tpu.memref_slice %arg4[%squeeze3A_655, %dma_start3A_661, %dma_start3A_662] : memref<125000x8x64xf32, #tpu.memory_space<hbm>> -> memref<1x8x64xf32, #tpu.memory_space<hbm>>
      %dma_start3A_664 = tpu.memref_squeeze %dma_start3A_663 : memref<1x8x64xf32, #tpu.memory_space<hbm>> -> memref<8x64xf32, #tpu.memory_space<hbm>>
      %dma_start3A_665 = arith.constant 0 : i32
      %dma_start3A_666 = arith.constant 0 : i32
      %dma_start3A_667 = tpu.memref_slice %arg13[%dma_start3A_656, %dma_start3A_665, %dma_start3A_666] : memref<16x8x64xf32, #tpu.memory_space<vmem>> -> memref<1x8x64xf32, #tpu.memory_space<vmem>>
      %dma_start3A_668 = tpu.memref_squeeze %dma_start3A_667 : memref<1x8x64xf32, #tpu.memory_space<vmem>> -> memref<8x64xf32, #tpu.memory_space<vmem>>
      %dma_start3A_669 = arith.constant 0 : i32
      %dma_start3A_670 = arith.constant 0 : i32
      %dma_start3A_671 = tpu.memref_slice %arg4[%squeeze3A_655, %dma_start3A_669, %dma_start3A_670] : memref<125000x8x64xf32, #tpu.memory_space<hbm>> -> memref<1x8x64xf32, #tpu.memory_space<hbm>>
      %dma_start3A_672 = tpu.memref_squeeze %dma_start3A_671 : memref<1x8x64xf32, #tpu.memory_space<hbm>> -> memref<8x64xf32, #tpu.memory_space<hbm>>
      tpu.enqueue_dma source(%dma_start3A_672 : memref<8x64xf32, #tpu.memory_space<hbm>>) target(%dma_start3A_668 : memref<8x64xf32, #tpu.memory_space<vmem>>) target_semaphore(%arg19 : memref<!tpu.dma_semaphore, #tpu.memory_space<semaphore_mem>>)
      %slice3A_673 = vector.extract_strided_slice %shift_right_arithmetic3A_653 {offsets = [0], sizes = [1], strides = [1]} : vector<16xi32> to vector<1xi32>
      %squeeze3A_674 = vector.extract %slice3A_673[0] : i32 from vector<1xi32>
      %dma_start3A_675 = arith.constant 0 : i32
      %dma_start3A_676 = arith.constant 0 : i32
      %dma_start3A_677 = arith.constant 0 : i32
      %dma_start3A_678 = tpu.memref_slice %arg14[%dma_start3A_675, %dma_start3A_676, %dma_start3A_677] : memref<16x8x64xf32, #tpu.memory_space<vmem>> -> memref<1x8x64xf32, #tpu.memory_space<vmem>>
      %dma_start3A_679 = tpu.memref_squeeze %dma_start3A_678 : memref<1x8x64xf32, #tpu.memory_space<vmem>> -> memref<8x64xf32, #tpu.memory_space<vmem>>
      %dma_start3A_680 = arith.constant 0 : i32
      %dma_start3A_681 = arith.constant 0 : i32
      %dma_start3A_682 = tpu.memref_slice %arg5[%squeeze3A_674, %dma_start3A_680, %dma_start3A_681] : memref<12500x8x64xf32, #tpu.memory_space<hbm>> -> memref<1x8x64xf32, #tpu.memory_space<hbm>>
      %dma_start3A_683 = tpu.memref_squeeze %dma_start3A_682 : memref<1x8x64xf32, #tpu.memory_space<hbm>> -> memref<8x64xf32, #tpu.memory_space<hbm>>
      %dma_start3A_684 = arith.constant 0 : i32
      %dma_start3A_685 = arith.constant 0 : i32
      %dma_start3A_686 = tpu.memref_slice %arg14[%dma_start3A_675, %dma_start3A_684, %dma_start3A_685] : memref<16x8x64xf32, #tpu.memory_space<vmem>> -> memref<1x8x64xf32, #tpu.memory_space<vmem>>
      %dma_start3A_687 = tpu.memref_squeeze %dma_start3A_686 : memref<1x8x64xf32, #tpu.memory_space<vmem>> -> memref<8x64xf32, #tpu.memory_space<vmem>>
      %dma_start3A_688 = arith.constant 0 : i32
      %dma_start3A_689 = arith.constant 0 : i32
      %dma_start3A_690 = tpu.memref_slice %arg5[%squeeze3A_674, %dma_start3A_688, %dma_start3A_689] : memref<12500x8x64xf32, #tpu.memory_space<hbm>> -> memref<1x8x64xf32, #tpu.memory_space<hbm>>
      %dma_start3A_691 = tpu.memref_squeeze %dma_start3A_690 : memref<1x8x64xf32, #tpu.memory_space<hbm>> -> memref<8x64xf32, #tpu.memory_space<hbm>>
      tpu.enqueue_dma source(%dma_start3A_691 : memref<8x64xf32, #tpu.memory_space<hbm>>) target(%dma_start3A_687 : memref<8x64xf32, #tpu.memory_space<vmem>>) target_semaphore(%arg20 : memref<!tpu.dma_semaphore, #tpu.memory_space<semaphore_mem>>)
      %slice3A_692 = vector.extract_strided_slice %shift_right_arithmetic3A_646 {offsets = [1], sizes = [1], strides = [1]} : vector<16xi32> to vector<1xi32>
      %squeeze3A_693 = vector.extract %slice3A_692[0] : i32 from vector<1xi32>
      %dma_start3A_694 = arith.constant 1 : i32
      %dma_start3A_695 = arith.constant 0 : i32
      %dma_start3A_696 = arith.constant 0 : i32
      %dma_start3A_697 = tpu.memref_slice %arg13[%dma_start3A_694, %dma_start3A_695, %dma_start3A_696] : memref<16x8x64xf32, #tpu.memory_space<vmem>> -> memref<1x8x64xf32, #tpu.memory_space<vmem>>
      %dma_start3A_698 = tpu.memref_squeeze %dma_start3A_697 : memref<1x8x64xf32, #tpu.memory_space<vmem>> -> memref<8x64xf32, #tpu.memory_space<vmem>>
      %dma_start3A_699 = arith.constant 0 : i32
      %dma_start3A_700 = arith.constant 0 : i32
      %dma_start3A_701 = tpu.memref_slice %arg4[%squeeze3A_693, %dma_start3A_699, %dma_start3A_700] : memref<125000x8x64xf32, #tpu.memory_space<hbm>> -> memref<1x8x64xf32, #tpu.memory_space<hbm>>
      %dma_start3A_702 = tpu.memref_squeeze %dma_start3A_701 : memref<1x8x64xf32, #tpu.memory_space<hbm>> -> memref<8x64xf32, #tpu.memory_space<hbm>>
      %dma_start3A_703 = arith.constant 0 : i32
      %dma_start3A_704 = arith.constant 0 : i32
      %dma_start3A_705 = tpu.memref_slice %arg13[%dma_start3A_694, %dma_start3A_703, %dma_start3A_704] : memref<16x8x64xf32, #tpu.memory_space<vmem>> -> memref<1x8x64xf32, #tpu.memory_space<vmem>>
      %dma_start3A_706 = tpu.memref_squeeze %dma_start3A_705 : memref<1x8x64xf32, #tpu.memory_space<vmem>> -> memref<8x64xf32, #tpu.memory_space<vmem>>
      %dma_start3A_707 = arith.constant 0 : i32
      %dma_start3A_708 = arith.constant 0 : i32
      %dma_start3A_709 = tpu.memref_slice %arg4[%squeeze3A_693, %dma_start3A_707, %dma_start3A_708] : memref<125000x8x64xf32, #tpu.memory_space<hbm>> -> memref<1x8x64xf32, #tpu.memory_space<hbm>>
      %dma_start3A_710 = tpu.memref_squeeze %dma_start3A_709 : memref<1x8x64xf32, #tpu.memory_space<hbm>> -> memref<8x64xf32, #tpu.memory_space<hbm>>
      tpu.enqueue_dma source(%dma_start3A_710 : memref<8x64xf32, #tpu.memory_space<hbm>>) target(%dma_start3A_706 : memref<8x64xf32, #tpu.memory_space<vmem>>) target_semaphore(%arg19 : memref<!tpu.dma_semaphore, #tpu.memory_space<semaphore_mem>>)
      %slice3A_711 = vector.extract_strided_slice %shift_right_arithmetic3A_653 {offsets = [1], sizes = [1], strides = [1]} : vector<16xi32> to vector<1xi32>
      %squeeze3A_712 = vector.extract %slice3A_711[0] : i32 from vector<1xi32>
      %dma_start3A_713 = arith.constant 1 : i32
      %dma_start3A_714 = arith.constant 0 : i32
      %dma_start3A_715 = arith.constant 0 : i32
      %dma_start3A_716 = tpu.memref_slice %arg14[%dma_start3A_713, %dma_start3A_714, %dma_start3A_715] : memref<16x8x64xf32, #tpu.memory_space<vmem>> -> memref<1x8x64xf32, #tpu.memory_space<vmem>>
      %dma_start3A_717 = tpu.memref_squeeze %dma_start3A_716 : memref<1x8x64xf32, #tpu.memory_space<vmem>> -> memref<8x64xf32, #tpu.memory_space<vmem>>
      %dma_start3A_718 = arith.constant 0 : i32
      %dma_start3A_719 = arith.constant 0 : i32
      %dma_start3A_720 = tpu.memref_slice %arg5[%squeeze3A_712, %dma_start3A_718, %dma_start3A_719] : memref<12500x8x64xf32, #tpu.memory_space<hbm>> -> memref<1x8x64xf32, #tpu.memory_space<hbm>>
      %dma_start3A_721 = tpu.memref_squeeze %dma_start3A_720 : memref<1x8x64xf32, #tpu.memory_space<hbm>> -> memref<8x64xf32, #tpu.memory_space<hbm>>
      %dma_start3A_722 = arith.constant 0 : i32
      %dma_start3A_723 = arith.constant 0 : i32
      %dma_start3A_724 = tpu.memref_slice %arg14[%dma_start3A_713, %dma_start3A_722, %dma_start3A_723] : memref<16x8x64xf32, #tpu.memory_space<vmem>> -> memref<1x8x64xf32, #tpu.memory_space<vmem>>
      %dma_start3A_725 = tpu.memref_squeeze %dma_start3A_724 : memref<1x8x64xf32, #tpu.memory_space<vmem>> -> memref<8x64xf32, #tpu.memory_space<vmem>>
      %dma_start3A_726 = arith.constant 0 : i32
      %dma_start3A_727 = arith.constant 0 : i32
      %dma_start3A_728 = tpu.memref_slice %arg5[%squeeze3A_712, %dma_start3A_726, %dma_start3A_727] : memref<12500x8x64xf32, #tpu.memory_space<hbm>> -> memref<1x8x64xf32, #tpu.memory_space<hbm>>
      %dma_start3A_729 = tpu.memref_squeeze %dma_start3A_728 : memref<1x8x64xf32, #tpu.memory_space<hbm>> -> memref<8x64xf32, #tpu.memory_space<hbm>>
      tpu.enqueue_dma source(%dma_start3A_729 : memref<8x64xf32, #tpu.memory_space<hbm>>) target(%dma_start3A_725 : memref<8x64xf32, #tpu.memory_space<vmem>>) target_semaphore(%arg20 : memref<!tpu.dma_semaphore, #tpu.memory_space<semaphore_mem>>)
      %slice3A_730 = vector.extract_strided_slice %shift_right_arithmetic3A_646 {offsets = [2], sizes = [1], strides = [1]} : vector<16xi32> to vector<1xi32>
      %squeeze3A_731 = vector.extract %slice3A_730[0] : i32 from vector<1xi32>
      %dma_start3A_732 = arith.constant 2 : i32
      %dma_start3A_733 = arith.constant 0 : i32
      %dma_start3A_734 = arith.constant 0 : i32
      %dma_start3A_735 = tpu.memref_slice %arg13[%dma_start3A_732, %dma_start3A_733, %dma_start3A_734] : memref<16x8x64xf32, #tpu.memory_space<vmem>> -> memref<1x8x64xf32, #tpu.memory_space<vmem>>
      %dma_start3A_736 = tpu.memref_squeeze %dma_start3A_735 : memref<1x8x64xf32, #tpu.memory_space<vmem>> -> memref<8x64xf32, #tpu.memory_space<vmem>>
      %dma_start3A_737 = arith.constant 0 : i32
      %dma_start3A_738 = arith.constant 0 : i32
      %dma_start3A_739 = tpu.memref_slice %arg4[%squeeze3A_731, %dma_start3A_737, %dma_start3A_738] : memref<125000x8x64xf32, #tpu.memory_space<hbm>> -> memref<1x8x64xf32, #tpu.memory_space<hbm>>
      %dma_start3A_740 = tpu.memref_squeeze %dma_start3A_739 : memref<1x8x64xf32, #tpu.memory_space<hbm>> -> memref<8x64xf32, #tpu.memory_space<hbm>>
      %dma_start3A_741 = arith.constant 0 : i32
      %dma_start3A_742 = arith.constant 0 : i32
      %dma_start3A_743 = tpu.memref_slice %arg13[%dma_start3A_732, %dma_start3A_741, %dma_start3A_742] : memref<16x8x64xf32, #tpu.memory_space<vmem>> -> memref<1x8x64xf32, #tpu.memory_space<vmem>>
      %dma_start3A_744 = tpu.memref_squeeze %dma_start3A_743 : memref<1x8x64xf32, #tpu.memory_space<vmem>> -> memref<8x64xf32, #tpu.memory_space<vmem>>
      %dma_start3A_745 = arith.constant 0 : i32
      %dma_start3A_746 = arith.constant 0 : i32
      %dma_start3A_747 = tpu.memref_slice %arg4[%squeeze3A_731, %dma_start3A_745, %dma_start3A_746] : memref<125000x8x64xf32, #tpu.memory_space<hbm>> -> memref<1x8x64xf32, #tpu.memory_space<hbm>>
      %dma_start3A_748 = tpu.memref_squeeze %dma_start3A_747 : memref<1x8x64xf32, #tpu.memory_space<hbm>> -> memref<8x64xf32, #tpu.memory_space<hbm>>
      tpu.enqueue_dma source(%dma_start3A_748 : memref<8x64xf32, #tpu.memory_space<hbm>>) target(%dma_start3A_744 : memref<8x64xf32, #tpu.memory_space<vmem>>) target_semaphore(%arg19 : memref<!tpu.dma_semaphore, #tpu.memory_space<semaphore_mem>>)
      %slice3A_749 = vector.extract_strided_slice %shift_right_arithmetic3A_653 {offsets = [2], sizes = [1], strides = [1]} : vector<16xi32> to vector<1xi32>
      %squeeze3A_750 = vector.extract %slice3A_749[0] : i32 from vector<1xi32>
      %dma_start3A_751 = arith.constant 2 : i32
      %dma_start3A_752 = arith.constant 0 : i32
      %dma_start3A_753 = arith.constant 0 : i32
      %dma_start3A_754 = tpu.memref_slice %arg14[%dma_start3A_751, %dma_start3A_752, %dma_start3A_753] : memref<16x8x64xf32, #tpu.memory_space<vmem>> -> memref<1x8x64xf32, #tpu.memory_space<vmem>>
      %dma_start3A_755 = tpu.memref_squeeze %dma_start3A_754 : memref<1x8x64xf32, #tpu.memory_space<vmem>> -> memref<8x64xf32, #tpu.memory_space<vmem>>
      %dma_start3A_756 = arith.constant 0 : i32
      %dma_start3A_757 = arith.constant 0 : i32
      %dma_start3A_758 = tpu.memref_slice %arg5[%squeeze3A_750, %dma_start3A_756, %dma_start3A_757] : memref<12500x8x64xf32, #tpu.memory_space<hbm>> -> memref<1x8x64xf32, #tpu.memory_space<hbm>>
      %dma_start3A_759 = tpu.memref_squeeze %dma_start3A_758 : memref<1x8x64xf32, #tpu.memory_space<hbm>> -> memref<8x64xf32, #tpu.memory_space<hbm>>
      %dma_start3A_760 = arith.constant 0 : i32
      %dma_start3A_761 = arith.constant 0 : i32
      %dma_start3A_762 = tpu.memref_slice %arg14[%dma_start3A_751, %dma_start3A_760, %dma_start3A_761] : memref<16x8x64xf32, #tpu.memory_space<vmem>> -> memref<1x8x64xf32, #tpu.memory_space<vmem>>
      %dma_start3A_763 = tpu.memref_squeeze %dma_start3A_762 : memref<1x8x64xf32, #tpu.memory_space<vmem>> -> memref<8x64xf32, #tpu.memory_space<vmem>>
      %dma_start3A_764 = arith.constant 0 : i32
      %dma_start3A_765 = arith.constant 0 : i32
      %dma_start3A_766 = tpu.memref_slice %arg5[%squeeze3A_750, %dma_start3A_764, %dma_start3A_765] : memref<12500x8x64xf32, #tpu.memory_space<hbm>> -> memref<1x8x64xf32, #tpu.memory_space<hbm>>
      %dma_start3A_767 = tpu.memref_squeeze %dma_start3A_766 : memref<1x8x64xf32, #tpu.memory_space<hbm>> -> memref<8x64xf32, #tpu.memory_space<hbm>>
      tpu.enqueue_dma source(%dma_start3A_767 : memref<8x64xf32, #tpu.memory_space<hbm>>) target(%dma_start3A_763 : memref<8x64xf32, #tpu.memory_space<vmem>>) target_semaphore(%arg20 : memref<!tpu.dma_semaphore, #tpu.memory_space<semaphore_mem>>)
      %slice3A_768 = vector.extract_strided_slice %shift_right_arithmetic3A_646 {offsets = [3], sizes = [1], strides = [1]} : vector<16xi32> to vector<1xi32>
      %squeeze3A_769 = vector.extract %slice3A_768[0] : i32 from vector<1xi32>
      %dma_start3A_770 = arith.constant 3 : i32
      %dma_start3A_771 = arith.constant 0 : i32
      %dma_start3A_772 = arith.constant 0 : i32
      %dma_start3A_773 = tpu.memref_slice %arg13[%dma_start3A_770, %dma_start3A_771, %dma_start3A_772] : memref<16x8x64xf32, #tpu.memory_space<vmem>> -> memref<1x8x64xf32, #tpu.memory_space<vmem>>
      %dma_start3A_774 = tpu.memref_squeeze %dma_start3A_773 : memref<1x8x64xf32, #tpu.memory_space<vmem>> -> memref<8x64xf32, #tpu.memory_space<vmem>>
      %dma_start3A_775 = arith.constant 0 : i32
      %dma_start3A_776 = arith.constant 0 : i32
      %dma_start3A_777 = tpu.memref_slice %arg4[%squeeze3A_769, %dma_start3A_775, %dma_start3A_776] : memref<125000x8x64xf32, #tpu.memory_space<hbm>> -> memref<1x8x64xf32, #tpu.memory_space<hbm>>
      %dma_start3A_778 = tpu.memref_squeeze %dma_start3A_777 : memref<1x8x64xf32, #tpu.memory_space<hbm>> -> memref<8x64xf32, #tpu.memory_space<hbm>>
      %dma_start3A_779 = arith.constant 0 : i32
      %dma_start3A_780 = arith.constant 0 : i32
      %dma_start3A_781 = tpu.memref_slice %arg13[%dma_start3A_770, %dma_start3A_779, %dma_start3A_780] : memref<16x8x64xf32, #tpu.memory_space<vmem>> -> memref<1x8x64xf32, #tpu.memory_space<vmem>>
      %dma_start3A_782 = tpu.memref_squeeze %dma_start3A_781 : memref<1x8x64xf32, #tpu.memory_space<vmem>> -> memref<8x64xf32, #tpu.memory_space<vmem>>
      %dma_start3A_783 = arith.constant 0 : i32
      %dma_start3A_784 = arith.constant 0 : i32
      %dma_start3A_785 = tpu.memref_slice %arg4[%squeeze3A_769, %dma_start3A_783, %dma_start3A_784] : memref<125000x8x64xf32, #tpu.memory_space<hbm>> -> memref<1x8x64xf32, #tpu.memory_space<hbm>>
      %dma_start3A_786 = tpu.memref_squeeze %dma_start3A_785 : memref<1x8x64xf32, #tpu.memory_space<hbm>> -> memref<8x64xf32, #tpu.memory_space<hbm>>
      tpu.enqueue_dma source(%dma_start3A_786 : memref<8x64xf32, #tpu.memory_space<hbm>>) target(%dma_start3A_782 : memref<8x64xf32, #tpu.memory_space<vmem>>) target_semaphore(%arg19 : memref<!tpu.dma_semaphore, #tpu.memory_space<semaphore_mem>>)
      %slice3A_787 = vector.extract_strided_slice %shift_right_arithmetic3A_653 {offsets = [3], sizes = [1], strides = [1]} : vector<16xi32> to vector<1xi32>
      %squeeze3A_788 = vector.extract %slice3A_787[0] : i32 from vector<1xi32>
      %dma_start3A_789 = arith.constant 3 : i32
      %dma_start3A_790 = arith.constant 0 : i32
      %dma_start3A_791 = arith.constant 0 : i32
      %dma_start3A_792 = tpu.memref_slice %arg14[%dma_start3A_789, %dma_start3A_790, %dma_start3A_791] : memref<16x8x64xf32, #tpu.memory_space<vmem>> -> memref<1x8x64xf32, #tpu.memory_space<vmem>>
      %dma_start3A_793 = tpu.memref_squeeze %dma_start3A_792 : memref<1x8x64xf32, #tpu.memory_space<vmem>> -> memref<8x64xf32, #tpu.memory_space<vmem>>
      %dma_start3A_794 = arith.constant 0 : i32
      %dma_start3A_795 = arith.constant 0 : i32
      %dma_start3A_796 = tpu.memref_slice %arg5[%squeeze3A_788, %dma_start3A_794, %dma_start3A_795] : memref<12500x8x64xf32, #tpu.memory_space<hbm>> -> memref<1x8x64xf32, #tpu.memory_space<hbm>>
      %dma_start3A_797 = tpu.memref_squeeze %dma_start3A_796 : memref<1x8x64xf32, #tpu.memory_space<hbm>> -> memref<8x64xf32, #tpu.memory_space<hbm>>
      %dma_start3A_798 = arith.constant 0 : i32
      %dma_start3A_799 = arith.constant 0 : i32
      %dma_start3A_800 = tpu.memref_slice %arg14[%dma_start3A_789, %dma_start3A_798, %dma_start3A_799] : memref<16x8x64xf32, #tpu.memory_space<vmem>> -> memref<1x8x64xf32, #tpu.memory_space<vmem>>
      %dma_start3A_801 = tpu.memref_squeeze %dma_start3A_800 : memref<1x8x64xf32, #tpu.memory_space<vmem>> -> memref<8x64xf32, #tpu.memory_space<vmem>>
      %dma_start3A_802 = arith.constant 0 : i32
      %dma_start3A_803 = arith.constant 0 : i32
      %dma_start3A_804 = tpu.memref_slice %arg5[%squeeze3A_788, %dma_start3A_802, %dma_start3A_803] : memref<12500x8x64xf32, #tpu.memory_space<hbm>> -> memref<1x8x64xf32, #tpu.memory_space<hbm>>
      %dma_start3A_805 = tpu.memref_squeeze %dma_start3A_804 : memref<1x8x64xf32, #tpu.memory_space<hbm>> -> memref<8x64xf32, #tpu.memory_space<hbm>>
      tpu.enqueue_dma source(%dma_start3A_805 : memref<8x64xf32, #tpu.memory_space<hbm>>) target(%dma_start3A_801 : memref<8x64xf32, #tpu.memory_space<vmem>>) target_semaphore(%arg20 : memref<!tpu.dma_semaphore, #tpu.memory_space<semaphore_mem>>)
      %slice3A_806 = vector.extract_strided_slice %shift_right_arithmetic3A_646 {offsets = [4], sizes = [1], strides = [1]} : vector<16xi32> to vector<1xi32>
      %squeeze3A_807 = vector.extract %slice3A_806[0] : i32 from vector<1xi32>
      %dma_start3A_808 = arith.constant 4 : i32
      %dma_start3A_809 = arith.constant 0 : i32
      %dma_start3A_810 = arith.constant 0 : i32
      %dma_start3A_811 = tpu.memref_slice %arg13[%dma_start3A_808, %dma_start3A_809, %dma_start3A_810] : memref<16x8x64xf32, #tpu.memory_space<vmem>> -> memref<1x8x64xf32, #tpu.memory_space<vmem>>
      %dma_start3A_812 = tpu.memref_squeeze %dma_start3A_811 : memref<1x8x64xf32, #tpu.memory_space<vmem>> -> memref<8x64xf32, #tpu.memory_space<vmem>>
      %dma_start3A_813 = arith.constant 0 : i32
      %dma_start3A_814 = arith.constant 0 : i32
      %dma_start3A_815 = tpu.memref_slice %arg4[%squeeze3A_807, %dma_start3A_813, %dma_start3A_814] : memref<125000x8x64xf32, #tpu.memory_space<hbm>> -> memref<1x8x64xf32, #tpu.memory_space<hbm>>
      %dma_start3A_816 = tpu.memref_squeeze %dma_start3A_815 : memref<1x8x64xf32, #tpu.memory_space<hbm>> -> memref<8x64xf32, #tpu.memory_space<hbm>>
      %dma_start3A_817 = arith.constant 0 : i32
      %dma_start3A_818 = arith.constant 0 : i32
      %dma_start3A_819 = tpu.memref_slice %arg13[%dma_start3A_808, %dma_start3A_817, %dma_start3A_818] : memref<16x8x64xf32, #tpu.memory_space<vmem>> -> memref<1x8x64xf32, #tpu.memory_space<vmem>>
      %dma_start3A_820 = tpu.memref_squeeze %dma_start3A_819 : memref<1x8x64xf32, #tpu.memory_space<vmem>> -> memref<8x64xf32, #tpu.memory_space<vmem>>
      %dma_start3A_821 = arith.constant 0 : i32
      %dma_start3A_822 = arith.constant 0 : i32
      %dma_start3A_823 = tpu.memref_slice %arg4[%squeeze3A_807, %dma_start3A_821, %dma_start3A_822] : memref<125000x8x64xf32, #tpu.memory_space<hbm>> -> memref<1x8x64xf32, #tpu.memory_space<hbm>>
      %dma_start3A_824 = tpu.memref_squeeze %dma_start3A_823 : memref<1x8x64xf32, #tpu.memory_space<hbm>> -> memref<8x64xf32, #tpu.memory_space<hbm>>
      tpu.enqueue_dma source(%dma_start3A_824 : memref<8x64xf32, #tpu.memory_space<hbm>>) target(%dma_start3A_820 : memref<8x64xf32, #tpu.memory_space<vmem>>) target_semaphore(%arg19 : memref<!tpu.dma_semaphore, #tpu.memory_space<semaphore_mem>>)
      %slice3A_825 = vector.extract_strided_slice %shift_right_arithmetic3A_653 {offsets = [4], sizes = [1], strides = [1]} : vector<16xi32> to vector<1xi32>
      %squeeze3A_826 = vector.extract %slice3A_825[0] : i32 from vector<1xi32>
      %dma_start3A_827 = arith.constant 4 : i32
      %dma_start3A_828 = arith.constant 0 : i32
      %dma_start3A_829 = arith.constant 0 : i32
      %dma_start3A_830 = tpu.memref_slice %arg14[%dma_start3A_827, %dma_start3A_828, %dma_start3A_829] : memref<16x8x64xf32, #tpu.memory_space<vmem>> -> memref<1x8x64xf32, #tpu.memory_space<vmem>>
      %dma_start3A_831 = tpu.memref_squeeze %dma_start3A_830 : memref<1x8x64xf32, #tpu.memory_space<vmem>> -> memref<8x64xf32, #tpu.memory_space<vmem>>
      %dma_start3A_832 = arith.constant 0 : i32
      %dma_start3A_833 = arith.constant 0 : i32
      %dma_start3A_834 = tpu.memref_slice %arg5[%squeeze3A_826, %dma_start3A_832, %dma_start3A_833] : memref<12500x8x64xf32, #tpu.memory_space<hbm>> -> memref<1x8x64xf32, #tpu.memory_space<hbm>>
      %dma_start3A_835 = tpu.memref_squeeze %dma_start3A_834 : memref<1x8x64xf32, #tpu.memory_space<hbm>> -> memref<8x64xf32, #tpu.memory_space<hbm>>
      %dma_start3A_836 = arith.constant 0 : i32
      %dma_start3A_837 = arith.constant 0 : i32
      %dma_start3A_838 = tpu.memref_slice %arg14[%dma_start3A_827, %dma_start3A_836, %dma_start3A_837] : memref<16x8x64xf32, #tpu.memory_space<vmem>> -> memref<1x8x64xf32, #tpu.memory_space<vmem>>
      %dma_start3A_839 = tpu.memref_squeeze %dma_start3A_838 : memref<1x8x64xf32, #tpu.memory_space<vmem>> -> memref<8x64xf32, #tpu.memory_space<vmem>>
      %dma_start3A_840 = arith.constant 0 : i32
      %dma_start3A_841 = arith.constant 0 : i32
      %dma_start3A_842 = tpu.memref_slice %arg5[%squeeze3A_826, %dma_start3A_840, %dma_start3A_841] : memref<12500x8x64xf32, #tpu.memory_space<hbm>> -> memref<1x8x64xf32, #tpu.memory_space<hbm>>
      %dma_start3A_843 = tpu.memref_squeeze %dma_start3A_842 : memref<1x8x64xf32, #tpu.memory_space<hbm>> -> memref<8x64xf32, #tpu.memory_space<hbm>>
      tpu.enqueue_dma source(%dma_start3A_843 : memref<8x64xf32, #tpu.memory_space<hbm>>) target(%dma_start3A_839 : memref<8x64xf32, #tpu.memory_space<vmem>>) target_semaphore(%arg20 : memref<!tpu.dma_semaphore, #tpu.memory_space<semaphore_mem>>)
      %slice3A_844 = vector.extract_strided_slice %shift_right_arithmetic3A_646 {offsets = [5], sizes = [1], strides = [1]} : vector<16xi32> to vector<1xi32>
      %squeeze3A_845 = vector.extract %slice3A_844[0] : i32 from vector<1xi32>
      %dma_start3A_846 = arith.constant 5 : i32
      %dma_start3A_847 = arith.constant 0 : i32
      %dma_start3A_848 = arith.constant 0 : i32
      %dma_start3A_849 = tpu.memref_slice %arg13[%dma_start3A_846, %dma_start3A_847, %dma_start3A_848] : memref<16x8x64xf32, #tpu.memory_space<vmem>> -> memref<1x8x64xf32, #tpu.memory_space<vmem>>
      %dma_start3A_850 = tpu.memref_squeeze %dma_start3A_849 : memref<1x8x64xf32, #tpu.memory_space<vmem>> -> memref<8x64xf32, #tpu.memory_space<vmem>>
      %dma_start3A_851 = arith.constant 0 : i32
      %dma_start3A_852 = arith.constant 0 : i32
      %dma_start3A_853 = tpu.memref_slice %arg4[%squeeze3A_845, %dma_start3A_851, %dma_start3A_852] : memref<125000x8x64xf32, #tpu.memory_space<hbm>> -> memref<1x8x64xf32, #tpu.memory_space<hbm>>
      %dma_start3A_854 = tpu.memref_squeeze %dma_start3A_853 : memref<1x8x64xf32, #tpu.memory_space<hbm>> -> memref<8x64xf32, #tpu.memory_space<hbm>>
      %dma_start3A_855 = arith.constant 0 : i32
      %dma_start3A_856 = arith.constant 0 : i32
      %dma_start3A_857 = tpu.memref_slice %arg13[%dma_start3A_846, %dma_start3A_855, %dma_start3A_856] : memref<16x8x64xf32, #tpu.memory_space<vmem>> -> memref<1x8x64xf32, #tpu.memory_space<vmem>>
      %dma_start3A_858 = tpu.memref_squeeze %dma_start3A_857 : memref<1x8x64xf32, #tpu.memory_space<vmem>> -> memref<8x64xf32, #tpu.memory_space<vmem>>
      %dma_start3A_859 = arith.constant 0 : i32
      %dma_start3A_860 = arith.constant 0 : i32
      %dma_start3A_861 = tpu.memref_slice %arg4[%squeeze3A_845, %dma_start3A_859, %dma_start3A_860] : memref<125000x8x64xf32, #tpu.memory_space<hbm>> -> memref<1x8x64xf32, #tpu.memory_space<hbm>>
      %dma_start3A_862 = tpu.memref_squeeze %dma_start3A_861 : memref<1x8x64xf32, #tpu.memory_space<hbm>> -> memref<8x64xf32, #tpu.memory_space<hbm>>
      tpu.enqueue_dma source(%dma_start3A_862 : memref<8x64xf32, #tpu.memory_space<hbm>>) target(%dma_start3A_858 : memref<8x64xf32, #tpu.memory_space<vmem>>) target_semaphore(%arg19 : memref<!tpu.dma_semaphore, #tpu.memory_space<semaphore_mem>>)
      %slice3A_863 = vector.extract_strided_slice %shift_right_arithmetic3A_653 {offsets = [5], sizes = [1], strides = [1]} : vector<16xi32> to vector<1xi32>
      %squeeze3A_864 = vector.extract %slice3A_863[0] : i32 from vector<1xi32>
      %dma_start3A_865 = arith.constant 5 : i32
      %dma_start3A_866 = arith.constant 0 : i32
      %dma_start3A_867 = arith.constant 0 : i32
      %dma_start3A_868 = tpu.memref_slice %arg14[%dma_start3A_865, %dma_start3A_866, %dma_start3A_867] : memref<16x8x64xf32, #tpu.memory_space<vmem>> -> memref<1x8x64xf32, #tpu.memory_space<vmem>>
      %dma_start3A_869 = tpu.memref_squeeze %dma_start3A_868 : memref<1x8x64xf32, #tpu.memory_space<vmem>> -> memref<8x64xf32, #tpu.memory_space<vmem>>
      %dma_start3A_870 = arith.constant 0 : i32
      %dma_start3A_871 = arith.constant 0 : i32
      %dma_start3A_872 = tpu.memref_slice %arg5[%squeeze3A_864, %dma_start3A_870, %dma_start3A_871] : memref<12500x8x64xf32, #tpu.memory_space<hbm>> -> memref<1x8x64xf32, #tpu.memory_space<hbm>>
      %dma_start3A_873 = tpu.memref_squeeze %dma_start3A_872 : memref<1x8x64xf32, #tpu.memory_space<hbm>> -> memref<8x64xf32, #tpu.memory_space<hbm>>
      %dma_start3A_874 = arith.constant 0 : i32
      %dma_start3A_875 = arith.constant 0 : i32
      %dma_start3A_876 = tpu.memref_slice %arg14[%dma_start3A_865, %dma_start3A_874, %dma_start3A_875] : memref<16x8x64xf32, #tpu.memory_space<vmem>> -> memref<1x8x64xf32, #tpu.memory_space<vmem>>
      %dma_start3A_877 = tpu.memref_squeeze %dma_start3A_876 : memref<1x8x64xf32, #tpu.memory_space<vmem>> -> memref<8x64xf32, #tpu.memory_space<vmem>>
      %dma_start3A_878 = arith.constant 0 : i32
      %dma_start3A_879 = arith.constant 0 : i32
      %dma_start3A_880 = tpu.memref_slice %arg5[%squeeze3A_864, %dma_start3A_878, %dma_start3A_879] : memref<12500x8x64xf32, #tpu.memory_space<hbm>> -> memref<1x8x64xf32, #tpu.memory_space<hbm>>
      %dma_start3A_881 = tpu.memref_squeeze %dma_start3A_880 : memref<1x8x64xf32, #tpu.memory_space<hbm>> -> memref<8x64xf32, #tpu.memory_space<hbm>>
      tpu.enqueue_dma source(%dma_start3A_881 : memref<8x64xf32, #tpu.memory_space<hbm>>) target(%dma_start3A_877 : memref<8x64xf32, #tpu.memory_space<vmem>>) target_semaphore(%arg20 : memref<!tpu.dma_semaphore, #tpu.memory_space<semaphore_mem>>)
      %slice3A_882 = vector.extract_strided_slice %shift_right_arithmetic3A_646 {offsets = [6], sizes = [1], strides = [1]} : vector<16xi32> to vector<1xi32>
      %squeeze3A_883 = vector.extract %slice3A_882[0] : i32 from vector<1xi32>
      %dma_start3A_884 = arith.constant 6 : i32
      %dma_start3A_885 = arith.constant 0 : i32
      %dma_start3A_886 = arith.constant 0 : i32
      %dma_start3A_887 = tpu.memref_slice %arg13[%dma_start3A_884, %dma_start3A_885, %dma_start3A_886] : memref<16x8x64xf32, #tpu.memory_space<vmem>> -> memref<1x8x64xf32, #tpu.memory_space<vmem>>
      %dma_start3A_888 = tpu.memref_squeeze %dma_start3A_887 : memref<1x8x64xf32, #tpu.memory_space<vmem>> -> memref<8x64xf32, #tpu.memory_space<vmem>>
      %dma_start3A_889 = arith.constant 0 : i32
      %dma_start3A_890 = arith.constant 0 : i32
      %dma_start3A_891 = tpu.memref_slice %arg4[%squeeze3A_883, %dma_start3A_889, %dma_start3A_890] : memref<125000x8x64xf32, #tpu.memory_space<hbm>> -> memref<1x8x64xf32, #tpu.memory_space<hbm>>
      %dma_start3A_892 = tpu.memref_squeeze %dma_start3A_891 : memref<1x8x64xf32, #tpu.memory_space<hbm>> -> memref<8x64xf32, #tpu.memory_space<hbm>>
      %dma_start3A_893 = arith.constant 0 : i32
      %dma_start3A_894 = arith.constant 0 : i32
      %dma_start3A_895 = tpu.memref_slice %arg13[%dma_start3A_884, %dma_start3A_893, %dma_start3A_894] : memref<16x8x64xf32, #tpu.memory_space<vmem>> -> memref<1x8x64xf32, #tpu.memory_space<vmem>>
      %dma_start3A_896 = tpu.memref_squeeze %dma_start3A_895 : memref<1x8x64xf32, #tpu.memory_space<vmem>> -> memref<8x64xf32, #tpu.memory_space<vmem>>
      %dma_start3A_897 = arith.constant 0 : i32
      %dma_start3A_898 = arith.constant 0 : i32
      %dma_start3A_899 = tpu.memref_slice %arg4[%squeeze3A_883, %dma_start3A_897, %dma_start3A_898] : memref<125000x8x64xf32, #tpu.memory_space<hbm>> -> memref<1x8x64xf32, #tpu.memory_space<hbm>>
      %dma_start3A_900 = tpu.memref_squeeze %dma_start3A_899 : memref<1x8x64xf32, #tpu.memory_space<hbm>> -> memref<8x64xf32, #tpu.memory_space<hbm>>
      tpu.enqueue_dma source(%dma_start3A_900 : memref<8x64xf32, #tpu.memory_space<hbm>>) target(%dma_start3A_896 : memref<8x64xf32, #tpu.memory_space<vmem>>) target_semaphore(%arg19 : memref<!tpu.dma_semaphore, #tpu.memory_space<semaphore_mem>>)
      %slice3A_901 = vector.extract_strided_slice %shift_right_arithmetic3A_653 {offsets = [6], sizes = [1], strides = [1]} : vector<16xi32> to vector<1xi32>
      %squeeze3A_902 = vector.extract %slice3A_901[0] : i32 from vector<1xi32>
      %dma_start3A_903 = arith.constant 6 : i32
      %dma_start3A_904 = arith.constant 0 : i32
      %dma_start3A_905 = arith.constant 0 : i32
      %dma_start3A_906 = tpu.memref_slice %arg14[%dma_start3A_903, %dma_start3A_904, %dma_start3A_905] : memref<16x8x64xf32, #tpu.memory_space<vmem>> -> memref<1x8x64xf32, #tpu.memory_space<vmem>>
      %dma_start3A_907 = tpu.memref_squeeze %dma_start3A_906 : memref<1x8x64xf32, #tpu.memory_space<vmem>> -> memref<8x64xf32, #tpu.memory_space<vmem>>
      %dma_start3A_908 = arith.constant 0 : i32
      %dma_start3A_909 = arith.constant 0 : i32
      %dma_start3A_910 = tpu.memref_slice %arg5[%squeeze3A_902, %dma_start3A_908, %dma_start3A_909] : memref<12500x8x64xf32, #tpu.memory_space<hbm>> -> memref<1x8x64xf32, #tpu.memory_space<hbm>>
      %dma_start3A_911 = tpu.memref_squeeze %dma_start3A_910 : memref<1x8x64xf32, #tpu.memory_space<hbm>> -> memref<8x64xf32, #tpu.memory_space<hbm>>
      %dma_start3A_912 = arith.constant 0 : i32
      %dma_start3A_913 = arith.constant 0 : i32
      %dma_start3A_914 = tpu.memref_slice %arg14[%dma_start3A_903, %dma_start3A_912, %dma_start3A_913] : memref<16x8x64xf32, #tpu.memory_space<vmem>> -> memref<1x8x64xf32, #tpu.memory_space<vmem>>
      %dma_start3A_915 = tpu.memref_squeeze %dma_start3A_914 : memref<1x8x64xf32, #tpu.memory_space<vmem>> -> memref<8x64xf32, #tpu.memory_space<vmem>>
      %dma_start3A_916 = arith.constant 0 : i32
      %dma_start3A_917 = arith.constant 0 : i32
      %dma_start3A_918 = tpu.memref_slice %arg5[%squeeze3A_902, %dma_start3A_916, %dma_start3A_917] : memref<12500x8x64xf32, #tpu.memory_space<hbm>> -> memref<1x8x64xf32, #tpu.memory_space<hbm>>
      %dma_start3A_919 = tpu.memref_squeeze %dma_start3A_918 : memref<1x8x64xf32, #tpu.memory_space<hbm>> -> memref<8x64xf32, #tpu.memory_space<hbm>>
      tpu.enqueue_dma source(%dma_start3A_919 : memref<8x64xf32, #tpu.memory_space<hbm>>) target(%dma_start3A_915 : memref<8x64xf32, #tpu.memory_space<vmem>>) target_semaphore(%arg20 : memref<!tpu.dma_semaphore, #tpu.memory_space<semaphore_mem>>)
      %slice3A_920 = vector.extract_strided_slice %shift_right_arithmetic3A_646 {offsets = [7], sizes = [1], strides = [1]} : vector<16xi32> to vector<1xi32>
      %squeeze3A_921 = vector.extract %slice3A_920[0] : i32 from vector<1xi32>
      %dma_start3A_922 = arith.constant 7 : i32
      %dma_start3A_923 = arith.constant 0 : i32
      %dma_start3A_924 = arith.constant 0 : i32
      %dma_start3A_925 = tpu.memref_slice %arg13[%dma_start3A_922, %dma_start3A_923, %dma_start3A_924] : memref<16x8x64xf32, #tpu.memory_space<vmem>> -> memref<1x8x64xf32, #tpu.memory_space<vmem>>
      %dma_start3A_926 = tpu.memref_squeeze %dma_start3A_925 : memref<1x8x64xf32, #tpu.memory_space<vmem>> -> memref<8x64xf32, #tpu.memory_space<vmem>>
      %dma_start3A_927 = arith.constant 0 : i32
      %dma_start3A_928 = arith.constant 0 : i32
      %dma_start3A_929 = tpu.memref_slice %arg4[%squeeze3A_921, %dma_start3A_927, %dma_start3A_928] : memref<125000x8x64xf32, #tpu.memory_space<hbm>> -> memref<1x8x64xf32, #tpu.memory_space<hbm>>
      %dma_start3A_930 = tpu.memref_squeeze %dma_start3A_929 : memref<1x8x64xf32, #tpu.memory_space<hbm>> -> memref<8x64xf32, #tpu.memory_space<hbm>>
      %dma_start3A_931 = arith.constant 0 : i32
      %dma_start3A_932 = arith.constant 0 : i32
      %dma_start3A_933 = tpu.memref_slice %arg13[%dma_start3A_922, %dma_start3A_931, %dma_start3A_932] : memref<16x8x64xf32, #tpu.memory_space<vmem>> -> memref<1x8x64xf32, #tpu.memory_space<vmem>>
      %dma_start3A_934 = tpu.memref_squeeze %dma_start3A_933 : memref<1x8x64xf32, #tpu.memory_space<vmem>> -> memref<8x64xf32, #tpu.memory_space<vmem>>
      %dma_start3A_935 = arith.constant 0 : i32
      %dma_start3A_936 = arith.constant 0 : i32
      %dma_start3A_937 = tpu.memref_slice %arg4[%squeeze3A_921, %dma_start3A_935, %dma_start3A_936] : memref<125000x8x64xf32, #tpu.memory_space<hbm>> -> memref<1x8x64xf32, #tpu.memory_space<hbm>>
      %dma_start3A_938 = tpu.memref_squeeze %dma_start3A_937 : memref<1x8x64xf32, #tpu.memory_space<hbm>> -> memref<8x64xf32, #tpu.memory_space<hbm>>
      tpu.enqueue_dma source(%dma_start3A_938 : memref<8x64xf32, #tpu.memory_space<hbm>>) target(%dma_start3A_934 : memref<8x64xf32, #tpu.memory_space<vmem>>) target_semaphore(%arg19 : memref<!tpu.dma_semaphore, #tpu.memory_space<semaphore_mem>>)
      %slice3A_939 = vector.extract_strided_slice %shift_right_arithmetic3A_653 {offsets = [7], sizes = [1], strides = [1]} : vector<16xi32> to vector<1xi32>
      %squeeze3A_940 = vector.extract %slice3A_939[0] : i32 from vector<1xi32>
      %dma_start3A_941 = arith.constant 7 : i32
      %dma_start3A_942 = arith.constant 0 : i32
      %dma_start3A_943 = arith.constant 0 : i32
      %dma_start3A_944 = tpu.memref_slice %arg14[%dma_start3A_941, %dma_start3A_942, %dma_start3A_943] : memref<16x8x64xf32, #tpu.memory_space<vmem>> -> memref<1x8x64xf32, #tpu.memory_space<vmem>>
      %dma_start3A_945 = tpu.memref_squeeze %dma_start3A_944 : memref<1x8x64xf32, #tpu.memory_space<vmem>> -> memref<8x64xf32, #tpu.memory_space<vmem>>
      %dma_start3A_946 = arith.constant 0 : i32
      %dma_start3A_947 = arith.constant 0 : i32
      %dma_start3A_948 = tpu.memref_slice %arg5[%squeeze3A_940, %dma_start3A_946, %dma_start3A_947] : memref<12500x8x64xf32, #tpu.memory_space<hbm>> -> memref<1x8x64xf32, #tpu.memory_space<hbm>>
      %dma_start3A_949 = tpu.memref_squeeze %dma_start3A_948 : memref<1x8x64xf32, #tpu.memory_space<hbm>> -> memref<8x64xf32, #tpu.memory_space<hbm>>
      %dma_start3A_950 = arith.constant 0 : i32
      %dma_start3A_951 = arith.constant 0 : i32
      %dma_start3A_952 = tpu.memref_slice %arg14[%dma_start3A_941, %dma_start3A_950, %dma_start3A_951] : memref<16x8x64xf32, #tpu.memory_space<vmem>> -> memref<1x8x64xf32, #tpu.memory_space<vmem>>
      %dma_start3A_953 = tpu.memref_squeeze %dma_start3A_952 : memref<1x8x64xf32, #tpu.memory_space<vmem>> -> memref<8x64xf32, #tpu.memory_space<vmem>>
      %dma_start3A_954 = arith.constant 0 : i32
      %dma_start3A_955 = arith.constant 0 : i32
      %dma_start3A_956 = tpu.memref_slice %arg5[%squeeze3A_940, %dma_start3A_954, %dma_start3A_955] : memref<12500x8x64xf32, #tpu.memory_space<hbm>> -> memref<1x8x64xf32, #tpu.memory_space<hbm>>
      %dma_start3A_957 = tpu.memref_squeeze %dma_start3A_956 : memref<1x8x64xf32, #tpu.memory_space<hbm>> -> memref<8x64xf32, #tpu.memory_space<hbm>>
      tpu.enqueue_dma source(%dma_start3A_957 : memref<8x64xf32, #tpu.memory_space<hbm>>) target(%dma_start3A_953 : memref<8x64xf32, #tpu.memory_space<vmem>>) target_semaphore(%arg20 : memref<!tpu.dma_semaphore, #tpu.memory_space<semaphore_mem>>)
      %slice3A_958 = vector.extract_strided_slice %shift_right_arithmetic3A_646 {offsets = [8], sizes = [1], strides = [1]} : vector<16xi32> to vector<1xi32>
      %squeeze3A_959 = vector.extract %slice3A_958[0] : i32 from vector<1xi32>
      %dma_start3A_960 = arith.constant 8 : i32
      %dma_start3A_961 = arith.constant 0 : i32
      %dma_start3A_962 = arith.constant 0 : i32
      %dma_start3A_963 = tpu.memref_slice %arg13[%dma_start3A_960, %dma_start3A_961, %dma_start3A_962] : memref<16x8x64xf32, #tpu.memory_space<vmem>> -> memref<1x8x64xf32, #tpu.memory_space<vmem>>
      %dma_start3A_964 = tpu.memref_squeeze %dma_start3A_963 : memref<1x8x64xf32, #tpu.memory_space<vmem>> -> memref<8x64xf32, #tpu.memory_space<vmem>>
      %dma_start3A_965 = arith.constant 0 : i32
      %dma_start3A_966 = arith.constant 0 : i32
      %dma_start3A_967 = tpu.memref_slice %arg4[%squeeze3A_959, %dma_start3A_965, %dma_start3A_966] : memref<125000x8x64xf32, #tpu.memory_space<hbm>> -> memref<1x8x64xf32, #tpu.memory_space<hbm>>
      %dma_start3A_968 = tpu.memref_squeeze %dma_start3A_967 : memref<1x8x64xf32, #tpu.memory_space<hbm>> -> memref<8x64xf32, #tpu.memory_space<hbm>>
      %dma_start3A_969 = arith.constant 0 : i32
      %dma_start3A_970 = arith.constant 0 : i32
      %dma_start3A_971 = tpu.memref_slice %arg13[%dma_start3A_960, %dma_start3A_969, %dma_start3A_970] : memref<16x8x64xf32, #tpu.memory_space<vmem>> -> memref<1x8x64xf32, #tpu.memory_space<vmem>>
      %dma_start3A_972 = tpu.memref_squeeze %dma_start3A_971 : memref<1x8x64xf32, #tpu.memory_space<vmem>> -> memref<8x64xf32, #tpu.memory_space<vmem>>
      %dma_start3A_973 = arith.constant 0 : i32
      %dma_start3A_974 = arith.constant 0 : i32
      %dma_start3A_975 = tpu.memref_slice %arg4[%squeeze3A_959, %dma_start3A_973, %dma_start3A_974] : memref<125000x8x64xf32, #tpu.memory_space<hbm>> -> memref<1x8x64xf32, #tpu.memory_space<hbm>>
      %dma_start3A_976 = tpu.memref_squeeze %dma_start3A_975 : memref<1x8x64xf32, #tpu.memory_space<hbm>> -> memref<8x64xf32, #tpu.memory_space<hbm>>
      tpu.enqueue_dma source(%dma_start3A_976 : memref<8x64xf32, #tpu.memory_space<hbm>>) target(%dma_start3A_972 : memref<8x64xf32, #tpu.memory_space<vmem>>) target_semaphore(%arg19 : memref<!tpu.dma_semaphore, #tpu.memory_space<semaphore_mem>>)
      %slice3A_977 = vector.extract_strided_slice %shift_right_arithmetic3A_653 {offsets = [8], sizes = [1], strides = [1]} : vector<16xi32> to vector<1xi32>
      %squeeze3A_978 = vector.extract %slice3A_977[0] : i32 from vector<1xi32>
      %dma_start3A_979 = arith.constant 8 : i32
      %dma_start3A_980 = arith.constant 0 : i32
      %dma_start3A_981 = arith.constant 0 : i32
      %dma_start3A_982 = tpu.memref_slice %arg14[%dma_start3A_979, %dma_start3A_980, %dma_start3A_981] : memref<16x8x64xf32, #tpu.memory_space<vmem>> -> memref<1x8x64xf32, #tpu.memory_space<vmem>>
      %dma_start3A_983 = tpu.memref_squeeze %dma_start3A_982 : memref<1x8x64xf32, #tpu.memory_space<vmem>> -> memref<8x64xf32, #tpu.memory_space<vmem>>
      %dma_start3A_984 = arith.constant 0 : i32
      %dma_start3A_985 = arith.constant 0 : i32
      %dma_start3A_986 = tpu.memref_slice %arg5[%squeeze3A_978, %dma_start3A_984, %dma_start3A_985] : memref<12500x8x64xf32, #tpu.memory_space<hbm>> -> memref<1x8x64xf32, #tpu.memory_space<hbm>>
      %dma_start3A_987 = tpu.memref_squeeze %dma_start3A_986 : memref<1x8x64xf32, #tpu.memory_space<hbm>> -> memref<8x64xf32, #tpu.memory_space<hbm>>
      %dma_start3A_988 = arith.constant 0 : i32
      %dma_start3A_989 = arith.constant 0 : i32
      %dma_start3A_990 = tpu.memref_slice %arg14[%dma_start3A_979, %dma_start3A_988, %dma_start3A_989] : memref<16x8x64xf32, #tpu.memory_space<vmem>> -> memref<1x8x64xf32, #tpu.memory_space<vmem>>
      %dma_start3A_991 = tpu.memref_squeeze %dma_start3A_990 : memref<1x8x64xf32, #tpu.memory_space<vmem>> -> memref<8x64xf32, #tpu.memory_space<vmem>>
      %dma_start3A_992 = arith.constant 0 : i32
      %dma_start3A_993 = arith.constant 0 : i32
      %dma_start3A_994 = tpu.memref_slice %arg5[%squeeze3A_978, %dma_start3A_992, %dma_start3A_993] : memref<12500x8x64xf32, #tpu.memory_space<hbm>> -> memref<1x8x64xf32, #tpu.memory_space<hbm>>
      %dma_start3A_995 = tpu.memref_squeeze %dma_start3A_994 : memref<1x8x64xf32, #tpu.memory_space<hbm>> -> memref<8x64xf32, #tpu.memory_space<hbm>>
      tpu.enqueue_dma source(%dma_start3A_995 : memref<8x64xf32, #tpu.memory_space<hbm>>) target(%dma_start3A_991 : memref<8x64xf32, #tpu.memory_space<vmem>>) target_semaphore(%arg20 : memref<!tpu.dma_semaphore, #tpu.memory_space<semaphore_mem>>)
      %slice3A_996 = vector.extract_strided_slice %shift_right_arithmetic3A_646 {offsets = [9], sizes = [1], strides = [1]} : vector<16xi32> to vector<1xi32>
      %squeeze3A_997 = vector.extract %slice3A_996[0] : i32 from vector<1xi32>
      %dma_start3A_998 = arith.constant 9 : i32
      %dma_start3A_999 = arith.constant 0 : i32
      %dma_start3A_1000 = arith.constant 0 : i32
      %dma_start3A_1001 = tpu.memref_slice %arg13[%dma_start3A_998, %dma_start3A_999, %dma_start3A_1000] : memref<16x8x64xf32, #tpu.memory_space<vmem>> -> memref<1x8x64xf32, #tpu.memory_space<vmem>>
      %dma_start3A_1002 = tpu.memref_squeeze %dma_start3A_1001 : memref<1x8x64xf32, #tpu.memory_space<vmem>> -> memref<8x64xf32, #tpu.memory_space<vmem>>
      %dma_start3A_1003 = arith.constant 0 : i32
      %dma_start3A_1004 = arith.constant 0 : i32
      %dma_start3A_1005 = tpu.memref_slice %arg4[%squeeze3A_997, %dma_start3A_1003, %dma_start3A_1004] : memref<125000x8x64xf32, #tpu.memory_space<hbm>> -> memref<1x8x64xf32, #tpu.memory_space<hbm>>
      %dma_start3A_1006 = tpu.memref_squeeze %dma_start3A_1005 : memref<1x8x64xf32, #tpu.memory_space<hbm>> -> memref<8x64xf32, #tpu.memory_space<hbm>>
      %dma_start3A_1007 = arith.constant 0 : i32
      %dma_start3A_1008 = arith.constant 0 : i32
      %dma_start3A_1009 = tpu.memref_slice %arg13[%dma_start3A_998, %dma_start3A_1007, %dma_start3A_1008] : memref<16x8x64xf32, #tpu.memory_space<vmem>> -> memref<1x8x64xf32, #tpu.memory_space<vmem>>
      %dma_start3A_1010 = tpu.memref_squeeze %dma_start3A_1009 : memref<1x8x64xf32, #tpu.memory_space<vmem>> -> memref<8x64xf32, #tpu.memory_space<vmem>>
      %dma_start3A_1011 = arith.constant 0 : i32
      %dma_start3A_1012 = arith.constant 0 : i32
      %dma_start3A_1013 = tpu.memref_slice %arg4[%squeeze3A_997, %dma_start3A_1011, %dma_start3A_1012] : memref<125000x8x64xf32, #tpu.memory_space<hbm>> -> memref<1x8x64xf32, #tpu.memory_space<hbm>>
      %dma_start3A_1014 = tpu.memref_squeeze %dma_start3A_1013 : memref<1x8x64xf32, #tpu.memory_space<hbm>> -> memref<8x64xf32, #tpu.memory_space<hbm>>
      tpu.enqueue_dma source(%dma_start3A_1014 : memref<8x64xf32, #tpu.memory_space<hbm>>) target(%dma_start3A_1010 : memref<8x64xf32, #tpu.memory_space<vmem>>) target_semaphore(%arg19 : memref<!tpu.dma_semaphore, #tpu.memory_space<semaphore_mem>>)
      %slice3A_1015 = vector.extract_strided_slice %shift_right_arithmetic3A_653 {offsets = [9], sizes = [1], strides = [1]} : vector<16xi32> to vector<1xi32>
      %squeeze3A_1016 = vector.extract %slice3A_1015[0] : i32 from vector<1xi32>
      %dma_start3A_1017 = arith.constant 9 : i32
      %dma_start3A_1018 = arith.constant 0 : i32
      %dma_start3A_1019 = arith.constant 0 : i32
      %dma_start3A_1020 = tpu.memref_slice %arg14[%dma_start3A_1017, %dma_start3A_1018, %dma_start3A_1019] : memref<16x8x64xf32, #tpu.memory_space<vmem>> -> memref<1x8x64xf32, #tpu.memory_space<vmem>>
      %dma_start3A_1021 = tpu.memref_squeeze %dma_start3A_1020 : memref<1x8x64xf32, #tpu.memory_space<vmem>> -> memref<8x64xf32, #tpu.memory_space<vmem>>
      %dma_start3A_1022 = arith.constant 0 : i32
      %dma_start3A_1023 = arith.constant 0 : i32
      %dma_start3A_1024 = tpu.memref_slice %arg5[%squeeze3A_1016, %dma_start3A_1022, %dma_start3A_1023] : memref<12500x8x64xf32, #tpu.memory_space<hbm>> -> memref<1x8x64xf32, #tpu.memory_space<hbm>>
      %dma_start3A_1025 = tpu.memref_squeeze %dma_start3A_1024 : memref<1x8x64xf32, #tpu.memory_space<hbm>> -> memref<8x64xf32, #tpu.memory_space<hbm>>
      %dma_start3A_1026 = arith.constant 0 : i32
      %dma_start3A_1027 = arith.constant 0 : i32
      %dma_start3A_1028 = tpu.memref_slice %arg14[%dma_start3A_1017, %dma_start3A_1026, %dma_start3A_1027] : memref<16x8x64xf32, #tpu.memory_space<vmem>> -> memref<1x8x64xf32, #tpu.memory_space<vmem>>
      %dma_start3A_1029 = tpu.memref_squeeze %dma_start3A_1028 : memref<1x8x64xf32, #tpu.memory_space<vmem>> -> memref<8x64xf32, #tpu.memory_space<vmem>>
      %dma_start3A_1030 = arith.constant 0 : i32
      %dma_start3A_1031 = arith.constant 0 : i32
      %dma_start3A_1032 = tpu.memref_slice %arg5[%squeeze3A_1016, %dma_start3A_1030, %dma_start3A_1031] : memref<12500x8x64xf32, #tpu.memory_space<hbm>> -> memref<1x8x64xf32, #tpu.memory_space<hbm>>
      %dma_start3A_1033 = tpu.memref_squeeze %dma_start3A_1032 : memref<1x8x64xf32, #tpu.memory_space<hbm>> -> memref<8x64xf32, #tpu.memory_space<hbm>>
      tpu.enqueue_dma source(%dma_start3A_1033 : memref<8x64xf32, #tpu.memory_space<hbm>>) target(%dma_start3A_1029 : memref<8x64xf32, #tpu.memory_space<vmem>>) target_semaphore(%arg20 : memref<!tpu.dma_semaphore, #tpu.memory_space<semaphore_mem>>)
      %slice3A_1034 = vector.extract_strided_slice %shift_right_arithmetic3A_646 {offsets = [10], sizes = [1], strides = [1]} : vector<16xi32> to vector<1xi32>
      %squeeze3A_1035 = vector.extract %slice3A_1034[0] : i32 from vector<1xi32>
      %dma_start3A_1036 = arith.constant 10 : i32
      %dma_start3A_1037 = arith.constant 0 : i32
      %dma_start3A_1038 = arith.constant 0 : i32
      %dma_start3A_1039 = tpu.memref_slice %arg13[%dma_start3A_1036, %dma_start3A_1037, %dma_start3A_1038] : memref<16x8x64xf32, #tpu.memory_space<vmem>> -> memref<1x8x64xf32, #tpu.memory_space<vmem>>
      %dma_start3A_1040 = tpu.memref_squeeze %dma_start3A_1039 : memref<1x8x64xf32, #tpu.memory_space<vmem>> -> memref<8x64xf32, #tpu.memory_space<vmem>>
      %dma_start3A_1041 = arith.constant 0 : i32
      %dma_start3A_1042 = arith.constant 0 : i32
      %dma_start3A_1043 = tpu.memref_slice %arg4[%squeeze3A_1035, %dma_start3A_1041, %dma_start3A_1042] : memref<125000x8x64xf32, #tpu.memory_space<hbm>> -> memref<1x8x64xf32, #tpu.memory_space<hbm>>
      %dma_start3A_1044 = tpu.memref_squeeze %dma_start3A_1043 : memref<1x8x64xf32, #tpu.memory_space<hbm>> -> memref<8x64xf32, #tpu.memory_space<hbm>>
      %dma_start3A_1045 = arith.constant 0 : i32
      %dma_start3A_1046 = arith.constant 0 : i32
      %dma_start3A_1047 = tpu.memref_slice %arg13[%dma_start3A_1036, %dma_start3A_1045, %dma_start3A_1046] : memref<16x8x64xf32, #tpu.memory_space<vmem>> -> memref<1x8x64xf32, #tpu.memory_space<vmem>>
      %dma_start3A_1048 = tpu.memref_squeeze %dma_start3A_1047 : memref<1x8x64xf32, #tpu.memory_space<vmem>> -> memref<8x64xf32, #tpu.memory_space<vmem>>
      %dma_start3A_1049 = arith.constant 0 : i32
      %dma_start3A_1050 = arith.constant 0 : i32
      %dma_start3A_1051 = tpu.memref_slice %arg4[%squeeze3A_1035, %dma_start3A_1049, %dma_start3A_1050] : memref<125000x8x64xf32, #tpu.memory_space<hbm>> -> memref<1x8x64xf32, #tpu.memory_space<hbm>>
      %dma_start3A_1052 = tpu.memref_squeeze %dma_start3A_1051 : memref<1x8x64xf32, #tpu.memory_space<hbm>> -> memref<8x64xf32, #tpu.memory_space<hbm>>
      tpu.enqueue_dma source(%dma_start3A_1052 : memref<8x64xf32, #tpu.memory_space<hbm>>) target(%dma_start3A_1048 : memref<8x64xf32, #tpu.memory_space<vmem>>) target_semaphore(%arg19 : memref<!tpu.dma_semaphore, #tpu.memory_space<semaphore_mem>>)
      %slice3A_1053 = vector.extract_strided_slice %shift_right_arithmetic3A_653 {offsets = [10], sizes = [1], strides = [1]} : vector<16xi32> to vector<1xi32>
      %squeeze3A_1054 = vector.extract %slice3A_1053[0] : i32 from vector<1xi32>
      %dma_start3A_1055 = arith.constant 10 : i32
      %dma_start3A_1056 = arith.constant 0 : i32
      %dma_start3A_1057 = arith.constant 0 : i32
      %dma_start3A_1058 = tpu.memref_slice %arg14[%dma_start3A_1055, %dma_start3A_1056, %dma_start3A_1057] : memref<16x8x64xf32, #tpu.memory_space<vmem>> -> memref<1x8x64xf32, #tpu.memory_space<vmem>>
      %dma_start3A_1059 = tpu.memref_squeeze %dma_start3A_1058 : memref<1x8x64xf32, #tpu.memory_space<vmem>> -> memref<8x64xf32, #tpu.memory_space<vmem>>
      %dma_start3A_1060 = arith.constant 0 : i32
      %dma_start3A_1061 = arith.constant 0 : i32
      %dma_start3A_1062 = tpu.memref_slice %arg5[%squeeze3A_1054, %dma_start3A_1060, %dma_start3A_1061] : memref<12500x8x64xf32, #tpu.memory_space<hbm>> -> memref<1x8x64xf32, #tpu.memory_space<hbm>>
      %dma_start3A_1063 = tpu.memref_squeeze %dma_start3A_1062 : memref<1x8x64xf32, #tpu.memory_space<hbm>> -> memref<8x64xf32, #tpu.memory_space<hbm>>
      %dma_start3A_1064 = arith.constant 0 : i32
      %dma_start3A_1065 = arith.constant 0 : i32
      %dma_start3A_1066 = tpu.memref_slice %arg14[%dma_start3A_1055, %dma_start3A_1064, %dma_start3A_1065] : memref<16x8x64xf32, #tpu.memory_space<vmem>> -> memref<1x8x64xf32, #tpu.memory_space<vmem>>
      %dma_start3A_1067 = tpu.memref_squeeze %dma_start3A_1066 : memref<1x8x64xf32, #tpu.memory_space<vmem>> -> memref<8x64xf32, #tpu.memory_space<vmem>>
      %dma_start3A_1068 = arith.constant 0 : i32
      %dma_start3A_1069 = arith.constant 0 : i32
      %dma_start3A_1070 = tpu.memref_slice %arg5[%squeeze3A_1054, %dma_start3A_1068, %dma_start3A_1069] : memref<12500x8x64xf32, #tpu.memory_space<hbm>> -> memref<1x8x64xf32, #tpu.memory_space<hbm>>
      %dma_start3A_1071 = tpu.memref_squeeze %dma_start3A_1070 : memref<1x8x64xf32, #tpu.memory_space<hbm>> -> memref<8x64xf32, #tpu.memory_space<hbm>>
      tpu.enqueue_dma source(%dma_start3A_1071 : memref<8x64xf32, #tpu.memory_space<hbm>>) target(%dma_start3A_1067 : memref<8x64xf32, #tpu.memory_space<vmem>>) target_semaphore(%arg20 : memref<!tpu.dma_semaphore, #tpu.memory_space<semaphore_mem>>)
      %slice3A_1072 = vector.extract_strided_slice %shift_right_arithmetic3A_646 {offsets = [11], sizes = [1], strides = [1]} : vector<16xi32> to vector<1xi32>
      %squeeze3A_1073 = vector.extract %slice3A_1072[0] : i32 from vector<1xi32>
      %dma_start3A_1074 = arith.constant 11 : i32
      %dma_start3A_1075 = arith.constant 0 : i32
      %dma_start3A_1076 = arith.constant 0 : i32
      %dma_start3A_1077 = tpu.memref_slice %arg13[%dma_start3A_1074, %dma_start3A_1075, %dma_start3A_1076] : memref<16x8x64xf32, #tpu.memory_space<vmem>> -> memref<1x8x64xf32, #tpu.memory_space<vmem>>
      %dma_start3A_1078 = tpu.memref_squeeze %dma_start3A_1077 : memref<1x8x64xf32, #tpu.memory_space<vmem>> -> memref<8x64xf32, #tpu.memory_space<vmem>>
      %dma_start3A_1079 = arith.constant 0 : i32
      %dma_start3A_1080 = arith.constant 0 : i32
      %dma_start3A_1081 = tpu.memref_slice %arg4[%squeeze3A_1073, %dma_start3A_1079, %dma_start3A_1080] : memref<125000x8x64xf32, #tpu.memory_space<hbm>> -> memref<1x8x64xf32, #tpu.memory_space<hbm>>
      %dma_start3A_1082 = tpu.memref_squeeze %dma_start3A_1081 : memref<1x8x64xf32, #tpu.memory_space<hbm>> -> memref<8x64xf32, #tpu.memory_space<hbm>>
      %dma_start3A_1083 = arith.constant 0 : i32
      %dma_start3A_1084 = arith.constant 0 : i32
      %dma_start3A_1085 = tpu.memref_slice %arg13[%dma_start3A_1074, %dma_start3A_1083, %dma_start3A_1084] : memref<16x8x64xf32, #tpu.memory_space<vmem>> -> memref<1x8x64xf32, #tpu.memory_space<vmem>>
      %dma_start3A_1086 = tpu.memref_squeeze %dma_start3A_1085 : memref<1x8x64xf32, #tpu.memory_space<vmem>> -> memref<8x64xf32, #tpu.memory_space<vmem>>
      %dma_start3A_1087 = arith.constant 0 : i32
      %dma_start3A_1088 = arith.constant 0 : i32
      %dma_start3A_1089 = tpu.memref_slice %arg4[%squeeze3A_1073, %dma_start3A_1087, %dma_start3A_1088] : memref<125000x8x64xf32, #tpu.memory_space<hbm>> -> memref<1x8x64xf32, #tpu.memory_space<hbm>>
      %dma_start3A_1090 = tpu.memref_squeeze %dma_start3A_1089 : memref<1x8x64xf32, #tpu.memory_space<hbm>> -> memref<8x64xf32, #tpu.memory_space<hbm>>
      tpu.enqueue_dma source(%dma_start3A_1090 : memref<8x64xf32, #tpu.memory_space<hbm>>) target(%dma_start3A_1086 : memref<8x64xf32, #tpu.memory_space<vmem>>) target_semaphore(%arg19 : memref<!tpu.dma_semaphore, #tpu.memory_space<semaphore_mem>>)
      %slice3A_1091 = vector.extract_strided_slice %shift_right_arithmetic3A_653 {offsets = [11], sizes = [1], strides = [1]} : vector<16xi32> to vector<1xi32>
      %squeeze3A_1092 = vector.extract %slice3A_1091[0] : i32 from vector<1xi32>
      %dma_start3A_1093 = arith.constant 11 : i32
      %dma_start3A_1094 = arith.constant 0 : i32
      %dma_start3A_1095 = arith.constant 0 : i32
      %dma_start3A_1096 = tpu.memref_slice %arg14[%dma_start3A_1093, %dma_start3A_1094, %dma_start3A_1095] : memref<16x8x64xf32, #tpu.memory_space<vmem>> -> memref<1x8x64xf32, #tpu.memory_space<vmem>>
      %dma_start3A_1097 = tpu.memref_squeeze %dma_start3A_1096 : memref<1x8x64xf32, #tpu.memory_space<vmem>> -> memref<8x64xf32, #tpu.memory_space<vmem>>
      %dma_start3A_1098 = arith.constant 0 : i32
      %dma_start3A_1099 = arith.constant 0 : i32
      %dma_start3A_1100 = tpu.memref_slice %arg5[%squeeze3A_1092, %dma_start3A_1098, %dma_start3A_1099] : memref<12500x8x64xf32, #tpu.memory_space<hbm>> -> memref<1x8x64xf32, #tpu.memory_space<hbm>>
      %dma_start3A_1101 = tpu.memref_squeeze %dma_start3A_1100 : memref<1x8x64xf32, #tpu.memory_space<hbm>> -> memref<8x64xf32, #tpu.memory_space<hbm>>
      %dma_start3A_1102 = arith.constant 0 : i32
      %dma_start3A_1103 = arith.constant 0 : i32
      %dma_start3A_1104 = tpu.memref_slice %arg14[%dma_start3A_1093, %dma_start3A_1102, %dma_start3A_1103] : memref<16x8x64xf32, #tpu.memory_space<vmem>> -> memref<1x8x64xf32, #tpu.memory_space<vmem>>
      %dma_start3A_1105 = tpu.memref_squeeze %dma_start3A_1104 : memref<1x8x64xf32, #tpu.memory_space<vmem>> -> memref<8x64xf32, #tpu.memory_space<vmem>>
      %dma_start3A_1106 = arith.constant 0 : i32
      %dma_start3A_1107 = arith.constant 0 : i32
      %dma_start3A_1108 = tpu.memref_slice %arg5[%squeeze3A_1092, %dma_start3A_1106, %dma_start3A_1107] : memref<12500x8x64xf32, #tpu.memory_space<hbm>> -> memref<1x8x64xf32, #tpu.memory_space<hbm>>
      %dma_start3A_1109 = tpu.memref_squeeze %dma_start3A_1108 : memref<1x8x64xf32, #tpu.memory_space<hbm>> -> memref<8x64xf32, #tpu.memory_space<hbm>>
      tpu.enqueue_dma source(%dma_start3A_1109 : memref<8x64xf32, #tpu.memory_space<hbm>>) target(%dma_start3A_1105 : memref<8x64xf32, #tpu.memory_space<vmem>>) target_semaphore(%arg20 : memref<!tpu.dma_semaphore, #tpu.memory_space<semaphore_mem>>)
      %slice3A_1110 = vector.extract_strided_slice %shift_right_arithmetic3A_646 {offsets = [12], sizes = [1], strides = [1]} : vector<16xi32> to vector<1xi32>
      %squeeze3A_1111 = vector.extract %slice3A_1110[0] : i32 from vector<1xi32>
      %dma_start3A_1112 = arith.constant 12 : i32
      %dma_start3A_1113 = arith.constant 0 : i32
      %dma_start3A_1114 = arith.constant 0 : i32
      %dma_start3A_1115 = tpu.memref_slice %arg13[%dma_start3A_1112, %dma_start3A_1113, %dma_start3A_1114] : memref<16x8x64xf32, #tpu.memory_space<vmem>> -> memref<1x8x64xf32, #tpu.memory_space<vmem>>
      %dma_start3A_1116 = tpu.memref_squeeze %dma_start3A_1115 : memref<1x8x64xf32, #tpu.memory_space<vmem>> -> memref<8x64xf32, #tpu.memory_space<vmem>>
      %dma_start3A_1117 = arith.constant 0 : i32
      %dma_start3A_1118 = arith.constant 0 : i32
      %dma_start3A_1119 = tpu.memref_slice %arg4[%squeeze3A_1111, %dma_start3A_1117, %dma_start3A_1118] : memref<125000x8x64xf32, #tpu.memory_space<hbm>> -> memref<1x8x64xf32, #tpu.memory_space<hbm>>
      %dma_start3A_1120 = tpu.memref_squeeze %dma_start3A_1119 : memref<1x8x64xf32, #tpu.memory_space<hbm>> -> memref<8x64xf32, #tpu.memory_space<hbm>>
      %dma_start3A_1121 = arith.constant 0 : i32
      %dma_start3A_1122 = arith.constant 0 : i32
      %dma_start3A_1123 = tpu.memref_slice %arg13[%dma_start3A_1112, %dma_start3A_1121, %dma_start3A_1122] : memref<16x8x64xf32, #tpu.memory_space<vmem>> -> memref<1x8x64xf32, #tpu.memory_space<vmem>>
      %dma_start3A_1124 = tpu.memref_squeeze %dma_start3A_1123 : memref<1x8x64xf32, #tpu.memory_space<vmem>> -> memref<8x64xf32, #tpu.memory_space<vmem>>
      %dma_start3A_1125 = arith.constant 0 : i32
      %dma_start3A_1126 = arith.constant 0 : i32
      %dma_start3A_1127 = tpu.memref_slice %arg4[%squeeze3A_1111, %dma_start3A_1125, %dma_start3A_1126] : memref<125000x8x64xf32, #tpu.memory_space<hbm>> -> memref<1x8x64xf32, #tpu.memory_space<hbm>>
      %dma_start3A_1128 = tpu.memref_squeeze %dma_start3A_1127 : memref<1x8x64xf32, #tpu.memory_space<hbm>> -> memref<8x64xf32, #tpu.memory_space<hbm>>
      tpu.enqueue_dma source(%dma_start3A_1128 : memref<8x64xf32, #tpu.memory_space<hbm>>) target(%dma_start3A_1124 : memref<8x64xf32, #tpu.memory_space<vmem>>) target_semaphore(%arg19 : memref<!tpu.dma_semaphore, #tpu.memory_space<semaphore_mem>>)
      %slice3A_1129 = vector.extract_strided_slice %shift_right_arithmetic3A_653 {offsets = [12], sizes = [1], strides = [1]} : vector<16xi32> to vector<1xi32>
      %squeeze3A_1130 = vector.extract %slice3A_1129[0] : i32 from vector<1xi32>
      %dma_start3A_1131 = arith.constant 12 : i32
      %dma_start3A_1132 = arith.constant 0 : i32
      %dma_start3A_1133 = arith.constant 0 : i32
      %dma_start3A_1134 = tpu.memref_slice %arg14[%dma_start3A_1131, %dma_start3A_1132, %dma_start3A_1133] : memref<16x8x64xf32, #tpu.memory_space<vmem>> -> memref<1x8x64xf32, #tpu.memory_space<vmem>>
      %dma_start3A_1135 = tpu.memref_squeeze %dma_start3A_1134 : memref<1x8x64xf32, #tpu.memory_space<vmem>> -> memref<8x64xf32, #tpu.memory_space<vmem>>
      %dma_start3A_1136 = arith.constant 0 : i32
      %dma_start3A_1137 = arith.constant 0 : i32
      %dma_start3A_1138 = tpu.memref_slice %arg5[%squeeze3A_1130, %dma_start3A_1136, %dma_start3A_1137] : memref<12500x8x64xf32, #tpu.memory_space<hbm>> -> memref<1x8x64xf32, #tpu.memory_space<hbm>>
      %dma_start3A_1139 = tpu.memref_squeeze %dma_start3A_1138 : memref<1x8x64xf32, #tpu.memory_space<hbm>> -> memref<8x64xf32, #tpu.memory_space<hbm>>
      %dma_start3A_1140 = arith.constant 0 : i32
      %dma_start3A_1141 = arith.constant 0 : i32
      %dma_start3A_1142 = tpu.memref_slice %arg14[%dma_start3A_1131, %dma_start3A_1140, %dma_start3A_1141] : memref<16x8x64xf32, #tpu.memory_space<vmem>> -> memref<1x8x64xf32, #tpu.memory_space<vmem>>
      %dma_start3A_1143 = tpu.memref_squeeze %dma_start3A_1142 : memref<1x8x64xf32, #tpu.memory_space<vmem>> -> memref<8x64xf32, #tpu.memory_space<vmem>>
      %dma_start3A_1144 = arith.constant 0 : i32
      %dma_start3A_1145 = arith.constant 0 : i32
      %dma_start3A_1146 = tpu.memref_slice %arg5[%squeeze3A_1130, %dma_start3A_1144, %dma_start3A_1145] : memref<12500x8x64xf32, #tpu.memory_space<hbm>> -> memref<1x8x64xf32, #tpu.memory_space<hbm>>
      %dma_start3A_1147 = tpu.memref_squeeze %dma_start3A_1146 : memref<1x8x64xf32, #tpu.memory_space<hbm>> -> memref<8x64xf32, #tpu.memory_space<hbm>>
      tpu.enqueue_dma source(%dma_start3A_1147 : memref<8x64xf32, #tpu.memory_space<hbm>>) target(%dma_start3A_1143 : memref<8x64xf32, #tpu.memory_space<vmem>>) target_semaphore(%arg20 : memref<!tpu.dma_semaphore, #tpu.memory_space<semaphore_mem>>)
      %slice3A_1148 = vector.extract_strided_slice %shift_right_arithmetic3A_646 {offsets = [13], sizes = [1], strides = [1]} : vector<16xi32> to vector<1xi32>
      %squeeze3A_1149 = vector.extract %slice3A_1148[0] : i32 from vector<1xi32>
      %dma_start3A_1150 = arith.constant 13 : i32
      %dma_start3A_1151 = arith.constant 0 : i32
      %dma_start3A_1152 = arith.constant 0 : i32
      %dma_start3A_1153 = tpu.memref_slice %arg13[%dma_start3A_1150, %dma_start3A_1151, %dma_start3A_1152] : memref<16x8x64xf32, #tpu.memory_space<vmem>> -> memref<1x8x64xf32, #tpu.memory_space<vmem>>
      %dma_start3A_1154 = tpu.memref_squeeze %dma_start3A_1153 : memref<1x8x64xf32, #tpu.memory_space<vmem>> -> memref<8x64xf32, #tpu.memory_space<vmem>>
      %dma_start3A_1155 = arith.constant 0 : i32
      %dma_start3A_1156 = arith.constant 0 : i32
      %dma_start3A_1157 = tpu.memref_slice %arg4[%squeeze3A_1149, %dma_start3A_1155, %dma_start3A_1156] : memref<125000x8x64xf32, #tpu.memory_space<hbm>> -> memref<1x8x64xf32, #tpu.memory_space<hbm>>
      %dma_start3A_1158 = tpu.memref_squeeze %dma_start3A_1157 : memref<1x8x64xf32, #tpu.memory_space<hbm>> -> memref<8x64xf32, #tpu.memory_space<hbm>>
      %dma_start3A_1159 = arith.constant 0 : i32
      %dma_start3A_1160 = arith.constant 0 : i32
      %dma_start3A_1161 = tpu.memref_slice %arg13[%dma_start3A_1150, %dma_start3A_1159, %dma_start3A_1160] : memref<16x8x64xf32, #tpu.memory_space<vmem>> -> memref<1x8x64xf32, #tpu.memory_space<vmem>>
      %dma_start3A_1162 = tpu.memref_squeeze %dma_start3A_1161 : memref<1x8x64xf32, #tpu.memory_space<vmem>> -> memref<8x64xf32, #tpu.memory_space<vmem>>
      %dma_start3A_1163 = arith.constant 0 : i32
      %dma_start3A_1164 = arith.constant 0 : i32
      %dma_start3A_1165 = tpu.memref_slice %arg4[%squeeze3A_1149, %dma_start3A_1163, %dma_start3A_1164] : memref<125000x8x64xf32, #tpu.memory_space<hbm>> -> memref<1x8x64xf32, #tpu.memory_space<hbm>>
      %dma_start3A_1166 = tpu.memref_squeeze %dma_start3A_1165 : memref<1x8x64xf32, #tpu.memory_space<hbm>> -> memref<8x64xf32, #tpu.memory_space<hbm>>
      tpu.enqueue_dma source(%dma_start3A_1166 : memref<8x64xf32, #tpu.memory_space<hbm>>) target(%dma_start3A_1162 : memref<8x64xf32, #tpu.memory_space<vmem>>) target_semaphore(%arg19 : memref<!tpu.dma_semaphore, #tpu.memory_space<semaphore_mem>>)
      %slice3A_1167 = vector.extract_strided_slice %shift_right_arithmetic3A_653 {offsets = [13], sizes = [1], strides = [1]} : vector<16xi32> to vector<1xi32>
      %squeeze3A_1168 = vector.extract %slice3A_1167[0] : i32 from vector<1xi32>
      %dma_start3A_1169 = arith.constant 13 : i32
      %dma_start3A_1170 = arith.constant 0 : i32
      %dma_start3A_1171 = arith.constant 0 : i32
      %dma_start3A_1172 = tpu.memref_slice %arg14[%dma_start3A_1169, %dma_start3A_1170, %dma_start3A_1171] : memref<16x8x64xf32, #tpu.memory_space<vmem>> -> memref<1x8x64xf32, #tpu.memory_space<vmem>>
      %dma_start3A_1173 = tpu.memref_squeeze %dma_start3A_1172 : memref<1x8x64xf32, #tpu.memory_space<vmem>> -> memref<8x64xf32, #tpu.memory_space<vmem>>
      %dma_start3A_1174 = arith.constant 0 : i32
      %dma_start3A_1175 = arith.constant 0 : i32
      %dma_start3A_1176 = tpu.memref_slice %arg5[%squeeze3A_1168, %dma_start3A_1174, %dma_start3A_1175] : memref<12500x8x64xf32, #tpu.memory_space<hbm>> -> memref<1x8x64xf32, #tpu.memory_space<hbm>>
      %dma_start3A_1177 = tpu.memref_squeeze %dma_start3A_1176 : memref<1x8x64xf32, #tpu.memory_space<hbm>> -> memref<8x64xf32, #tpu.memory_space<hbm>>
      %dma_start3A_1178 = arith.constant 0 : i32
      %dma_start3A_1179 = arith.constant 0 : i32
      %dma_start3A_1180 = tpu.memref_slice %arg14[%dma_start3A_1169, %dma_start3A_1178, %dma_start3A_1179] : memref<16x8x64xf32, #tpu.memory_space<vmem>> -> memref<1x8x64xf32, #tpu.memory_space<vmem>>
      %dma_start3A_1181 = tpu.memref_squeeze %dma_start3A_1180 : memref<1x8x64xf32, #tpu.memory_space<vmem>> -> memref<8x64xf32, #tpu.memory_space<vmem>>
      %dma_start3A_1182 = arith.constant 0 : i32
      %dma_start3A_1183 = arith.constant 0 : i32
      %dma_start3A_1184 = tpu.memref_slice %arg5[%squeeze3A_1168, %dma_start3A_1182, %dma_start3A_1183] : memref<12500x8x64xf32, #tpu.memory_space<hbm>> -> memref<1x8x64xf32, #tpu.memory_space<hbm>>
      %dma_start3A_1185 = tpu.memref_squeeze %dma_start3A_1184 : memref<1x8x64xf32, #tpu.memory_space<hbm>> -> memref<8x64xf32, #tpu.memory_space<hbm>>
      tpu.enqueue_dma source(%dma_start3A_1185 : memref<8x64xf32, #tpu.memory_space<hbm>>) target(%dma_start3A_1181 : memref<8x64xf32, #tpu.memory_space<vmem>>) target_semaphore(%arg20 : memref<!tpu.dma_semaphore, #tpu.memory_space<semaphore_mem>>)
      %slice3A_1186 = vector.extract_strided_slice %shift_right_arithmetic3A_646 {offsets = [14], sizes = [1], strides = [1]} : vector<16xi32> to vector<1xi32>
      %squeeze3A_1187 = vector.extract %slice3A_1186[0] : i32 from vector<1xi32>
      %dma_start3A_1188 = arith.constant 14 : i32
      %dma_start3A_1189 = arith.constant 0 : i32
      %dma_start3A_1190 = arith.constant 0 : i32
      %dma_start3A_1191 = tpu.memref_slice %arg13[%dma_start3A_1188, %dma_start3A_1189, %dma_start3A_1190] : memref<16x8x64xf32, #tpu.memory_space<vmem>> -> memref<1x8x64xf32, #tpu.memory_space<vmem>>
      %dma_start3A_1192 = tpu.memref_squeeze %dma_start3A_1191 : memref<1x8x64xf32, #tpu.memory_space<vmem>> -> memref<8x64xf32, #tpu.memory_space<vmem>>
      %dma_start3A_1193 = arith.constant 0 : i32
      %dma_start3A_1194 = arith.constant 0 : i32
      %dma_start3A_1195 = tpu.memref_slice %arg4[%squeeze3A_1187, %dma_start3A_1193, %dma_start3A_1194] : memref<125000x8x64xf32, #tpu.memory_space<hbm>> -> memref<1x8x64xf32, #tpu.memory_space<hbm>>
      %dma_start3A_1196 = tpu.memref_squeeze %dma_start3A_1195 : memref<1x8x64xf32, #tpu.memory_space<hbm>> -> memref<8x64xf32, #tpu.memory_space<hbm>>
      %dma_start3A_1197 = arith.constant 0 : i32
      %dma_start3A_1198 = arith.constant 0 : i32
      %dma_start3A_1199 = tpu.memref_slice %arg13[%dma_start3A_1188, %dma_start3A_1197, %dma_start3A_1198] : memref<16x8x64xf32, #tpu.memory_space<vmem>> -> memref<1x8x64xf32, #tpu.memory_space<vmem>>
      %dma_start3A_1200 = tpu.memref_squeeze %dma_start3A_1199 : memref<1x8x64xf32, #tpu.memory_space<vmem>> -> memref<8x64xf32, #tpu.memory_space<vmem>>
      %dma_start3A_1201 = arith.constant 0 : i32
      %dma_start3A_1202 = arith.constant 0 : i32
      %dma_start3A_1203 = tpu.memref_slice %arg4[%squeeze3A_1187, %dma_start3A_1201, %dma_start3A_1202] : memref<125000x8x64xf32, #tpu.memory_space<hbm>> -> memref<1x8x64xf32, #tpu.memory_space<hbm>>
      %dma_start3A_1204 = tpu.memref_squeeze %dma_start3A_1203 : memref<1x8x64xf32, #tpu.memory_space<hbm>> -> memref<8x64xf32, #tpu.memory_space<hbm>>
      tpu.enqueue_dma source(%dma_start3A_1204 : memref<8x64xf32, #tpu.memory_space<hbm>>) target(%dma_start3A_1200 : memref<8x64xf32, #tpu.memory_space<vmem>>) target_semaphore(%arg19 : memref<!tpu.dma_semaphore, #tpu.memory_space<semaphore_mem>>)
      %slice3A_1205 = vector.extract_strided_slice %shift_right_arithmetic3A_653 {offsets = [14], sizes = [1], strides = [1]} : vector<16xi32> to vector<1xi32>
      %squeeze3A_1206 = vector.extract %slice3A_1205[0] : i32 from vector<1xi32>
      %dma_start3A_1207 = arith.constant 14 : i32
      %dma_start3A_1208 = arith.constant 0 : i32
      %dma_start3A_1209 = arith.constant 0 : i32
      %dma_start3A_1210 = tpu.memref_slice %arg14[%dma_start3A_1207, %dma_start3A_1208, %dma_start3A_1209] : memref<16x8x64xf32, #tpu.memory_space<vmem>> -> memref<1x8x64xf32, #tpu.memory_space<vmem>>
      %dma_start3A_1211 = tpu.memref_squeeze %dma_start3A_1210 : memref<1x8x64xf32, #tpu.memory_space<vmem>> -> memref<8x64xf32, #tpu.memory_space<vmem>>
      %dma_start3A_1212 = arith.constant 0 : i32
      %dma_start3A_1213 = arith.constant 0 : i32
      %dma_start3A_1214 = tpu.memref_slice %arg5[%squeeze3A_1206, %dma_start3A_1212, %dma_start3A_1213] : memref<12500x8x64xf32, #tpu.memory_space<hbm>> -> memref<1x8x64xf32, #tpu.memory_space<hbm>>
      %dma_start3A_1215 = tpu.memref_squeeze %dma_start3A_1214 : memref<1x8x64xf32, #tpu.memory_space<hbm>> -> memref<8x64xf32, #tpu.memory_space<hbm>>
      %dma_start3A_1216 = arith.constant 0 : i32
      %dma_start3A_1217 = arith.constant 0 : i32
      %dma_start3A_1218 = tpu.memref_slice %arg14[%dma_start3A_1207, %dma_start3A_1216, %dma_start3A_1217] : memref<16x8x64xf32, #tpu.memory_space<vmem>> -> memref<1x8x64xf32, #tpu.memory_space<vmem>>
      %dma_start3A_1219 = tpu.memref_squeeze %dma_start3A_1218 : memref<1x8x64xf32, #tpu.memory_space<vmem>> -> memref<8x64xf32, #tpu.memory_space<vmem>>
      %dma_start3A_1220 = arith.constant 0 : i32
      %dma_start3A_1221 = arith.constant 0 : i32
      %dma_start3A_1222 = tpu.memref_slice %arg5[%squeeze3A_1206, %dma_start3A_1220, %dma_start3A_1221] : memref<12500x8x64xf32, #tpu.memory_space<hbm>> -> memref<1x8x64xf32, #tpu.memory_space<hbm>>
      %dma_start3A_1223 = tpu.memref_squeeze %dma_start3A_1222 : memref<1x8x64xf32, #tpu.memory_space<hbm>> -> memref<8x64xf32, #tpu.memory_space<hbm>>
      tpu.enqueue_dma source(%dma_start3A_1223 : memref<8x64xf32, #tpu.memory_space<hbm>>) target(%dma_start3A_1219 : memref<8x64xf32, #tpu.memory_space<vmem>>) target_semaphore(%arg20 : memref<!tpu.dma_semaphore, #tpu.memory_space<semaphore_mem>>)
      %slice3A_1224 = vector.extract_strided_slice %shift_right_arithmetic3A_646 {offsets = [15], sizes = [1], strides = [1]} : vector<16xi32> to vector<1xi32>
      %squeeze3A_1225 = vector.extract %slice3A_1224[0] : i32 from vector<1xi32>
      %dma_start3A_1226 = arith.constant 15 : i32
      %dma_start3A_1227 = arith.constant 0 : i32
      %dma_start3A_1228 = arith.constant 0 : i32
      %dma_start3A_1229 = tpu.memref_slice %arg13[%dma_start3A_1226, %dma_start3A_1227, %dma_start3A_1228] : memref<16x8x64xf32, #tpu.memory_space<vmem>> -> memref<1x8x64xf32, #tpu.memory_space<vmem>>
      %dma_start3A_1230 = tpu.memref_squeeze %dma_start3A_1229 : memref<1x8x64xf32, #tpu.memory_space<vmem>> -> memref<8x64xf32, #tpu.memory_space<vmem>>
      %dma_start3A_1231 = arith.constant 0 : i32
      %dma_start3A_1232 = arith.constant 0 : i32
      %dma_start3A_1233 = tpu.memref_slice %arg4[%squeeze3A_1225, %dma_start3A_1231, %dma_start3A_1232] : memref<125000x8x64xf32, #tpu.memory_space<hbm>> -> memref<1x8x64xf32, #tpu.memory_space<hbm>>
      %dma_start3A_1234 = tpu.memref_squeeze %dma_start3A_1233 : memref<1x8x64xf32, #tpu.memory_space<hbm>> -> memref<8x64xf32, #tpu.memory_space<hbm>>
      %dma_start3A_1235 = arith.constant 0 : i32
      %dma_start3A_1236 = arith.constant 0 : i32
      %dma_start3A_1237 = tpu.memref_slice %arg13[%dma_start3A_1226, %dma_start3A_1235, %dma_start3A_1236] : memref<16x8x64xf32, #tpu.memory_space<vmem>> -> memref<1x8x64xf32, #tpu.memory_space<vmem>>
      %dma_start3A_1238 = tpu.memref_squeeze %dma_start3A_1237 : memref<1x8x64xf32, #tpu.memory_space<vmem>> -> memref<8x64xf32, #tpu.memory_space<vmem>>
      %dma_start3A_1239 = arith.constant 0 : i32
      %dma_start3A_1240 = arith.constant 0 : i32
      %dma_start3A_1241 = tpu.memref_slice %arg4[%squeeze3A_1225, %dma_start3A_1239, %dma_start3A_1240] : memref<125000x8x64xf32, #tpu.memory_space<hbm>> -> memref<1x8x64xf32, #tpu.memory_space<hbm>>
      %dma_start3A_1242 = tpu.memref_squeeze %dma_start3A_1241 : memref<1x8x64xf32, #tpu.memory_space<hbm>> -> memref<8x64xf32, #tpu.memory_space<hbm>>
      tpu.enqueue_dma source(%dma_start3A_1242 : memref<8x64xf32, #tpu.memory_space<hbm>>) target(%dma_start3A_1238 : memref<8x64xf32, #tpu.memory_space<vmem>>) target_semaphore(%arg19 : memref<!tpu.dma_semaphore, #tpu.memory_space<semaphore_mem>>)
      %slice3A_1243 = vector.extract_strided_slice %shift_right_arithmetic3A_653 {offsets = [15], sizes = [1], strides = [1]} : vector<16xi32> to vector<1xi32>
      %squeeze3A_1244 = vector.extract %slice3A_1243[0] : i32 from vector<1xi32>
      %dma_start3A_1245 = arith.constant 15 : i32
      %dma_start3A_1246 = arith.constant 0 : i32
      %dma_start3A_1247 = arith.constant 0 : i32
      %dma_start3A_1248 = tpu.memref_slice %arg14[%dma_start3A_1245, %dma_start3A_1246, %dma_start3A_1247] : memref<16x8x64xf32, #tpu.memory_space<vmem>> -> memref<1x8x64xf32, #tpu.memory_space<vmem>>
      %dma_start3A_1249 = tpu.memref_squeeze %dma_start3A_1248 : memref<1x8x64xf32, #tpu.memory_space<vmem>> -> memref<8x64xf32, #tpu.memory_space<vmem>>
      %dma_start3A_1250 = arith.constant 0 : i32
      %dma_start3A_1251 = arith.constant 0 : i32
      %dma_start3A_1252 = tpu.memref_slice %arg5[%squeeze3A_1244, %dma_start3A_1250, %dma_start3A_1251] : memref<12500x8x64xf32, #tpu.memory_space<hbm>> -> memref<1x8x64xf32, #tpu.memory_space<hbm>>
      %dma_start3A_1253 = tpu.memref_squeeze %dma_start3A_1252 : memref<1x8x64xf32, #tpu.memory_space<hbm>> -> memref<8x64xf32, #tpu.memory_space<hbm>>
      %dma_start3A_1254 = arith.constant 0 : i32
      %dma_start3A_1255 = arith.constant 0 : i32
      %dma_start3A_1256 = tpu.memref_slice %arg14[%dma_start3A_1245, %dma_start3A_1254, %dma_start3A_1255] : memref<16x8x64xf32, #tpu.memory_space<vmem>> -> memref<1x8x64xf32, #tpu.memory_space<vmem>>
      %dma_start3A_1257 = tpu.memref_squeeze %dma_start3A_1256 : memref<1x8x64xf32, #tpu.memory_space<vmem>> -> memref<8x64xf32, #tpu.memory_space<vmem>>
      %dma_start3A_1258 = arith.constant 0 : i32
      %dma_start3A_1259 = arith.constant 0 : i32
      %dma_start3A_1260 = tpu.memref_slice %arg5[%squeeze3A_1244, %dma_start3A_1258, %dma_start3A_1259] : memref<12500x8x64xf32, #tpu.memory_space<hbm>> -> memref<1x8x64xf32, #tpu.memory_space<hbm>>
      %dma_start3A_1261 = tpu.memref_squeeze %dma_start3A_1260 : memref<1x8x64xf32, #tpu.memory_space<hbm>> -> memref<8x64xf32, #tpu.memory_space<hbm>>
      tpu.enqueue_dma source(%dma_start3A_1261 : memref<8x64xf32, #tpu.memory_space<hbm>>) target(%dma_start3A_1257 : memref<8x64xf32, #tpu.memory_space<vmem>>) target_semaphore(%arg20 : memref<!tpu.dma_semaphore, #tpu.memory_space<semaphore_mem>>)
      %dma_wait3A = arith.constant 0 : i32
      %dma_wait3A_1262 = arith.constant 0 : i32
      %dma_wait3A_1263 = arith.constant 0 : i32
      %dma_wait3A_1264 = tpu.memref_slice %arg4[%dma_wait3A, %dma_wait3A_1262, %dma_wait3A_1263] : memref<125000x8x64xf32, #tpu.memory_space<hbm>> -> memref<16x8x64xf32, #tpu.memory_space<hbm>>
      %dma_wait3A_1265 = arith.constant 0 : i32
      %dma_wait3A_1266 = arith.constant 0 : i32
      %dma_wait3A_1267 = arith.constant 0 : i32
      %dma_wait3A_1268 = tpu.memref_slice %arg4[%dma_wait3A_1265, %dma_wait3A_1266, %dma_wait3A_1267] : memref<125000x8x64xf32, #tpu.memory_space<hbm>> -> memref<16x8x64xf32, #tpu.memory_space<hbm>>
      tpu.wait_dma2 semaphore(%arg17 : memref<!tpu.dma_semaphore, #tpu.memory_space<semaphore_mem>>) src(%dma_wait3A_1268 : memref<16x8x64xf32, #tpu.memory_space<hbm>>) dst(%arg11 : memref<16x8x64xf32, #tpu.memory_space<vmem>>)
      %dma_wait3A_1269 = arith.constant 0 : i32
      %dma_wait3A_1270 = arith.constant 0 : i32
      %dma_wait3A_1271 = arith.constant 0 : i32
      %dma_wait3A_1272 = tpu.memref_slice %arg5[%dma_wait3A_1269, %dma_wait3A_1270, %dma_wait3A_1271] : memref<12500x8x64xf32, #tpu.memory_space<hbm>> -> memref<16x8x64xf32, #tpu.memory_space<hbm>>
      %dma_wait3A_1273 = arith.constant 0 : i32
      %dma_wait3A_1274 = arith.constant 0 : i32
      %dma_wait3A_1275 = arith.constant 0 : i32
      %dma_wait3A_1276 = tpu.memref_slice %arg5[%dma_wait3A_1273, %dma_wait3A_1274, %dma_wait3A_1275] : memref<12500x8x64xf32, #tpu.memory_space<hbm>> -> memref<16x8x64xf32, #tpu.memory_space<hbm>>
      tpu.wait_dma2 semaphore(%arg18 : memref<!tpu.dma_semaphore, #tpu.memory_space<semaphore_mem>>) src(%dma_wait3A_1276 : memref<16x8x64xf32, #tpu.memory_space<hbm>>) dst(%arg12 : memref<16x8x64xf32, #tpu.memory_space<vmem>>)
      %mul3A_1277 = arith.constant 16 : i32
      %mul3A_1278 = arith.muli %mul3A_637, %mul3A_1277 : i32
      %get3A_1279 = arith.index_cast %mul3A_1278 : i32 to index
      %get3A_1280 = tpu.vector_load %arg9[%get3A_1279] {strides = array<i32>} : memref<512xi32, #tpu.memory_space<vmem>>, vector<16xi32>,
      %mul3A_1281 = arith.constant 16 : i32
      %mul3A_1282 = arith.muli %mul3A_637, %mul3A_1281 : i32
      %get3A_1283 = arith.index_cast %mul3A_1282 : i32 to index
      %get3A_1284 = tpu.vector_load %arg10[%get3A_1283] {strides = array<i32>} : memref<512xi32, #tpu.memory_space<vmem>>, vector<16xi32>,
      %and3A = arith.constant 7 : i32
      %and3A_1285 = vector.broadcast %and3A : i32 to vector<16xi32>
      %and3A_1286 = arith.andi %get3A_1280, %and3A_1285 : vector<16xi32>
      %and3A_1287 = arith.constant 7 : i32
      %and3A_1288 = vector.broadcast %and3A_1287 : i32 to vector<16xi32>
      %and3A_1289 = arith.andi %get3A_1284, %and3A_1288 : vector<16xi32>
      %scan3A_1290 = arith.constant 0 : i32
      %scan3A_1291 = arith.constant 64 : i32
      %scan3A_1292 = arith.addi %scan3A_1290, %scan3A_1291 : i32
      %scan3A_1293 = arith.constant 16 : i32
      %scan3A_1294:3 = scf.for %scan3A_1442 = %scan3A_1290 to %scan3A_1292 step %scan3A_1293 iter_args(%scan3A_1443 = %broadcast_in_dim3A_13, %scan3A_1444 = %broadcast_in_dim3A_13, %scan3A_1445 = %broadcast_in_dim3A_13) -> (vector<16xf32>, vector<16xf32>, vector<16xf32>)  : i32 {
        %broadcast_in_dim3A_1446 = vector.broadcast %scan3A_1442 : i32 to vector<16xi32>
        %gather3A = tpu.vector_load_idx %arg11[%iota3A, %and3A_1286, %broadcast_in_dim3A_1446] : memref<16x8x64xf32, #tpu.memory_space<vmem>>[vector<16xi32>, vector<16xi32>, vector<16xi32>], vector<16xf32>,
        %gather3A_1447 = tpu.vector_load_idx %arg12[%iota3A, %and3A_1289, %broadcast_in_dim3A_1446] : memref<16x8x64xf32, #tpu.memory_space<vmem>>[vector<16xi32>, vector<16xi32>, vector<16xi32>], vector<16xf32>,
        %mul3A_1448 = arith.mulf %gather3A, %gather3A_1447 : vector<16xf32>
        %add3A_1449 = arith.addf %scan3A_1443, %mul3A_1448 : vector<16xf32>
        %mul3A_1450 = arith.mulf %gather3A, %gather3A : vector<16xf32>
        %add3A_1451 = arith.addf %scan3A_1444, %mul3A_1450 : vector<16xf32>
        %mul3A_1452 = arith.mulf %gather3A_1447, %gather3A_1447 : vector<16xf32>
        %add3A_1453 = arith.addf %scan3A_1445, %mul3A_1452 : vector<16xf32>
        %scan3A_1454 = arith.constant 1 : i32
        %scan3A_1455 = arith.addi %scan3A_1442, %scan3A_1454 : i32
        %broadcast_in_dim3A_1456 = vector.broadcast %scan3A_1455 : i32 to vector<16xi32>
        %gather3A_1457 = tpu.vector_load_idx %arg11[%iota3A, %and3A_1286, %broadcast_in_dim3A_1456] : memref<16x8x64xf32, #tpu.memory_space<vmem>>[vector<16xi32>, vector<16xi32>, vector<16xi32>], vector<16xf32>,
        %gather3A_1458 = tpu.vector_load_idx %arg12[%iota3A, %and3A_1289, %broadcast_in_dim3A_1456] : memref<16x8x64xf32, #tpu.memory_space<vmem>>[vector<16xi32>, vector<16xi32>, vector<16xi32>], vector<16xf32>,
        %mul3A_1459 = arith.mulf %gather3A_1457, %gather3A_1458 : vector<16xf32>
        %add3A_1460 = arith.addf %add3A_1449, %mul3A_1459 : vector<16xf32>
        %mul3A_1461 = arith.mulf %gather3A_1457, %gather3A_1457 : vector<16xf32>
        %add3A_1462 = arith.addf %add3A_1451, %mul3A_1461 : vector<16xf32>
        %mul3A_1463 = arith.mulf %gather3A_1458, %gather3A_1458 : vector<16xf32>
        %add3A_1464 = arith.addf %add3A_1453, %mul3A_1463 : vector<16xf32>
        %scan3A_1465 = arith.constant 2 : i32
        %scan3A_1466 = arith.addi %scan3A_1442, %scan3A_1465 : i32
        %broadcast_in_dim3A_1467 = vector.broadcast %scan3A_1466 : i32 to vector<16xi32>
        %gather3A_1468 = tpu.vector_load_idx %arg11[%iota3A, %and3A_1286, %broadcast_in_dim3A_1467] : memref<16x8x64xf32, #tpu.memory_space<vmem>>[vector<16xi32>, vector<16xi32>, vector<16xi32>], vector<16xf32>,
        %gather3A_1469 = tpu.vector_load_idx %arg12[%iota3A, %and3A_1289, %broadcast_in_dim3A_1467] : memref<16x8x64xf32, #tpu.memory_space<vmem>>[vector<16xi32>, vector<16xi32>, vector<16xi32>], vector<16xf32>,
        %mul3A_1470 = arith.mulf %gather3A_1468, %gather3A_1469 : vector<16xf32>
        %add3A_1471 = arith.addf %add3A_1460, %mul3A_1470 : vector<16xf32>
        %mul3A_1472 = arith.mulf %gather3A_1468, %gather3A_1468 : vector<16xf32>
        %add3A_1473 = arith.addf %add3A_1462, %mul3A_1472 : vector<16xf32>
        %mul3A_1474 = arith.mulf %gather3A_1469, %gather3A_1469 : vector<16xf32>
        %add3A_1475 = arith.addf %add3A_1464, %mul3A_1474 : vector<16xf32>
        %scan3A_1476 = arith.constant 3 : i32
        %scan3A_1477 = arith.addi %scan3A_1442, %scan3A_1476 : i32
        %broadcast_in_dim3A_1478 = vector.broadcast %scan3A_1477 : i32 to vector<16xi32>
        %gather3A_1479 = tpu.vector_load_idx %arg11[%iota3A, %and3A_1286, %broadcast_in_dim3A_1478] : memref<16x8x64xf32, #tpu.memory_space<vmem>>[vector<16xi32>, vector<16xi32>, vector<16xi32>], vector<16xf32>,
        %gather3A_1480 = tpu.vector_load_idx %arg12[%iota3A, %and3A_1289, %broadcast_in_dim3A_1478] : memref<16x8x64xf32, #tpu.memory_space<vmem>>[vector<16xi32>, vector<16xi32>, vector<16xi32>], vector<16xf32>,
        %mul3A_1481 = arith.mulf %gather3A_1479, %gather3A_1480 : vector<16xf32>
        %add3A_1482 = arith.addf %add3A_1471, %mul3A_1481 : vector<16xf32>
        %mul3A_1483 = arith.mulf %gather3A_1479, %gather3A_1479 : vector<16xf32>
        %add3A_1484 = arith.addf %add3A_1473, %mul3A_1483 : vector<16xf32>
        %mul3A_1485 = arith.mulf %gather3A_1480, %gather3A_1480 : vector<16xf32>
        %add3A_1486 = arith.addf %add3A_1475, %mul3A_1485 : vector<16xf32>
        %scan3A_1487 = arith.constant 4 : i32
        %scan3A_1488 = arith.addi %scan3A_1442, %scan3A_1487 : i32
        %broadcast_in_dim3A_1489 = vector.broadcast %scan3A_1488 : i32 to vector<16xi32>
        %gather3A_1490 = tpu.vector_load_idx %arg11[%iota3A, %and3A_1286, %broadcast_in_dim3A_1489] : memref<16x8x64xf32, #tpu.memory_space<vmem>>[vector<16xi32>, vector<16xi32>, vector<16xi32>], vector<16xf32>,
        %gather3A_1491 = tpu.vector_load_idx %arg12[%iota3A, %and3A_1289, %broadcast_in_dim3A_1489] : memref<16x8x64xf32, #tpu.memory_space<vmem>>[vector<16xi32>, vector<16xi32>, vector<16xi32>], vector<16xf32>,
        %mul3A_1492 = arith.mulf %gather3A_1490, %gather3A_1491 : vector<16xf32>
        %add3A_1493 = arith.addf %add3A_1482, %mul3A_1492 : vector<16xf32>
        %mul3A_1494 = arith.mulf %gather3A_1490, %gather3A_1490 : vector<16xf32>
        %add3A_1495 = arith.addf %add3A_1484, %mul3A_1494 : vector<16xf32>
        %mul3A_1496 = arith.mulf %gather3A_1491, %gather3A_1491 : vector<16xf32>
        %add3A_1497 = arith.addf %add3A_1486, %mul3A_1496 : vector<16xf32>
        %scan3A_1498 = arith.constant 5 : i32
        %scan3A_1499 = arith.addi %scan3A_1442, %scan3A_1498 : i32
        %broadcast_in_dim3A_1500 = vector.broadcast %scan3A_1499 : i32 to vector<16xi32>
        %gather3A_1501 = tpu.vector_load_idx %arg11[%iota3A, %and3A_1286, %broadcast_in_dim3A_1500] : memref<16x8x64xf32, #tpu.memory_space<vmem>>[vector<16xi32>, vector<16xi32>, vector<16xi32>], vector<16xf32>,
        %gather3A_1502 = tpu.vector_load_idx %arg12[%iota3A, %and3A_1289, %broadcast_in_dim3A_1500] : memref<16x8x64xf32, #tpu.memory_space<vmem>>[vector<16xi32>, vector<16xi32>, vector<16xi32>], vector<16xf32>,
        %mul3A_1503 = arith.mulf %gather3A_1501, %gather3A_1502 : vector<16xf32>
        %add3A_1504 = arith.addf %add3A_1493, %mul3A_1503 : vector<16xf32>
        %mul3A_1505 = arith.mulf %gather3A_1501, %gather3A_1501 : vector<16xf32>
        %add3A_1506 = arith.addf %add3A_1495, %mul3A_1505 : vector<16xf32>
        %mul3A_1507 = arith.mulf %gather3A_1502, %gather3A_1502 : vector<16xf32>
        %add3A_1508 = arith.addf %add3A_1497, %mul3A_1507 : vector<16xf32>
        %scan3A_1509 = arith.constant 6 : i32
        %scan3A_1510 = arith.addi %scan3A_1442, %scan3A_1509 : i32
        %broadcast_in_dim3A_1511 = vector.broadcast %scan3A_1510 : i32 to vector<16xi32>
        %gather3A_1512 = tpu.vector_load_idx %arg11[%iota3A, %and3A_1286, %broadcast_in_dim3A_1511] : memref<16x8x64xf32, #tpu.memory_space<vmem>>[vector<16xi32>, vector<16xi32>, vector<16xi32>], vector<16xf32>,
        %gather3A_1513 = tpu.vector_load_idx %arg12[%iota3A, %and3A_1289, %broadcast_in_dim3A_1511] : memref<16x8x64xf32, #tpu.memory_space<vmem>>[vector<16xi32>, vector<16xi32>, vector<16xi32>], vector<16xf32>,
        %mul3A_1514 = arith.mulf %gather3A_1512, %gather3A_1513 : vector<16xf32>
        %add3A_1515 = arith.addf %add3A_1504, %mul3A_1514 : vector<16xf32>
        %mul3A_1516 = arith.mulf %gather3A_1512, %gather3A_1512 : vector<16xf32>
        %add3A_1517 = arith.addf %add3A_1506, %mul3A_1516 : vector<16xf32>
        %mul3A_1518 = arith.mulf %gather3A_1513, %gather3A_1513 : vector<16xf32>
        %add3A_1519 = arith.addf %add3A_1508, %mul3A_1518 : vector<16xf32>
        %scan3A_1520 = arith.constant 7 : i32
        %scan3A_1521 = arith.addi %scan3A_1442, %scan3A_1520 : i32
        %broadcast_in_dim3A_1522 = vector.broadcast %scan3A_1521 : i32 to vector<16xi32>
        %gather3A_1523 = tpu.vector_load_idx %arg11[%iota3A, %and3A_1286, %broadcast_in_dim3A_1522] : memref<16x8x64xf32, #tpu.memory_space<vmem>>[vector<16xi32>, vector<16xi32>, vector<16xi32>], vector<16xf32>,
        %gather3A_1524 = tpu.vector_load_idx %arg12[%iota3A, %and3A_1289, %broadcast_in_dim3A_1522] : memref<16x8x64xf32, #tpu.memory_space<vmem>>[vector<16xi32>, vector<16xi32>, vector<16xi32>], vector<16xf32>,
        %mul3A_1525 = arith.mulf %gather3A_1523, %gather3A_1524 : vector<16xf32>
        %add3A_1526 = arith.addf %add3A_1515, %mul3A_1525 : vector<16xf32>
        %mul3A_1527 = arith.mulf %gather3A_1523, %gather3A_1523 : vector<16xf32>
        %add3A_1528 = arith.addf %add3A_1517, %mul3A_1527 : vector<16xf32>
        %mul3A_1529 = arith.mulf %gather3A_1524, %gather3A_1524 : vector<16xf32>
        %add3A_1530 = arith.addf %add3A_1519, %mul3A_1529 : vector<16xf32>
        %scan3A_1531 = arith.constant 8 : i32
        %scan3A_1532 = arith.addi %scan3A_1442, %scan3A_1531 : i32
        %broadcast_in_dim3A_1533 = vector.broadcast %scan3A_1532 : i32 to vector<16xi32>
        %gather3A_1534 = tpu.vector_load_idx %arg11[%iota3A, %and3A_1286, %broadcast_in_dim3A_1533] : memref<16x8x64xf32, #tpu.memory_space<vmem>>[vector<16xi32>, vector<16xi32>, vector<16xi32>], vector<16xf32>,
        %gather3A_1535 = tpu.vector_load_idx %arg12[%iota3A, %and3A_1289, %broadcast_in_dim3A_1533] : memref<16x8x64xf32, #tpu.memory_space<vmem>>[vector<16xi32>, vector<16xi32>, vector<16xi32>], vector<16xf32>,
        %mul3A_1536 = arith.mulf %gather3A_1534, %gather3A_1535 : vector<16xf32>
        %add3A_1537 = arith.addf %add3A_1526, %mul3A_1536 : vector<16xf32>
        %mul3A_1538 = arith.mulf %gather3A_1534, %gather3A_1534 : vector<16xf32>
        %add3A_1539 = arith.addf %add3A_1528, %mul3A_1538 : vector<16xf32>
        %mul3A_1540 = arith.mulf %gather3A_1535, %gather3A_1535 : vector<16xf32>
        %add3A_1541 = arith.addf %add3A_1530, %mul3A_1540 : vector<16xf32>
        %scan3A_1542 = arith.constant 9 : i32
        %scan3A_1543 = arith.addi %scan3A_1442, %scan3A_1542 : i32
        %broadcast_in_dim3A_1544 = vector.broadcast %scan3A_1543 : i32 to vector<16xi32>
        %gather3A_1545 = tpu.vector_load_idx %arg11[%iota3A, %and3A_1286, %broadcast_in_dim3A_1544] : memref<16x8x64xf32, #tpu.memory_space<vmem>>[vector<16xi32>, vector<16xi32>, vector<16xi32>], vector<16xf32>,
        %gather3A_1546 = tpu.vector_load_idx %arg12[%iota3A, %and3A_1289, %broadcast_in_dim3A_1544] : memref<16x8x64xf32, #tpu.memory_space<vmem>>[vector<16xi32>, vector<16xi32>, vector<16xi32>], vector<16xf32>,
        %mul3A_1547 = arith.mulf %gather3A_1545, %gather3A_1546 : vector<16xf32>
        %add3A_1548 = arith.addf %add3A_1537, %mul3A_1547 : vector<16xf32>
        %mul3A_1549 = arith.mulf %gather3A_1545, %gather3A_1545 : vector<16xf32>
        %add3A_1550 = arith.addf %add3A_1539, %mul3A_1549 : vector<16xf32>
        %mul3A_1551 = arith.mulf %gather3A_1546, %gather3A_1546 : vector<16xf32>
        %add3A_1552 = arith.addf %add3A_1541, %mul3A_1551 : vector<16xf32>
        %scan3A_1553 = arith.constant 10 : i32
        %scan3A_1554 = arith.addi %scan3A_1442, %scan3A_1553 : i32
        %broadcast_in_dim3A_1555 = vector.broadcast %scan3A_1554 : i32 to vector<16xi32>
        %gather3A_1556 = tpu.vector_load_idx %arg11[%iota3A, %and3A_1286, %broadcast_in_dim3A_1555] : memref<16x8x64xf32, #tpu.memory_space<vmem>>[vector<16xi32>, vector<16xi32>, vector<16xi32>], vector<16xf32>,
        %gather3A_1557 = tpu.vector_load_idx %arg12[%iota3A, %and3A_1289, %broadcast_in_dim3A_1555] : memref<16x8x64xf32, #tpu.memory_space<vmem>>[vector<16xi32>, vector<16xi32>, vector<16xi32>], vector<16xf32>,
        %mul3A_1558 = arith.mulf %gather3A_1556, %gather3A_1557 : vector<16xf32>
        %add3A_1559 = arith.addf %add3A_1548, %mul3A_1558 : vector<16xf32>
        %mul3A_1560 = arith.mulf %gather3A_1556, %gather3A_1556 : vector<16xf32>
        %add3A_1561 = arith.addf %add3A_1550, %mul3A_1560 : vector<16xf32>
        %mul3A_1562 = arith.mulf %gather3A_1557, %gather3A_1557 : vector<16xf32>
        %add3A_1563 = arith.addf %add3A_1552, %mul3A_1562 : vector<16xf32>
        %scan3A_1564 = arith.constant 11 : i32
        %scan3A_1565 = arith.addi %scan3A_1442, %scan3A_1564 : i32
        %broadcast_in_dim3A_1566 = vector.broadcast %scan3A_1565 : i32 to vector<16xi32>
        %gather3A_1567 = tpu.vector_load_idx %arg11[%iota3A, %and3A_1286, %broadcast_in_dim3A_1566] : memref<16x8x64xf32, #tpu.memory_space<vmem>>[vector<16xi32>, vector<16xi32>, vector<16xi32>], vector<16xf32>,
        %gather3A_1568 = tpu.vector_load_idx %arg12[%iota3A, %and3A_1289, %broadcast_in_dim3A_1566] : memref<16x8x64xf32, #tpu.memory_space<vmem>>[vector<16xi32>, vector<16xi32>, vector<16xi32>], vector<16xf32>,
        %mul3A_1569 = arith.mulf %gather3A_1567, %gather3A_1568 : vector<16xf32>
        %add3A_1570 = arith.addf %add3A_1559, %mul3A_1569 : vector<16xf32>
        %mul3A_1571 = arith.mulf %gather3A_1567, %gather3A_1567 : vector<16xf32>
        %add3A_1572 = arith.addf %add3A_1561, %mul3A_1571 : vector<16xf32>
        %mul3A_1573 = arith.mulf %gather3A_1568, %gather3A_1568 : vector<16xf32>
        %add3A_1574 = arith.addf %add3A_1563, %mul3A_1573 : vector<16xf32>
        %scan3A_1575 = arith.constant 12 : i32
        %scan3A_1576 = arith.addi %scan3A_1442, %scan3A_1575 : i32
        %broadcast_in_dim3A_1577 = vector.broadcast %scan3A_1576 : i32 to vector<16xi32>
        %gather3A_1578 = tpu.vector_load_idx %arg11[%iota3A, %and3A_1286, %broadcast_in_dim3A_1577] : memref<16x8x64xf32, #tpu.memory_space<vmem>>[vector<16xi32>, vector<16xi32>, vector<16xi32>], vector<16xf32>,
        %gather3A_1579 = tpu.vector_load_idx %arg12[%iota3A, %and3A_1289, %broadcast_in_dim3A_1577] : memref<16x8x64xf32, #tpu.memory_space<vmem>>[vector<16xi32>, vector<16xi32>, vector<16xi32>], vector<16xf32>,
        %mul3A_1580 = arith.mulf %gather3A_1578, %gather3A_1579 : vector<16xf32>
        %add3A_1581 = arith.addf %add3A_1570, %mul3A_1580 : vector<16xf32>
        %mul3A_1582 = arith.mulf %gather3A_1578, %gather3A_1578 : vector<16xf32>
        %add3A_1583 = arith.addf %add3A_1572, %mul3A_1582 : vector<16xf32>
        %mul3A_1584 = arith.mulf %gather3A_1579, %gather3A_1579 : vector<16xf32>
        %add3A_1585 = arith.addf %add3A_1574, %mul3A_1584 : vector<16xf32>
        %scan3A_1586 = arith.constant 13 : i32
        %scan3A_1587 = arith.addi %scan3A_1442, %scan3A_1586 : i32
        %broadcast_in_dim3A_1588 = vector.broadcast %scan3A_1587 : i32 to vector<16xi32>
        %gather3A_1589 = tpu.vector_load_idx %arg11[%iota3A, %and3A_1286, %broadcast_in_dim3A_1588] : memref<16x8x64xf32, #tpu.memory_space<vmem>>[vector<16xi32>, vector<16xi32>, vector<16xi32>], vector<16xf32>,
        %gather3A_1590 = tpu.vector_load_idx %arg12[%iota3A, %and3A_1289, %broadcast_in_dim3A_1588] : memref<16x8x64xf32, #tpu.memory_space<vmem>>[vector<16xi32>, vector<16xi32>, vector<16xi32>], vector<16xf32>,
        %mul3A_1591 = arith.mulf %gather3A_1589, %gather3A_1590 : vector<16xf32>
        %add3A_1592 = arith.addf %add3A_1581, %mul3A_1591 : vector<16xf32>
        %mul3A_1593 = arith.mulf %gather3A_1589, %gather3A_1589 : vector<16xf32>
        %add3A_1594 = arith.addf %add3A_1583, %mul3A_1593 : vector<16xf32>
        %mul3A_1595 = arith.mulf %gather3A_1590, %gather3A_1590 : vector<16xf32>
        %add3A_1596 = arith.addf %add3A_1585, %mul3A_1595 : vector<16xf32>
        %scan3A_1597 = arith.constant 14 : i32
        %scan3A_1598 = arith.addi %scan3A_1442, %scan3A_1597 : i32
        %broadcast_in_dim3A_1599 = vector.broadcast %scan3A_1598 : i32 to vector<16xi32>
        %gather3A_1600 = tpu.vector_load_idx %arg11[%iota3A, %and3A_1286, %broadcast_in_dim3A_1599] : memref<16x8x64xf32, #tpu.memory_space<vmem>>[vector<16xi32>, vector<16xi32>, vector<16xi32>], vector<16xf32>,
        %gather3A_1601 = tpu.vector_load_idx %arg12[%iota3A, %and3A_1289, %broadcast_in_dim3A_1599] : memref<16x8x64xf32, #tpu.memory_space<vmem>>[vector<16xi32>, vector<16xi32>, vector<16xi32>], vector<16xf32>,
        %mul3A_1602 = arith.mulf %gather3A_1600, %gather3A_1601 : vector<16xf32>
        %add3A_1603 = arith.addf %add3A_1592, %mul3A_1602 : vector<16xf32>
        %mul3A_1604 = arith.mulf %gather3A_1600, %gather3A_1600 : vector<16xf32>
        %add3A_1605 = arith.addf %add3A_1594, %mul3A_1604 : vector<16xf32>
        %mul3A_1606 = arith.mulf %gather3A_1601, %gather3A_1601 : vector<16xf32>
        %add3A_1607 = arith.addf %add3A_1596, %mul3A_1606 : vector<16xf32>
        %scan3A_1608 = arith.constant 15 : i32
        %scan3A_1609 = arith.addi %scan3A_1442, %scan3A_1608 : i32
        %broadcast_in_dim3A_1610 = vector.broadcast %scan3A_1609 : i32 to vector<16xi32>
        %gather3A_1611 = tpu.vector_load_idx %arg11[%iota3A, %and3A_1286, %broadcast_in_dim3A_1610] : memref<16x8x64xf32, #tpu.memory_space<vmem>>[vector<16xi32>, vector<16xi32>, vector<16xi32>], vector<16xf32>,
        %gather3A_1612 = tpu.vector_load_idx %arg12[%iota3A, %and3A_1289, %broadcast_in_dim3A_1610] : memref<16x8x64xf32, #tpu.memory_space<vmem>>[vector<16xi32>, vector<16xi32>, vector<16xi32>], vector<16xf32>,
        %mul3A_1613 = arith.mulf %gather3A_1611, %gather3A_1612 : vector<16xf32>
        %add3A_1614 = arith.addf %add3A_1603, %mul3A_1613 : vector<16xf32>
        %mul3A_1615 = arith.mulf %gather3A_1611, %gather3A_1611 : vector<16xf32>
        %add3A_1616 = arith.addf %add3A_1605, %mul3A_1615 : vector<16xf32>
        %mul3A_1617 = arith.mulf %gather3A_1612, %gather3A_1612 : vector<16xf32>
        %add3A_1618 = arith.addf %add3A_1607, %mul3A_1617 : vector<16xf32>
        scf.yield %add3A_1614, %add3A_1616, %add3A_1618 : vector<16xf32>, vector<16xf32>, vector<16xf32>
      }
      %scan3A_1295 = arith.constant 64 : i32
      %max3A = arith.maximumf %scan3A_1294#1, %broadcast_in_dim3A_11 : vector<16xf32>
      %max3A_1296 = arith.maximumf %scan3A_1294#2, %broadcast_in_dim3A_11 : vector<16xf32>
      %mul3A_1297 = arith.mulf %max3A, %max3A_1296 : vector<16xf32>
      %bitcast3A = vector.bitcast %mul3A_1297 : vector<16xf32> to vector<16xi32>
      %shift_right_arithmetic3A_1298 = arith.constant 1 : i32
      %shift_right_arithmetic3A_1299 = vector.broadcast %shift_right_arithmetic3A_1298 : i32 to vector<16xi32>
      %shift_right_arithmetic3A_1300 = arith.shrsi %bitcast3A, %shift_right_arithmetic3A_1299 : vector<16xi32>
      %sub3A = arith.constant 1597463007 : i32
      %sub3A_1301 = vector.broadcast %sub3A : i32 to vector<16xi32>
      %sub3A_1302 = arith.subi %sub3A_1301, %shift_right_arithmetic3A_1300 : vector<16xi32>
      %bitcast3A_1303 = vector.bitcast %sub3A_1302 : vector<16xi32> to vector<16xf32>
      %mul3A_1304 = arith.constant 5.000000e-01 : f32
      %mul3A_1305 = vector.broadcast %mul3A_1304 : f32 to vector<16xf32>
      %mul3A_1306 = arith.mulf %mul3A_1305, %mul3A_1297 : vector<16xf32>
      %mul3A_1307 = arith.mulf %mul3A_1306, %bitcast3A_1303 : vector<16xf32>
      %mul3A_1308 = arith.mulf %mul3A_1307, %bitcast3A_1303 : vector<16xf32>
      %sub3A_1309 = arith.constant 1.500000e+00 : f32
      %sub3A_1310 = vector.broadcast %sub3A_1309 : f32 to vector<16xf32>
      %sub3A_1311 = arith.subf %sub3A_1310, %mul3A_1308 : vector<16xf32>
      %mul3A_1312 = arith.mulf %bitcast3A_1303, %sub3A_1311 : vector<16xf32>
      %mul3A_1313 = arith.constant 5.000000e-01 : f32
      %mul3A_1314 = vector.broadcast %mul3A_1313 : f32 to vector<16xf32>
      %mul3A_1315 = arith.mulf %mul3A_1314, %mul3A_1297 : vector<16xf32>
      %mul3A_1316 = arith.mulf %mul3A_1315, %mul3A_1312 : vector<16xf32>
      %mul3A_1317 = arith.mulf %mul3A_1316, %mul3A_1312 : vector<16xf32>
      %sub3A_1318 = arith.constant 1.500000e+00 : f32
      %sub3A_1319 = vector.broadcast %sub3A_1318 : f32 to vector<16xf32>
      %sub3A_1320 = arith.subf %sub3A_1319, %mul3A_1317 : vector<16xf32>
      %mul3A_1321 = arith.mulf %mul3A_1312, %sub3A_1320 : vector<16xf32>
      %mul3A_1322 = arith.constant 5.000000e-01 : f32
      %mul3A_1323 = vector.broadcast %mul3A_1322 : f32 to vector<16xf32>
      %mul3A_1324 = arith.mulf %mul3A_1323, %mul3A_1297 : vector<16xf32>
      %mul3A_1325 = arith.mulf %mul3A_1324, %mul3A_1321 : vector<16xf32>
      %mul3A_1326 = arith.mulf %mul3A_1325, %mul3A_1321 : vector<16xf32>
      %sub3A_1327 = arith.constant 1.500000e+00 : f32
      %sub3A_1328 = vector.broadcast %sub3A_1327 : f32 to vector<16xf32>
      %sub3A_1329 = arith.subf %sub3A_1328, %mul3A_1326 : vector<16xf32>
      %mul3A_1330 = arith.mulf %mul3A_1321, %sub3A_1329 : vector<16xf32>
      %mul3A_1331 = arith.mulf %scan3A_1294#0, %mul3A_1330 : vector<16xf32>
      %mul3A_1332 = arith.mulf %mul3A_1331, %get3A_6 : vector<16xf32>
      %add3A_1333 = arith.addf %mul3A_1332, %get3A_10 : vector<16xf32>
      %neg3A = arith.constant 0.000000e+00 : f32
      %neg3A_1334 = vector.broadcast %neg3A : f32 to vector<16xf32>
      %neg3A_1335 = arith.subf %neg3A_1334, %add3A_1333 : vector<16xf32>
      %exp3A = math.exp %neg3A_1335 : vector<16xf32>
      %add3A_1336 = arith.constant 1.000000e+00 : f32
      %add3A_1337 = vector.broadcast %add3A_1336 : f32 to vector<16xf32>
      %add3A_1338 = arith.addf %add3A_1337, %exp3A : vector<16xf32>
      %div3A = arith.constant 1.000000e+00 : f32
      %div3A_1339 = vector.broadcast %div3A : f32 to vector<16xf32>
      %div3A_1340 = arith.divf %div3A_1339, %add3A_1338 : vector<16xf32>
      %mul3A_1341 = arith.constant 16 : i32
      %mul3A_1342 = arith.muli %mul3A_637, %mul3A_1341 : i32
      %swap3A = arith.index_cast %mul3A_1342 : i32 to index
      %swap3A_1343 = tpu.vector_load %arg15[%swap3A] {strides = array<i32>} : memref<512xf32, #tpu.memory_space<vmem>>, vector<16xf32>,
      tpu.vector_store %arg15[%swap3A], %div3A_1340 {strides = array<i32>} : memref<512xf32, #tpu.memory_space<vmem>>, vector<16xf32>,
      %add3A_1344 = arith.constant 2 : i32
      %add3A_1345 = arith.addi %mul3A_637, %add3A_1344 : i32
      %lt3A = arith.constant 32 : i32
      %lt3A_1346 = arith.cmpi slt, %add3A_1345, %lt3A : i32
      %convert_element_type3A = arith.extui %lt3A_1346 : i1 to i32
      %cond3A = arith.constant 0 : i32
      %cond3A_1347 = arith.cmpi ne, %convert_element_type3A, %cond3A : i32
      scf.if %cond3A_1347 {
        %add3A_1442 = arith.constant 2 : i32
        %add3A_1443 = arith.addi %mul3A_637, %add3A_1442 : i32
        %mul3A_1444 = arith.constant 16 : i32
        %mul3A_1445 = arith.muli %add3A_1443, %mul3A_1444 : i32
        %get3A_1446 = arith.index_cast %mul3A_1445 : i32 to index
        %get3A_1447 = tpu.vector_load %arg9[%get3A_1446] {strides = array<i32>} : memref<512xi32, #tpu.memory_space<vmem>>, vector<16xi32>,
        %shift_right_arithmetic3A_1448 = arith.constant 3 : i32
        %shift_right_arithmetic3A_1449 = vector.broadcast %shift_right_arithmetic3A_1448 : i32 to vector<16xi32>
        %shift_right_arithmetic3A_1450 = arith.shrsi %get3A_1447, %shift_right_arithmetic3A_1449 : vector<16xi32>
        %mul3A_1451 = arith.constant 16 : i32
        %mul3A_1452 = arith.muli %add3A_1443, %mul3A_1451 : i32
        %get3A_1453 = arith.index_cast %mul3A_1452 : i32 to index
        %get3A_1454 = tpu.vector_load %arg10[%get3A_1453] {strides = array<i32>} : memref<512xi32, #tpu.memory_space<vmem>>, vector<16xi32>,
        %shift_right_arithmetic3A_1455 = arith.constant 3 : i32
        %shift_right_arithmetic3A_1456 = vector.broadcast %shift_right_arithmetic3A_1455 : i32 to vector<16xi32>
        %shift_right_arithmetic3A_1457 = arith.shrsi %get3A_1454, %shift_right_arithmetic3A_1456 : vector<16xi32>
        %slice3A_1458 = vector.extract_strided_slice %shift_right_arithmetic3A_1450 {offsets = [0], sizes = [1], strides = [1]} : vector<16xi32> to vector<1xi32>
        %squeeze3A_1459 = vector.extract %slice3A_1458[0] : i32 from vector<1xi32>
        %dma_start3A_1460 = arith.constant 0 : i32
        %dma_start3A_1461 = arith.constant 0 : i32
        %dma_start3A_1462 = arith.constant 0 : i32
        %dma_start3A_1463 = tpu.memref_slice %arg11[%dma_start3A_1460, %dma_start3A_1461, %dma_start3A_1462] : memref<16x8x64xf32, #tpu.memory_space<vmem>> -> memref<1x8x64xf32, #tpu.memory_space<vmem>>
        %dma_start3A_1464 = tpu.memref_squeeze %dma_start3A_1463 : memref<1x8x64xf32, #tpu.memory_space<vmem>> -> memref<8x64xf32, #tpu.memory_space<vmem>>
        %dma_start3A_1465 = arith.constant 0 : i32
        %dma_start3A_1466 = arith.constant 0 : i32
        %dma_start3A_1467 = tpu.memref_slice %arg4[%squeeze3A_1459, %dma_start3A_1465, %dma_start3A_1466] : memref<125000x8x64xf32, #tpu.memory_space<hbm>> -> memref<1x8x64xf32, #tpu.memory_space<hbm>>
        %dma_start3A_1468 = tpu.memref_squeeze %dma_start3A_1467 : memref<1x8x64xf32, #tpu.memory_space<hbm>> -> memref<8x64xf32, #tpu.memory_space<hbm>>
        %dma_start3A_1469 = arith.constant 0 : i32
        %dma_start3A_1470 = arith.constant 0 : i32
        %dma_start3A_1471 = tpu.memref_slice %arg11[%dma_start3A_1460, %dma_start3A_1469, %dma_start3A_1470] : memref<16x8x64xf32, #tpu.memory_space<vmem>> -> memref<1x8x64xf32, #tpu.memory_space<vmem>>
        %dma_start3A_1472 = tpu.memref_squeeze %dma_start3A_1471 : memref<1x8x64xf32, #tpu.memory_space<vmem>> -> memref<8x64xf32, #tpu.memory_space<vmem>>
        %dma_start3A_1473 = arith.constant 0 : i32
        %dma_start3A_1474 = arith.constant 0 : i32
        %dma_start3A_1475 = tpu.memref_slice %arg4[%squeeze3A_1459, %dma_start3A_1473, %dma_start3A_1474] : memref<125000x8x64xf32, #tpu.memory_space<hbm>> -> memref<1x8x64xf32, #tpu.memory_space<hbm>>
        %dma_start3A_1476 = tpu.memref_squeeze %dma_start3A_1475 : memref<1x8x64xf32, #tpu.memory_space<hbm>> -> memref<8x64xf32, #tpu.memory_space<hbm>>
        tpu.enqueue_dma source(%dma_start3A_1476 : memref<8x64xf32, #tpu.memory_space<hbm>>) target(%dma_start3A_1472 : memref<8x64xf32, #tpu.memory_space<vmem>>) target_semaphore(%arg17 : memref<!tpu.dma_semaphore, #tpu.memory_space<semaphore_mem>>)
        %slice3A_1477 = vector.extract_strided_slice %shift_right_arithmetic3A_1457 {offsets = [0], sizes = [1], strides = [1]} : vector<16xi32> to vector<1xi32>
        %squeeze3A_1478 = vector.extract %slice3A_1477[0] : i32 from vector<1xi32>
        %dma_start3A_1479 = arith.constant 0 : i32
        %dma_start3A_1480 = arith.constant 0 : i32
        %dma_start3A_1481 = arith.constant 0 : i32
        %dma_start3A_1482 = tpu.memref_slice %arg12[%dma_start3A_1479, %dma_start3A_1480, %dma_start3A_1481] : memref<16x8x64xf32, #tpu.memory_space<vmem>> -> memref<1x8x64xf32, #tpu.memory_space<vmem>>
        %dma_start3A_1483 = tpu.memref_squeeze %dma_start3A_1482 : memref<1x8x64xf32, #tpu.memory_space<vmem>> -> memref<8x64xf32, #tpu.memory_space<vmem>>
        %dma_start3A_1484 = arith.constant 0 : i32
        %dma_start3A_1485 = arith.constant 0 : i32
        %dma_start3A_1486 = tpu.memref_slice %arg5[%squeeze3A_1478, %dma_start3A_1484, %dma_start3A_1485] : memref<12500x8x64xf32, #tpu.memory_space<hbm>> -> memref<1x8x64xf32, #tpu.memory_space<hbm>>
        %dma_start3A_1487 = tpu.memref_squeeze %dma_start3A_1486 : memref<1x8x64xf32, #tpu.memory_space<hbm>> -> memref<8x64xf32, #tpu.memory_space<hbm>>
        %dma_start3A_1488 = arith.constant 0 : i32
        %dma_start3A_1489 = arith.constant 0 : i32
        %dma_start3A_1490 = tpu.memref_slice %arg12[%dma_start3A_1479, %dma_start3A_1488, %dma_start3A_1489] : memref<16x8x64xf32, #tpu.memory_space<vmem>> -> memref<1x8x64xf32, #tpu.memory_space<vmem>>
        %dma_start3A_1491 = tpu.memref_squeeze %dma_start3A_1490 : memref<1x8x64xf32, #tpu.memory_space<vmem>> -> memref<8x64xf32, #tpu.memory_space<vmem>>
        %dma_start3A_1492 = arith.constant 0 : i32
        %dma_start3A_1493 = arith.constant 0 : i32
        %dma_start3A_1494 = tpu.memref_slice %arg5[%squeeze3A_1478, %dma_start3A_1492, %dma_start3A_1493] : memref<12500x8x64xf32, #tpu.memory_space<hbm>> -> memref<1x8x64xf32, #tpu.memory_space<hbm>>
        %dma_start3A_1495 = tpu.memref_squeeze %dma_start3A_1494 : memref<1x8x64xf32, #tpu.memory_space<hbm>> -> memref<8x64xf32, #tpu.memory_space<hbm>>
        tpu.enqueue_dma source(%dma_start3A_1495 : memref<8x64xf32, #tpu.memory_space<hbm>>) target(%dma_start3A_1491 : memref<8x64xf32, #tpu.memory_space<vmem>>) target_semaphore(%arg18 : memref<!tpu.dma_semaphore, #tpu.memory_space<semaphore_mem>>)
        %slice3A_1496 = vector.extract_strided_slice %shift_right_arithmetic3A_1450 {offsets = [1], sizes = [1], strides = [1]} : vector<16xi32> to vector<1xi32>
        %squeeze3A_1497 = vector.extract %slice3A_1496[0] : i32 from vector<1xi32>
        %dma_start3A_1498 = arith.constant 1 : i32
        %dma_start3A_1499 = arith.constant 0 : i32
        %dma_start3A_1500 = arith.constant 0 : i32
        %dma_start3A_1501 = tpu.memref_slice %arg11[%dma_start3A_1498, %dma_start3A_1499, %dma_start3A_1500] : memref<16x8x64xf32, #tpu.memory_space<vmem>> -> memref<1x8x64xf32, #tpu.memory_space<vmem>>
        %dma_start3A_1502 = tpu.memref_squeeze %dma_start3A_1501 : memref<1x8x64xf32, #tpu.memory_space<vmem>> -> memref<8x64xf32, #tpu.memory_space<vmem>>
        %dma_start3A_1503 = arith.constant 0 : i32
        %dma_start3A_1504 = arith.constant 0 : i32
        %dma_start3A_1505 = tpu.memref_slice %arg4[%squeeze3A_1497, %dma_start3A_1503, %dma_start3A_1504] : memref<125000x8x64xf32, #tpu.memory_space<hbm>> -> memref<1x8x64xf32, #tpu.memory_space<hbm>>
        %dma_start3A_1506 = tpu.memref_squeeze %dma_start3A_1505 : memref<1x8x64xf32, #tpu.memory_space<hbm>> -> memref<8x64xf32, #tpu.memory_space<hbm>>
        %dma_start3A_1507 = arith.constant 0 : i32
        %dma_start3A_1508 = arith.constant 0 : i32
        %dma_start3A_1509 = tpu.memref_slice %arg11[%dma_start3A_1498, %dma_start3A_1507, %dma_start3A_1508] : memref<16x8x64xf32, #tpu.memory_space<vmem>> -> memref<1x8x64xf32, #tpu.memory_space<vmem>>
        %dma_start3A_1510 = tpu.memref_squeeze %dma_start3A_1509 : memref<1x8x64xf32, #tpu.memory_space<vmem>> -> memref<8x64xf32, #tpu.memory_space<vmem>>
        %dma_start3A_1511 = arith.constant 0 : i32
        %dma_start3A_1512 = arith.constant 0 : i32
        %dma_start3A_1513 = tpu.memref_slice %arg4[%squeeze3A_1497, %dma_start3A_1511, %dma_start3A_1512] : memref<125000x8x64xf32, #tpu.memory_space<hbm>> -> memref<1x8x64xf32, #tpu.memory_space<hbm>>
        %dma_start3A_1514 = tpu.memref_squeeze %dma_start3A_1513 : memref<1x8x64xf32, #tpu.memory_space<hbm>> -> memref<8x64xf32, #tpu.memory_space<hbm>>
        tpu.enqueue_dma source(%dma_start3A_1514 : memref<8x64xf32, #tpu.memory_space<hbm>>) target(%dma_start3A_1510 : memref<8x64xf32, #tpu.memory_space<vmem>>) target_semaphore(%arg17 : memref<!tpu.dma_semaphore, #tpu.memory_space<semaphore_mem>>)
        %slice3A_1515 = vector.extract_strided_slice %shift_right_arithmetic3A_1457 {offsets = [1], sizes = [1], strides = [1]} : vector<16xi32> to vector<1xi32>
        %squeeze3A_1516 = vector.extract %slice3A_1515[0] : i32 from vector<1xi32>
        %dma_start3A_1517 = arith.constant 1 : i32
        %dma_start3A_1518 = arith.constant 0 : i32
        %dma_start3A_1519 = arith.constant 0 : i32
        %dma_start3A_1520 = tpu.memref_slice %arg12[%dma_start3A_1517, %dma_start3A_1518, %dma_start3A_1519] : memref<16x8x64xf32, #tpu.memory_space<vmem>> -> memref<1x8x64xf32, #tpu.memory_space<vmem>>
        %dma_start3A_1521 = tpu.memref_squeeze %dma_start3A_1520 : memref<1x8x64xf32, #tpu.memory_space<vmem>> -> memref<8x64xf32, #tpu.memory_space<vmem>>
        %dma_start3A_1522 = arith.constant 0 : i32
        %dma_start3A_1523 = arith.constant 0 : i32
        %dma_start3A_1524 = tpu.memref_slice %arg5[%squeeze3A_1516, %dma_start3A_1522, %dma_start3A_1523] : memref<12500x8x64xf32, #tpu.memory_space<hbm>> -> memref<1x8x64xf32, #tpu.memory_space<hbm>>
        %dma_start3A_1525 = tpu.memref_squeeze %dma_start3A_1524 : memref<1x8x64xf32, #tpu.memory_space<hbm>> -> memref<8x64xf32, #tpu.memory_space<hbm>>
        %dma_start3A_1526 = arith.constant 0 : i32
        %dma_start3A_1527 = arith.constant 0 : i32
        %dma_start3A_1528 = tpu.memref_slice %arg12[%dma_start3A_1517, %dma_start3A_1526, %dma_start3A_1527] : memref<16x8x64xf32, #tpu.memory_space<vmem>> -> memref<1x8x64xf32, #tpu.memory_space<vmem>>
        %dma_start3A_1529 = tpu.memref_squeeze %dma_start3A_1528 : memref<1x8x64xf32, #tpu.memory_space<vmem>> -> memref<8x64xf32, #tpu.memory_space<vmem>>
        %dma_start3A_1530 = arith.constant 0 : i32
        %dma_start3A_1531 = arith.constant 0 : i32
        %dma_start3A_1532 = tpu.memref_slice %arg5[%squeeze3A_1516, %dma_start3A_1530, %dma_start3A_1531] : memref<12500x8x64xf32, #tpu.memory_space<hbm>> -> memref<1x8x64xf32, #tpu.memory_space<hbm>>
        %dma_start3A_1533 = tpu.memref_squeeze %dma_start3A_1532 : memref<1x8x64xf32, #tpu.memory_space<hbm>> -> memref<8x64xf32, #tpu.memory_space<hbm>>
        tpu.enqueue_dma source(%dma_start3A_1533 : memref<8x64xf32, #tpu.memory_space<hbm>>) target(%dma_start3A_1529 : memref<8x64xf32, #tpu.memory_space<vmem>>) target_semaphore(%arg18 : memref<!tpu.dma_semaphore, #tpu.memory_space<semaphore_mem>>)
        %slice3A_1534 = vector.extract_strided_slice %shift_right_arithmetic3A_1450 {offsets = [2], sizes = [1], strides = [1]} : vector<16xi32> to vector<1xi32>
        %squeeze3A_1535 = vector.extract %slice3A_1534[0] : i32 from vector<1xi32>
        %dma_start3A_1536 = arith.constant 2 : i32
        %dma_start3A_1537 = arith.constant 0 : i32
        %dma_start3A_1538 = arith.constant 0 : i32
        %dma_start3A_1539 = tpu.memref_slice %arg11[%dma_start3A_1536, %dma_start3A_1537, %dma_start3A_1538] : memref<16x8x64xf32, #tpu.memory_space<vmem>> -> memref<1x8x64xf32, #tpu.memory_space<vmem>>
        %dma_start3A_1540 = tpu.memref_squeeze %dma_start3A_1539 : memref<1x8x64xf32, #tpu.memory_space<vmem>> -> memref<8x64xf32, #tpu.memory_space<vmem>>
        %dma_start3A_1541 = arith.constant 0 : i32
        %dma_start3A_1542 = arith.constant 0 : i32
        %dma_start3A_1543 = tpu.memref_slice %arg4[%squeeze3A_1535, %dma_start3A_1541, %dma_start3A_1542] : memref<125000x8x64xf32, #tpu.memory_space<hbm>> -> memref<1x8x64xf32, #tpu.memory_space<hbm>>
        %dma_start3A_1544 = tpu.memref_squeeze %dma_start3A_1543 : memref<1x8x64xf32, #tpu.memory_space<hbm>> -> memref<8x64xf32, #tpu.memory_space<hbm>>
        %dma_start3A_1545 = arith.constant 0 : i32
        %dma_start3A_1546 = arith.constant 0 : i32
        %dma_start3A_1547 = tpu.memref_slice %arg11[%dma_start3A_1536, %dma_start3A_1545, %dma_start3A_1546] : memref<16x8x64xf32, #tpu.memory_space<vmem>> -> memref<1x8x64xf32, #tpu.memory_space<vmem>>
        %dma_start3A_1548 = tpu.memref_squeeze %dma_start3A_1547 : memref<1x8x64xf32, #tpu.memory_space<vmem>> -> memref<8x64xf32, #tpu.memory_space<vmem>>
        %dma_start3A_1549 = arith.constant 0 : i32
        %dma_start3A_1550 = arith.constant 0 : i32
        %dma_start3A_1551 = tpu.memref_slice %arg4[%squeeze3A_1535, %dma_start3A_1549, %dma_start3A_1550] : memref<125000x8x64xf32, #tpu.memory_space<hbm>> -> memref<1x8x64xf32, #tpu.memory_space<hbm>>
        %dma_start3A_1552 = tpu.memref_squeeze %dma_start3A_1551 : memref<1x8x64xf32, #tpu.memory_space<hbm>> -> memref<8x64xf32, #tpu.memory_space<hbm>>
        tpu.enqueue_dma source(%dma_start3A_1552 : memref<8x64xf32, #tpu.memory_space<hbm>>) target(%dma_start3A_1548 : memref<8x64xf32, #tpu.memory_space<vmem>>) target_semaphore(%arg17 : memref<!tpu.dma_semaphore, #tpu.memory_space<semaphore_mem>>)
        %slice3A_1553 = vector.extract_strided_slice %shift_right_arithmetic3A_1457 {offsets = [2], sizes = [1], strides = [1]} : vector<16xi32> to vector<1xi32>
        %squeeze3A_1554 = vector.extract %slice3A_1553[0] : i32 from vector<1xi32>
        %dma_start3A_1555 = arith.constant 2 : i32
        %dma_start3A_1556 = arith.constant 0 : i32
        %dma_start3A_1557 = arith.constant 0 : i32
        %dma_start3A_1558 = tpu.memref_slice %arg12[%dma_start3A_1555, %dma_start3A_1556, %dma_start3A_1557] : memref<16x8x64xf32, #tpu.memory_space<vmem>> -> memref<1x8x64xf32, #tpu.memory_space<vmem>>
        %dma_start3A_1559 = tpu.memref_squeeze %dma_start3A_1558 : memref<1x8x64xf32, #tpu.memory_space<vmem>> -> memref<8x64xf32, #tpu.memory_space<vmem>>
        %dma_start3A_1560 = arith.constant 0 : i32
        %dma_start3A_1561 = arith.constant 0 : i32
        %dma_start3A_1562 = tpu.memref_slice %arg5[%squeeze3A_1554, %dma_start3A_1560, %dma_start3A_1561] : memref<12500x8x64xf32, #tpu.memory_space<hbm>> -> memref<1x8x64xf32, #tpu.memory_space<hbm>>
        %dma_start3A_1563 = tpu.memref_squeeze %dma_start3A_1562 : memref<1x8x64xf32, #tpu.memory_space<hbm>> -> memref<8x64xf32, #tpu.memory_space<hbm>>
        %dma_start3A_1564 = arith.constant 0 : i32
        %dma_start3A_1565 = arith.constant 0 : i32
        %dma_start3A_1566 = tpu.memref_slice %arg12[%dma_start3A_1555, %dma_start3A_1564, %dma_start3A_1565] : memref<16x8x64xf32, #tpu.memory_space<vmem>> -> memref<1x8x64xf32, #tpu.memory_space<vmem>>
        %dma_start3A_1567 = tpu.memref_squeeze %dma_start3A_1566 : memref<1x8x64xf32, #tpu.memory_space<vmem>> -> memref<8x64xf32, #tpu.memory_space<vmem>>
        %dma_start3A_1568 = arith.constant 0 : i32
        %dma_start3A_1569 = arith.constant 0 : i32
        %dma_start3A_1570 = tpu.memref_slice %arg5[%squeeze3A_1554, %dma_start3A_1568, %dma_start3A_1569] : memref<12500x8x64xf32, #tpu.memory_space<hbm>> -> memref<1x8x64xf32, #tpu.memory_space<hbm>>
        %dma_start3A_1571 = tpu.memref_squeeze %dma_start3A_1570 : memref<1x8x64xf32, #tpu.memory_space<hbm>> -> memref<8x64xf32, #tpu.memory_space<hbm>>
        tpu.enqueue_dma source(%dma_start3A_1571 : memref<8x64xf32, #tpu.memory_space<hbm>>) target(%dma_start3A_1567 : memref<8x64xf32, #tpu.memory_space<vmem>>) target_semaphore(%arg18 : memref<!tpu.dma_semaphore, #tpu.memory_space<semaphore_mem>>)
        %slice3A_1572 = vector.extract_strided_slice %shift_right_arithmetic3A_1450 {offsets = [3], sizes = [1], strides = [1]} : vector<16xi32> to vector<1xi32>
        %squeeze3A_1573 = vector.extract %slice3A_1572[0] : i32 from vector<1xi32>
        %dma_start3A_1574 = arith.constant 3 : i32
        %dma_start3A_1575 = arith.constant 0 : i32
        %dma_start3A_1576 = arith.constant 0 : i32
        %dma_start3A_1577 = tpu.memref_slice %arg11[%dma_start3A_1574, %dma_start3A_1575, %dma_start3A_1576] : memref<16x8x64xf32, #tpu.memory_space<vmem>> -> memref<1x8x64xf32, #tpu.memory_space<vmem>>
        %dma_start3A_1578 = tpu.memref_squeeze %dma_start3A_1577 : memref<1x8x64xf32, #tpu.memory_space<vmem>> -> memref<8x64xf32, #tpu.memory_space<vmem>>
        %dma_start3A_1579 = arith.constant 0 : i32
        %dma_start3A_1580 = arith.constant 0 : i32
        %dma_start3A_1581 = tpu.memref_slice %arg4[%squeeze3A_1573, %dma_start3A_1579, %dma_start3A_1580] : memref<125000x8x64xf32, #tpu.memory_space<hbm>> -> memref<1x8x64xf32, #tpu.memory_space<hbm>>
        %dma_start3A_1582 = tpu.memref_squeeze %dma_start3A_1581 : memref<1x8x64xf32, #tpu.memory_space<hbm>> -> memref<8x64xf32, #tpu.memory_space<hbm>>
        %dma_start3A_1583 = arith.constant 0 : i32
        %dma_start3A_1584 = arith.constant 0 : i32
        %dma_start3A_1585 = tpu.memref_slice %arg11[%dma_start3A_1574, %dma_start3A_1583, %dma_start3A_1584] : memref<16x8x64xf32, #tpu.memory_space<vmem>> -> memref<1x8x64xf32, #tpu.memory_space<vmem>>
        %dma_start3A_1586 = tpu.memref_squeeze %dma_start3A_1585 : memref<1x8x64xf32, #tpu.memory_space<vmem>> -> memref<8x64xf32, #tpu.memory_space<vmem>>
        %dma_start3A_1587 = arith.constant 0 : i32
        %dma_start3A_1588 = arith.constant 0 : i32
        %dma_start3A_1589 = tpu.memref_slice %arg4[%squeeze3A_1573, %dma_start3A_1587, %dma_start3A_1588] : memref<125000x8x64xf32, #tpu.memory_space<hbm>> -> memref<1x8x64xf32, #tpu.memory_space<hbm>>
        %dma_start3A_1590 = tpu.memref_squeeze %dma_start3A_1589 : memref<1x8x64xf32, #tpu.memory_space<hbm>> -> memref<8x64xf32, #tpu.memory_space<hbm>>
        tpu.enqueue_dma source(%dma_start3A_1590 : memref<8x64xf32, #tpu.memory_space<hbm>>) target(%dma_start3A_1586 : memref<8x64xf32, #tpu.memory_space<vmem>>) target_semaphore(%arg17 : memref<!tpu.dma_semaphore, #tpu.memory_space<semaphore_mem>>)
        %slice3A_1591 = vector.extract_strided_slice %shift_right_arithmetic3A_1457 {offsets = [3], sizes = [1], strides = [1]} : vector<16xi32> to vector<1xi32>
        %squeeze3A_1592 = vector.extract %slice3A_1591[0] : i32 from vector<1xi32>
        %dma_start3A_1593 = arith.constant 3 : i32
        %dma_start3A_1594 = arith.constant 0 : i32
        %dma_start3A_1595 = arith.constant 0 : i32
        %dma_start3A_1596 = tpu.memref_slice %arg12[%dma_start3A_1593, %dma_start3A_1594, %dma_start3A_1595] : memref<16x8x64xf32, #tpu.memory_space<vmem>> -> memref<1x8x64xf32, #tpu.memory_space<vmem>>
        %dma_start3A_1597 = tpu.memref_squeeze %dma_start3A_1596 : memref<1x8x64xf32, #tpu.memory_space<vmem>> -> memref<8x64xf32, #tpu.memory_space<vmem>>
        %dma_start3A_1598 = arith.constant 0 : i32
        %dma_start3A_1599 = arith.constant 0 : i32
        %dma_start3A_1600 = tpu.memref_slice %arg5[%squeeze3A_1592, %dma_start3A_1598, %dma_start3A_1599] : memref<12500x8x64xf32, #tpu.memory_space<hbm>> -> memref<1x8x64xf32, #tpu.memory_space<hbm>>
        %dma_start3A_1601 = tpu.memref_squeeze %dma_start3A_1600 : memref<1x8x64xf32, #tpu.memory_space<hbm>> -> memref<8x64xf32, #tpu.memory_space<hbm>>
        %dma_start3A_1602 = arith.constant 0 : i32
        %dma_start3A_1603 = arith.constant 0 : i32
        %dma_start3A_1604 = tpu.memref_slice %arg12[%dma_start3A_1593, %dma_start3A_1602, %dma_start3A_1603] : memref<16x8x64xf32, #tpu.memory_space<vmem>> -> memref<1x8x64xf32, #tpu.memory_space<vmem>>
        %dma_start3A_1605 = tpu.memref_squeeze %dma_start3A_1604 : memref<1x8x64xf32, #tpu.memory_space<vmem>> -> memref<8x64xf32, #tpu.memory_space<vmem>>
        %dma_start3A_1606 = arith.constant 0 : i32
        %dma_start3A_1607 = arith.constant 0 : i32
        %dma_start3A_1608 = tpu.memref_slice %arg5[%squeeze3A_1592, %dma_start3A_1606, %dma_start3A_1607] : memref<12500x8x64xf32, #tpu.memory_space<hbm>> -> memref<1x8x64xf32, #tpu.memory_space<hbm>>
        %dma_start3A_1609 = tpu.memref_squeeze %dma_start3A_1608 : memref<1x8x64xf32, #tpu.memory_space<hbm>> -> memref<8x64xf32, #tpu.memory_space<hbm>>
        tpu.enqueue_dma source(%dma_start3A_1609 : memref<8x64xf32, #tpu.memory_space<hbm>>) target(%dma_start3A_1605 : memref<8x64xf32, #tpu.memory_space<vmem>>) target_semaphore(%arg18 : memref<!tpu.dma_semaphore, #tpu.memory_space<semaphore_mem>>)
        %slice3A_1610 = vector.extract_strided_slice %shift_right_arithmetic3A_1450 {offsets = [4], sizes = [1], strides = [1]} : vector<16xi32> to vector<1xi32>
        %squeeze3A_1611 = vector.extract %slice3A_1610[0] : i32 from vector<1xi32>
        %dma_start3A_1612 = arith.constant 4 : i32
        %dma_start3A_1613 = arith.constant 0 : i32
        %dma_start3A_1614 = arith.constant 0 : i32
        %dma_start3A_1615 = tpu.memref_slice %arg11[%dma_start3A_1612, %dma_start3A_1613, %dma_start3A_1614] : memref<16x8x64xf32, #tpu.memory_space<vmem>> -> memref<1x8x64xf32, #tpu.memory_space<vmem>>
        %dma_start3A_1616 = tpu.memref_squeeze %dma_start3A_1615 : memref<1x8x64xf32, #tpu.memory_space<vmem>> -> memref<8x64xf32, #tpu.memory_space<vmem>>
        %dma_start3A_1617 = arith.constant 0 : i32
        %dma_start3A_1618 = arith.constant 0 : i32
        %dma_start3A_1619 = tpu.memref_slice %arg4[%squeeze3A_1611, %dma_start3A_1617, %dma_start3A_1618] : memref<125000x8x64xf32, #tpu.memory_space<hbm>> -> memref<1x8x64xf32, #tpu.memory_space<hbm>>
        %dma_start3A_1620 = tpu.memref_squeeze %dma_start3A_1619 : memref<1x8x64xf32, #tpu.memory_space<hbm>> -> memref<8x64xf32, #tpu.memory_space<hbm>>
        %dma_start3A_1621 = arith.constant 0 : i32
        %dma_start3A_1622 = arith.constant 0 : i32
        %dma_start3A_1623 = tpu.memref_slice %arg11[%dma_start3A_1612, %dma_start3A_1621, %dma_start3A_1622] : memref<16x8x64xf32, #tpu.memory_space<vmem>> -> memref<1x8x64xf32, #tpu.memory_space<vmem>>
        %dma_start3A_1624 = tpu.memref_squeeze %dma_start3A_1623 : memref<1x8x64xf32, #tpu.memory_space<vmem>> -> memref<8x64xf32, #tpu.memory_space<vmem>>
        %dma_start3A_1625 = arith.constant 0 : i32
        %dma_start3A_1626 = arith.constant 0 : i32
        %dma_start3A_1627 = tpu.memref_slice %arg4[%squeeze3A_1611, %dma_start3A_1625, %dma_start3A_1626] : memref<125000x8x64xf32, #tpu.memory_space<hbm>> -> memref<1x8x64xf32, #tpu.memory_space<hbm>>
        %dma_start3A_1628 = tpu.memref_squeeze %dma_start3A_1627 : memref<1x8x64xf32, #tpu.memory_space<hbm>> -> memref<8x64xf32, #tpu.memory_space<hbm>>
        tpu.enqueue_dma source(%dma_start3A_1628 : memref<8x64xf32, #tpu.memory_space<hbm>>) target(%dma_start3A_1624 : memref<8x64xf32, #tpu.memory_space<vmem>>) target_semaphore(%arg17 : memref<!tpu.dma_semaphore, #tpu.memory_space<semaphore_mem>>)
        %slice3A_1629 = vector.extract_strided_slice %shift_right_arithmetic3A_1457 {offsets = [4], sizes = [1], strides = [1]} : vector<16xi32> to vector<1xi32>
        %squeeze3A_1630 = vector.extract %slice3A_1629[0] : i32 from vector<1xi32>
        %dma_start3A_1631 = arith.constant 4 : i32
        %dma_start3A_1632 = arith.constant 0 : i32
        %dma_start3A_1633 = arith.constant 0 : i32
        %dma_start3A_1634 = tpu.memref_slice %arg12[%dma_start3A_1631, %dma_start3A_1632, %dma_start3A_1633] : memref<16x8x64xf32, #tpu.memory_space<vmem>> -> memref<1x8x64xf32, #tpu.memory_space<vmem>>
        %dma_start3A_1635 = tpu.memref_squeeze %dma_start3A_1634 : memref<1x8x64xf32, #tpu.memory_space<vmem>> -> memref<8x64xf32, #tpu.memory_space<vmem>>
        %dma_start3A_1636 = arith.constant 0 : i32
        %dma_start3A_1637 = arith.constant 0 : i32
        %dma_start3A_1638 = tpu.memref_slice %arg5[%squeeze3A_1630, %dma_start3A_1636, %dma_start3A_1637] : memref<12500x8x64xf32, #tpu.memory_space<hbm>> -> memref<1x8x64xf32, #tpu.memory_space<hbm>>
        %dma_start3A_1639 = tpu.memref_squeeze %dma_start3A_1638 : memref<1x8x64xf32, #tpu.memory_space<hbm>> -> memref<8x64xf32, #tpu.memory_space<hbm>>
        %dma_start3A_1640 = arith.constant 0 : i32
        %dma_start3A_1641 = arith.constant 0 : i32
        %dma_start3A_1642 = tpu.memref_slice %arg12[%dma_start3A_1631, %dma_start3A_1640, %dma_start3A_1641] : memref<16x8x64xf32, #tpu.memory_space<vmem>> -> memref<1x8x64xf32, #tpu.memory_space<vmem>>
        %dma_start3A_1643 = tpu.memref_squeeze %dma_start3A_1642 : memref<1x8x64xf32, #tpu.memory_space<vmem>> -> memref<8x64xf32, #tpu.memory_space<vmem>>
        %dma_start3A_1644 = arith.constant 0 : i32
        %dma_start3A_1645 = arith.constant 0 : i32
        %dma_start3A_1646 = tpu.memref_slice %arg5[%squeeze3A_1630, %dma_start3A_1644, %dma_start3A_1645] : memref<12500x8x64xf32, #tpu.memory_space<hbm>> -> memref<1x8x64xf32, #tpu.memory_space<hbm>>
        %dma_start3A_1647 = tpu.memref_squeeze %dma_start3A_1646 : memref<1x8x64xf32, #tpu.memory_space<hbm>> -> memref<8x64xf32, #tpu.memory_space<hbm>>
        tpu.enqueue_dma source(%dma_start3A_1647 : memref<8x64xf32, #tpu.memory_space<hbm>>) target(%dma_start3A_1643 : memref<8x64xf32, #tpu.memory_space<vmem>>) target_semaphore(%arg18 : memref<!tpu.dma_semaphore, #tpu.memory_space<semaphore_mem>>)
        %slice3A_1648 = vector.extract_strided_slice %shift_right_arithmetic3A_1450 {offsets = [5], sizes = [1], strides = [1]} : vector<16xi32> to vector<1xi32>
        %squeeze3A_1649 = vector.extract %slice3A_1648[0] : i32 from vector<1xi32>
        %dma_start3A_1650 = arith.constant 5 : i32
        %dma_start3A_1651 = arith.constant 0 : i32
        %dma_start3A_1652 = arith.constant 0 : i32
        %dma_start3A_1653 = tpu.memref_slice %arg11[%dma_start3A_1650, %dma_start3A_1651, %dma_start3A_1652] : memref<16x8x64xf32, #tpu.memory_space<vmem>> -> memref<1x8x64xf32, #tpu.memory_space<vmem>>
        %dma_start3A_1654 = tpu.memref_squeeze %dma_start3A_1653 : memref<1x8x64xf32, #tpu.memory_space<vmem>> -> memref<8x64xf32, #tpu.memory_space<vmem>>
        %dma_start3A_1655 = arith.constant 0 : i32
        %dma_start3A_1656 = arith.constant 0 : i32
        %dma_start3A_1657 = tpu.memref_slice %arg4[%squeeze3A_1649, %dma_start3A_1655, %dma_start3A_1656] : memref<125000x8x64xf32, #tpu.memory_space<hbm>> -> memref<1x8x64xf32, #tpu.memory_space<hbm>>
        %dma_start3A_1658 = tpu.memref_squeeze %dma_start3A_1657 : memref<1x8x64xf32, #tpu.memory_space<hbm>> -> memref<8x64xf32, #tpu.memory_space<hbm>>
        %dma_start3A_1659 = arith.constant 0 : i32
        %dma_start3A_1660 = arith.constant 0 : i32
        %dma_start3A_1661 = tpu.memref_slice %arg11[%dma_start3A_1650, %dma_start3A_1659, %dma_start3A_1660] : memref<16x8x64xf32, #tpu.memory_space<vmem>> -> memref<1x8x64xf32, #tpu.memory_space<vmem>>
        %dma_start3A_1662 = tpu.memref_squeeze %dma_start3A_1661 : memref<1x8x64xf32, #tpu.memory_space<vmem>> -> memref<8x64xf32, #tpu.memory_space<vmem>>
        %dma_start3A_1663 = arith.constant 0 : i32
        %dma_start3A_1664 = arith.constant 0 : i32
        %dma_start3A_1665 = tpu.memref_slice %arg4[%squeeze3A_1649, %dma_start3A_1663, %dma_start3A_1664] : memref<125000x8x64xf32, #tpu.memory_space<hbm>> -> memref<1x8x64xf32, #tpu.memory_space<hbm>>
        %dma_start3A_1666 = tpu.memref_squeeze %dma_start3A_1665 : memref<1x8x64xf32, #tpu.memory_space<hbm>> -> memref<8x64xf32, #tpu.memory_space<hbm>>
        tpu.enqueue_dma source(%dma_start3A_1666 : memref<8x64xf32, #tpu.memory_space<hbm>>) target(%dma_start3A_1662 : memref<8x64xf32, #tpu.memory_space<vmem>>) target_semaphore(%arg17 : memref<!tpu.dma_semaphore, #tpu.memory_space<semaphore_mem>>)
        %slice3A_1667 = vector.extract_strided_slice %shift_right_arithmetic3A_1457 {offsets = [5], sizes = [1], strides = [1]} : vector<16xi32> to vector<1xi32>
        %squeeze3A_1668 = vector.extract %slice3A_1667[0] : i32 from vector<1xi32>
        %dma_start3A_1669 = arith.constant 5 : i32
        %dma_start3A_1670 = arith.constant 0 : i32
        %dma_start3A_1671 = arith.constant 0 : i32
        %dma_start3A_1672 = tpu.memref_slice %arg12[%dma_start3A_1669, %dma_start3A_1670, %dma_start3A_1671] : memref<16x8x64xf32, #tpu.memory_space<vmem>> -> memref<1x8x64xf32, #tpu.memory_space<vmem>>
        %dma_start3A_1673 = tpu.memref_squeeze %dma_start3A_1672 : memref<1x8x64xf32, #tpu.memory_space<vmem>> -> memref<8x64xf32, #tpu.memory_space<vmem>>
        %dma_start3A_1674 = arith.constant 0 : i32
        %dma_start3A_1675 = arith.constant 0 : i32
        %dma_start3A_1676 = tpu.memref_slice %arg5[%squeeze3A_1668, %dma_start3A_1674, %dma_start3A_1675] : memref<12500x8x64xf32, #tpu.memory_space<hbm>> -> memref<1x8x64xf32, #tpu.memory_space<hbm>>
        %dma_start3A_1677 = tpu.memref_squeeze %dma_start3A_1676 : memref<1x8x64xf32, #tpu.memory_space<hbm>> -> memref<8x64xf32, #tpu.memory_space<hbm>>
        %dma_start3A_1678 = arith.constant 0 : i32
        %dma_start3A_1679 = arith.constant 0 : i32
        %dma_start3A_1680 = tpu.memref_slice %arg12[%dma_start3A_1669, %dma_start3A_1678, %dma_start3A_1679] : memref<16x8x64xf32, #tpu.memory_space<vmem>> -> memref<1x8x64xf32, #tpu.memory_space<vmem>>
        %dma_start3A_1681 = tpu.memref_squeeze %dma_start3A_1680 : memref<1x8x64xf32, #tpu.memory_space<vmem>> -> memref<8x64xf32, #tpu.memory_space<vmem>>
        %dma_start3A_1682 = arith.constant 0 : i32
        %dma_start3A_1683 = arith.constant 0 : i32
        %dma_start3A_1684 = tpu.memref_slice %arg5[%squeeze3A_1668, %dma_start3A_1682, %dma_start3A_1683] : memref<12500x8x64xf32, #tpu.memory_space<hbm>> -> memref<1x8x64xf32, #tpu.memory_space<hbm>>
        %dma_start3A_1685 = tpu.memref_squeeze %dma_start3A_1684 : memref<1x8x64xf32, #tpu.memory_space<hbm>> -> memref<8x64xf32, #tpu.memory_space<hbm>>
        tpu.enqueue_dma source(%dma_start3A_1685 : memref<8x64xf32, #tpu.memory_space<hbm>>) target(%dma_start3A_1681 : memref<8x64xf32, #tpu.memory_space<vmem>>) target_semaphore(%arg18 : memref<!tpu.dma_semaphore, #tpu.memory_space<semaphore_mem>>)
        %slice3A_1686 = vector.extract_strided_slice %shift_right_arithmetic3A_1450 {offsets = [6], sizes = [1], strides = [1]} : vector<16xi32> to vector<1xi32>
        %squeeze3A_1687 = vector.extract %slice3A_1686[0] : i32 from vector<1xi32>
        %dma_start3A_1688 = arith.constant 6 : i32
        %dma_start3A_1689 = arith.constant 0 : i32
        %dma_start3A_1690 = arith.constant 0 : i32
        %dma_start3A_1691 = tpu.memref_slice %arg11[%dma_start3A_1688, %dma_start3A_1689, %dma_start3A_1690] : memref<16x8x64xf32, #tpu.memory_space<vmem>> -> memref<1x8x64xf32, #tpu.memory_space<vmem>>
        %dma_start3A_1692 = tpu.memref_squeeze %dma_start3A_1691 : memref<1x8x64xf32, #tpu.memory_space<vmem>> -> memref<8x64xf32, #tpu.memory_space<vmem>>
        %dma_start3A_1693 = arith.constant 0 : i32
        %dma_start3A_1694 = arith.constant 0 : i32
        %dma_start3A_1695 = tpu.memref_slice %arg4[%squeeze3A_1687, %dma_start3A_1693, %dma_start3A_1694] : memref<125000x8x64xf32, #tpu.memory_space<hbm>> -> memref<1x8x64xf32, #tpu.memory_space<hbm>>
        %dma_start3A_1696 = tpu.memref_squeeze %dma_start3A_1695 : memref<1x8x64xf32, #tpu.memory_space<hbm>> -> memref<8x64xf32, #tpu.memory_space<hbm>>
        %dma_start3A_1697 = arith.constant 0 : i32
        %dma_start3A_1698 = arith.constant 0 : i32
        %dma_start3A_1699 = tpu.memref_slice %arg11[%dma_start3A_1688, %dma_start3A_1697, %dma_start3A_1698] : memref<16x8x64xf32, #tpu.memory_space<vmem>> -> memref<1x8x64xf32, #tpu.memory_space<vmem>>
        %dma_start3A_1700 = tpu.memref_squeeze %dma_start3A_1699 : memref<1x8x64xf32, #tpu.memory_space<vmem>> -> memref<8x64xf32, #tpu.memory_space<vmem>>
        %dma_start3A_1701 = arith.constant 0 : i32
        %dma_start3A_1702 = arith.constant 0 : i32
        %dma_start3A_1703 = tpu.memref_slice %arg4[%squeeze3A_1687, %dma_start3A_1701, %dma_start3A_1702] : memref<125000x8x64xf32, #tpu.memory_space<hbm>> -> memref<1x8x64xf32, #tpu.memory_space<hbm>>
        %dma_start3A_1704 = tpu.memref_squeeze %dma_start3A_1703 : memref<1x8x64xf32, #tpu.memory_space<hbm>> -> memref<8x64xf32, #tpu.memory_space<hbm>>
        tpu.enqueue_dma source(%dma_start3A_1704 : memref<8x64xf32, #tpu.memory_space<hbm>>) target(%dma_start3A_1700 : memref<8x64xf32, #tpu.memory_space<vmem>>) target_semaphore(%arg17 : memref<!tpu.dma_semaphore, #tpu.memory_space<semaphore_mem>>)
        %slice3A_1705 = vector.extract_strided_slice %shift_right_arithmetic3A_1457 {offsets = [6], sizes = [1], strides = [1]} : vector<16xi32> to vector<1xi32>
        %squeeze3A_1706 = vector.extract %slice3A_1705[0] : i32 from vector<1xi32>
        %dma_start3A_1707 = arith.constant 6 : i32
        %dma_start3A_1708 = arith.constant 0 : i32
        %dma_start3A_1709 = arith.constant 0 : i32
        %dma_start3A_1710 = tpu.memref_slice %arg12[%dma_start3A_1707, %dma_start3A_1708, %dma_start3A_1709] : memref<16x8x64xf32, #tpu.memory_space<vmem>> -> memref<1x8x64xf32, #tpu.memory_space<vmem>>
        %dma_start3A_1711 = tpu.memref_squeeze %dma_start3A_1710 : memref<1x8x64xf32, #tpu.memory_space<vmem>> -> memref<8x64xf32, #tpu.memory_space<vmem>>
        %dma_start3A_1712 = arith.constant 0 : i32
        %dma_start3A_1713 = arith.constant 0 : i32
        %dma_start3A_1714 = tpu.memref_slice %arg5[%squeeze3A_1706, %dma_start3A_1712, %dma_start3A_1713] : memref<12500x8x64xf32, #tpu.memory_space<hbm>> -> memref<1x8x64xf32, #tpu.memory_space<hbm>>
        %dma_start3A_1715 = tpu.memref_squeeze %dma_start3A_1714 : memref<1x8x64xf32, #tpu.memory_space<hbm>> -> memref<8x64xf32, #tpu.memory_space<hbm>>
        %dma_start3A_1716 = arith.constant 0 : i32
        %dma_start3A_1717 = arith.constant 0 : i32
        %dma_start3A_1718 = tpu.memref_slice %arg12[%dma_start3A_1707, %dma_start3A_1716, %dma_start3A_1717] : memref<16x8x64xf32, #tpu.memory_space<vmem>> -> memref<1x8x64xf32, #tpu.memory_space<vmem>>
        %dma_start3A_1719 = tpu.memref_squeeze %dma_start3A_1718 : memref<1x8x64xf32, #tpu.memory_space<vmem>> -> memref<8x64xf32, #tpu.memory_space<vmem>>
        %dma_start3A_1720 = arith.constant 0 : i32
        %dma_start3A_1721 = arith.constant 0 : i32
        %dma_start3A_1722 = tpu.memref_slice %arg5[%squeeze3A_1706, %dma_start3A_1720, %dma_start3A_1721] : memref<12500x8x64xf32, #tpu.memory_space<hbm>> -> memref<1x8x64xf32, #tpu.memory_space<hbm>>
        %dma_start3A_1723 = tpu.memref_squeeze %dma_start3A_1722 : memref<1x8x64xf32, #tpu.memory_space<hbm>> -> memref<8x64xf32, #tpu.memory_space<hbm>>
        tpu.enqueue_dma source(%dma_start3A_1723 : memref<8x64xf32, #tpu.memory_space<hbm>>) target(%dma_start3A_1719 : memref<8x64xf32, #tpu.memory_space<vmem>>) target_semaphore(%arg18 : memref<!tpu.dma_semaphore, #tpu.memory_space<semaphore_mem>>)
        %slice3A_1724 = vector.extract_strided_slice %shift_right_arithmetic3A_1450 {offsets = [7], sizes = [1], strides = [1]} : vector<16xi32> to vector<1xi32>
        %squeeze3A_1725 = vector.extract %slice3A_1724[0] : i32 from vector<1xi32>
        %dma_start3A_1726 = arith.constant 7 : i32
        %dma_start3A_1727 = arith.constant 0 : i32
        %dma_start3A_1728 = arith.constant 0 : i32
        %dma_start3A_1729 = tpu.memref_slice %arg11[%dma_start3A_1726, %dma_start3A_1727, %dma_start3A_1728] : memref<16x8x64xf32, #tpu.memory_space<vmem>> -> memref<1x8x64xf32, #tpu.memory_space<vmem>>
        %dma_start3A_1730 = tpu.memref_squeeze %dma_start3A_1729 : memref<1x8x64xf32, #tpu.memory_space<vmem>> -> memref<8x64xf32, #tpu.memory_space<vmem>>
        %dma_start3A_1731 = arith.constant 0 : i32
        %dma_start3A_1732 = arith.constant 0 : i32
        %dma_start3A_1733 = tpu.memref_slice %arg4[%squeeze3A_1725, %dma_start3A_1731, %dma_start3A_1732] : memref<125000x8x64xf32, #tpu.memory_space<hbm>> -> memref<1x8x64xf32, #tpu.memory_space<hbm>>
        %dma_start3A_1734 = tpu.memref_squeeze %dma_start3A_1733 : memref<1x8x64xf32, #tpu.memory_space<hbm>> -> memref<8x64xf32, #tpu.memory_space<hbm>>
        %dma_start3A_1735 = arith.constant 0 : i32
        %dma_start3A_1736 = arith.constant 0 : i32
        %dma_start3A_1737 = tpu.memref_slice %arg11[%dma_start3A_1726, %dma_start3A_1735, %dma_start3A_1736] : memref<16x8x64xf32, #tpu.memory_space<vmem>> -> memref<1x8x64xf32, #tpu.memory_space<vmem>>
        %dma_start3A_1738 = tpu.memref_squeeze %dma_start3A_1737 : memref<1x8x64xf32, #tpu.memory_space<vmem>> -> memref<8x64xf32, #tpu.memory_space<vmem>>
        %dma_start3A_1739 = arith.constant 0 : i32
        %dma_start3A_1740 = arith.constant 0 : i32
        %dma_start3A_1741 = tpu.memref_slice %arg4[%squeeze3A_1725, %dma_start3A_1739, %dma_start3A_1740] : memref<125000x8x64xf32, #tpu.memory_space<hbm>> -> memref<1x8x64xf32, #tpu.memory_space<hbm>>
        %dma_start3A_1742 = tpu.memref_squeeze %dma_start3A_1741 : memref<1x8x64xf32, #tpu.memory_space<hbm>> -> memref<8x64xf32, #tpu.memory_space<hbm>>
        tpu.enqueue_dma source(%dma_start3A_1742 : memref<8x64xf32, #tpu.memory_space<hbm>>) target(%dma_start3A_1738 : memref<8x64xf32, #tpu.memory_space<vmem>>) target_semaphore(%arg17 : memref<!tpu.dma_semaphore, #tpu.memory_space<semaphore_mem>>)
        %slice3A_1743 = vector.extract_strided_slice %shift_right_arithmetic3A_1457 {offsets = [7], sizes = [1], strides = [1]} : vector<16xi32> to vector<1xi32>
        %squeeze3A_1744 = vector.extract %slice3A_1743[0] : i32 from vector<1xi32>
        %dma_start3A_1745 = arith.constant 7 : i32
        %dma_start3A_1746 = arith.constant 0 : i32
        %dma_start3A_1747 = arith.constant 0 : i32
        %dma_start3A_1748 = tpu.memref_slice %arg12[%dma_start3A_1745, %dma_start3A_1746, %dma_start3A_1747] : memref<16x8x64xf32, #tpu.memory_space<vmem>> -> memref<1x8x64xf32, #tpu.memory_space<vmem>>
        %dma_start3A_1749 = tpu.memref_squeeze %dma_start3A_1748 : memref<1x8x64xf32, #tpu.memory_space<vmem>> -> memref<8x64xf32, #tpu.memory_space<vmem>>
        %dma_start3A_1750 = arith.constant 0 : i32
        %dma_start3A_1751 = arith.constant 0 : i32
        %dma_start3A_1752 = tpu.memref_slice %arg5[%squeeze3A_1744, %dma_start3A_1750, %dma_start3A_1751] : memref<12500x8x64xf32, #tpu.memory_space<hbm>> -> memref<1x8x64xf32, #tpu.memory_space<hbm>>
        %dma_start3A_1753 = tpu.memref_squeeze %dma_start3A_1752 : memref<1x8x64xf32, #tpu.memory_space<hbm>> -> memref<8x64xf32, #tpu.memory_space<hbm>>
        %dma_start3A_1754 = arith.constant 0 : i32
        %dma_start3A_1755 = arith.constant 0 : i32
        %dma_start3A_1756 = tpu.memref_slice %arg12[%dma_start3A_1745, %dma_start3A_1754, %dma_start3A_1755] : memref<16x8x64xf32, #tpu.memory_space<vmem>> -> memref<1x8x64xf32, #tpu.memory_space<vmem>>
        %dma_start3A_1757 = tpu.memref_squeeze %dma_start3A_1756 : memref<1x8x64xf32, #tpu.memory_space<vmem>> -> memref<8x64xf32, #tpu.memory_space<vmem>>
        %dma_start3A_1758 = arith.constant 0 : i32
        %dma_start3A_1759 = arith.constant 0 : i32
        %dma_start3A_1760 = tpu.memref_slice %arg5[%squeeze3A_1744, %dma_start3A_1758, %dma_start3A_1759] : memref<12500x8x64xf32, #tpu.memory_space<hbm>> -> memref<1x8x64xf32, #tpu.memory_space<hbm>>
        %dma_start3A_1761 = tpu.memref_squeeze %dma_start3A_1760 : memref<1x8x64xf32, #tpu.memory_space<hbm>> -> memref<8x64xf32, #tpu.memory_space<hbm>>
        tpu.enqueue_dma source(%dma_start3A_1761 : memref<8x64xf32, #tpu.memory_space<hbm>>) target(%dma_start3A_1757 : memref<8x64xf32, #tpu.memory_space<vmem>>) target_semaphore(%arg18 : memref<!tpu.dma_semaphore, #tpu.memory_space<semaphore_mem>>)
        %slice3A_1762 = vector.extract_strided_slice %shift_right_arithmetic3A_1450 {offsets = [8], sizes = [1], strides = [1]} : vector<16xi32> to vector<1xi32>
        %squeeze3A_1763 = vector.extract %slice3A_1762[0] : i32 from vector<1xi32>
        %dma_start3A_1764 = arith.constant 8 : i32
        %dma_start3A_1765 = arith.constant 0 : i32
        %dma_start3A_1766 = arith.constant 0 : i32
        %dma_start3A_1767 = tpu.memref_slice %arg11[%dma_start3A_1764, %dma_start3A_1765, %dma_start3A_1766] : memref<16x8x64xf32, #tpu.memory_space<vmem>> -> memref<1x8x64xf32, #tpu.memory_space<vmem>>
        %dma_start3A_1768 = tpu.memref_squeeze %dma_start3A_1767 : memref<1x8x64xf32, #tpu.memory_space<vmem>> -> memref<8x64xf32, #tpu.memory_space<vmem>>
        %dma_start3A_1769 = arith.constant 0 : i32
        %dma_start3A_1770 = arith.constant 0 : i32
        %dma_start3A_1771 = tpu.memref_slice %arg4[%squeeze3A_1763, %dma_start3A_1769, %dma_start3A_1770] : memref<125000x8x64xf32, #tpu.memory_space<hbm>> -> memref<1x8x64xf32, #tpu.memory_space<hbm>>
        %dma_start3A_1772 = tpu.memref_squeeze %dma_start3A_1771 : memref<1x8x64xf32, #tpu.memory_space<hbm>> -> memref<8x64xf32, #tpu.memory_space<hbm>>
        %dma_start3A_1773 = arith.constant 0 : i32
        %dma_start3A_1774 = arith.constant 0 : i32
        %dma_start3A_1775 = tpu.memref_slice %arg11[%dma_start3A_1764, %dma_start3A_1773, %dma_start3A_1774] : memref<16x8x64xf32, #tpu.memory_space<vmem>> -> memref<1x8x64xf32, #tpu.memory_space<vmem>>
        %dma_start3A_1776 = tpu.memref_squeeze %dma_start3A_1775 : memref<1x8x64xf32, #tpu.memory_space<vmem>> -> memref<8x64xf32, #tpu.memory_space<vmem>>
        %dma_start3A_1777 = arith.constant 0 : i32
        %dma_start3A_1778 = arith.constant 0 : i32
        %dma_start3A_1779 = tpu.memref_slice %arg4[%squeeze3A_1763, %dma_start3A_1777, %dma_start3A_1778] : memref<125000x8x64xf32, #tpu.memory_space<hbm>> -> memref<1x8x64xf32, #tpu.memory_space<hbm>>
        %dma_start3A_1780 = tpu.memref_squeeze %dma_start3A_1779 : memref<1x8x64xf32, #tpu.memory_space<hbm>> -> memref<8x64xf32, #tpu.memory_space<hbm>>
        tpu.enqueue_dma source(%dma_start3A_1780 : memref<8x64xf32, #tpu.memory_space<hbm>>) target(%dma_start3A_1776 : memref<8x64xf32, #tpu.memory_space<vmem>>) target_semaphore(%arg17 : memref<!tpu.dma_semaphore, #tpu.memory_space<semaphore_mem>>)
        %slice3A_1781 = vector.extract_strided_slice %shift_right_arithmetic3A_1457 {offsets = [8], sizes = [1], strides = [1]} : vector<16xi32> to vector<1xi32>
        %squeeze3A_1782 = vector.extract %slice3A_1781[0] : i32 from vector<1xi32>
        %dma_start3A_1783 = arith.constant 8 : i32
        %dma_start3A_1784 = arith.constant 0 : i32
        %dma_start3A_1785 = arith.constant 0 : i32
        %dma_start3A_1786 = tpu.memref_slice %arg12[%dma_start3A_1783, %dma_start3A_1784, %dma_start3A_1785] : memref<16x8x64xf32, #tpu.memory_space<vmem>> -> memref<1x8x64xf32, #tpu.memory_space<vmem>>
        %dma_start3A_1787 = tpu.memref_squeeze %dma_start3A_1786 : memref<1x8x64xf32, #tpu.memory_space<vmem>> -> memref<8x64xf32, #tpu.memory_space<vmem>>
        %dma_start3A_1788 = arith.constant 0 : i32
        %dma_start3A_1789 = arith.constant 0 : i32
        %dma_start3A_1790 = tpu.memref_slice %arg5[%squeeze3A_1782, %dma_start3A_1788, %dma_start3A_1789] : memref<12500x8x64xf32, #tpu.memory_space<hbm>> -> memref<1x8x64xf32, #tpu.memory_space<hbm>>
        %dma_start3A_1791 = tpu.memref_squeeze %dma_start3A_1790 : memref<1x8x64xf32, #tpu.memory_space<hbm>> -> memref<8x64xf32, #tpu.memory_space<hbm>>
        %dma_start3A_1792 = arith.constant 0 : i32
        %dma_start3A_1793 = arith.constant 0 : i32
        %dma_start3A_1794 = tpu.memref_slice %arg12[%dma_start3A_1783, %dma_start3A_1792, %dma_start3A_1793] : memref<16x8x64xf32, #tpu.memory_space<vmem>> -> memref<1x8x64xf32, #tpu.memory_space<vmem>>
        %dma_start3A_1795 = tpu.memref_squeeze %dma_start3A_1794 : memref<1x8x64xf32, #tpu.memory_space<vmem>> -> memref<8x64xf32, #tpu.memory_space<vmem>>
        %dma_start3A_1796 = arith.constant 0 : i32
        %dma_start3A_1797 = arith.constant 0 : i32
        %dma_start3A_1798 = tpu.memref_slice %arg5[%squeeze3A_1782, %dma_start3A_1796, %dma_start3A_1797] : memref<12500x8x64xf32, #tpu.memory_space<hbm>> -> memref<1x8x64xf32, #tpu.memory_space<hbm>>
        %dma_start3A_1799 = tpu.memref_squeeze %dma_start3A_1798 : memref<1x8x64xf32, #tpu.memory_space<hbm>> -> memref<8x64xf32, #tpu.memory_space<hbm>>
        tpu.enqueue_dma source(%dma_start3A_1799 : memref<8x64xf32, #tpu.memory_space<hbm>>) target(%dma_start3A_1795 : memref<8x64xf32, #tpu.memory_space<vmem>>) target_semaphore(%arg18 : memref<!tpu.dma_semaphore, #tpu.memory_space<semaphore_mem>>)
        %slice3A_1800 = vector.extract_strided_slice %shift_right_arithmetic3A_1450 {offsets = [9], sizes = [1], strides = [1]} : vector<16xi32> to vector<1xi32>
        %squeeze3A_1801 = vector.extract %slice3A_1800[0] : i32 from vector<1xi32>
        %dma_start3A_1802 = arith.constant 9 : i32
        %dma_start3A_1803 = arith.constant 0 : i32
        %dma_start3A_1804 = arith.constant 0 : i32
        %dma_start3A_1805 = tpu.memref_slice %arg11[%dma_start3A_1802, %dma_start3A_1803, %dma_start3A_1804] : memref<16x8x64xf32, #tpu.memory_space<vmem>> -> memref<1x8x64xf32, #tpu.memory_space<vmem>>
        %dma_start3A_1806 = tpu.memref_squeeze %dma_start3A_1805 : memref<1x8x64xf32, #tpu.memory_space<vmem>> -> memref<8x64xf32, #tpu.memory_space<vmem>>
        %dma_start3A_1807 = arith.constant 0 : i32
        %dma_start3A_1808 = arith.constant 0 : i32
        %dma_start3A_1809 = tpu.memref_slice %arg4[%squeeze3A_1801, %dma_start3A_1807, %dma_start3A_1808] : memref<125000x8x64xf32, #tpu.memory_space<hbm>> -> memref<1x8x64xf32, #tpu.memory_space<hbm>>
        %dma_start3A_1810 = tpu.memref_squeeze %dma_start3A_1809 : memref<1x8x64xf32, #tpu.memory_space<hbm>> -> memref<8x64xf32, #tpu.memory_space<hbm>>
        %dma_start3A_1811 = arith.constant 0 : i32
        %dma_start3A_1812 = arith.constant 0 : i32
        %dma_start3A_1813 = tpu.memref_slice %arg11[%dma_start3A_1802, %dma_start3A_1811, %dma_start3A_1812] : memref<16x8x64xf32, #tpu.memory_space<vmem>> -> memref<1x8x64xf32, #tpu.memory_space<vmem>>
        %dma_start3A_1814 = tpu.memref_squeeze %dma_start3A_1813 : memref<1x8x64xf32, #tpu.memory_space<vmem>> -> memref<8x64xf32, #tpu.memory_space<vmem>>
        %dma_start3A_1815 = arith.constant 0 : i32
        %dma_start3A_1816 = arith.constant 0 : i32
        %dma_start3A_1817 = tpu.memref_slice %arg4[%squeeze3A_1801, %dma_start3A_1815, %dma_start3A_1816] : memref<125000x8x64xf32, #tpu.memory_space<hbm>> -> memref<1x8x64xf32, #tpu.memory_space<hbm>>
        %dma_start3A_1818 = tpu.memref_squeeze %dma_start3A_1817 : memref<1x8x64xf32, #tpu.memory_space<hbm>> -> memref<8x64xf32, #tpu.memory_space<hbm>>
        tpu.enqueue_dma source(%dma_start3A_1818 : memref<8x64xf32, #tpu.memory_space<hbm>>) target(%dma_start3A_1814 : memref<8x64xf32, #tpu.memory_space<vmem>>) target_semaphore(%arg17 : memref<!tpu.dma_semaphore, #tpu.memory_space<semaphore_mem>>)
        %slice3A_1819 = vector.extract_strided_slice %shift_right_arithmetic3A_1457 {offsets = [9], sizes = [1], strides = [1]} : vector<16xi32> to vector<1xi32>
        %squeeze3A_1820 = vector.extract %slice3A_1819[0] : i32 from vector<1xi32>
        %dma_start3A_1821 = arith.constant 9 : i32
        %dma_start3A_1822 = arith.constant 0 : i32
        %dma_start3A_1823 = arith.constant 0 : i32
        %dma_start3A_1824 = tpu.memref_slice %arg12[%dma_start3A_1821, %dma_start3A_1822, %dma_start3A_1823] : memref<16x8x64xf32, #tpu.memory_space<vmem>> -> memref<1x8x64xf32, #tpu.memory_space<vmem>>
        %dma_start3A_1825 = tpu.memref_squeeze %dma_start3A_1824 : memref<1x8x64xf32, #tpu.memory_space<vmem>> -> memref<8x64xf32, #tpu.memory_space<vmem>>
        %dma_start3A_1826 = arith.constant 0 : i32
        %dma_start3A_1827 = arith.constant 0 : i32
        %dma_start3A_1828 = tpu.memref_slice %arg5[%squeeze3A_1820, %dma_start3A_1826, %dma_start3A_1827] : memref<12500x8x64xf32, #tpu.memory_space<hbm>> -> memref<1x8x64xf32, #tpu.memory_space<hbm>>
        %dma_start3A_1829 = tpu.memref_squeeze %dma_start3A_1828 : memref<1x8x64xf32, #tpu.memory_space<hbm>> -> memref<8x64xf32, #tpu.memory_space<hbm>>
        %dma_start3A_1830 = arith.constant 0 : i32
        %dma_start3A_1831 = arith.constant 0 : i32
        %dma_start3A_1832 = tpu.memref_slice %arg12[%dma_start3A_1821, %dma_start3A_1830, %dma_start3A_1831] : memref<16x8x64xf32, #tpu.memory_space<vmem>> -> memref<1x8x64xf32, #tpu.memory_space<vmem>>
        %dma_start3A_1833 = tpu.memref_squeeze %dma_start3A_1832 : memref<1x8x64xf32, #tpu.memory_space<vmem>> -> memref<8x64xf32, #tpu.memory_space<vmem>>
        %dma_start3A_1834 = arith.constant 0 : i32
        %dma_start3A_1835 = arith.constant 0 : i32
        %dma_start3A_1836 = tpu.memref_slice %arg5[%squeeze3A_1820, %dma_start3A_1834, %dma_start3A_1835] : memref<12500x8x64xf32, #tpu.memory_space<hbm>> -> memref<1x8x64xf32, #tpu.memory_space<hbm>>
        %dma_start3A_1837 = tpu.memref_squeeze %dma_start3A_1836 : memref<1x8x64xf32, #tpu.memory_space<hbm>> -> memref<8x64xf32, #tpu.memory_space<hbm>>
        tpu.enqueue_dma source(%dma_start3A_1837 : memref<8x64xf32, #tpu.memory_space<hbm>>) target(%dma_start3A_1833 : memref<8x64xf32, #tpu.memory_space<vmem>>) target_semaphore(%arg18 : memref<!tpu.dma_semaphore, #tpu.memory_space<semaphore_mem>>)
        %slice3A_1838 = vector.extract_strided_slice %shift_right_arithmetic3A_1450 {offsets = [10], sizes = [1], strides = [1]} : vector<16xi32> to vector<1xi32>
        %squeeze3A_1839 = vector.extract %slice3A_1838[0] : i32 from vector<1xi32>
        %dma_start3A_1840 = arith.constant 10 : i32
        %dma_start3A_1841 = arith.constant 0 : i32
        %dma_start3A_1842 = arith.constant 0 : i32
        %dma_start3A_1843 = tpu.memref_slice %arg11[%dma_start3A_1840, %dma_start3A_1841, %dma_start3A_1842] : memref<16x8x64xf32, #tpu.memory_space<vmem>> -> memref<1x8x64xf32, #tpu.memory_space<vmem>>
        %dma_start3A_1844 = tpu.memref_squeeze %dma_start3A_1843 : memref<1x8x64xf32, #tpu.memory_space<vmem>> -> memref<8x64xf32, #tpu.memory_space<vmem>>
        %dma_start3A_1845 = arith.constant 0 : i32
        %dma_start3A_1846 = arith.constant 0 : i32
        %dma_start3A_1847 = tpu.memref_slice %arg4[%squeeze3A_1839, %dma_start3A_1845, %dma_start3A_1846] : memref<125000x8x64xf32, #tpu.memory_space<hbm>> -> memref<1x8x64xf32, #tpu.memory_space<hbm>>
        %dma_start3A_1848 = tpu.memref_squeeze %dma_start3A_1847 : memref<1x8x64xf32, #tpu.memory_space<hbm>> -> memref<8x64xf32, #tpu.memory_space<hbm>>
        %dma_start3A_1849 = arith.constant 0 : i32
        %dma_start3A_1850 = arith.constant 0 : i32
        %dma_start3A_1851 = tpu.memref_slice %arg11[%dma_start3A_1840, %dma_start3A_1849, %dma_start3A_1850] : memref<16x8x64xf32, #tpu.memory_space<vmem>> -> memref<1x8x64xf32, #tpu.memory_space<vmem>>
        %dma_start3A_1852 = tpu.memref_squeeze %dma_start3A_1851 : memref<1x8x64xf32, #tpu.memory_space<vmem>> -> memref<8x64xf32, #tpu.memory_space<vmem>>
        %dma_start3A_1853 = arith.constant 0 : i32
        %dma_start3A_1854 = arith.constant 0 : i32
        %dma_start3A_1855 = tpu.memref_slice %arg4[%squeeze3A_1839, %dma_start3A_1853, %dma_start3A_1854] : memref<125000x8x64xf32, #tpu.memory_space<hbm>> -> memref<1x8x64xf32, #tpu.memory_space<hbm>>
        %dma_start3A_1856 = tpu.memref_squeeze %dma_start3A_1855 : memref<1x8x64xf32, #tpu.memory_space<hbm>> -> memref<8x64xf32, #tpu.memory_space<hbm>>
        tpu.enqueue_dma source(%dma_start3A_1856 : memref<8x64xf32, #tpu.memory_space<hbm>>) target(%dma_start3A_1852 : memref<8x64xf32, #tpu.memory_space<vmem>>) target_semaphore(%arg17 : memref<!tpu.dma_semaphore, #tpu.memory_space<semaphore_mem>>)
        %slice3A_1857 = vector.extract_strided_slice %shift_right_arithmetic3A_1457 {offsets = [10], sizes = [1], strides = [1]} : vector<16xi32> to vector<1xi32>
        %squeeze3A_1858 = vector.extract %slice3A_1857[0] : i32 from vector<1xi32>
        %dma_start3A_1859 = arith.constant 10 : i32
        %dma_start3A_1860 = arith.constant 0 : i32
        %dma_start3A_1861 = arith.constant 0 : i32
        %dma_start3A_1862 = tpu.memref_slice %arg12[%dma_start3A_1859, %dma_start3A_1860, %dma_start3A_1861] : memref<16x8x64xf32, #tpu.memory_space<vmem>> -> memref<1x8x64xf32, #tpu.memory_space<vmem>>
        %dma_start3A_1863 = tpu.memref_squeeze %dma_start3A_1862 : memref<1x8x64xf32, #tpu.memory_space<vmem>> -> memref<8x64xf32, #tpu.memory_space<vmem>>
        %dma_start3A_1864 = arith.constant 0 : i32
        %dma_start3A_1865 = arith.constant 0 : i32
        %dma_start3A_1866 = tpu.memref_slice %arg5[%squeeze3A_1858, %dma_start3A_1864, %dma_start3A_1865] : memref<12500x8x64xf32, #tpu.memory_space<hbm>> -> memref<1x8x64xf32, #tpu.memory_space<hbm>>
        %dma_start3A_1867 = tpu.memref_squeeze %dma_start3A_1866 : memref<1x8x64xf32, #tpu.memory_space<hbm>> -> memref<8x64xf32, #tpu.memory_space<hbm>>
        %dma_start3A_1868 = arith.constant 0 : i32
        %dma_start3A_1869 = arith.constant 0 : i32
        %dma_start3A_1870 = tpu.memref_slice %arg12[%dma_start3A_1859, %dma_start3A_1868, %dma_start3A_1869] : memref<16x8x64xf32, #tpu.memory_space<vmem>> -> memref<1x8x64xf32, #tpu.memory_space<vmem>>
        %dma_start3A_1871 = tpu.memref_squeeze %dma_start3A_1870 : memref<1x8x64xf32, #tpu.memory_space<vmem>> -> memref<8x64xf32, #tpu.memory_space<vmem>>
        %dma_start3A_1872 = arith.constant 0 : i32
        %dma_start3A_1873 = arith.constant 0 : i32
        %dma_start3A_1874 = tpu.memref_slice %arg5[%squeeze3A_1858, %dma_start3A_1872, %dma_start3A_1873] : memref<12500x8x64xf32, #tpu.memory_space<hbm>> -> memref<1x8x64xf32, #tpu.memory_space<hbm>>
        %dma_start3A_1875 = tpu.memref_squeeze %dma_start3A_1874 : memref<1x8x64xf32, #tpu.memory_space<hbm>> -> memref<8x64xf32, #tpu.memory_space<hbm>>
        tpu.enqueue_dma source(%dma_start3A_1875 : memref<8x64xf32, #tpu.memory_space<hbm>>) target(%dma_start3A_1871 : memref<8x64xf32, #tpu.memory_space<vmem>>) target_semaphore(%arg18 : memref<!tpu.dma_semaphore, #tpu.memory_space<semaphore_mem>>)
        %slice3A_1876 = vector.extract_strided_slice %shift_right_arithmetic3A_1450 {offsets = [11], sizes = [1], strides = [1]} : vector<16xi32> to vector<1xi32>
        %squeeze3A_1877 = vector.extract %slice3A_1876[0] : i32 from vector<1xi32>
        %dma_start3A_1878 = arith.constant 11 : i32
        %dma_start3A_1879 = arith.constant 0 : i32
        %dma_start3A_1880 = arith.constant 0 : i32
        %dma_start3A_1881 = tpu.memref_slice %arg11[%dma_start3A_1878, %dma_start3A_1879, %dma_start3A_1880] : memref<16x8x64xf32, #tpu.memory_space<vmem>> -> memref<1x8x64xf32, #tpu.memory_space<vmem>>
        %dma_start3A_1882 = tpu.memref_squeeze %dma_start3A_1881 : memref<1x8x64xf32, #tpu.memory_space<vmem>> -> memref<8x64xf32, #tpu.memory_space<vmem>>
        %dma_start3A_1883 = arith.constant 0 : i32
        %dma_start3A_1884 = arith.constant 0 : i32
        %dma_start3A_1885 = tpu.memref_slice %arg4[%squeeze3A_1877, %dma_start3A_1883, %dma_start3A_1884] : memref<125000x8x64xf32, #tpu.memory_space<hbm>> -> memref<1x8x64xf32, #tpu.memory_space<hbm>>
        %dma_start3A_1886 = tpu.memref_squeeze %dma_start3A_1885 : memref<1x8x64xf32, #tpu.memory_space<hbm>> -> memref<8x64xf32, #tpu.memory_space<hbm>>
        %dma_start3A_1887 = arith.constant 0 : i32
        %dma_start3A_1888 = arith.constant 0 : i32
        %dma_start3A_1889 = tpu.memref_slice %arg11[%dma_start3A_1878, %dma_start3A_1887, %dma_start3A_1888] : memref<16x8x64xf32, #tpu.memory_space<vmem>> -> memref<1x8x64xf32, #tpu.memory_space<vmem>>
        %dma_start3A_1890 = tpu.memref_squeeze %dma_start3A_1889 : memref<1x8x64xf32, #tpu.memory_space<vmem>> -> memref<8x64xf32, #tpu.memory_space<vmem>>
        %dma_start3A_1891 = arith.constant 0 : i32
        %dma_start3A_1892 = arith.constant 0 : i32
        %dma_start3A_1893 = tpu.memref_slice %arg4[%squeeze3A_1877, %dma_start3A_1891, %dma_start3A_1892] : memref<125000x8x64xf32, #tpu.memory_space<hbm>> -> memref<1x8x64xf32, #tpu.memory_space<hbm>>
        %dma_start3A_1894 = tpu.memref_squeeze %dma_start3A_1893 : memref<1x8x64xf32, #tpu.memory_space<hbm>> -> memref<8x64xf32, #tpu.memory_space<hbm>>
        tpu.enqueue_dma source(%dma_start3A_1894 : memref<8x64xf32, #tpu.memory_space<hbm>>) target(%dma_start3A_1890 : memref<8x64xf32, #tpu.memory_space<vmem>>) target_semaphore(%arg17 : memref<!tpu.dma_semaphore, #tpu.memory_space<semaphore_mem>>)
        %slice3A_1895 = vector.extract_strided_slice %shift_right_arithmetic3A_1457 {offsets = [11], sizes = [1], strides = [1]} : vector<16xi32> to vector<1xi32>
        %squeeze3A_1896 = vector.extract %slice3A_1895[0] : i32 from vector<1xi32>
        %dma_start3A_1897 = arith.constant 11 : i32
        %dma_start3A_1898 = arith.constant 0 : i32
        %dma_start3A_1899 = arith.constant 0 : i32
        %dma_start3A_1900 = tpu.memref_slice %arg12[%dma_start3A_1897, %dma_start3A_1898, %dma_start3A_1899] : memref<16x8x64xf32, #tpu.memory_space<vmem>> -> memref<1x8x64xf32, #tpu.memory_space<vmem>>
        %dma_start3A_1901 = tpu.memref_squeeze %dma_start3A_1900 : memref<1x8x64xf32, #tpu.memory_space<vmem>> -> memref<8x64xf32, #tpu.memory_space<vmem>>
        %dma_start3A_1902 = arith.constant 0 : i32
        %dma_start3A_1903 = arith.constant 0 : i32
        %dma_start3A_1904 = tpu.memref_slice %arg5[%squeeze3A_1896, %dma_start3A_1902, %dma_start3A_1903] : memref<12500x8x64xf32, #tpu.memory_space<hbm>> -> memref<1x8x64xf32, #tpu.memory_space<hbm>>
        %dma_start3A_1905 = tpu.memref_squeeze %dma_start3A_1904 : memref<1x8x64xf32, #tpu.memory_space<hbm>> -> memref<8x64xf32, #tpu.memory_space<hbm>>
        %dma_start3A_1906 = arith.constant 0 : i32
        %dma_start3A_1907 = arith.constant 0 : i32
        %dma_start3A_1908 = tpu.memref_slice %arg12[%dma_start3A_1897, %dma_start3A_1906, %dma_start3A_1907] : memref<16x8x64xf32, #tpu.memory_space<vmem>> -> memref<1x8x64xf32, #tpu.memory_space<vmem>>
        %dma_start3A_1909 = tpu.memref_squeeze %dma_start3A_1908 : memref<1x8x64xf32, #tpu.memory_space<vmem>> -> memref<8x64xf32, #tpu.memory_space<vmem>>
        %dma_start3A_1910 = arith.constant 0 : i32
        %dma_start3A_1911 = arith.constant 0 : i32
        %dma_start3A_1912 = tpu.memref_slice %arg5[%squeeze3A_1896, %dma_start3A_1910, %dma_start3A_1911] : memref<12500x8x64xf32, #tpu.memory_space<hbm>> -> memref<1x8x64xf32, #tpu.memory_space<hbm>>
        %dma_start3A_1913 = tpu.memref_squeeze %dma_start3A_1912 : memref<1x8x64xf32, #tpu.memory_space<hbm>> -> memref<8x64xf32, #tpu.memory_space<hbm>>
        tpu.enqueue_dma source(%dma_start3A_1913 : memref<8x64xf32, #tpu.memory_space<hbm>>) target(%dma_start3A_1909 : memref<8x64xf32, #tpu.memory_space<vmem>>) target_semaphore(%arg18 : memref<!tpu.dma_semaphore, #tpu.memory_space<semaphore_mem>>)
        %slice3A_1914 = vector.extract_strided_slice %shift_right_arithmetic3A_1450 {offsets = [12], sizes = [1], strides = [1]} : vector<16xi32> to vector<1xi32>
        %squeeze3A_1915 = vector.extract %slice3A_1914[0] : i32 from vector<1xi32>
        %dma_start3A_1916 = arith.constant 12 : i32
        %dma_start3A_1917 = arith.constant 0 : i32
        %dma_start3A_1918 = arith.constant 0 : i32
        %dma_start3A_1919 = tpu.memref_slice %arg11[%dma_start3A_1916, %dma_start3A_1917, %dma_start3A_1918] : memref<16x8x64xf32, #tpu.memory_space<vmem>> -> memref<1x8x64xf32, #tpu.memory_space<vmem>>
        %dma_start3A_1920 = tpu.memref_squeeze %dma_start3A_1919 : memref<1x8x64xf32, #tpu.memory_space<vmem>> -> memref<8x64xf32, #tpu.memory_space<vmem>>
        %dma_start3A_1921 = arith.constant 0 : i32
        %dma_start3A_1922 = arith.constant 0 : i32
        %dma_start3A_1923 = tpu.memref_slice %arg4[%squeeze3A_1915, %dma_start3A_1921, %dma_start3A_1922] : memref<125000x8x64xf32, #tpu.memory_space<hbm>> -> memref<1x8x64xf32, #tpu.memory_space<hbm>>
        %dma_start3A_1924 = tpu.memref_squeeze %dma_start3A_1923 : memref<1x8x64xf32, #tpu.memory_space<hbm>> -> memref<8x64xf32, #tpu.memory_space<hbm>>
        %dma_start3A_1925 = arith.constant 0 : i32
        %dma_start3A_1926 = arith.constant 0 : i32
        %dma_start3A_1927 = tpu.memref_slice %arg11[%dma_start3A_1916, %dma_start3A_1925, %dma_start3A_1926] : memref<16x8x64xf32, #tpu.memory_space<vmem>> -> memref<1x8x64xf32, #tpu.memory_space<vmem>>
        %dma_start3A_1928 = tpu.memref_squeeze %dma_start3A_1927 : memref<1x8x64xf32, #tpu.memory_space<vmem>> -> memref<8x64xf32, #tpu.memory_space<vmem>>
        %dma_start3A_1929 = arith.constant 0 : i32
        %dma_start3A_1930 = arith.constant 0 : i32
        %dma_start3A_1931 = tpu.memref_slice %arg4[%squeeze3A_1915, %dma_start3A_1929, %dma_start3A_1930] : memref<125000x8x64xf32, #tpu.memory_space<hbm>> -> memref<1x8x64xf32, #tpu.memory_space<hbm>>
        %dma_start3A_1932 = tpu.memref_squeeze %dma_start3A_1931 : memref<1x8x64xf32, #tpu.memory_space<hbm>> -> memref<8x64xf32, #tpu.memory_space<hbm>>
        tpu.enqueue_dma source(%dma_start3A_1932 : memref<8x64xf32, #tpu.memory_space<hbm>>) target(%dma_start3A_1928 : memref<8x64xf32, #tpu.memory_space<vmem>>) target_semaphore(%arg17 : memref<!tpu.dma_semaphore, #tpu.memory_space<semaphore_mem>>)
        %slice3A_1933 = vector.extract_strided_slice %shift_right_arithmetic3A_1457 {offsets = [12], sizes = [1], strides = [1]} : vector<16xi32> to vector<1xi32>
        %squeeze3A_1934 = vector.extract %slice3A_1933[0] : i32 from vector<1xi32>
        %dma_start3A_1935 = arith.constant 12 : i32
        %dma_start3A_1936 = arith.constant 0 : i32
        %dma_start3A_1937 = arith.constant 0 : i32
        %dma_start3A_1938 = tpu.memref_slice %arg12[%dma_start3A_1935, %dma_start3A_1936, %dma_start3A_1937] : memref<16x8x64xf32, #tpu.memory_space<vmem>> -> memref<1x8x64xf32, #tpu.memory_space<vmem>>
        %dma_start3A_1939 = tpu.memref_squeeze %dma_start3A_1938 : memref<1x8x64xf32, #tpu.memory_space<vmem>> -> memref<8x64xf32, #tpu.memory_space<vmem>>
        %dma_start3A_1940 = arith.constant 0 : i32
        %dma_start3A_1941 = arith.constant 0 : i32
        %dma_start3A_1942 = tpu.memref_slice %arg5[%squeeze3A_1934, %dma_start3A_1940, %dma_start3A_1941] : memref<12500x8x64xf32, #tpu.memory_space<hbm>> -> memref<1x8x64xf32, #tpu.memory_space<hbm>>
        %dma_start3A_1943 = tpu.memref_squeeze %dma_start3A_1942 : memref<1x8x64xf32, #tpu.memory_space<hbm>> -> memref<8x64xf32, #tpu.memory_space<hbm>>
        %dma_start3A_1944 = arith.constant 0 : i32
        %dma_start3A_1945 = arith.constant 0 : i32
        %dma_start3A_1946 = tpu.memref_slice %arg12[%dma_start3A_1935, %dma_start3A_1944, %dma_start3A_1945] : memref<16x8x64xf32, #tpu.memory_space<vmem>> -> memref<1x8x64xf32, #tpu.memory_space<vmem>>
        %dma_start3A_1947 = tpu.memref_squeeze %dma_start3A_1946 : memref<1x8x64xf32, #tpu.memory_space<vmem>> -> memref<8x64xf32, #tpu.memory_space<vmem>>
        %dma_start3A_1948 = arith.constant 0 : i32
        %dma_start3A_1949 = arith.constant 0 : i32
        %dma_start3A_1950 = tpu.memref_slice %arg5[%squeeze3A_1934, %dma_start3A_1948, %dma_start3A_1949] : memref<12500x8x64xf32, #tpu.memory_space<hbm>> -> memref<1x8x64xf32, #tpu.memory_space<hbm>>
        %dma_start3A_1951 = tpu.memref_squeeze %dma_start3A_1950 : memref<1x8x64xf32, #tpu.memory_space<hbm>> -> memref<8x64xf32, #tpu.memory_space<hbm>>
        tpu.enqueue_dma source(%dma_start3A_1951 : memref<8x64xf32, #tpu.memory_space<hbm>>) target(%dma_start3A_1947 : memref<8x64xf32, #tpu.memory_space<vmem>>) target_semaphore(%arg18 : memref<!tpu.dma_semaphore, #tpu.memory_space<semaphore_mem>>)
        %slice3A_1952 = vector.extract_strided_slice %shift_right_arithmetic3A_1450 {offsets = [13], sizes = [1], strides = [1]} : vector<16xi32> to vector<1xi32>
        %squeeze3A_1953 = vector.extract %slice3A_1952[0] : i32 from vector<1xi32>
        %dma_start3A_1954 = arith.constant 13 : i32
        %dma_start3A_1955 = arith.constant 0 : i32
        %dma_start3A_1956 = arith.constant 0 : i32
        %dma_start3A_1957 = tpu.memref_slice %arg11[%dma_start3A_1954, %dma_start3A_1955, %dma_start3A_1956] : memref<16x8x64xf32, #tpu.memory_space<vmem>> -> memref<1x8x64xf32, #tpu.memory_space<vmem>>
        %dma_start3A_1958 = tpu.memref_squeeze %dma_start3A_1957 : memref<1x8x64xf32, #tpu.memory_space<vmem>> -> memref<8x64xf32, #tpu.memory_space<vmem>>
        %dma_start3A_1959 = arith.constant 0 : i32
        %dma_start3A_1960 = arith.constant 0 : i32
        %dma_start3A_1961 = tpu.memref_slice %arg4[%squeeze3A_1953, %dma_start3A_1959, %dma_start3A_1960] : memref<125000x8x64xf32, #tpu.memory_space<hbm>> -> memref<1x8x64xf32, #tpu.memory_space<hbm>>
        %dma_start3A_1962 = tpu.memref_squeeze %dma_start3A_1961 : memref<1x8x64xf32, #tpu.memory_space<hbm>> -> memref<8x64xf32, #tpu.memory_space<hbm>>
        %dma_start3A_1963 = arith.constant 0 : i32
        %dma_start3A_1964 = arith.constant 0 : i32
        %dma_start3A_1965 = tpu.memref_slice %arg11[%dma_start3A_1954, %dma_start3A_1963, %dma_start3A_1964] : memref<16x8x64xf32, #tpu.memory_space<vmem>> -> memref<1x8x64xf32, #tpu.memory_space<vmem>>
        %dma_start3A_1966 = tpu.memref_squeeze %dma_start3A_1965 : memref<1x8x64xf32, #tpu.memory_space<vmem>> -> memref<8x64xf32, #tpu.memory_space<vmem>>
        %dma_start3A_1967 = arith.constant 0 : i32
        %dma_start3A_1968 = arith.constant 0 : i32
        %dma_start3A_1969 = tpu.memref_slice %arg4[%squeeze3A_1953, %dma_start3A_1967, %dma_start3A_1968] : memref<125000x8x64xf32, #tpu.memory_space<hbm>> -> memref<1x8x64xf32, #tpu.memory_space<hbm>>
        %dma_start3A_1970 = tpu.memref_squeeze %dma_start3A_1969 : memref<1x8x64xf32, #tpu.memory_space<hbm>> -> memref<8x64xf32, #tpu.memory_space<hbm>>
        tpu.enqueue_dma source(%dma_start3A_1970 : memref<8x64xf32, #tpu.memory_space<hbm>>) target(%dma_start3A_1966 : memref<8x64xf32, #tpu.memory_space<vmem>>) target_semaphore(%arg17 : memref<!tpu.dma_semaphore, #tpu.memory_space<semaphore_mem>>)
        %slice3A_1971 = vector.extract_strided_slice %shift_right_arithmetic3A_1457 {offsets = [13], sizes = [1], strides = [1]} : vector<16xi32> to vector<1xi32>
        %squeeze3A_1972 = vector.extract %slice3A_1971[0] : i32 from vector<1xi32>
        %dma_start3A_1973 = arith.constant 13 : i32
        %dma_start3A_1974 = arith.constant 0 : i32
        %dma_start3A_1975 = arith.constant 0 : i32
        %dma_start3A_1976 = tpu.memref_slice %arg12[%dma_start3A_1973, %dma_start3A_1974, %dma_start3A_1975] : memref<16x8x64xf32, #tpu.memory_space<vmem>> -> memref<1x8x64xf32, #tpu.memory_space<vmem>>
        %dma_start3A_1977 = tpu.memref_squeeze %dma_start3A_1976 : memref<1x8x64xf32, #tpu.memory_space<vmem>> -> memref<8x64xf32, #tpu.memory_space<vmem>>
        %dma_start3A_1978 = arith.constant 0 : i32
        %dma_start3A_1979 = arith.constant 0 : i32
        %dma_start3A_1980 = tpu.memref_slice %arg5[%squeeze3A_1972, %dma_start3A_1978, %dma_start3A_1979] : memref<12500x8x64xf32, #tpu.memory_space<hbm>> -> memref<1x8x64xf32, #tpu.memory_space<hbm>>
        %dma_start3A_1981 = tpu.memref_squeeze %dma_start3A_1980 : memref<1x8x64xf32, #tpu.memory_space<hbm>> -> memref<8x64xf32, #tpu.memory_space<hbm>>
        %dma_start3A_1982 = arith.constant 0 : i32
        %dma_start3A_1983 = arith.constant 0 : i32
        %dma_start3A_1984 = tpu.memref_slice %arg12[%dma_start3A_1973, %dma_start3A_1982, %dma_start3A_1983] : memref<16x8x64xf32, #tpu.memory_space<vmem>> -> memref<1x8x64xf32, #tpu.memory_space<vmem>>
        %dma_start3A_1985 = tpu.memref_squeeze %dma_start3A_1984 : memref<1x8x64xf32, #tpu.memory_space<vmem>> -> memref<8x64xf32, #tpu.memory_space<vmem>>
        %dma_start3A_1986 = arith.constant 0 : i32
        %dma_start3A_1987 = arith.constant 0 : i32
        %dma_start3A_1988 = tpu.memref_slice %arg5[%squeeze3A_1972, %dma_start3A_1986, %dma_start3A_1987] : memref<12500x8x64xf32, #tpu.memory_space<hbm>> -> memref<1x8x64xf32, #tpu.memory_space<hbm>>
        %dma_start3A_1989 = tpu.memref_squeeze %dma_start3A_1988 : memref<1x8x64xf32, #tpu.memory_space<hbm>> -> memref<8x64xf32, #tpu.memory_space<hbm>>
        tpu.enqueue_dma source(%dma_start3A_1989 : memref<8x64xf32, #tpu.memory_space<hbm>>) target(%dma_start3A_1985 : memref<8x64xf32, #tpu.memory_space<vmem>>) target_semaphore(%arg18 : memref<!tpu.dma_semaphore, #tpu.memory_space<semaphore_mem>>)
        %slice3A_1990 = vector.extract_strided_slice %shift_right_arithmetic3A_1450 {offsets = [14], sizes = [1], strides = [1]} : vector<16xi32> to vector<1xi32>
        %squeeze3A_1991 = vector.extract %slice3A_1990[0] : i32 from vector<1xi32>
        %dma_start3A_1992 = arith.constant 14 : i32
        %dma_start3A_1993 = arith.constant 0 : i32
        %dma_start3A_1994 = arith.constant 0 : i32
        %dma_start3A_1995 = tpu.memref_slice %arg11[%dma_start3A_1992, %dma_start3A_1993, %dma_start3A_1994] : memref<16x8x64xf32, #tpu.memory_space<vmem>> -> memref<1x8x64xf32, #tpu.memory_space<vmem>>
        %dma_start3A_1996 = tpu.memref_squeeze %dma_start3A_1995 : memref<1x8x64xf32, #tpu.memory_space<vmem>> -> memref<8x64xf32, #tpu.memory_space<vmem>>
        %dma_start3A_1997 = arith.constant 0 : i32
        %dma_start3A_1998 = arith.constant 0 : i32
        %dma_start3A_1999 = tpu.memref_slice %arg4[%squeeze3A_1991, %dma_start3A_1997, %dma_start3A_1998] : memref<125000x8x64xf32, #tpu.memory_space<hbm>> -> memref<1x8x64xf32, #tpu.memory_space<hbm>>
        %dma_start3A_2000 = tpu.memref_squeeze %dma_start3A_1999 : memref<1x8x64xf32, #tpu.memory_space<hbm>> -> memref<8x64xf32, #tpu.memory_space<hbm>>
        %dma_start3A_2001 = arith.constant 0 : i32
        %dma_start3A_2002 = arith.constant 0 : i32
        %dma_start3A_2003 = tpu.memref_slice %arg11[%dma_start3A_1992, %dma_start3A_2001, %dma_start3A_2002] : memref<16x8x64xf32, #tpu.memory_space<vmem>> -> memref<1x8x64xf32, #tpu.memory_space<vmem>>
        %dma_start3A_2004 = tpu.memref_squeeze %dma_start3A_2003 : memref<1x8x64xf32, #tpu.memory_space<vmem>> -> memref<8x64xf32, #tpu.memory_space<vmem>>
        %dma_start3A_2005 = arith.constant 0 : i32
        %dma_start3A_2006 = arith.constant 0 : i32
        %dma_start3A_2007 = tpu.memref_slice %arg4[%squeeze3A_1991, %dma_start3A_2005, %dma_start3A_2006] : memref<125000x8x64xf32, #tpu.memory_space<hbm>> -> memref<1x8x64xf32, #tpu.memory_space<hbm>>
        %dma_start3A_2008 = tpu.memref_squeeze %dma_start3A_2007 : memref<1x8x64xf32, #tpu.memory_space<hbm>> -> memref<8x64xf32, #tpu.memory_space<hbm>>
        tpu.enqueue_dma source(%dma_start3A_2008 : memref<8x64xf32, #tpu.memory_space<hbm>>) target(%dma_start3A_2004 : memref<8x64xf32, #tpu.memory_space<vmem>>) target_semaphore(%arg17 : memref<!tpu.dma_semaphore, #tpu.memory_space<semaphore_mem>>)
        %slice3A_2009 = vector.extract_strided_slice %shift_right_arithmetic3A_1457 {offsets = [14], sizes = [1], strides = [1]} : vector<16xi32> to vector<1xi32>
        %squeeze3A_2010 = vector.extract %slice3A_2009[0] : i32 from vector<1xi32>
        %dma_start3A_2011 = arith.constant 14 : i32
        %dma_start3A_2012 = arith.constant 0 : i32
        %dma_start3A_2013 = arith.constant 0 : i32
        %dma_start3A_2014 = tpu.memref_slice %arg12[%dma_start3A_2011, %dma_start3A_2012, %dma_start3A_2013] : memref<16x8x64xf32, #tpu.memory_space<vmem>> -> memref<1x8x64xf32, #tpu.memory_space<vmem>>
        %dma_start3A_2015 = tpu.memref_squeeze %dma_start3A_2014 : memref<1x8x64xf32, #tpu.memory_space<vmem>> -> memref<8x64xf32, #tpu.memory_space<vmem>>
        %dma_start3A_2016 = arith.constant 0 : i32
        %dma_start3A_2017 = arith.constant 0 : i32
        %dma_start3A_2018 = tpu.memref_slice %arg5[%squeeze3A_2010, %dma_start3A_2016, %dma_start3A_2017] : memref<12500x8x64xf32, #tpu.memory_space<hbm>> -> memref<1x8x64xf32, #tpu.memory_space<hbm>>
        %dma_start3A_2019 = tpu.memref_squeeze %dma_start3A_2018 : memref<1x8x64xf32, #tpu.memory_space<hbm>> -> memref<8x64xf32, #tpu.memory_space<hbm>>
        %dma_start3A_2020 = arith.constant 0 : i32
        %dma_start3A_2021 = arith.constant 0 : i32
        %dma_start3A_2022 = tpu.memref_slice %arg12[%dma_start3A_2011, %dma_start3A_2020, %dma_start3A_2021] : memref<16x8x64xf32, #tpu.memory_space<vmem>> -> memref<1x8x64xf32, #tpu.memory_space<vmem>>
        %dma_start3A_2023 = tpu.memref_squeeze %dma_start3A_2022 : memref<1x8x64xf32, #tpu.memory_space<vmem>> -> memref<8x64xf32, #tpu.memory_space<vmem>>
        %dma_start3A_2024 = arith.constant 0 : i32
        %dma_start3A_2025 = arith.constant 0 : i32
        %dma_start3A_2026 = tpu.memref_slice %arg5[%squeeze3A_2010, %dma_start3A_2024, %dma_start3A_2025] : memref<12500x8x64xf32, #tpu.memory_space<hbm>> -> memref<1x8x64xf32, #tpu.memory_space<hbm>>
        %dma_start3A_2027 = tpu.memref_squeeze %dma_start3A_2026 : memref<1x8x64xf32, #tpu.memory_space<hbm>> -> memref<8x64xf32, #tpu.memory_space<hbm>>
        tpu.enqueue_dma source(%dma_start3A_2027 : memref<8x64xf32, #tpu.memory_space<hbm>>) target(%dma_start3A_2023 : memref<8x64xf32, #tpu.memory_space<vmem>>) target_semaphore(%arg18 : memref<!tpu.dma_semaphore, #tpu.memory_space<semaphore_mem>>)
        %slice3A_2028 = vector.extract_strided_slice %shift_right_arithmetic3A_1450 {offsets = [15], sizes = [1], strides = [1]} : vector<16xi32> to vector<1xi32>
        %squeeze3A_2029 = vector.extract %slice3A_2028[0] : i32 from vector<1xi32>
        %dma_start3A_2030 = arith.constant 15 : i32
        %dma_start3A_2031 = arith.constant 0 : i32
        %dma_start3A_2032 = arith.constant 0 : i32
        %dma_start3A_2033 = tpu.memref_slice %arg11[%dma_start3A_2030, %dma_start3A_2031, %dma_start3A_2032] : memref<16x8x64xf32, #tpu.memory_space<vmem>> -> memref<1x8x64xf32, #tpu.memory_space<vmem>>
        %dma_start3A_2034 = tpu.memref_squeeze %dma_start3A_2033 : memref<1x8x64xf32, #tpu.memory_space<vmem>> -> memref<8x64xf32, #tpu.memory_space<vmem>>
        %dma_start3A_2035 = arith.constant 0 : i32
        %dma_start3A_2036 = arith.constant 0 : i32
        %dma_start3A_2037 = tpu.memref_slice %arg4[%squeeze3A_2029, %dma_start3A_2035, %dma_start3A_2036] : memref<125000x8x64xf32, #tpu.memory_space<hbm>> -> memref<1x8x64xf32, #tpu.memory_space<hbm>>
        %dma_start3A_2038 = tpu.memref_squeeze %dma_start3A_2037 : memref<1x8x64xf32, #tpu.memory_space<hbm>> -> memref<8x64xf32, #tpu.memory_space<hbm>>
        %dma_start3A_2039 = arith.constant 0 : i32
        %dma_start3A_2040 = arith.constant 0 : i32
        %dma_start3A_2041 = tpu.memref_slice %arg11[%dma_start3A_2030, %dma_start3A_2039, %dma_start3A_2040] : memref<16x8x64xf32, #tpu.memory_space<vmem>> -> memref<1x8x64xf32, #tpu.memory_space<vmem>>
        %dma_start3A_2042 = tpu.memref_squeeze %dma_start3A_2041 : memref<1x8x64xf32, #tpu.memory_space<vmem>> -> memref<8x64xf32, #tpu.memory_space<vmem>>
        %dma_start3A_2043 = arith.constant 0 : i32
        %dma_start3A_2044 = arith.constant 0 : i32
        %dma_start3A_2045 = tpu.memref_slice %arg4[%squeeze3A_2029, %dma_start3A_2043, %dma_start3A_2044] : memref<125000x8x64xf32, #tpu.memory_space<hbm>> -> memref<1x8x64xf32, #tpu.memory_space<hbm>>
        %dma_start3A_2046 = tpu.memref_squeeze %dma_start3A_2045 : memref<1x8x64xf32, #tpu.memory_space<hbm>> -> memref<8x64xf32, #tpu.memory_space<hbm>>
        tpu.enqueue_dma source(%dma_start3A_2046 : memref<8x64xf32, #tpu.memory_space<hbm>>) target(%dma_start3A_2042 : memref<8x64xf32, #tpu.memory_space<vmem>>) target_semaphore(%arg17 : memref<!tpu.dma_semaphore, #tpu.memory_space<semaphore_mem>>)
        %slice3A_2047 = vector.extract_strided_slice %shift_right_arithmetic3A_1457 {offsets = [15], sizes = [1], strides = [1]} : vector<16xi32> to vector<1xi32>
        %squeeze3A_2048 = vector.extract %slice3A_2047[0] : i32 from vector<1xi32>
        %dma_start3A_2049 = arith.constant 15 : i32
        %dma_start3A_2050 = arith.constant 0 : i32
        %dma_start3A_2051 = arith.constant 0 : i32
        %dma_start3A_2052 = tpu.memref_slice %arg12[%dma_start3A_2049, %dma_start3A_2050, %dma_start3A_2051] : memref<16x8x64xf32, #tpu.memory_space<vmem>> -> memref<1x8x64xf32, #tpu.memory_space<vmem>>
        %dma_start3A_2053 = tpu.memref_squeeze %dma_start3A_2052 : memref<1x8x64xf32, #tpu.memory_space<vmem>> -> memref<8x64xf32, #tpu.memory_space<vmem>>
        %dma_start3A_2054 = arith.constant 0 : i32
        %dma_start3A_2055 = arith.constant 0 : i32
        %dma_start3A_2056 = tpu.memref_slice %arg5[%squeeze3A_2048, %dma_start3A_2054, %dma_start3A_2055] : memref<12500x8x64xf32, #tpu.memory_space<hbm>> -> memref<1x8x64xf32, #tpu.memory_space<hbm>>
        %dma_start3A_2057 = tpu.memref_squeeze %dma_start3A_2056 : memref<1x8x64xf32, #tpu.memory_space<hbm>> -> memref<8x64xf32, #tpu.memory_space<hbm>>
        %dma_start3A_2058 = arith.constant 0 : i32
        %dma_start3A_2059 = arith.constant 0 : i32
        %dma_start3A_2060 = tpu.memref_slice %arg12[%dma_start3A_2049, %dma_start3A_2058, %dma_start3A_2059] : memref<16x8x64xf32, #tpu.memory_space<vmem>> -> memref<1x8x64xf32, #tpu.memory_space<vmem>>
        %dma_start3A_2061 = tpu.memref_squeeze %dma_start3A_2060 : memref<1x8x64xf32, #tpu.memory_space<vmem>> -> memref<8x64xf32, #tpu.memory_space<vmem>>
        %dma_start3A_2062 = arith.constant 0 : i32
        %dma_start3A_2063 = arith.constant 0 : i32
        %dma_start3A_2064 = tpu.memref_slice %arg5[%squeeze3A_2048, %dma_start3A_2062, %dma_start3A_2063] : memref<12500x8x64xf32, #tpu.memory_space<hbm>> -> memref<1x8x64xf32, #tpu.memory_space<hbm>>
        %dma_start3A_2065 = tpu.memref_squeeze %dma_start3A_2064 : memref<1x8x64xf32, #tpu.memory_space<hbm>> -> memref<8x64xf32, #tpu.memory_space<hbm>>
        tpu.enqueue_dma source(%dma_start3A_2065 : memref<8x64xf32, #tpu.memory_space<hbm>>) target(%dma_start3A_2061 : memref<8x64xf32, #tpu.memory_space<vmem>>) target_semaphore(%arg18 : memref<!tpu.dma_semaphore, #tpu.memory_space<semaphore_mem>>)
      } else {
      }
      %dma_wait3A_1348 = arith.constant 0 : i32
      %dma_wait3A_1349 = arith.constant 0 : i32
      %dma_wait3A_1350 = arith.constant 0 : i32
      %dma_wait3A_1351 = tpu.memref_slice %arg4[%dma_wait3A_1348, %dma_wait3A_1349, %dma_wait3A_1350] : memref<125000x8x64xf32, #tpu.memory_space<hbm>> -> memref<16x8x64xf32, #tpu.memory_space<hbm>>
      %dma_wait3A_1352 = arith.constant 0 : i32
      %dma_wait3A_1353 = arith.constant 0 : i32
      %dma_wait3A_1354 = arith.constant 0 : i32
      %dma_wait3A_1355 = tpu.memref_slice %arg4[%dma_wait3A_1352, %dma_wait3A_1353, %dma_wait3A_1354] : memref<125000x8x64xf32, #tpu.memory_space<hbm>> -> memref<16x8x64xf32, #tpu.memory_space<hbm>>
      tpu.wait_dma2 semaphore(%arg19 : memref<!tpu.dma_semaphore, #tpu.memory_space<semaphore_mem>>) src(%dma_wait3A_1355 : memref<16x8x64xf32, #tpu.memory_space<hbm>>) dst(%arg13 : memref<16x8x64xf32, #tpu.memory_space<vmem>>)
      %dma_wait3A_1356 = arith.constant 0 : i32
      %dma_wait3A_1357 = arith.constant 0 : i32
      %dma_wait3A_1358 = arith.constant 0 : i32
      %dma_wait3A_1359 = tpu.memref_slice %arg5[%dma_wait3A_1356, %dma_wait3A_1357, %dma_wait3A_1358] : memref<12500x8x64xf32, #tpu.memory_space<hbm>> -> memref<16x8x64xf32, #tpu.memory_space<hbm>>
      %dma_wait3A_1360 = arith.constant 0 : i32
      %dma_wait3A_1361 = arith.constant 0 : i32
      %dma_wait3A_1362 = arith.constant 0 : i32
      %dma_wait3A_1363 = tpu.memref_slice %arg5[%dma_wait3A_1360, %dma_wait3A_1361, %dma_wait3A_1362] : memref<12500x8x64xf32, #tpu.memory_space<hbm>> -> memref<16x8x64xf32, #tpu.memory_space<hbm>>
      tpu.wait_dma2 semaphore(%arg20 : memref<!tpu.dma_semaphore, #tpu.memory_space<semaphore_mem>>) src(%dma_wait3A_1363 : memref<16x8x64xf32, #tpu.memory_space<hbm>>) dst(%arg14 : memref<16x8x64xf32, #tpu.memory_space<vmem>>)
      %add3A_1364 = arith.constant 1 : i32
      %add3A_1365 = arith.addi %mul3A_637, %add3A_1364 : i32
      %mul3A_1366 = arith.constant 16 : i32
      %mul3A_1367 = arith.muli %add3A_1365, %mul3A_1366 : i32
      %get3A_1368 = arith.index_cast %mul3A_1367 : i32 to index
      %get3A_1369 = tpu.vector_load %arg9[%get3A_1368] {strides = array<i32>} : memref<512xi32, #tpu.memory_space<vmem>>, vector<16xi32>,
      %mul3A_1370 = arith.constant 16 : i32
      %mul3A_1371 = arith.muli %add3A_1365, %mul3A_1370 : i32
      %get3A_1372 = arith.index_cast %mul3A_1371 : i32 to index
      %get3A_1373 = tpu.vector_load %arg10[%get3A_1372] {strides = array<i32>} : memref<512xi32, #tpu.memory_space<vmem>>, vector<16xi32>,
      %and3A_1374 = arith.constant 7 : i32
      %and3A_1375 = vector.broadcast %and3A_1374 : i32 to vector<16xi32>
      %and3A_1376 = arith.andi %get3A_1369, %and3A_1375 : vector<16xi32>
      %and3A_1377 = arith.constant 7 : i32
      %and3A_1378 = vector.broadcast %and3A_1377 : i32 to vector<16xi32>
      %and3A_1379 = arith.andi %get3A_1373, %and3A_1378 : vector<16xi32>
      %scan3A_1380 = arith.constant 0 : i32
      %scan3A_1381 = arith.constant 64 : i32
      %scan3A_1382 = arith.addi %scan3A_1380, %scan3A_1381 : i32
      %scan3A_1383 = arith.constant 16 : i32
      %scan3A_1384:3 = scf.for %scan3A_1442 = %scan3A_1380 to %scan3A_1382 step %scan3A_1383 iter_args(%scan3A_1443 = %broadcast_in_dim3A_13, %scan3A_1444 = %broadcast_in_dim3A_13, %scan3A_1445 = %broadcast_in_dim3A_13) -> (vector<16xf32>, vector<16xf32>, vector<16xf32>)  : i32 {
        %broadcast_in_dim3A_1446 = vector.broadcast %scan3A_1442 : i32 to vector<16xi32>
        %gather3A = tpu.vector_load_idx %arg13[%iota3A, %and3A_1376, %broadcast_in_dim3A_1446] : memref<16x8x64xf32, #tpu.memory_space<vmem>>[vector<16xi32>, vector<16xi32>, vector<16xi32>], vector<16xf32>,
        %gather3A_1447 = tpu.vector_load_idx %arg14[%iota3A, %and3A_1379, %broadcast_in_dim3A_1446] : memref<16x8x64xf32, #tpu.memory_space<vmem>>[vector<16xi32>, vector<16xi32>, vector<16xi32>], vector<16xf32>,
        %mul3A_1448 = arith.mulf %gather3A, %gather3A_1447 : vector<16xf32>
        %add3A_1449 = arith.addf %scan3A_1443, %mul3A_1448 : vector<16xf32>
        %mul3A_1450 = arith.mulf %gather3A, %gather3A : vector<16xf32>
        %add3A_1451 = arith.addf %scan3A_1444, %mul3A_1450 : vector<16xf32>
        %mul3A_1452 = arith.mulf %gather3A_1447, %gather3A_1447 : vector<16xf32>
        %add3A_1453 = arith.addf %scan3A_1445, %mul3A_1452 : vector<16xf32>
        %scan3A_1454 = arith.constant 1 : i32
        %scan3A_1455 = arith.addi %scan3A_1442, %scan3A_1454 : i32
        %broadcast_in_dim3A_1456 = vector.broadcast %scan3A_1455 : i32 to vector<16xi32>
        %gather3A_1457 = tpu.vector_load_idx %arg13[%iota3A, %and3A_1376, %broadcast_in_dim3A_1456] : memref<16x8x64xf32, #tpu.memory_space<vmem>>[vector<16xi32>, vector<16xi32>, vector<16xi32>], vector<16xf32>,
        %gather3A_1458 = tpu.vector_load_idx %arg14[%iota3A, %and3A_1379, %broadcast_in_dim3A_1456] : memref<16x8x64xf32, #tpu.memory_space<vmem>>[vector<16xi32>, vector<16xi32>, vector<16xi32>], vector<16xf32>,
        %mul3A_1459 = arith.mulf %gather3A_1457, %gather3A_1458 : vector<16xf32>
        %add3A_1460 = arith.addf %add3A_1449, %mul3A_1459 : vector<16xf32>
        %mul3A_1461 = arith.mulf %gather3A_1457, %gather3A_1457 : vector<16xf32>
        %add3A_1462 = arith.addf %add3A_1451, %mul3A_1461 : vector<16xf32>
        %mul3A_1463 = arith.mulf %gather3A_1458, %gather3A_1458 : vector<16xf32>
        %add3A_1464 = arith.addf %add3A_1453, %mul3A_1463 : vector<16xf32>
        %scan3A_1465 = arith.constant 2 : i32
        %scan3A_1466 = arith.addi %scan3A_1442, %scan3A_1465 : i32
        %broadcast_in_dim3A_1467 = vector.broadcast %scan3A_1466 : i32 to vector<16xi32>
        %gather3A_1468 = tpu.vector_load_idx %arg13[%iota3A, %and3A_1376, %broadcast_in_dim3A_1467] : memref<16x8x64xf32, #tpu.memory_space<vmem>>[vector<16xi32>, vector<16xi32>, vector<16xi32>], vector<16xf32>,
        %gather3A_1469 = tpu.vector_load_idx %arg14[%iota3A, %and3A_1379, %broadcast_in_dim3A_1467] : memref<16x8x64xf32, #tpu.memory_space<vmem>>[vector<16xi32>, vector<16xi32>, vector<16xi32>], vector<16xf32>,
        %mul3A_1470 = arith.mulf %gather3A_1468, %gather3A_1469 : vector<16xf32>
        %add3A_1471 = arith.addf %add3A_1460, %mul3A_1470 : vector<16xf32>
        %mul3A_1472 = arith.mulf %gather3A_1468, %gather3A_1468 : vector<16xf32>
        %add3A_1473 = arith.addf %add3A_1462, %mul3A_1472 : vector<16xf32>
        %mul3A_1474 = arith.mulf %gather3A_1469, %gather3A_1469 : vector<16xf32>
        %add3A_1475 = arith.addf %add3A_1464, %mul3A_1474 : vector<16xf32>
        %scan3A_1476 = arith.constant 3 : i32
        %scan3A_1477 = arith.addi %scan3A_1442, %scan3A_1476 : i32
        %broadcast_in_dim3A_1478 = vector.broadcast %scan3A_1477 : i32 to vector<16xi32>
        %gather3A_1479 = tpu.vector_load_idx %arg13[%iota3A, %and3A_1376, %broadcast_in_dim3A_1478] : memref<16x8x64xf32, #tpu.memory_space<vmem>>[vector<16xi32>, vector<16xi32>, vector<16xi32>], vector<16xf32>,
        %gather3A_1480 = tpu.vector_load_idx %arg14[%iota3A, %and3A_1379, %broadcast_in_dim3A_1478] : memref<16x8x64xf32, #tpu.memory_space<vmem>>[vector<16xi32>, vector<16xi32>, vector<16xi32>], vector<16xf32>,
        %mul3A_1481 = arith.mulf %gather3A_1479, %gather3A_1480 : vector<16xf32>
        %add3A_1482 = arith.addf %add3A_1471, %mul3A_1481 : vector<16xf32>
        %mul3A_1483 = arith.mulf %gather3A_1479, %gather3A_1479 : vector<16xf32>
        %add3A_1484 = arith.addf %add3A_1473, %mul3A_1483 : vector<16xf32>
        %mul3A_1485 = arith.mulf %gather3A_1480, %gather3A_1480 : vector<16xf32>
        %add3A_1486 = arith.addf %add3A_1475, %mul3A_1485 : vector<16xf32>
        %scan3A_1487 = arith.constant 4 : i32
        %scan3A_1488 = arith.addi %scan3A_1442, %scan3A_1487 : i32
        %broadcast_in_dim3A_1489 = vector.broadcast %scan3A_1488 : i32 to vector<16xi32>
        %gather3A_1490 = tpu.vector_load_idx %arg13[%iota3A, %and3A_1376, %broadcast_in_dim3A_1489] : memref<16x8x64xf32, #tpu.memory_space<vmem>>[vector<16xi32>, vector<16xi32>, vector<16xi32>], vector<16xf32>,
        %gather3A_1491 = tpu.vector_load_idx %arg14[%iota3A, %and3A_1379, %broadcast_in_dim3A_1489] : memref<16x8x64xf32, #tpu.memory_space<vmem>>[vector<16xi32>, vector<16xi32>, vector<16xi32>], vector<16xf32>,
        %mul3A_1492 = arith.mulf %gather3A_1490, %gather3A_1491 : vector<16xf32>
        %add3A_1493 = arith.addf %add3A_1482, %mul3A_1492 : vector<16xf32>
        %mul3A_1494 = arith.mulf %gather3A_1490, %gather3A_1490 : vector<16xf32>
        %add3A_1495 = arith.addf %add3A_1484, %mul3A_1494 : vector<16xf32>
        %mul3A_1496 = arith.mulf %gather3A_1491, %gather3A_1491 : vector<16xf32>
        %add3A_1497 = arith.addf %add3A_1486, %mul3A_1496 : vector<16xf32>
        %scan3A_1498 = arith.constant 5 : i32
        %scan3A_1499 = arith.addi %scan3A_1442, %scan3A_1498 : i32
        %broadcast_in_dim3A_1500 = vector.broadcast %scan3A_1499 : i32 to vector<16xi32>
        %gather3A_1501 = tpu.vector_load_idx %arg13[%iota3A, %and3A_1376, %broadcast_in_dim3A_1500] : memref<16x8x64xf32, #tpu.memory_space<vmem>>[vector<16xi32>, vector<16xi32>, vector<16xi32>], vector<16xf32>,
        %gather3A_1502 = tpu.vector_load_idx %arg14[%iota3A, %and3A_1379, %broadcast_in_dim3A_1500] : memref<16x8x64xf32, #tpu.memory_space<vmem>>[vector<16xi32>, vector<16xi32>, vector<16xi32>], vector<16xf32>,
        %mul3A_1503 = arith.mulf %gather3A_1501, %gather3A_1502 : vector<16xf32>
        %add3A_1504 = arith.addf %add3A_1493, %mul3A_1503 : vector<16xf32>
        %mul3A_1505 = arith.mulf %gather3A_1501, %gather3A_1501 : vector<16xf32>
        %add3A_1506 = arith.addf %add3A_1495, %mul3A_1505 : vector<16xf32>
        %mul3A_1507 = arith.mulf %gather3A_1502, %gather3A_1502 : vector<16xf32>
        %add3A_1508 = arith.addf %add3A_1497, %mul3A_1507 : vector<16xf32>
        %scan3A_1509 = arith.constant 6 : i32
        %scan3A_1510 = arith.addi %scan3A_1442, %scan3A_1509 : i32
        %broadcast_in_dim3A_1511 = vector.broadcast %scan3A_1510 : i32 to vector<16xi32>
        %gather3A_1512 = tpu.vector_load_idx %arg13[%iota3A, %and3A_1376, %broadcast_in_dim3A_1511] : memref<16x8x64xf32, #tpu.memory_space<vmem>>[vector<16xi32>, vector<16xi32>, vector<16xi32>], vector<16xf32>,
        %gather3A_1513 = tpu.vector_load_idx %arg14[%iota3A, %and3A_1379, %broadcast_in_dim3A_1511] : memref<16x8x64xf32, #tpu.memory_space<vmem>>[vector<16xi32>, vector<16xi32>, vector<16xi32>], vector<16xf32>,
        %mul3A_1514 = arith.mulf %gather3A_1512, %gather3A_1513 : vector<16xf32>
        %add3A_1515 = arith.addf %add3A_1504, %mul3A_1514 : vector<16xf32>
        %mul3A_1516 = arith.mulf %gather3A_1512, %gather3A_1512 : vector<16xf32>
        %add3A_1517 = arith.addf %add3A_1506, %mul3A_1516 : vector<16xf32>
        %mul3A_1518 = arith.mulf %gather3A_1513, %gather3A_1513 : vector<16xf32>
        %add3A_1519 = arith.addf %add3A_1508, %mul3A_1518 : vector<16xf32>
        %scan3A_1520 = arith.constant 7 : i32
        %scan3A_1521 = arith.addi %scan3A_1442, %scan3A_1520 : i32
        %broadcast_in_dim3A_1522 = vector.broadcast %scan3A_1521 : i32 to vector<16xi32>
        %gather3A_1523 = tpu.vector_load_idx %arg13[%iota3A, %and3A_1376, %broadcast_in_dim3A_1522] : memref<16x8x64xf32, #tpu.memory_space<vmem>>[vector<16xi32>, vector<16xi32>, vector<16xi32>], vector<16xf32>,
        %gather3A_1524 = tpu.vector_load_idx %arg14[%iota3A, %and3A_1379, %broadcast_in_dim3A_1522] : memref<16x8x64xf32, #tpu.memory_space<vmem>>[vector<16xi32>, vector<16xi32>, vector<16xi32>], vector<16xf32>,
        %mul3A_1525 = arith.mulf %gather3A_1523, %gather3A_1524 : vector<16xf32>
        %add3A_1526 = arith.addf %add3A_1515, %mul3A_1525 : vector<16xf32>
        %mul3A_1527 = arith.mulf %gather3A_1523, %gather3A_1523 : vector<16xf32>
        %add3A_1528 = arith.addf %add3A_1517, %mul3A_1527 : vector<16xf32>
        %mul3A_1529 = arith.mulf %gather3A_1524, %gather3A_1524 : vector<16xf32>
        %add3A_1530 = arith.addf %add3A_1519, %mul3A_1529 : vector<16xf32>
        %scan3A_1531 = arith.constant 8 : i32
        %scan3A_1532 = arith.addi %scan3A_1442, %scan3A_1531 : i32
        %broadcast_in_dim3A_1533 = vector.broadcast %scan3A_1532 : i32 to vector<16xi32>
        %gather3A_1534 = tpu.vector_load_idx %arg13[%iota3A, %and3A_1376, %broadcast_in_dim3A_1533] : memref<16x8x64xf32, #tpu.memory_space<vmem>>[vector<16xi32>, vector<16xi32>, vector<16xi32>], vector<16xf32>,
        %gather3A_1535 = tpu.vector_load_idx %arg14[%iota3A, %and3A_1379, %broadcast_in_dim3A_1533] : memref<16x8x64xf32, #tpu.memory_space<vmem>>[vector<16xi32>, vector<16xi32>, vector<16xi32>], vector<16xf32>,
        %mul3A_1536 = arith.mulf %gather3A_1534, %gather3A_1535 : vector<16xf32>
        %add3A_1537 = arith.addf %add3A_1526, %mul3A_1536 : vector<16xf32>
        %mul3A_1538 = arith.mulf %gather3A_1534, %gather3A_1534 : vector<16xf32>
        %add3A_1539 = arith.addf %add3A_1528, %mul3A_1538 : vector<16xf32>
        %mul3A_1540 = arith.mulf %gather3A_1535, %gather3A_1535 : vector<16xf32>
        %add3A_1541 = arith.addf %add3A_1530, %mul3A_1540 : vector<16xf32>
        %scan3A_1542 = arith.constant 9 : i32
        %scan3A_1543 = arith.addi %scan3A_1442, %scan3A_1542 : i32
        %broadcast_in_dim3A_1544 = vector.broadcast %scan3A_1543 : i32 to vector<16xi32>
        %gather3A_1545 = tpu.vector_load_idx %arg13[%iota3A, %and3A_1376, %broadcast_in_dim3A_1544] : memref<16x8x64xf32, #tpu.memory_space<vmem>>[vector<16xi32>, vector<16xi32>, vector<16xi32>], vector<16xf32>,
        %gather3A_1546 = tpu.vector_load_idx %arg14[%iota3A, %and3A_1379, %broadcast_in_dim3A_1544] : memref<16x8x64xf32, #tpu.memory_space<vmem>>[vector<16xi32>, vector<16xi32>, vector<16xi32>], vector<16xf32>,
        %mul3A_1547 = arith.mulf %gather3A_1545, %gather3A_1546 : vector<16xf32>
        %add3A_1548 = arith.addf %add3A_1537, %mul3A_1547 : vector<16xf32>
        %mul3A_1549 = arith.mulf %gather3A_1545, %gather3A_1545 : vector<16xf32>
        %add3A_1550 = arith.addf %add3A_1539, %mul3A_1549 : vector<16xf32>
        %mul3A_1551 = arith.mulf %gather3A_1546, %gather3A_1546 : vector<16xf32>
        %add3A_1552 = arith.addf %add3A_1541, %mul3A_1551 : vector<16xf32>
        %scan3A_1553 = arith.constant 10 : i32
        %scan3A_1554 = arith.addi %scan3A_1442, %scan3A_1553 : i32
        %broadcast_in_dim3A_1555 = vector.broadcast %scan3A_1554 : i32 to vector<16xi32>
        %gather3A_1556 = tpu.vector_load_idx %arg13[%iota3A, %and3A_1376, %broadcast_in_dim3A_1555] : memref<16x8x64xf32, #tpu.memory_space<vmem>>[vector<16xi32>, vector<16xi32>, vector<16xi32>], vector<16xf32>,
        %gather3A_1557 = tpu.vector_load_idx %arg14[%iota3A, %and3A_1379, %broadcast_in_dim3A_1555] : memref<16x8x64xf32, #tpu.memory_space<vmem>>[vector<16xi32>, vector<16xi32>, vector<16xi32>], vector<16xf32>,
        %mul3A_1558 = arith.mulf %gather3A_1556, %gather3A_1557 : vector<16xf32>
        %add3A_1559 = arith.addf %add3A_1548, %mul3A_1558 : vector<16xf32>
        %mul3A_1560 = arith.mulf %gather3A_1556, %gather3A_1556 : vector<16xf32>
        %add3A_1561 = arith.addf %add3A_1550, %mul3A_1560 : vector<16xf32>
        %mul3A_1562 = arith.mulf %gather3A_1557, %gather3A_1557 : vector<16xf32>
        %add3A_1563 = arith.addf %add3A_1552, %mul3A_1562 : vector<16xf32>
        %scan3A_1564 = arith.constant 11 : i32
        %scan3A_1565 = arith.addi %scan3A_1442, %scan3A_1564 : i32
        %broadcast_in_dim3A_1566 = vector.broadcast %scan3A_1565 : i32 to vector<16xi32>
        %gather3A_1567 = tpu.vector_load_idx %arg13[%iota3A, %and3A_1376, %broadcast_in_dim3A_1566] : memref<16x8x64xf32, #tpu.memory_space<vmem>>[vector<16xi32>, vector<16xi32>, vector<16xi32>], vector<16xf32>,
        %gather3A_1568 = tpu.vector_load_idx %arg14[%iota3A, %and3A_1379, %broadcast_in_dim3A_1566] : memref<16x8x64xf32, #tpu.memory_space<vmem>>[vector<16xi32>, vector<16xi32>, vector<16xi32>], vector<16xf32>,
        %mul3A_1569 = arith.mulf %gather3A_1567, %gather3A_1568 : vector<16xf32>
        %add3A_1570 = arith.addf %add3A_1559, %mul3A_1569 : vector<16xf32>
        %mul3A_1571 = arith.mulf %gather3A_1567, %gather3A_1567 : vector<16xf32>
        %add3A_1572 = arith.addf %add3A_1561, %mul3A_1571 : vector<16xf32>
        %mul3A_1573 = arith.mulf %gather3A_1568, %gather3A_1568 : vector<16xf32>
        %add3A_1574 = arith.addf %add3A_1563, %mul3A_1573 : vector<16xf32>
        %scan3A_1575 = arith.constant 12 : i32
        %scan3A_1576 = arith.addi %scan3A_1442, %scan3A_1575 : i32
        %broadcast_in_dim3A_1577 = vector.broadcast %scan3A_1576 : i32 to vector<16xi32>
        %gather3A_1578 = tpu.vector_load_idx %arg13[%iota3A, %and3A_1376, %broadcast_in_dim3A_1577] : memref<16x8x64xf32, #tpu.memory_space<vmem>>[vector<16xi32>, vector<16xi32>, vector<16xi32>], vector<16xf32>,
        %gather3A_1579 = tpu.vector_load_idx %arg14[%iota3A, %and3A_1379, %broadcast_in_dim3A_1577] : memref<16x8x64xf32, #tpu.memory_space<vmem>>[vector<16xi32>, vector<16xi32>, vector<16xi32>], vector<16xf32>,
        %mul3A_1580 = arith.mulf %gather3A_1578, %gather3A_1579 : vector<16xf32>
        %add3A_1581 = arith.addf %add3A_1570, %mul3A_1580 : vector<16xf32>
        %mul3A_1582 = arith.mulf %gather3A_1578, %gather3A_1578 : vector<16xf32>
        %add3A_1583 = arith.addf %add3A_1572, %mul3A_1582 : vector<16xf32>
        %mul3A_1584 = arith.mulf %gather3A_1579, %gather3A_1579 : vector<16xf32>
        %add3A_1585 = arith.addf %add3A_1574, %mul3A_1584 : vector<16xf32>
        %scan3A_1586 = arith.constant 13 : i32
        %scan3A_1587 = arith.addi %scan3A_1442, %scan3A_1586 : i32
        %broadcast_in_dim3A_1588 = vector.broadcast %scan3A_1587 : i32 to vector<16xi32>
        %gather3A_1589 = tpu.vector_load_idx %arg13[%iota3A, %and3A_1376, %broadcast_in_dim3A_1588] : memref<16x8x64xf32, #tpu.memory_space<vmem>>[vector<16xi32>, vector<16xi32>, vector<16xi32>], vector<16xf32>,
        %gather3A_1590 = tpu.vector_load_idx %arg14[%iota3A, %and3A_1379, %broadcast_in_dim3A_1588] : memref<16x8x64xf32, #tpu.memory_space<vmem>>[vector<16xi32>, vector<16xi32>, vector<16xi32>], vector<16xf32>,
        %mul3A_1591 = arith.mulf %gather3A_1589, %gather3A_1590 : vector<16xf32>
        %add3A_1592 = arith.addf %add3A_1581, %mul3A_1591 : vector<16xf32>
        %mul3A_1593 = arith.mulf %gather3A_1589, %gather3A_1589 : vector<16xf32>
        %add3A_1594 = arith.addf %add3A_1583, %mul3A_1593 : vector<16xf32>
        %mul3A_1595 = arith.mulf %gather3A_1590, %gather3A_1590 : vector<16xf32>
        %add3A_1596 = arith.addf %add3A_1585, %mul3A_1595 : vector<16xf32>
        %scan3A_1597 = arith.constant 14 : i32
        %scan3A_1598 = arith.addi %scan3A_1442, %scan3A_1597 : i32
        %broadcast_in_dim3A_1599 = vector.broadcast %scan3A_1598 : i32 to vector<16xi32>
        %gather3A_1600 = tpu.vector_load_idx %arg13[%iota3A, %and3A_1376, %broadcast_in_dim3A_1599] : memref<16x8x64xf32, #tpu.memory_space<vmem>>[vector<16xi32>, vector<16xi32>, vector<16xi32>], vector<16xf32>,
        %gather3A_1601 = tpu.vector_load_idx %arg14[%iota3A, %and3A_1379, %broadcast_in_dim3A_1599] : memref<16x8x64xf32, #tpu.memory_space<vmem>>[vector<16xi32>, vector<16xi32>, vector<16xi32>], vector<16xf32>,
        %mul3A_1602 = arith.mulf %gather3A_1600, %gather3A_1601 : vector<16xf32>
        %add3A_1603 = arith.addf %add3A_1592, %mul3A_1602 : vector<16xf32>
        %mul3A_1604 = arith.mulf %gather3A_1600, %gather3A_1600 : vector<16xf32>
        %add3A_1605 = arith.addf %add3A_1594, %mul3A_1604 : vector<16xf32>
        %mul3A_1606 = arith.mulf %gather3A_1601, %gather3A_1601 : vector<16xf32>
        %add3A_1607 = arith.addf %add3A_1596, %mul3A_1606 : vector<16xf32>
        %scan3A_1608 = arith.constant 15 : i32
        %scan3A_1609 = arith.addi %scan3A_1442, %scan3A_1608 : i32
        %broadcast_in_dim3A_1610 = vector.broadcast %scan3A_1609 : i32 to vector<16xi32>
        %gather3A_1611 = tpu.vector_load_idx %arg13[%iota3A, %and3A_1376, %broadcast_in_dim3A_1610] : memref<16x8x64xf32, #tpu.memory_space<vmem>>[vector<16xi32>, vector<16xi32>, vector<16xi32>], vector<16xf32>,
        %gather3A_1612 = tpu.vector_load_idx %arg14[%iota3A, %and3A_1379, %broadcast_in_dim3A_1610] : memref<16x8x64xf32, #tpu.memory_space<vmem>>[vector<16xi32>, vector<16xi32>, vector<16xi32>], vector<16xf32>,
        %mul3A_1613 = arith.mulf %gather3A_1611, %gather3A_1612 : vector<16xf32>
        %add3A_1614 = arith.addf %add3A_1603, %mul3A_1613 : vector<16xf32>
        %mul3A_1615 = arith.mulf %gather3A_1611, %gather3A_1611 : vector<16xf32>
        %add3A_1616 = arith.addf %add3A_1605, %mul3A_1615 : vector<16xf32>
        %mul3A_1617 = arith.mulf %gather3A_1612, %gather3A_1612 : vector<16xf32>
        %add3A_1618 = arith.addf %add3A_1607, %mul3A_1617 : vector<16xf32>
        scf.yield %add3A_1614, %add3A_1616, %add3A_1618 : vector<16xf32>, vector<16xf32>, vector<16xf32>
      }
      %scan3A_1385 = arith.constant 64 : i32
      %max3A_1386 = arith.maximumf %scan3A_1384#1, %broadcast_in_dim3A_11 : vector<16xf32>
      %max3A_1387 = arith.maximumf %scan3A_1384#2, %broadcast_in_dim3A_11 : vector<16xf32>
      %mul3A_1388 = arith.mulf %max3A_1386, %max3A_1387 : vector<16xf32>
      %bitcast3A_1389 = vector.bitcast %mul3A_1388 : vector<16xf32> to vector<16xi32>
      %shift_right_arithmetic3A_1390 = arith.constant 1 : i32
      %shift_right_arithmetic3A_1391 = vector.broadcast %shift_right_arithmetic3A_1390 : i32 to vector<16xi32>
      %shift_right_arithmetic3A_1392 = arith.shrsi %bitcast3A_1389, %shift_right_arithmetic3A_1391 : vector<16xi32>
      %sub3A_1393 = arith.constant 1597463007 : i32
      %sub3A_1394 = vector.broadcast %sub3A_1393 : i32 to vector<16xi32>
      %sub3A_1395 = arith.subi %sub3A_1394, %shift_right_arithmetic3A_1392 : vector<16xi32>
      %bitcast3A_1396 = vector.bitcast %sub3A_1395 : vector<16xi32> to vector<16xf32>
      %mul3A_1397 = arith.constant 5.000000e-01 : f32
      %mul3A_1398 = vector.broadcast %mul3A_1397 : f32 to vector<16xf32>
      %mul3A_1399 = arith.mulf %mul3A_1398, %mul3A_1388 : vector<16xf32>
      %mul3A_1400 = arith.mulf %mul3A_1399, %bitcast3A_1396 : vector<16xf32>
      %mul3A_1401 = arith.mulf %mul3A_1400, %bitcast3A_1396 : vector<16xf32>
      %sub3A_1402 = arith.constant 1.500000e+00 : f32
      %sub3A_1403 = vector.broadcast %sub3A_1402 : f32 to vector<16xf32>
      %sub3A_1404 = arith.subf %sub3A_1403, %mul3A_1401 : vector<16xf32>
      %mul3A_1405 = arith.mulf %bitcast3A_1396, %sub3A_1404 : vector<16xf32>
      %mul3A_1406 = arith.constant 5.000000e-01 : f32
      %mul3A_1407 = vector.broadcast %mul3A_1406 : f32 to vector<16xf32>
      %mul3A_1408 = arith.mulf %mul3A_1407, %mul3A_1388 : vector<16xf32>
      %mul3A_1409 = arith.mulf %mul3A_1408, %mul3A_1405 : vector<16xf32>
      %mul3A_1410 = arith.mulf %mul3A_1409, %mul3A_1405 : vector<16xf32>
      %sub3A_1411 = arith.constant 1.500000e+00 : f32
      %sub3A_1412 = vector.broadcast %sub3A_1411 : f32 to vector<16xf32>
      %sub3A_1413 = arith.subf %sub3A_1412, %mul3A_1410 : vector<16xf32>
      %mul3A_1414 = arith.mulf %mul3A_1405, %sub3A_1413 : vector<16xf32>
      %mul3A_1415 = arith.constant 5.000000e-01 : f32
      %mul3A_1416 = vector.broadcast %mul3A_1415 : f32 to vector<16xf32>
      %mul3A_1417 = arith.mulf %mul3A_1416, %mul3A_1388 : vector<16xf32>
      %mul3A_1418 = arith.mulf %mul3A_1417, %mul3A_1414 : vector<16xf32>
      %mul3A_1419 = arith.mulf %mul3A_1418, %mul3A_1414 : vector<16xf32>
      %sub3A_1420 = arith.constant 1.500000e+00 : f32
      %sub3A_1421 = vector.broadcast %sub3A_1420 : f32 to vector<16xf32>
      %sub3A_1422 = arith.subf %sub3A_1421, %mul3A_1419 : vector<16xf32>
      %mul3A_1423 = arith.mulf %mul3A_1414, %sub3A_1422 : vector<16xf32>
      %mul3A_1424 = arith.mulf %scan3A_1384#0, %mul3A_1423 : vector<16xf32>
      %mul3A_1425 = arith.mulf %mul3A_1424, %get3A_6 : vector<16xf32>
      %add3A_1426 = arith.addf %mul3A_1425, %get3A_10 : vector<16xf32>
      %neg3A_1427 = arith.constant 0.000000e+00 : f32
      %neg3A_1428 = vector.broadcast %neg3A_1427 : f32 to vector<16xf32>
      %neg3A_1429 = arith.subf %neg3A_1428, %add3A_1426 : vector<16xf32>
      %exp3A_1430 = math.exp %neg3A_1429 : vector<16xf32>
      %add3A_1431 = arith.constant 1.000000e+00 : f32
      %add3A_1432 = vector.broadcast %add3A_1431 : f32 to vector<16xf32>
      %add3A_1433 = arith.addf %add3A_1432, %exp3A_1430 : vector<16xf32>
      %div3A_1434 = arith.constant 1.000000e+00 : f32
      %div3A_1435 = vector.broadcast %div3A_1434 : f32 to vector<16xf32>
      %div3A_1436 = arith.divf %div3A_1435, %add3A_1433 : vector<16xf32>
      %mul3A_1437 = arith.constant 16 : i32
      %mul3A_1438 = arith.muli %add3A_1365, %mul3A_1437 : i32
      %swap3A_1439 = arith.index_cast %mul3A_1438 : i32 to index
      %swap3A_1440 = tpu.vector_load %arg15[%swap3A_1439] {strides = array<i32>} : memref<512xf32, #tpu.memory_space<vmem>>, vector<16xf32>,
      tpu.vector_store %arg15[%swap3A_1439], %div3A_1436 {strides = array<i32>} : memref<512xf32, #tpu.memory_space<vmem>>, vector<16xf32>,
      %scan3A_1441 = arith.constant 0 : i32
      scf.yield %scan3A_1441 : i32
    }
    %scan3A_633 = arith.constant 16 : i32
    "tpu.region"() ({
      %run_scoped3A_634 = tpu.sem_alloc : memref<!tpu.dma_semaphore, #tpu.memory_space<semaphore_mem>>
      %dma_start3A_635 = tpu.memref_slice %arg8[%mul3A_2] : memref<16384xf32, #tpu.memory_space<hbm>> -> memref<512xf32, #tpu.memory_space<hbm>>
      %dma_start3A_636 = tpu.memref_slice %arg8[%mul3A_2] : memref<16384xf32, #tpu.memory_space<hbm>> -> memref<512xf32, #tpu.memory_space<hbm>>
      tpu.enqueue_dma source(%arg15 : memref<512xf32, #tpu.memory_space<vmem>>) target(%dma_start3A_636 : memref<512xf32, #tpu.memory_space<hbm>>) target_semaphore(%run_scoped3A_634 : memref<!tpu.dma_semaphore, #tpu.memory_space<semaphore_mem>>)
      %dma_wait3A = tpu.memref_slice %arg8[%mul3A_2] : memref<16384xf32, #tpu.memory_space<hbm>> -> memref<512xf32, #tpu.memory_space<hbm>>
      %dma_wait3A_637 = tpu.memref_slice %arg8[%mul3A_2] : memref<16384xf32, #tpu.memory_space<hbm>> -> memref<512xf32, #tpu.memory_space<hbm>>
      tpu.wait_dma2 semaphore(%run_scoped3A_634 : memref<!tpu.dma_semaphore, #tpu.memory_space<semaphore_mem>>) src(%arg15 : memref<512xf32, #tpu.memory_space<vmem>>) dst(%dma_wait3A_637 : memref<512xf32, #tpu.memory_space<hbm>>)
      tpu.yield
    }) : () -> ()
    return
  }
}

</mosaic_0001>

<sc_bundles>
// kernel: kernel.3.cloned.1.call-start
scs
__scs_entry_jumppad:
0x0: {  	(pc) =	sbr.rel $0x88, $3  }
0x1: {  	(tag) =	ssettag $0x0;
	lr =	simm.s32 $0x1  }
0x2: {  	[smem:$0x3F9B] =	sst lr;
	_ =	strace $0xD0000000  }
0x3: {  	_ = 	snop  }
0x4: {  	_ = 	snop  }
0x5: {  	_ = 	snop  }
0x6: {  	_ = 	snop  }
0x7: {  	_ = 	snop  }
__scs_overlays_trampoline_lowered:
0x8: {  	[smem:$0x3FAA] =	sst s0  }
0x9: {  	[smem:$0x3FAB] =	sst s1  }
0xa: {  	[smem:$0x3FAC] =	sst s2  }
0xb: {  	[smem:$0x3FAD] =	sst s3  }
0xc: {  	[smem:$0x3FAE] =	sst s4  }
0xd: {  	[smem:$0x3FAF] =	sst s5  }
0xe: {  	[smem:$0x3FB0] =	sst s6  }
0xf: {  	[smem:$0x3FB1] =	sst s7  }
0x10: {  	[smem:$0x3FB2] =	sst s8  }
0x11: {  	[smem:$0x3FB3] =	sst s9;
	s0 =	simm.s32 @!p0 $0x0  }
0x12: {  	s1 =	sld [smem:$0x3F99];
	s0 =	simm.s32 @p0 $0x1  }
0x13: {  	[smem:$0x3FB4] =	sst s0;
	s0 =	simm.s32 @!p1 $0x0  }
0x14: {  	s2 =	sld [smem:$0x3F98];
	s0 =	simm.s32 @p1 $0x1  }
0x15: {  	[smem:$0x3FB5] =	sst s0;
	s0 =	simm.s32 @!p2 $0x0  }
0x16: {  	s3 =	sld [smem:$0x3FDB];
	s0 =	simm.s32 @p2 $0x1  }
0x17: {  	s4 =	simm.s32 $0x1BF5;
	[smem:$0x3FB7] =	sst s0  }
0x18: {  	s0 =	sld [smem:$0x3F9A];
	_ =	swait.ge [sflag:s4], $0x0  }
0x19: {  	s7 =	sld [smem:$0x3F9B]  }
0x1a: {  	s8 =	sadd.s32 $0xFFFFE003, lr  }
0x1b: {  	s9 =	sadd.s32 $0xFFFFFEF7, lr;
	s5 =	simm.s32 $0xFFFFFFFF;
	p2 =	slt.u32 s8, $0xFFFFF086  }
0x1c: {  	p1 =	slt.u32 s9, $0xF7A;
	s5 =	simm.s32 @!p2 $0x0  }
0x1d: {  	s5 =	simm.s32 @p1 $0x1;
	p0 =	seq.s32 s7, s2  }
0x1e: {  	s7 =	smul.u32 @!p0 $0xF7A, s2;
	p2 =	seq.s32 @!p0 s5, $0x0  }
0x1f: {  	s9 =	smul.u32 $0xF7A, s1;
	s8 =	simm.s32 @!p0 $0x1BF5;
	p2 =	por !p2, p0  }
0x20: {  	[sflag:s8] =	ssyncset.s32 @!p0 $0xFFFFF086;
	s6 =	sadd.s32 @!p0 s3, s7;
	s7 =	simm.s32 @!p0 $0x108  }
0x21: {  	s3 =	sadd.s32 s3, s9;
	s6 =	sadd.s32 @!p0 $0x88, s6;
	s7 =	simm.s32 @p2 $0x1082  }
0x22: {  	[simem:s7], [sflag:s8] =	dma.local @!p0 [hbm:s6], $0xF7A  }
0x23: {  	s9 =	sor.u32 $0xD0000000, s2;
	s6 =	simm.s32 $0x108;
	_ =	swait.ge @!p0 [sflag:s8], $0x0  }
0x24: {  	s3 =	sadd.s32 $0x88, s3;
	s6 =	simm.s32 @!p1 $0x1082;
	[sflag:s4] =	ssyncset.s32 $0xFFFFF086  }
0x25: {  	[simem:s6], [sflag:s4] =	dma.local [hbm:s3], $0xF7A  }
0x26: {  	[smem:$0x3F9B] =	sst s1;
	(tag) =	ssettag s2;
	_ =	strace s9  }
0x27: {  	s1 =	sld [smem:$0x3FAB]  }
0x28: {  	s2 =	sld [smem:$0x3FAC]  }
0x29: {  	s4 =	sld [smem:$0x3FAE]  }
0x2a: {  	p0 =	seq.s32 s5, $0x0;
	s5 =	sld [smem:$0x3FAF]  }
0x2b: {  	s6 =	sld [smem:$0x3FB0]  }
0x2c: {  	s7 =	sld [smem:$0x3FB1]  }
0x2d: {  	s3 =	simm.s32 $0x108;
	s8 =	sld [smem:$0x3FB2]  }
0x2e: {  	s3 =	simm.s32 @!p0 $0x1082;
	s9 =	sld [smem:$0x3FB3]  }
0x2f: {  	lr =	sadd.s32 s0, s3;
	s0 =	sld [smem:$0x3FAA]  }
0x30: {  	s3 =	sld [smem:$0x3FAD]  }
0x31: {  	[smem:$0x3FB6] =	sst s10  }
0x32: {  	s10 =	sld [smem:$0x3FB4];
	_ =	sdelay $0x3  }
0x33: {  	p0 =	seq.s32 s10, $0x1;
	s10 =	sld [smem:$0x3FB6];
	_ =	sdelay $0x3  }
0x34: {  	[smem:$0x3FB6] =	sst s10  }
0x35: {  	s10 =	sld [smem:$0x3FB5];
	_ =	sdelay $0x3  }
0x36: {  	p1 =	seq.s32 s10, $0x1;
	s10 =	sld [smem:$0x3FB6];
	_ =	sdelay $0x3  }
0x37: {  	[smem:$0x3FB6] =	sst s10  }
0x38: {  	s10 =	sld [smem:$0x3FB7]  }
0x39: {  	_ = 	snop;
	(pc) =	sbr.ind lr, $3  }
0x3a: {  	_ = 	snop  }
0x3b: {  	_ = 	snop  }
0x3c: {  	p2 =	seq.s32 s10, $0x1;
	s10 =	sld [smem:$0x3FB6]  }
0x3d: {  	_ =	shalt  }
0x3e: {  	_ =	shalt  }
0x3f: {  	_ =	shalt  }
0x40: {  	_ =	shalt  }
0x41: {  	_ =	shalt  }
0x42: {  	_ =	shalt  }
0x43: {  	_ =	shalt  }
0x44: {  	_ =	shalt  }
0x45: {  	_ =	shalt  }
0x46: {  	_ =	shalt  }
0x47: {  	_ =	shalt  }
0x48: {  	_ =	shalt  }
0x49: {  	_ =	shalt  }
0x4a: {  	_ =	shalt  }
0x4b: {  	_ =	shalt  }
0x4c: {  	_ =	shalt  }
0x4d: {  	_ =	shalt  }
0x4e: {  	_ =	shalt  }
0x4f: {  	_ =	shalt  }
0x50: {  	_ =	shalt  }
0x51: {  	_ =	shalt  }
0x52: {  	_ =	shalt  }
0x53: {  	_ =	shalt  }
0x54: {  	_ =	shalt  }
0x55: {  	_ =	shalt  }
0x56: {  	_ =	shalt  }
0x57: {  	_ =	shalt  }
0x58: {  	_ =	shalt  }
0x59: {  	_ =	shalt  }
0x5a: {  	_ =	shalt  }
0x5b: {  	_ =	shalt  }
0x5c: {  	_ =	shalt  }
0x5d: {  	_ =	shalt  }
0x5e: {  	_ =	shalt  }
0x5f: {  	_ =	shalt  }
0x60: {  	_ =	shalt  }
0x61: {  	_ =	shalt  }
0x62: {  	_ =	shalt  }
0x63: {  	_ =	shalt  }
0x64: {  	_ =	shalt  }
0x65: {  	_ =	shalt  }
0x66: {  	_ =	shalt  }
0x67: {  	_ =	shalt  }
0x68: {  	_ =	shalt  }
0x69: {  	_ =	shalt  }
0x6a: {  	_ =	shalt  }
0x6b: {  	_ =	shalt  }
0x6c: {  	_ =	shalt  }
0x6d: {  	_ =	shalt  }
0x6e: {  	_ =	shalt  }
0x6f: {  	_ =	shalt  }
0x70: {  	_ =	shalt  }
0x71: {  	_ =	shalt  }
0x72: {  	_ =	shalt  }
0x73: {  	_ =	shalt  }
0x74: {  	_ =	shalt  }
0x75: {  	_ =	shalt  }
0x76: {  	_ =	shalt  }
0x77: {  	_ =	shalt  }
0x78: {  	_ =	shalt  }
0x79: {  	_ =	shalt  }
0x7a: {  	_ =	shalt  }
0x7b: {  	_ =	shalt  }
0x7c: {  	_ =	shalt  }
0x7d: {  	_ =	shalt  }
0x7e: {  	_ =	shalt  }
0x7f: {  	_ =	shalt  }
0x80: {  	_ =	shalt  }
0x81: {  	_ =	shalt  }
0x82: {  	_ =	shalt  }
0x83: {  	_ =	shalt  }
0x84: {  	_ =	shalt  }
0x85: {  	_ =	shalt  }
0x86: {  	_ =	shalt  }
0x87: {  	_ =	shalt  }
.Lfunc_end0:
.L_simem_size_0:
called_computation_lowered:
.L_overlay_start_0:
0x88: {  	s2 =	sld [smem:$0x3FD9]  }
0x89: {  	s3 =	sld [smem:$0x3FFE];
	_ =	sdelay $0x1  }
0x8a: {  	s1 =	srdreg.scid  }
0x8b: {  	s0 =	sand.u32 $0x1, s1  }
0x8c: {  	s17 =	sshll.u32 s0, $0xA;
	s2 =	sadd.s32 s3, s2  }
0x8d: {  	s2 =	sadd.s32 s2, s17  }
0x8e: {  	[smem:$0x3FC2] =	sst s2  }
0x8f: {  	_ = 	snop  }
0x90: {  	s2 =	sld [smem:$0x3FC9]  }
0x91: {  	s18 =	sld [smem:$0x3FC8]  }
0x92: {  	s4 =	sld [smem:$0x3FD0];
	(tm) =	ssettm $0x1  }
0x93: {  	s5 =	sld [smem:$0x3FFB];
	_ =	sdelay $0x3  }
0x94: {  	_ =	strace s5  }
0x95: {  	s5 =	sld [smem:$0x3FFC];
	_ =	sdelay $0x3  }
0x96: {  	_ =	strace s5  }
0x97: {  	s5 =	sld [smem:$0x3FFD];
	_ =	sdelay $0x3  }
0x98: {  	_ =	strace s5  }
0x99: {  	_ =	strace $0x8FFFFFFF  }
0x9a: {  	s19 =	sld [smem:$0x3FDB];
	_ =	sdelay $0x1  }
0x9b: {  	s6 =	simm.s32 $_scs_section_size  }
0x9c: {  	s7 =	simm.s32 $_size__tile_overlayer_lowered;
	s8 =	simm.s32 $_tile_overlayer_lowered  }
0x9d: {  	s22 =	simm.s32 $0x1BFF;
	s21 =	sshll.u32 s8, $0x1;
	s5 =	sadd.s32 s6, s19  }
0x9e: {  	s9 =	simm.s32 $0x0;
	s20 =	sshll.u32 s7, $0x1;
	s7 =	sadd.s32 s21, s5  }
0x9f: {  	[timem:s9], [sflag:s22] =	dma.local [hbm:s7], s20  }
0xa0: {  	_ =	swait.ge [sflag:s22], s20  }
0xa1: {  	s6 =	ssub.s32 $0x0, s20;
	[sflag:s22] =	ssyncset.done $0x0  }
0xa2: {  	[sflag:s22] =	ssyncadd.s32 s6;
	_ =	sdelay $0x1  }
0xa3: {  	s23 =	simm.s32 $0x1B8B  }
0xa4: {  	_ =	swait.ge [sflag:s23], $0x1  }
0xa5: {  	[sflag:s23] =	ssyncset.done $0x0  }
0xa6: {  	s25 =	simm.s32 $0x1B8E;
	s24 =	sld [smem:$0x3FFE];
	[sflag:s23] =	ssyncadd.s32 $0xFFFFFFFF  }
0xa7: {  	s26 =	simm.s32 $execute0_lowered;
	[smem:$0x3FD2] =	sst s25  }
0xa8: {  	s7 =	sshll.u32 s26, $0x1;
	_ =	strace $0x80000046;
	[dreg:$0x1] =	wrdreg $0xFFFFFFFF  }
0xa9: {  	s28 =	simm.s32 $_size_execute0_lowered;
	s5 =	sadd.s32 s5, s7;
	[dreg:$0x0] =	wrdreg $0x0  }
0xaa: {  	s7 =	sshll.u32 s28, $0x1;
	[dreg:$0x2] =	wrdreg s5  }
0xab: {  	[dreg:$0x3] =	wrdreg s7  }
0xac: {  	[dreg:$0x4] =	wrdreg $0xC0  }
0xad: {  	_ =	task [dreg:s9], $0x5FFFF  }
0xae: {  	[dreg:$0x1] =	wrdreg $0xFFFFFFFF  }
0xaf: {  	[dreg:$0x0] =	wrdreg $0x60  }
0xb0: {  	[dreg:$0x2] =	wrdreg s2  }
0xb1: {  	[dreg:$0x3] =	wrdreg s18  }
0xb2: {  	[dreg:$0x4] =	wrdreg s24  }
0xb3: {  	[dreg:$0x5] =	wrdreg s4  }
0xb4: {  	[dreg:$0x6] =	wrdreg $0x9  }
0xb5: {  	_ =	task.clear_ibuf [dreg:s9], $0x7FFFF;
	_ =	strace $0x90000046  }
0xb6: {  	s29 =	simm.s32 $0x9;
	_ =	strace $0x80000048  }
0xb7: {  	_ =	swait.ge [sflag:s29], $0x1  }
0xb8: {  	[sflag:s29] =	ssyncadd.s32 $0xFFFFFFFF  }
0xb9: {  	_ =	strace $0x90000048  }
0xba: {  	_ =	sfence  }
0xbb: {  	s30 =	sld [smem:$0x0];
	_ =	sdelay $0x2  }
0xbc: {  	s31 =	sshll.u32 s1, $0xD;
	s1 =	sshrl.u32 s1, $0x2  }
0xbd: {  	s3 =	sand.u32 $0x4000, s31;
	s1 =	sadd.s32 s1, s30  }
0xbe: {  	s0 =	sor.u32 s3, s0;
	s1 =	sshll.u32 s1, $0x11  }
0xbf: {  	s0 =	sor.u32 s1, s0  }
0xc0: {  	s0 =	sadd.s32 $0x8F2B, s0  }
0xc1: {  	[sflag:s0] =	ssyncadd.remote.s32 $0x1  }
0xc2: {  	_ =	sfence.sel $0xFFFF  }
0xc3: {  	[dreg:$0x0] =	wrdreg $0xFFFFFFFF;
	(pc) =	sbr.abs _section_cstart, $3  }
0xc4: {  	[dreg:$0x1] =	wrdreg $0xFFFFFFFF  }
0xc5: {  	_ =	task.clear_ibuf [dreg:s9], $0x2FFFF;
	_ =	strace $0x9FFFFFFF  }
0xc6: {  	(tm) =	ssettm $0x7FFFFFFF  }
0xc7: {  	_ =	shalt  }
tec
execute0_lowered:
.L_overlay_start_1:
0x0: {  	(tag) =	ssettag $0x1  }
0x1: {  	s0 =	rddreg [dreg:$0x0]  }
0x2: {  	s2 =	rddreg [dreg:$0x1]  }
0x3: {  	s5 =	rddreg [dreg:$0x2]  }
0x4: {  	s6 =	rddreg [dreg:$0x3];
	s1 =	simm.s32 $0x0  }
0x5: {  	s7 =	srdreg.scid;
	s10 =	stileid.u32;
	s15 =	simm.s32 $0x400  }
0x6: {  	s16 =	simm.s32 $0x4400;
	s21 =	simm.s32 $0x8400;
	s17 =	simm.s32 $0xB000  }
0x7: {  	s18 =	simm.s32 $0xF000;
	s19 =	simm.s32 $0xB400;
	s20 =	simm.s32 $0xF400  }
0x8: {  	s28 =	simm.s32 $0xC000;
	s29 =	simm.s32 $0x10000;
	s30 =	simm.s32 $0x1  }
0x9: {  	s31 =	simm.s32 $0x2;
	[smem:$0x7FF] =	sst s1;
	s3 =	sadd.s32 $0x187000, s5  }
0xa: {  	s4 =	sadd.s32 $0x600, s5;
	s7 =	sand.u32 $0x1, s7;
	s8 =	sadd.s32 $0x10C9400, s5  }
0xb: {  	s10 =	sshll.u32 s10, $0x7;
	s5 =	sadd.s32 $0x10C9600, s5;
	_ =	strace $0x80000047  }
0xc: {  	[dreg:$0x5] =	wrdreg s8;
	s22 =	ssub.s32 $0x2, s7;
	s7 =	sshll.u32 s7, $0x6  }
0xd: {  	[dreg:$0x6] =	wrdreg s5;
	s9 =	sshrl.u32 s22, $0x1;
	s7 =	sor.u32 s7, s10  }
0xe: {  	s23 =	ssub.s32 s22, s9;
	s0 =	sadd.s32 s0, s7;
	s24 =	sadd.s32 s2, s7  }
0xf: {  	s25 =	sadd.s32 s6, s7;
	s6 =	simm.s32 $0x5;
	[dreg:$0x7] =	wrdreg s0  }
0x10: {  	s22 =	simm.s32 $0xC400;
	s2 =	simm.s32 $0x4;
	[dreg:$0x8] =	wrdreg s24  }
0x11: {  	s7 =	simm.s32 $0x0;
	[dreg:$0x9] =	wrdreg s25;
	s26 =	smax.u32 s23, $0x1  }
0x12: {  	v0 =	vlaneseq.u32;
	s23 =	simm.s32 $0xB800;
	s24 =	simm.s32 $0xF800;
	s25 =	simm.s32 $0xBC00  }
0x13: {  	v0 =	vmul.u32 $0x400, v0;
	s0 =	simm.s32 $0x3;
	[dreg:$0xa] =	wrdreg s26;
	s26 =	simm.s32 $0xFC00  }
.LBB2_1:
0x14: {  	[dreg:$0xb] =	wrdreg s7  }
0x15: {  	s5 =	rddreg [dreg:$0x7]  }
0x16: {  	[tilespmem:s1], [sflag:$0x5] =	stream.linear.gather [hbm4b:s5+s1], $0x200, $0x38;
	[tilespmem:$0x10700] =	vst v63  }
0x17: {  	_ =	swait.ge [sflag:s6], $0x200  }
0x18: {  	[sflag:s6] =	ssyncset.done $0x0  }
0x19: {  	s12 =	simm.s32 $0x200;
	s11 =	rddreg [dreg:$0x8];
	[sflag:s6] =	ssyncadd.s32 $0xFFFFFE00  }
0x1a: {  	[tilespmem:s12], [sflag:$0x5] =	stream.linear.gather [hbm4b:s11+s1], $0x200, $0x38;
	[tilespmem:$0x10700] =	vst v63  }
0x1b: {  	_ =	swait.ge [sflag:s6], $0x200  }
0x1c: {  	[sflag:s6] =	ssyncset.done $0x0  }
0x1d: {  	s14 =	simm.s32 $0x10600;
	s13 =	rddreg [dreg:$0x5];
	[sflag:s6] =	ssyncadd.s32 $0xFFFFFE00  }
0x1e: {  	[tilespmem:s14], [sflag:$0x5] =	stream.linear.gather [hbm4b:s13+s1], $0x80, $0x38;
	[tilespmem:$0x10700] =	vst v63  }
0x1f: {  	_ =	swait.ge [sflag:s6], $0x80  }
0x20: {  	[sflag:s6] =	ssyncset.done $0x0  }
0x21: {  	s8 =	simm.s32 $0x10680;
	s7 =	rddreg [dreg:$0x6];
	[sflag:s6] =	ssyncadd.s32 $0xFFFFFF80  }
0x22: {  	[tilespmem:s8], [sflag:$0x5] =	stream.linear.gather [hbm4b:s7+s1], $0x80, $0x38;
	[tilespmem:$0x10700] =	vst v63  }
0x23: {  	_ =	swait.ge [sflag:s6], $0x80  }
0x24: {  	[sflag:s6] =	ssyncset.done $0x0  }
0x25: {  	[sflag:s6] =	ssyncadd.s32 $0xFFFFFF80  }
0x26: {  	v1 =	vld [tilespmem:$0x0];
	_ =	sdelay $0x1  }
0x27: {  	v2 =	vld [tilespmem:$0x200];
	_ =	sdelay $0x2  }
0x28: {  	v1 =	vshrl.u32 v1, $0x3  }
0x29: {  	v4 =	vshll.u32 v1, $0x7  }
0x2a: {  	v1 =	vshrl.u32 v2, $0x3;
	(v2sf) =	vpush v4, $0x0  }
0x2b: {  	v3 =	vshll.u32 v1, $0x7  }
0x2c: {  	(v2sf) =	vpush v3, $0x0;
	_ =	sdelay $0x1  }
0x2d: {  	(v2sf) =	vpush v4, $0x1;
	_ =	sdelay $0x2  }
0x2e: {  	(v2sf) =	vpush v3, $0x1;
	_ =	sdelay $0x7  }
0x2f: {  	s9 =	spop (v2sf);
	(v2sf) =	vpush v4, $0x2;
	_ =	sdelay $0x1  }
0x30: {  	s10 =	spop (v2sf);
	(v2sf) =	vpush v3, $0x2;
	_ =	sdelay $0x1  }
0x31: {  	s11 =	spop (v2sf);
	(v2sf) =	vpush v4, $0x3;
	_ =	sdelay $0x2  }
0x32: {  	s13 =	spop (v2sf);
	(v2sf) =	vpush v3, $0x3;
	_ =	sdelay $0x4  }
0x33: {  	s5 =	sand.u32 $0x1FFFFF80, s9  }
0x34: {  	v2 =	vld [tilespmem:$0x10680];
	s5 =	sadd.s32 s3, s5  }
0x35: {  	v1 =	vld [tilespmem:$0x10600];
	[tilespmem:s15], [sflag:$0x1] =	stream.linear.gather [hbm4b:s5+s1], $0x400, $0x38  }
0x36: {  	s7 =	spop (v2sf);
	(v2sf) =	vpush v4, $0x4  }
0x37: {  	s5 =	sand.u32 $0x1FFFFF80, s10  }
0x38: {  	s5 =	sadd.s32 s4, s5;
	s9 =	spop (v2sf);
	(v2sf) =	vpush v3, $0x4  }
0x39: {  	[tilespmem:s16], [sflag:$0x2] =	stream.linear.gather [hbm4b:s5+s1], $0x400, $0x38;
	[tilespmem:$0x10700] =	vst v63  }
0x3a: {  	s5 =	sand.u32 $0x1FFFFF80, s11;
	s11 =	spop (v2sf);
	(v2sf) =	vpush v4, $0x5  }
0x3b: {  	s12 =	simm.s32 $0x800;
	s5 =	sadd.s32 s3, s5  }
0x3c: {  	[tilespmem:s12], [sflag:$0x1] =	stream.linear.gather [hbm4b:s5+s1], $0x400, $0x38;
	[tilespmem:$0x10700] =	vst v63  }
0x3d: {  	s5 =	sand.u32 $0x1FFFFF80, s13;
	s13 =	spop (v2sf);
	(v2sf) =	vpush v3, $0x5;
	_ =	sdelay $0x1  }
0x3e: {  	s14 =	simm.s32 $0x4800;
	s5 =	sadd.s32 s4, s5  }
0x3f: {  	[tilespmem:s14], [sflag:$0x2] =	stream.linear.gather [hbm4b:s5+s1], $0x400, $0x38;
	[tilespmem:$0x10700] =	vst v63  }
0x40: {  	s5 =	sand.u32 $0x1FFFFF80, s7  }
0x41: {  	s8 =	simm.s32 $0xC00;
	s5 =	sadd.s32 s3, s5  }
0x42: {  	[tilespmem:s8], [sflag:$0x1] =	stream.linear.gather [hbm4b:s5+s1], $0x400, $0x38;
	[tilespmem:$0x10700] =	vst v63  }
0x43: {  	s5 =	sand.u32 $0x1FFFFF80, s9  }
0x44: {  	s10 =	simm.s32 $0x4C00;
	s5 =	sadd.s32 s4, s5;
	s7 =	spop (v2sf);
	(v2sf) =	vpush v4, $0x6  }
0x45: {  	[tilespmem:s10], [sflag:$0x2] =	stream.linear.gather [hbm4b:s5+s1], $0x400, $0x38;
	[tilespmem:$0x10700] =	vst v63  }
0x46: {  	s9 =	spop (v2sf);
	(v2sf) =	vpush v3, $0x6  }
0x47: {  	s5 =	sand.u32 $0x1FFFFF80, s11  }
0x48: {  	s12 =	simm.s32 $0x1000;
	s5 =	sadd.s32 s3, s5;
	s11 =	spop (v2sf);
	(v2sf) =	vpush v4, $0x7  }
0x49: {  	[tilespmem:s12], [sflag:$0x1] =	stream.linear.gather [hbm4b:s5+s1], $0x400, $0x38;
	[tilespmem:$0x10700] =	vst v63  }
0x4a: {  	s5 =	sand.u32 $0x1FFFFF80, s13  }
0x4b: {  	s14 =	simm.s32 $0x5000;
	s5 =	sadd.s32 s4, s5;
	s13 =	spop (v2sf);
	(v2sf) =	vpush v3, $0x7  }
0x4c: {  	[tilespmem:s14], [sflag:$0x2] =	stream.linear.gather [hbm4b:s5+s1], $0x400, $0x38;
	[tilespmem:$0x10700] =	vst v63  }
0x4d: {  	s5 =	sand.u32 $0x1FFFFF80, s7  }
0x4e: {  	s8 =	simm.s32 $0x1400;
	s5 =	sadd.s32 s3, s5  }
0x4f: {  	[tilespmem:s8], [sflag:$0x1] =	stream.linear.gather [hbm4b:s5+s1], $0x400, $0x38;
	[tilespmem:$0x10700] =	vst v63  }
0x50: {  	s5 =	sand.u32 $0x1FFFFF80, s9  }
0x51: {  	s10 =	simm.s32 $0x5400;
	s5 =	sadd.s32 s4, s5  }
0x52: {  	[tilespmem:s10], [sflag:$0x2] =	stream.linear.gather [hbm4b:s5+s1], $0x400, $0x38;
	[tilespmem:$0x10700] =	vst v63  }
0x53: {  	s7 =	spop (v2sf);
	(v2sf) =	vpush v4, $0x8  }
0x54: {  	s5 =	sand.u32 $0x1FFFFF80, s11  }
0x55: {  	s12 =	simm.s32 $0x1800;
	s5 =	sadd.s32 s3, s5;
	s9 =	spop (v2sf);
	(v2sf) =	vpush v3, $0x8  }
0x56: {  	[tilespmem:s12], [sflag:$0x1] =	stream.linear.gather [hbm4b:s5+s1], $0x400, $0x38;
	[tilespmem:$0x10700] =	vst v63  }
0x57: {  	s5 =	sand.u32 $0x1FFFFF80, s13;
	s11 =	spop (v2sf);
	(v2sf) =	vpush v4, $0x9  }
0x58: {  	s14 =	simm.s32 $0x5800;
	s5 =	sadd.s32 s4, s5  }
0x59: {  	[tilespmem:s14], [sflag:$0x2] =	stream.linear.gather [hbm4b:s5+s1], $0x400, $0x38;
	[tilespmem:$0x10700] =	vst v63  }
0x5a: {  	s13 =	spop (v2sf);
	(v2sf) =	vpush v3, $0x9  }
0x5b: {  	s5 =	sand.u32 $0x1FFFFF80, s7  }
0x5c: {  	s8 =	simm.s32 $0x1C00;
	s5 =	sadd.s32 s3, s5  }
0x5d: {  	[tilespmem:s8], [sflag:$0x1] =	stream.linear.gather [hbm4b:s5+s1], $0x400, $0x38;
	[tilespmem:$0x10700] =	vst v63  }
0x5e: {  	s5 =	sand.u32 $0x1FFFFF80, s9  }
0x5f: {  	s10 =	simm.s32 $0x5C00;
	s5 =	sadd.s32 s4, s5  }
0x60: {  	[tilespmem:s10], [sflag:$0x2] =	stream.linear.gather [hbm4b:s5+s1], $0x400, $0x38;
	[tilespmem:$0x10700] =	vst v63  }
0x61: {  	s5 =	sand.u32 $0x1FFFFF80, s11  }
0x62: {  	s12 =	simm.s32 $0x2000;
	s5 =	sadd.s32 s3, s5;
	s7 =	spop (v2sf);
	(v2sf) =	vpush v4, $0xA  }
0x63: {  	[tilespmem:s12], [sflag:$0x1] =	stream.linear.gather [hbm4b:s5+s1], $0x400, $0x38;
	[tilespmem:$0x10700] =	vst v63  }
0x64: {  	s9 =	spop (v2sf);
	(v2sf) =	vpush v3, $0xA  }
0x65: {  	s5 =	sand.u32 $0x1FFFFF80, s13  }
0x66: {  	s14 =	simm.s32 $0x6000;
	s5 =	sadd.s32 s4, s5;
	s11 =	spop (v2sf);
	(v2sf) =	vpush v4, $0xB  }
0x67: {  	[tilespmem:s14], [sflag:$0x2] =	stream.linear.gather [hbm4b:s5+s1], $0x400, $0x38;
	[tilespmem:$0x10700] =	vst v63  }
0x68: {  	s5 =	sand.u32 $0x1FFFFF80, s7  }
0x69: {  	s8 =	simm.s32 $0x2400;
	s5 =	sadd.s32 s3, s5;
	s13 =	spop (v2sf);
	(v2sf) =	vpush v3, $0xB  }
0x6a: {  	[tilespmem:s8], [sflag:$0x1] =	stream.linear.gather [hbm4b:s5+s1], $0x400, $0x38;
	[tilespmem:$0x10700] =	vst v63  }
0x6b: {  	s5 =	sand.u32 $0x1FFFFF80, s9  }
0x6c: {  	s10 =	simm.s32 $0x6400;
	s5 =	sadd.s32 s4, s5  }
0x6d: {  	[tilespmem:s10], [sflag:$0x2] =	stream.linear.gather [hbm4b:s5+s1], $0x400, $0x38;
	[tilespmem:$0x10700] =	vst v63  }
0x6e: {  	s5 =	sand.u32 $0x1FFFFF80, s11  }
0x6f: {  	s12 =	simm.s32 $0x2800;
	s5 =	sadd.s32 s3, s5  }
0x70: {  	[tilespmem:s12], [sflag:$0x1] =	stream.linear.gather [hbm4b:s5+s1], $0x400, $0x38;
	[tilespmem:$0x10700] =	vst v63  }
0x71: {  	s7 =	spop (v2sf);
	(v2sf) =	vpush v4, $0xC  }
0x72: {  	s5 =	sand.u32 $0x1FFFFF80, s13  }
0x73: {  	s14 =	simm.s32 $0x6800;
	s5 =	sadd.s32 s4, s5;
	s9 =	spop (v2sf);
	(v2sf) =	vpush v3, $0xC  }
0x74: {  	[tilespmem:s14], [sflag:$0x2] =	stream.linear.gather [hbm4b:s5+s1], $0x400, $0x38;
	[tilespmem:$0x10700] =	vst v63  }
0x75: {  	s5 =	sand.u32 $0x1FFFFF80, s7;
	s11 =	spop (v2sf);
	(v2sf) =	vpush v4, $0xD  }
0x76: {  	s8 =	simm.s32 $0x2C00;
	s5 =	sadd.s32 s3, s5  }
0x77: {  	[tilespmem:s8], [sflag:$0x1] =	stream.linear.gather [hbm4b:s5+s1], $0x400, $0x38;
	[tilespmem:$0x10700] =	vst v63  }
0x78: {  	s13 =	spop (v2sf);
	(v2sf) =	vpush v3, $0xD  }
0x79: {  	s5 =	sand.u32 $0x1FFFFF80, s9  }
0x7a: {  	s10 =	simm.s32 $0x6C00;
	s5 =	sadd.s32 s4, s5  }
0x7b: {  	[tilespmem:s10], [sflag:$0x2] =	stream.linear.gather [hbm4b:s5+s1], $0x400, $0x38;
	[tilespmem:$0x10700] =	vst v63  }
0x7c: {  	s5 =	sand.u32 $0x1FFFFF80, s11  }
0x7d: {  	s12 =	simm.s32 $0x3000;
	s5 =	sadd.s32 s3, s5  }
0x7e: {  	[tilespmem:s12], [sflag:$0x1] =	stream.linear.gather [hbm4b:s5+s1], $0x400, $0x38;
	[tilespmem:$0x10700] =	vst v63  }
0x7f: {  	s5 =	sand.u32 $0x1FFFFF80, s13  }
0x80: {  	s14 =	simm.s32 $0x7000;
	s5 =	sadd.s32 s4, s5;
	s7 =	spop (v2sf);
	(v2sf) =	vpush v4, $0xE  }
0x81: {  	[tilespmem:s14], [sflag:$0x2] =	stream.linear.gather [hbm4b:s5+s1], $0x400, $0x38;
	[tilespmem:$0x10700] =	vst v63  }
0x82: {  	s9 =	spop (v2sf);
	(v2sf) =	vpush v3, $0xE  }
0x83: {  	s5 =	sand.u32 $0x1FFFFF80, s7  }
0x84: {  	s8 =	simm.s32 $0x3400;
	s5 =	sadd.s32 s3, s5;
	s11 =	spop (v2sf)  }
0x85: {  	(v2sf) =	vpush v4, $0xF;
	[tilespmem:s8], [sflag:$0x1] =	stream.linear.gather [hbm4b:s5+s1], $0x400, $0x38;
	[tilespmem:$0x10700] =	vst v63  }
0x86: {  	s5 =	sand.u32 $0x1FFFFF80, s9  }
0x87: {  	s10 =	simm.s32 $0x7400;
	s13 =	spop (v2sf);
	s5 =	sadd.s32 s4, s5  }
0x88: {  	(v2sf) =	vpush v3, $0xF;
	[tilespmem:s10], [sflag:$0x2] =	stream.linear.gather [hbm4b:s5+s1], $0x400, $0x38;
	[tilespmem:$0x10700] =	vst v63  }
0x89: {  	s5 =	sand.u32 $0x1FFFFF80, s11  }
0x8a: {  	s12 =	simm.s32 $0x3800;
	s5 =	sadd.s32 s3, s5  }
0x8b: {  	[tilespmem:s12], [sflag:$0x1] =	stream.linear.gather [hbm4b:s5+s1], $0x400, $0x38;
	[tilespmem:$0x10700] =	vst v63  }
0x8c: {  	s5 =	sand.u32 $0x1FFFFF80, s13  }
0x8d: {  	s14 =	simm.s32 $0x7800;
	s5 =	sadd.s32 s4, s5  }
0x8e: {  	[tilespmem:s14], [sflag:$0x2] =	stream.linear.gather [hbm4b:s5+s1], $0x400, $0x38;
	[tilespmem:$0x10700] =	vst v63  }
0x8f: {  	s7 =	spop (v2sf)  }
0x90: {  	s5 =	sand.u32 $0x1FFFFF80, s7  }
0x91: {  	s8 =	simm.s32 $0x3C00;
	s9 =	spop (v2sf);
	s5 =	sadd.s32 s3, s5  }
0x92: {  	[tilespmem:s8], [sflag:$0x1] =	stream.linear.gather [hbm4b:s5+s1], $0x400, $0x38;
	[tilespmem:$0x10700] =	vst v63  }
0x93: {  	s5 =	sand.u32 $0x1FFFFF80, s9  }
0x94: {  	s10 =	simm.s32 $0x7C00;
	s11 =	spop (v2sf);
	s5 =	sadd.s32 s4, s5  }
0x95: {  	[tilespmem:s10], [sflag:$0x2] =	stream.linear.gather [hbm4b:s5+s1], $0x400, $0x38;
	[tilespmem:$0x10700] =	vst v63  }
0x96: {  	s5 =	sand.u32 $0x1FFFFF80, s11  }
0x97: {  	s12 =	simm.s32 $0x4000;
	s13 =	spop (v2sf);
	s5 =	sadd.s32 s3, s5  }
0x98: {  	[tilespmem:s12], [sflag:$0x1] =	stream.linear.gather [hbm4b:s5+s1], $0x400, $0x38;
	[tilespmem:$0x10700] =	vst v63  }
0x99: {  	s5 =	sand.u32 $0x1FFFFF80, s13  }
0x9a: {  	s14 =	simm.s32 $0x8000;
	s12 =	simm.s32 $0x0;
	s5 =	sadd.s32 s4, s5  }
0x9b: {  	[tilespmem:s14], [sflag:$0x2] =	stream.linear.gather [hbm4b:s5+s1], $0x400, $0x38;
	[tilespmem:$0x10700] =	vst v63  }
.LBB2_2:
0x9c: {  	s14 =	sshll.u32 s12, $0x5  }
0x9d: {  	v3 =	vld [tilespmem:s14+$0x10];
	_ =	sdelay $0x1  }
0x9e: {  	v5 =	vld [tilespmem:s14+$0x210];
	_ =	sdelay $0x2  }
0x9f: {  	v3 =	vshrl.u32 v3, $0x3  }
0xa0: {  	v4 =	vshll.u32 v3, $0x7  }
0xa1: {  	v3 =	vshrl.u32 v5, $0x3;
	(v2sf) =	vpush v4, $0x0  }
0xa2: {  	v3 =	vshll.u32 v3, $0x7  }
0xa3: {  	(v2sf) =	vpush v3, $0x0;
	_ =	sdelay $0x1  }
0xa4: {  	(v2sf) =	vpush v4, $0x1;
	_ =	sdelay $0x2  }
0xa5: {  	(v2sf) =	vpush v3, $0x1;
	_ =	sdelay $0x7  }
0xa6: {  	s5 =	spop (v2sf);
	(v2sf) =	vpush v4, $0x2;
	_ =	sdelay $0x1  }
0xa7: {  	s6 =	spop (v2sf);
	(v2sf) =	vpush v3, $0x2;
	_ =	sdelay $0x1  }
0xa8: {  	s7 =	spop (v2sf);
	(v2sf) =	vpush v4, $0x3;
	_ =	sdelay $0x2  }
0xa9: {  	s8 =	spop (v2sf);
	(v2sf) =	vpush v3, $0x3  }
0xaa: {  	s5 =	sand.u32 $0x1FFFFF80, s5  }
0xab: {  	s13 =	sadd.s32 s3, s5;
	s5 =	simm.s32 $0x0  }
0xac: {  	[tilespmem:s21], [sflag:$0x3] =	stream.linear.gather [hbm4b:s13+s5], $0x400, $0x38;
	[tilespmem:$0x10700] =	vst v63  }
0xad: {  	s13 =	sand.u32 $0x1FFFFF80, s6  }
0xae: {  	s13 =	sadd.s32 s4, s13  }
0xaf: {  	[tilespmem:s22], [sflag:$0x4] =	stream.linear.gather [hbm4b:s13+s5], $0x400, $0x38;
	[tilespmem:$0x10700] =	vst v63  }
0xb0: {  	s13 =	sand.u32 $0x1FFFFF80, s7  }
0xb1: {  	s6 =	simm.s32 $0x8800;
	s13 =	sadd.s32 s3, s13;
	s10 =	spop (v2sf);
	(v2sf) =	vpush v4, $0x4  }
0xb2: {  	[tilespmem:s6], [sflag:$0x3] =	stream.linear.gather [hbm4b:s13+s5], $0x400, $0x38;
	[tilespmem:$0x10700] =	vst v63  }
0xb3: {  	s6 =	spop (v2sf);
	(v2sf) =	vpush v3, $0x4;
	_ =	sdelay $0x1  }
0xb4: {  	s13 =	sand.u32 $0x1FFFFF80, s8;
	s8 =	spop (v2sf);
	(v2sf) =	vpush v4, $0x5  }
0xb5: {  	s9 =	simm.s32 $0xC800;
	s13 =	sadd.s32 s4, s13  }
0xb6: {  	[tilespmem:s9], [sflag:$0x4] =	stream.linear.gather [hbm4b:s13+s5], $0x400, $0x38;
	[tilespmem:$0x10700] =	vst v63  }
0xb7: {  	s13 =	sand.u32 $0x1FFFFF80, s10;
	s10 =	spop (v2sf);
	(v2sf) =	vpush v3, $0x5;
	_ =	sdelay $0x2  }
0xb8: {  	s11 =	simm.s32 $0x8C00;
	s13 =	sadd.s32 s3, s13  }
0xb9: {  	[tilespmem:s11], [sflag:$0x3] =	stream.linear.gather [hbm4b:s13+s5], $0x400, $0x38;
	[tilespmem:$0x10700] =	vst v63  }
0xba: {  	s13 =	sand.u32 $0x1FFFFF80, s6  }
0xbb: {  	s7 =	simm.s32 $0xCC00;
	s13 =	sadd.s32 s4, s13  }
0xbc: {  	[tilespmem:s7], [sflag:$0x4] =	stream.linear.gather [hbm4b:s13+s5], $0x400, $0x38;
	[tilespmem:$0x10700] =	vst v63  }
0xbd: {  	s6 =	spop (v2sf);
	(v2sf) =	vpush v4, $0x6  }
0xbe: {  	s13 =	sand.u32 $0x1FFFFF80, s8  }
0xbf: {  	s9 =	simm.s32 $0x9000;
	s13 =	sadd.s32 s3, s13;
	s8 =	spop (v2sf);
	(v2sf) =	vpush v3, $0x6  }
0xc0: {  	[tilespmem:s9], [sflag:$0x3] =	stream.linear.gather [hbm4b:s13+s5], $0x400, $0x38;
	[tilespmem:$0x10700] =	vst v63  }
0xc1: {  	s13 =	sand.u32 $0x1FFFFF80, s10;
	s10 =	spop (v2sf);
	(v2sf) =	vpush v4, $0x7  }
0xc2: {  	s11 =	simm.s32 $0xD000;
	s13 =	sadd.s32 s4, s13  }
0xc3: {  	[tilespmem:s11], [sflag:$0x4] =	stream.linear.gather [hbm4b:s13+s5], $0x400, $0x38;
	[tilespmem:$0x10700] =	vst v63  }
0xc4: {  	s13 =	sand.u32 $0x1FFFFF80, s6;
	s6 =	spop (v2sf);
	(v2sf) =	vpush v3, $0x7;
	_ =	sdelay $0x2  }
0xc5: {  	s7 =	simm.s32 $0x9400;
	s13 =	sadd.s32 s3, s13  }
0xc6: {  	[tilespmem:s7], [sflag:$0x3] =	stream.linear.gather [hbm4b:s13+s5], $0x400, $0x38;
	[tilespmem:$0x10700] =	vst v63  }
0xc7: {  	s13 =	sand.u32 $0x1FFFFF80, s8  }
0xc8: {  	s9 =	simm.s32 $0xD400;
	s13 =	sadd.s32 s4, s13  }
0xc9: {  	[tilespmem:s9], [sflag:$0x4] =	stream.linear.gather [hbm4b:s13+s5], $0x400, $0x38;
	[tilespmem:$0x10700] =	vst v63  }
0xca: {  	s8 =	spop (v2sf);
	(v2sf) =	vpush v4, $0x8  }
0xcb: {  	s13 =	sand.u32 $0x1FFFFF80, s10  }
0xcc: {  	s11 =	simm.s32 $0x9800;
	s13 =	sadd.s32 s3, s13;
	s10 =	spop (v2sf);
	(v2sf) =	vpush v3, $0x8  }
0xcd: {  	[tilespmem:s11], [sflag:$0x3] =	stream.linear.gather [hbm4b:s13+s5], $0x400, $0x38;
	[tilespmem:$0x10700] =	vst v63  }
0xce: {  	s13 =	sand.u32 $0x1FFFFF80, s6;
	s6 =	spop (v2sf);
	(v2sf) =	vpush v4, $0x9  }
0xcf: {  	s7 =	simm.s32 $0xD800;
	s13 =	sadd.s32 s4, s13  }
0xd0: {  	[tilespmem:s7], [sflag:$0x4] =	stream.linear.gather [hbm4b:s13+s5], $0x400, $0x38;
	[tilespmem:$0x10700] =	vst v63  }
0xd1: {  	s13 =	sand.u32 $0x1FFFFF80, s8;
	s8 =	spop (v2sf);
	(v2sf) =	vpush v3, $0x9;
	_ =	sdelay $0x1  }
0xd2: {  	s9 =	simm.s32 $0x9C00;
	s13 =	sadd.s32 s3, s13  }
0xd3: {  	[tilespmem:s9], [sflag:$0x3] =	stream.linear.gather [hbm4b:s13+s5], $0x400, $0x38;
	[tilespmem:$0x10700] =	vst v63  }
0xd4: {  	s13 =	sand.u32 $0x1FFFFF80, s10  }
0xd5: {  	s11 =	simm.s32 $0xDC00;
	s13 =	sadd.s32 s4, s13  }
0xd6: {  	[tilespmem:s11], [sflag:$0x4] =	stream.linear.gather [hbm4b:s13+s5], $0x400, $0x38;
	[tilespmem:$0x10700] =	vst v63  }
0xd7: {  	s13 =	sand.u32 $0x1FFFFF80, s6  }
0xd8: {  	s7 =	simm.s32 $0xA000;
	s13 =	sadd.s32 s3, s13;
	s10 =	spop (v2sf);
	(v2sf) =	vpush v4, $0xA  }
0xd9: {  	[tilespmem:s7], [sflag:$0x3] =	stream.linear.gather [hbm4b:s13+s5], $0x400, $0x38;
	[tilespmem:$0x10700] =	vst v63  }
0xda: {  	s6 =	spop (v2sf);
	(v2sf) =	vpush v3, $0xA  }
0xdb: {  	s13 =	sand.u32 $0x1FFFFF80, s8  }
0xdc: {  	s9 =	simm.s32 $0xE000;
	s13 =	sadd.s32 s4, s13;
	s8 =	spop (v2sf);
	(v2sf) =	vpush v4, $0xB  }
0xdd: {  	[tilespmem:s9], [sflag:$0x4] =	stream.linear.gather [hbm4b:s13+s5], $0x400, $0x38;
	[tilespmem:$0x10700] =	vst v63  }
0xde: {  	s13 =	sand.u32 $0x1FFFFF80, s10  }
0xdf: {  	s11 =	simm.s32 $0xA400;
	s13 =	sadd.s32 s3, s13;
	s10 =	spop (v2sf);
	(v2sf) =	vpush v3, $0xB  }
0xe0: {  	[tilespmem:s11], [sflag:$0x3] =	stream.linear.gather [hbm4b:s13+s5], $0x400, $0x38;
	[tilespmem:$0x10700] =	vst v63  }
0xe1: {  	s13 =	sand.u32 $0x1FFFFF80, s6  }
0xe2: {  	s7 =	simm.s32 $0xE400;
	s13 =	sadd.s32 s4, s13  }
0xe3: {  	[tilespmem:s7], [sflag:$0x4] =	stream.linear.gather [hbm4b:s13+s5], $0x400, $0x38;
	[tilespmem:$0x10700] =	vst v63  }
0xe4: {  	s13 =	sand.u32 $0x1FFFFF80, s8  }
0xe5: {  	s9 =	simm.s32 $0xA800;
	s13 =	sadd.s32 s3, s13  }
0xe6: {  	[tilespmem:s9], [sflag:$0x3] =	stream.linear.gather [hbm4b:s13+s5], $0x400, $0x38;
	[tilespmem:$0x10700] =	vst v63  }
0xe7: {  	s7 =	spop (v2sf);
	(v2sf) =	vpush v4, $0xC  }
0xe8: {  	s13 =	sand.u32 $0x1FFFFF80, s10  }
0xe9: {  	s11 =	simm.s32 $0xE800;
	s13 =	sadd.s32 s4, s13;
	s9 =	spop (v2sf);
	(v2sf) =	vpush v3, $0xC  }
0xea: {  	[tilespmem:s11], [sflag:$0x4] =	stream.linear.gather [hbm4b:s13+s5], $0x400, $0x38;
	[tilespmem:$0x10700] =	vst v63  }
0xeb: {  	s13 =	sand.u32 $0x1FFFFF80, s7;
	s11 =	spop (v2sf);
	(v2sf) =	vpush v4, $0xD  }
0xec: {  	s8 =	simm.s32 $0xAC00;
	s13 =	sadd.s32 s3, s13  }
0xed: {  	[tilespmem:s8], [sflag:$0x3] =	stream.linear.gather [hbm4b:s13+s5], $0x400, $0x38;
	[tilespmem:$0x10700] =	vst v63  }
0xee: {  	s6 =	spop (v2sf);
	(v2sf) =	vpush v3, $0xD  }
0xef: {  	s13 =	sand.u32 $0x1FFFFF80, s9  }
0xf0: {  	s10 =	simm.s32 $0xEC00;
	s13 =	sadd.s32 s4, s13  }
0xf1: {  	[tilespmem:s10], [sflag:$0x4] =	stream.linear.gather [hbm4b:s13+s5], $0x400, $0x38;
	[tilespmem:$0x10700] =	vst v63  }
0xf2: {  	s13 =	sand.u32 $0x1FFFFF80, s11  }
0xf3: {  	s13 =	sadd.s32 s3, s13  }
0xf4: {  	[tilespmem:s17], [sflag:$0x3] =	stream.linear.gather [hbm4b:s13+s5], $0x400, $0x38;
	[tilespmem:$0x10700] =	vst v63  }
0xf5: {  	s13 =	sand.u32 $0x1FFFFF80, s6  }
0xf6: {  	s13 =	sadd.s32 s4, s13;
	s7 =	spop (v2sf);
	(v2sf) =	vpush v4, $0xE  }
0xf7: {  	[tilespmem:s18], [sflag:$0x4] =	stream.linear.gather [hbm4b:s13+s5], $0x400, $0x38;
	[tilespmem:$0x10700] =	vst v63  }
0xf8: {  	s8 =	spop (v2sf);
	(v2sf) =	vpush v3, $0xE  }
0xf9: {  	s13 =	sand.u32 $0x1FFFFF80, s7  }
0xfa: {  	s13 =	sadd.s32 s3, s13;
	s9 =	spop (v2sf)  }
0xfb: {  	(v2sf) =	vpush v4, $0xF;
	[tilespmem:s19], [sflag:$0x3] =	stream.linear.gather [hbm4b:s13+s5], $0x400, $0x38;
	[tilespmem:$0x10700] =	vst v63  }
0xfc: {  	s13 =	sand.u32 $0x1FFFFF80, s8  }
0xfd: {  	s10 =	spop (v2sf);
	s13 =	sadd.s32 s4, s13  }
0xfe: {  	(v2sf) =	vpush v3, $0xF;
	[tilespmem:s20], [sflag:$0x4] =	stream.linear.gather [hbm4b:s13+s5], $0x400, $0x38;
	[tilespmem:$0x10700] =	vst v63  }
0xff: {  	s13 =	sand.u32 $0x1FFFFF80, s9  }
0x100: {  	s13 =	sadd.s32 s3, s13  }
0x101: {  	[tilespmem:s23], [sflag:$0x3] =	stream.linear.gather [hbm4b:s13+s5], $0x400, $0x38;
	[tilespmem:$0x10700] =	vst v63  }
0x102: {  	s13 =	sand.u32 $0x1FFFFF80, s10  }
0x103: {  	s13 =	sadd.s32 s4, s13  }
0x104: {  	[tilespmem:s24], [sflag:$0x4] =	stream.linear.gather [hbm4b:s13+s5], $0x400, $0x38;
	[tilespmem:$0x10700] =	vst v63  }
0x105: {  	s11 =	spop (v2sf)  }
0x106: {  	s13 =	sand.u32 $0x1FFFFF80, s11  }
0x107: {  	s6 =	spop (v2sf);
	s13 =	sadd.s32 s3, s13  }
0x108: {  	[tilespmem:s25], [sflag:$0x3] =	stream.linear.gather [hbm4b:s13+s5], $0x400, $0x38;
	[tilespmem:$0x10700] =	vst v63  }
0x109: {  	s13 =	sand.u32 $0x1FFFFF80, s6  }
0x10a: {  	s7 =	spop (v2sf);
	s13 =	sadd.s32 s4, s13  }
0x10b: {  	[tilespmem:s26], [sflag:$0x4] =	stream.linear.gather [hbm4b:s13+s5], $0x400, $0x38;
	[tilespmem:$0x10700] =	vst v63  }
0x10c: {  	s13 =	sand.u32 $0x1FFFFF80, s7  }
0x10d: {  	s8 =	spop (v2sf);
	s13 =	sadd.s32 s3, s13  }
0x10e: {  	[tilespmem:s28], [sflag:$0x3] =	stream.linear.gather [hbm4b:s13+s5], $0x400, $0x38;
	[tilespmem:$0x10700] =	vst v63  }
0x10f: {  	s13 =	sand.u32 $0x1FFFFF80, s8  }
0x110: {  	v6 =	vmov s5;
	s9 =	simm.s32 $0xF;
	s13 =	sadd.s32 s4, s13  }
0x111: {  	v6 =	vand.u32 $0x70, v6;
	[tilespmem:s29], [sflag:$0x4] =	stream.linear.gather [hbm4b:s13+s5], $0x400, $0x38;
	[tilespmem:$0x10700] =	vst v63  }
0x112: {  	v5 =	vimm.f32 $0.0e+00;
	v21 =	vbroadcast v6, $0x0;
	v7 =	vmov s9;
	s9 =	simm.s32 $0xB;
	_ =	swait.ge [sflag:s30], $0x4000  }
0x113: {  	v6 =	vimm.f32 $0.0e+00;
	s10 =	simm.s32 $0xC;
	v13 =	vmov s9;
	s9 =	simm.s32 $0x5;
	v7 =	vand.u32 $0x7F, v7;
	[sflag:s30] =	ssyncset.done $0x0  }
0x114: {  	v8 =	vmov s10;
	s10 =	simm.s32 $0x6;
	v19 =	vmov s9;
	v26 =	vand.u32 $0x7B, v13;
	s11 =	simm.s32 $0xD;
	[sflag:s30] =	ssyncadd.s32 $0xFFFFC000  }
0x115: {  	v15 =	vmov s10;
	s10 =	simm.s32 $0x1;
	v19 =	vand.u32 $0x75, v19;
	v9 =	vmov s11;
	s11 =	simm.s32 $0x7;
	_ =	swait.ge [sflag:s31], $0x4000  }
0x116: {  	v14 =	vmov s10;
	s6 =	simm.s32 $0xE;
	v16 =	vmov s11;
	s11 =	simm.s32 $0x2;
	v24 =	vand.u32 $0x7D, v9;
	[sflag:s31] =	ssyncset.done $0x0  }
0x117: {  	v10 =	vmov s6;
	s6 =	simm.s32 $0x8;
	v23 =	vmov s11;
	v9 =	vand.u32 $0x77, v16;
	[sflag:s31] =	ssyncadd.s32 $0xFFFFC000  }
0x118: {  	s7 =	simm.s32 $0x9;
	v17 =	vmov s6;
	v10 =	vand.u32 $0x7E, v10;
	v23 =	vand.u32 $0x72, v23;
	v3 =	vld [tilespmem:s14+$0x0]  }
0x119: {  	v11 =	vmov s7;
	s7 =	simm.s32 $0x3;
	v17 =	vand.u32 $0x78, v17;
	v10 =	vbroadcast v10, $0x0;
	v4 =	vld [tilespmem:s14+$0x200]  }
0x11a: {  	s8 =	simm.s32 $0xA;
	v22 =	vmov s7;
	v18 =	vand.u32 $0x79, v11;
	v11 =	vand.u32 $0x76, v15  }
0x11b: {  	v15 =	vbroadcast v26, $0x0;
	v12 =	vmov s8;
	s8 =	simm.s32 $0x4;
	v22 =	vand.u32 $0x73, v22  }
0x11c: {  	v20 =	vmov s8;
	v25 =	vand.u32 $0x7A, v12;
	v12 =	vand.u32 $0x7C, v8  }
0x11d: {  	v8 =	vbroadcast v7, $0x0;
	v7 =	vimm.f32 $0.0e+00;
	v20 =	vand.u32 $0x74, v20  }
0x11e: {  	v13 =	vbroadcast v12, $0x0;
	v3 =	vshll.u32 v3, $0x7;
	v4 =	vshll.u32 v4, $0x7  }
0x11f: {  	v12 =	vbroadcast v24, $0x0;
	v3 =	vand.u32 $0x380, v3;
	v4 =	vand.u32 $0x380, v4  }
0x120: {  	s13 =	sor.u32 $0x10, s14;
	s5 =	simm.s32 $0x10;
	v16 =	vbroadcast v25, $0x0;
	v3 =	vor.u32 v0, v3;
	v4 =	vor.u32 v0, v4  }
.LBB2_3:
0x121: {  	p0 =	slt.u32 s5, $0x30;
	v14 =	vand.u32 $0x71, v14;
	v17 =	vbroadcast v17, $0x0;
	v18 =	vbroadcast v18, $0x0  }
0x122: {  	v24 =	vor.u32 v3, v21;
	v25 =	vbroadcast v9, $0x0;
	v14 =	vbroadcast v14, $0x0  }
0x123: {  	v21 =	vor.u32 v4, v21;
	v19 =	vbroadcast v19, $0x0;
	v26 =	vbroadcast v11, $0x0  }
0x124: {  	v23 =	vbroadcast v23, $0x0;
	v20 =	vbroadcast v20, $0x0;
	v27 =	vor.u32 v3, v14  }
0x125: {  	v22 =	vbroadcast v22, $0x0;
	v9 =	vor.u32 v3, v8;
	v28 =	vor.u32 v4, v14  }
0x126: {  	v11 =	vor.u32 v3, v10;
	v8 =	vor.u32 v4, v8;
	v29 =	vor.u32 v3, v23  }
0x127: {  	v10 =	vor.u32 v4, v10;
	v23 =	vor.u32 v4, v23;
	v14 =	vor.u32 v3, v12;
	v24 =	vld.idx.msk [tilespmem:v24+s15+$0x0], $0xffff  }
0x128: {  	v31 =	vor.u32 v3, v13;
	v30 =	vor.u32 v3, v22;
	v12 =	vor.u32 v4, v12;
	v21 =	vld.idx.msk [tilespmem:v21+s16+$0x0], $0xffff  }
0x129: {  	v13 =	vor.u32 v4, v13;
	v32 =	vor.u32 v3, v15;
	v22 =	vor.u32 v4, v22;
	v27 =	vld.idx.msk [tilespmem:v27+s15+$0x0], $0xffff  }
0x12a: {  	v34 =	vor.u32 v3, v16;
	v15 =	vor.u32 v4, v15;
	v33 =	vor.u32 v3, v20;
	v28 =	vld.idx.msk [tilespmem:v28+s16+$0x0], $0xffff  }
0x12b: {  	v16 =	vor.u32 v4, v16;
	v20 =	vor.u32 v4, v20;
	v35 =	vor.u32 v3, v18;
	v29 =	vld.idx.msk [tilespmem:v29+s15+$0x0], $0xffff  }
0x12c: {  	v36 =	vor.u32 v3, v19;
	v37 =	vor.u32 v3, v17;
	v18 =	vor.u32 v4, v18;
	v23 =	vld.idx.msk [tilespmem:v23+s16+$0x0], $0xffff  }
0x12d: {  	v19 =	vor.u32 v4, v19;
	v38 =	vor.u32 v3, v25;
	v17 =	vor.u32 v4, v17;
	v30 =	vld.idx.msk [tilespmem:v30+s15+$0x0], $0xffff  }
0x12e: {  	v40 =	vor.u32 v3, v26;
	v25 =	vor.u32 v4, v25;
	v39 =	vmul.f32 v21, v24;
	v22 =	vld.idx.msk [tilespmem:v22+s16+$0x0], $0xffff  }
0x12f: {  	v26 =	vor.u32 v4, v26;
	v24 =	vmul.f32 v24, v24;
	v21 =	vmul.f32 v21, v21;
	v33 =	vld.idx.msk [tilespmem:v33+s15+$0x0], $0xffff  }
0x130: {  	v5 =	vadd.f32 v39, v5;
	v39 =	vmul.f32 v28, v27;
	v27 =	vmul.f32 v27, v27;
	v20 =	vld.idx.msk [tilespmem:v20+s16+$0x0], $0xffff  }
0x131: {  	v7 =	vadd.f32 v24, v7;
	v6 =	vadd.f32 v21, v6;
	v21 =	vmul.f32 v28, v28;
	v24 =	vld.idx.msk [tilespmem:v36+s15+$0x0], $0xffff  }
0x132: {  	v5 =	vadd.f32 v39, v5;
	v28 =	vmul.f32 v23, v29;
	v29 =	vmul.f32 v29, v29;
	v19 =	vld.idx.msk [tilespmem:v19+s16+$0x0], $0xffff  }
0x133: {  	v7 =	vadd.f32 v27, v7;
	v6 =	vadd.f32 v21, v6;
	v21 =	vmul.f32 v23, v23;
	v23 =	vld.idx.msk [tilespmem:v40+s15+$0x0], $0xffff  }
0x134: {  	v5 =	vadd.f32 v28, v5;
	v27 =	vmul.f32 v22, v30;
	v28 =	vmul.f32 v30, v30;
	v26 =	vld.idx.msk [tilespmem:v26+s16+$0x0], $0xffff  }
0x135: {  	v7 =	vadd.f32 v29, v7;
	v6 =	vadd.f32 v21, v6;
	v21 =	vmul.f32 v22, v22;
	v22 =	vld.idx.msk [tilespmem:v38+s15+$0x0], $0xffff  }
0x136: {  	v29 =	vmul.f32 v33, v33;
	v5 =	vadd.f32 v27, v5;
	v27 =	vmul.f32 v20, v33;
	v25 =	vld.idx.msk [tilespmem:v25+s16+$0x0], $0xffff  }
0x137: {  	v7 =	vadd.f32 v28, v7;
	v6 =	vadd.f32 v21, v6;
	v20 =	vmul.f32 v20, v20;
	v21 =	vld.idx.msk [tilespmem:v37+s15+$0x0], $0xffff  }
0x138: {  	v5 =	vadd.f32 v27, v5;
	v27 =	vmul.f32 v19, v24;
	v24 =	vmul.f32 v24, v24;
	v17 =	vld.idx.msk [tilespmem:v17+s16+$0x0], $0xffff  }
0x139: {  	v7 =	vadd.f32 v29, v7;
	v6 =	vadd.f32 v20, v6;
	v19 =	vmul.f32 v19, v19;
	v20 =	vld.idx.msk [tilespmem:v35+s15+$0x0], $0xffff  }
0x13a: {  	v5 =	vadd.f32 v27, v5;
	v27 =	vmul.f32 v26, v23;
	v23 =	vmul.f32 v23, v23;
	v18 =	vld.idx.msk [tilespmem:v18+s16+$0x0], $0xffff  }
0x13b: {  	v7 =	vadd.f32 v24, v7;
	v6 =	vadd.f32 v19, v6;
	v19 =	vmul.f32 v26, v26;
	v24 =	vld.idx.msk [tilespmem:v34+s15+$0x0], $0xffff  }
0x13c: {  	v5 =	vadd.f32 v27, v5;
	v26 =	vmul.f32 v25, v22;
	v22 =	vmul.f32 v22, v22;
	v16 =	vld.idx.msk [tilespmem:v16+s16+$0x0], $0xffff  }
0x13d: {  	v7 =	vadd.f32 v23, v7;
	v6 =	vadd.f32 v19, v6;
	v19 =	vmul.f32 v25, v25;
	v23 =	vld.idx.msk [tilespmem:v32+s15+$0x0], $0xffff  }
0x13e: {  	v5 =	vadd.f32 v26, v5;
	v25 =	vmul.f32 v17, v21;
	v21 =	vmul.f32 v21, v21;
	v15 =	vld.idx.msk [tilespmem:v15+s16+$0x0], $0xffff  }
0x13f: {  	v7 =	vadd.f32 v22, v7;
	v6 =	vadd.f32 v19, v6;
	v17 =	vmul.f32 v17, v17;
	v19 =	vld.idx.msk [tilespmem:v31+s15+$0x0], $0xffff  }
0x140: {  	v5 =	vadd.f32 v25, v5;
	v22 =	vmul.f32 v18, v20;
	v20 =	vmul.f32 v20, v20;
	v13 =	vld.idx.msk [tilespmem:v13+s16+$0x0], $0xffff  }
0x141: {  	v7 =	vadd.f32 v21, v7;
	v6 =	vadd.f32 v17, v6;
	v17 =	vmul.f32 v18, v18;
	v14 =	vld.idx.msk [tilespmem:v14+s15+$0x0], $0xffff  }
0x142: {  	v21 =	vmul.f32 v24, v24;
	v5 =	vadd.f32 v22, v5;
	v18 =	vmul.f32 v16, v24;
	v12 =	vld.idx.msk [tilespmem:v12+s16+$0x0], $0xffff  }
0x143: {  	v7 =	vadd.f32 v20, v7;
	v6 =	vadd.f32 v17, v6;
	v16 =	vmul.f32 v16, v16;
	v11 =	vld.idx.msk [tilespmem:v11+s15+$0x0], $0xffff  }
0x144: {  	v5 =	vadd.f32 v18, v5;
	v17 =	vmul.f32 v15, v23;
	v18 =	vmul.f32 v23, v23;
	v10 =	vld.idx.msk [tilespmem:v10+s16+$0x0], $0xffff  }
0x145: {  	v7 =	vadd.f32 v21, v7;
	v6 =	vadd.f32 v16, v6;
	v15 =	vmul.f32 v15, v15;
	v9 =	vld.idx.msk [tilespmem:v9+s15+$0x0], $0xffff  }
0x146: {  	v5 =	vadd.f32 v17, v5;
	v16 =	vmul.f32 v13, v19;
	v17 =	vmul.f32 v19, v19;
	v8 =	vld.idx.msk [tilespmem:v8+s16+$0x0], $0xffff  }
0x147: {  	v7 =	vadd.f32 v18, v7;
	v6 =	vadd.f32 v15, v6;
	v13 =	vmul.f32 v13, v13  }
0x148: {  	v5 =	vadd.f32 v16, v5;
	v15 =	vmul.f32 v12, v14;
	v14 =	vmul.f32 v14, v14  }
0x149: {  	v7 =	vadd.f32 v17, v7;
	v6 =	vadd.f32 v13, v6;
	v12 =	vmul.f32 v12, v12  }
0x14a: {  	v5 =	vadd.f32 v15, v5;
	v13 =	vmul.f32 v10, v11;
	v11 =	vmul.f32 v11, v11  }
0x14b: {  	v7 =	vadd.f32 v14, v7;
	v6 =	vadd.f32 v12, v6;
	v10 =	vmul.f32 v10, v10  }
0x14c: {  	v5 =	vadd.f32 v13, v5;
	v12 =	vmul.f32 v8, v9;
	v9 =	vmul.f32 v9, v9  }
0x14d: {  	v7 =	vadd.f32 v11, v7;
	v6 =	vadd.f32 v10, v6;
	v8 =	vmul.f32 v8, v8  }
0x14e: {  	s6 =	sadd.s32 $0xF, s5;
	v10 =	vmov s5;
	v5 =	vadd.f32 v12, v5  }
0x14f: {  	s7 =	sadd.s32 $0xC, s5;
	s8 =	sadd.s32 $0xD, s5;
	s9 =	sadd.s32 $0xE, s5;
	v11 =	vmov s6;
	v7 =	vadd.f32 v9, v7;
	v6 =	vadd.f32 v8, v6  }
0x150: {  	s10 =	sadd.s32 $0xA, s5;
	s11 =	sadd.s32 $0xB, s5;
	s6 =	sadd.s32 $0x9, s5;
	v8 =	vmov s7;
	v9 =	vmov s8;
	v12 =	vmov s9  }
0x151: {  	v16 =	vmov s11;
	v15 =	vmov s10;
	v13 =	vmov s6;
	s7 =	sadd.s32 $0x6, s5;
	s8 =	sadd.s32 $0x7, s5;
	s9 =	sadd.s32 $0x8, s5  }
0x152: {  	s11 =	sadd.s32 $0x5, s5;
	s10 =	sadd.s32 $0x4, s5;
	s6 =	sadd.s32 $0x3, s5;
	v20 =	vmov s7;
	v17 =	vmov s8;
	v18 =	vmov s9  }
0x153: {  	v19 =	vmov s11;
	v23 =	vmov s10;
	v22 =	vmov s6;
	s7 =	sadd.s32 $0x1, s5;
	s8 =	sadd.s32 $0x2, s5  }
0x154: {  	v10 =	vand.u32 $0x70, v10;
	v14 =	vmov s7;
	v24 =	vmov s8  }
0x155: {  	v26 =	vand.u32 $0x7F, v11;
	v25 =	vand.u32 $0x7D, v9;
	v12 =	vand.u32 $0x7E, v12  }
0x156: {  	v27 =	vand.u32 $0x7B, v16;
	v15 =	vand.u32 $0x7A, v15;
	v16 =	vand.u32 $0x7C, v8  }
.Ltmp0:
0x157: {  	v9 =	vand.u32 $0x77, v17;
	v17 =	vand.u32 $0x78, v18;
	v18 =	vand.u32 $0x79, v13;
	(pc) =	sbr.rel @p0 .LBB2_3-.Ltmp0, $4  }
0x158: {  	v19 =	vand.u32 $0x75, v19;
	v21 =	vbroadcast v10, $0x0;
	v11 =	vand.u32 $0x76, v20  }
0x159: {  	v8 =	vbroadcast v26, $0x0;
	v20 =	vand.u32 $0x74, v23;
	v10 =	vbroadcast v12, $0x0  }
0x15a: {  	v22 =	vand.u32 $0x73, v22;
	v13 =	vbroadcast v16, $0x0;
	v12 =	vbroadcast v25, $0x0  }
0x15b: {  	s5 =	sadd.s32 $0x10, s5;
	v16 =	vbroadcast v15, $0x0;
	v15 =	vbroadcast v27, $0x0;
	v23 =	vand.u32 $0x72, v24  }
0x15c: {  	v14 =	vand.u32 $0x71, v14  }
0x15d: {  	v24 =	vor.u32 v3, v21;
	v14 =	vbroadcast v14, $0x0  }
0x15e: {  	v52 =	vor.u32 v4, v21  }
0x15f: {  	v23 =	vbroadcast v23, $0x0;
	v25 =	vor.u32 v3, v14  }
0x160: {  	v14 =	vor.u32 v4, v14  }
0x161: {  	v22 =	vbroadcast v22, $0x0;
	v26 =	vor.u32 v3, v23  }
0x162: {  	v23 =	vor.u32 v4, v23;
	v24 =	vld.idx.msk [tilespmem:v24+s15+$0x0], $0xffff  }
0x163: {  	v20 =	vbroadcast v20, $0x0;
	v27 =	vor.u32 v3, v22;
	v21 =	vld.idx.msk [tilespmem:v52+s16+$0x0], $0xffff  }
0x164: {  	v22 =	vor.u32 v4, v22;
	v25 =	vld.idx.msk [tilespmem:v25+s15+$0x0], $0xffff  }
0x165: {  	v19 =	vbroadcast v19, $0x0;
	v28 =	vor.u32 v3, v20;
	v14 =	vld.idx.msk [tilespmem:v14+s16+$0x0], $0xffff  }
0x166: {  	v17 =	vbroadcast v17, $0x0;
	v18 =	vbroadcast v18, $0x0;
	v20 =	vor.u32 v4, v20;
	v26 =	vld.idx.msk [tilespmem:v26+s15+$0x0], $0xffff  }
0x167: {  	v11 =	vbroadcast v11, $0x0;
	v29 =	vor.u32 v3, v19;
	v23 =	vld.idx.msk [tilespmem:v23+s16+$0x0], $0xffff;
	v30 =	vmul.f32 v24, v24  }
0x168: {  	v9 =	vbroadcast v9, $0x0;
	v19 =	vor.u32 v4, v19;
	v27 =	vld.idx.msk [tilespmem:v27+s15+$0x0], $0xffff;
	v31 =	vmul.f32 v21, v21  }
0x169: {  	v32 =	vor.u32 v3, v11;
	v11 =	vor.u32 v4, v11;
	v22 =	vld.idx.msk [tilespmem:v22+s16+$0x0], $0xffff;
	v7 =	vadd.f32 v30, v7  }
0x16a: {  	v28 =	vld.idx.msk [tilespmem:v28+s15+$0x0], $0xffff;
	v6 =	vadd.f32 v31, v6;
	v33 =	vmul.f32 v25, v25;
	v53 =	vmul.f32 v14, v14  }
0x16b: {  	v54 =	vor.u32 v3, v9;
	v9 =	vor.u32 v4, v9;
	v20 =	vld.idx.msk [tilespmem:v20+s16+$0x0], $0xffff;
	v34 =	vmul.f32 v26, v26  }
0x16c: {  	v29 =	vld.idx.msk [tilespmem:v29+s15+$0x0], $0xffff;
	v55 =	vmul.f32 v23, v23;
	v7 =	vadd.f32 v33, v7;
	v6 =	vadd.f32 v53, v6  }
0x16d: {  	v56 =	vor.u32 v3, v17;
	v17 =	vor.u32 v4, v17;
	v19 =	vld.idx.msk [tilespmem:v19+s16+$0x0], $0xffff;
	v35 =	vmul.f32 v27, v27  }
0x16e: {  	v32 =	vld.idx.msk [tilespmem:v32+s15+$0x0], $0xffff;
	v57 =	vmul.f32 v22, v22;
	v7 =	vadd.f32 v34, v7;
	v6 =	vadd.f32 v55, v6  }
0x16f: {  	v58 =	vor.u32 v3, v18;
	v18 =	vor.u32 v4, v18;
	v11 =	vld.idx.msk [tilespmem:v11+s16+$0x0], $0xffff;
	v36 =	vmul.f32 v28, v28  }
0x170: {  	v9 =	vld.idx.msk [tilespmem:v9+s16+$0x0], $0xffff;
	v59 =	vmul.f32 v20, v20;
	v7 =	vadd.f32 v35, v7;
	v6 =	vadd.f32 v57, v6  }
0x171: {  	v60 =	vor.u32 v3, v16;
	v61 =	vor.u32 v4, v16;
	v31 =	vld.idx.msk [tilespmem:v54+s15+$0x0], $0xffff;
	v37 =	vmul.f32 v29, v29  }
0x172: {  	v17 =	vld.idx.msk [tilespmem:v17+s16+$0x0], $0xffff;
	v62 =	vmul.f32 v19, v19;
	v7 =	vadd.f32 v36, v7;
	v6 =	vadd.f32 v59, v6  }
0x173: {  	v63 =	vor.u32 v3, v15;
	v44 =	vor.u32 v4, v15;
	v38 =	vmul.f32 v32, v32;
	v33 =	vld.idx.msk [tilespmem:v56+s15+$0x0], $0xffff  }
0x174: {  	v18 =	vld.idx.msk [tilespmem:v18+s16+$0x0], $0xffff;
	v45 =	vmul.f32 v11, v11;
	v7 =	vadd.f32 v37, v7;
	v6 =	vadd.f32 v62, v6  }
0x175: {  	v46 =	vor.u32 v3, v13;
	v47 =	vor.u32 v4, v13;
	v48 =	vmul.f32 v9, v9;
	v34 =	vld.idx.msk [tilespmem:v58+s15+$0x0], $0xffff  }
0x176: {  	v16 =	vld.idx.msk [tilespmem:v61+s16+$0x0], $0xffff;
	v39 =	vmul.f32 v31, v31;
	v7 =	vadd.f32 v38, v7;
	v6 =	vadd.f32 v45, v6  }
0x177: {  	v49 =	vor.u32 v3, v12;
	v50 =	vor.u32 v4, v12;
	v51 =	vmul.f32 v17, v17;
	v35 =	vld.idx.msk [tilespmem:v60+s15+$0x0], $0xffff  }
0x178: {  	v15 =	vld.idx.msk [tilespmem:v44+s16+$0x0], $0xffff;
	v40 =	vmul.f32 v33, v33;
	v7 =	vadd.f32 v39, v7;
	v6 =	vadd.f32 v48, v6  }
0x179: {  	v52 =	vor.u32 v3, v10;
	v54 =	vor.u32 v4, v10;
	v55 =	vmul.f32 v18, v18;
	v36 =	vld.idx.msk [tilespmem:v63+s15+$0x0], $0xffff  }
0x17a: {  	v13 =	vld.idx.msk [tilespmem:v47+s16+$0x0], $0xffff;
	v53 =	vmul.f32 v34, v34;
	v7 =	vadd.f32 v40, v7;
	v6 =	vadd.f32 v51, v6  }
0x17b: {  	v3 =	vor.u32 v3, v8;
	v58 =	vmul.f32 v16, v16;
	v57 =	vor.u32 v4, v8;
	v37 =	vld.idx.msk [tilespmem:v46+s15+$0x0], $0xffff  }
0x17c: {  	v8 =	vld.idx.msk [tilespmem:v49+s15+$0x0], $0xffff;
	v56 =	vmul.f32 v35, v35;
	v7 =	vadd.f32 v53, v7;
	v6 =	vadd.f32 v55, v6  }
0x17d: {  	v12 =	vld.idx.msk [tilespmem:v50+s16+$0x0], $0xffff;
	v60 =	vmul.f32 v15, v15  }
0x17e: {  	v10 =	vld.idx.msk [tilespmem:v54+s16+$0x0], $0xffff;
	v59 =	vmul.f32 v36, v36;
	v7 =	vadd.f32 v56, v7;
	v6 =	vadd.f32 v58, v6  }
0x17f: {  	v62 =	vmul.f32 v13, v13;
	v39 =	vld.idx.msk [tilespmem:v52+s15+$0x0], $0xffff  }
0x180: {  	v3 =	vld.idx.msk [tilespmem:v3+s15+$0x0], $0xffff;
	v61 =	vmul.f32 v37, v37;
	v7 =	vadd.f32 v59, v7;
	v6 =	vadd.f32 v60, v6  }
0x181: {  	v4 =	vld.idx.msk [tilespmem:v57+s16+$0x0], $0xffff;
	v63 =	vmul.f32 v8, v8  }
0x182: {  	v40 =	vmul.f32 v12, v12;
	v7 =	vadd.f32 v61, v7;
	v6 =	vadd.f32 v62, v6  }
0x183: {  	v42 =	vmul.f32 v10, v10  }
0x184: {  	v41 =	vmul.f32 v39, v39;
	v7 =	vadd.f32 v63, v7;
	v6 =	vadd.f32 v40, v6  }
0x185: {  	v21 =	vmul.f32 v21, v24;
	v43 =	vmul.f32 v3, v3  }
0x186: {  	v44 =	vmul.f32 v4, v4;
	v7 =	vadd.f32 v41, v7;
	v6 =	vadd.f32 v42, v6  }
0x187: {  	v5 =	vadd.f32 v21, v5;
	v14 =	vmul.f32 v14, v25  }
0x188: {  	v7 =	vadd.f32 v43, v7;
	v6 =	vadd.f32 v44, v6  }
0x189: {  	v5 =	vadd.f32 v14, v5;
	v45 =	vmul.f32 v23, v26  }
0x18a: {  	v7 =	vmax.f32 v7, $9.999999960e-13;
	v6 =	vmax.f32 v6, $9.999999960e-13  }
0x18b: {  	v46 =	vmul.f32 v22, v27;
	v5 =	vadd.f32 v45, v5;
	v6 =	vmul.f32 v6, v7  }
0x18c: {  	v47 =	vmul.f32 v20, v28  }
0x18d: {  	v5 =	vadd.f32 v46, v5;
	v48 =	vshra.s32 v6, $0x1;
	v6 =	vmul.f32 $5.000000000e-01, v6  }
0x18e: {  	v14 =	vsub.s32 $0x5F3759DF, v48  }
0x18f: {  	v49 =	vmul.f32 v19, v29;
	v5 =	vadd.f32 v47, v5;
	v50 =	vmul.f32 v14, v6;
	_ =	sdelay $0x1  }
0x190: {  	v51 =	vmul.f32 v11, v32;
	v5 =	vadd.f32 v49, v5;
	v52 =	vmul.f32 v14, v50;
	_ =	sdelay $0x1  }
0x191: {  	v53 =	vmul.f32 v9, v31;
	v5 =	vadd.f32 v51, v5;
	v54 =	vsub.f32 $1.500000000e+00, v52;
	_ =	sdelay $0x1  }
0x192: {  	v55 =	vmul.f32 v17, v33;
	v5 =	vadd.f32 v53, v5;
	v9 =	vmul.f32 v14, v54;
	_ =	sdelay $0x1  }
0x193: {  	v56 =	vmul.f32 v18, v34;
	v5 =	vadd.f32 v55, v5;
	v57 =	vmul.f32 v9, v6;
	_ =	sdelay $0x1  }
0x194: {  	v58 =	vmul.f32 v16, v35;
	v5 =	vadd.f32 v56, v5;
	v11 =	vmul.f32 v57, v9;
	_ =	sdelay $0x1  }
0x195: {  	v59 =	vmul.f32 v15, v36;
	v5 =	vadd.f32 v58, v5;
	v11 =	vsub.f32 $1.500000000e+00, v11;
	_ =	sdelay $0x1  }
0x196: {  	v60 =	vmul.f32 v13, v37;
	v5 =	vadd.f32 v59, v5;
	v9 =	vmul.f32 v11, v9;
	_ =	sdelay $0x1  }
0x197: {  	v61 =	vmul.f32 v12, v8;
	v5 =	vadd.f32 v60, v5;
	v6 =	vmul.f32 v9, v6;
	_ =	sdelay $0x1  }
0x198: {  	v62 =	vmul.f32 v10, v39;
	v5 =	vadd.f32 v61, v5;
	v6 =	vmul.f32 v6, v9;
	_ =	sdelay $0x1  }
0x199: {  	v3 =	vmul.f32 v4, v3;
	v5 =	vadd.f32 v62, v5;
	v63 =	vsub.f32 $1.500000000e+00, v6;
	_ =	sdelay $0x1  }
0x19a: {  	v3 =	vadd.f32 v3, v5;
	v4 =	vmul.f32 v63, v9;
	_ =	sdelay $0x1  }
0x19b: {  	v3 =	vmul.f32 v4, v3;
	_ =	sdelay $0x1  }
0x19c: {  	v3 =	vmul.f32 v3, v1;
	_ =	sdelay $0x1  }
0x19d: {  	v3 =	vadd.f32 v3, v2;
	_ =	sdelay $0x1  }
0x19e: {  	v3 =	vsub.f32 $0.0e+00, v3;
	_ =	sdelay $0x1  }
0x19f: {  	v3 =	vmul.f32 $1.442695020e+00, v3;
	_ =	sdelay $0x1  }
0x1a0: {  	(erf) = vpow2.f32 v3;
	_ =	sdelay $0x8  }
0x1a1: {  	v3 =	vpop (erf)  }
0x1a2: {  	v3 =	vadd.f32 $1.000000000e+00, v3;
	_ =	sdelay $0x1  }
0x1a3: {  	(erf) = vrcp.f32 v3;
	_ =	sdelay $0x4  }
0x1a4: {  	p0 =	seq.s32 s12, $0xF  }
.Ltmp1:
0x1a5: {  	_ = 	snop;
	(pc) =	sbr.rel @p0 .LBB2_6-.Ltmp1, $3  }
0x1a6: {  	_ =	sdelay $0x1  }
0x1a7: {  	v3 =	vpop (erf)  }
0x1a8: {  	[tilespmem:s14+$0x10400] =	vst v3  }
0x1a9: {  	v3 =	vld [tilespmem:s14+$0x20];
	_ =	sdelay $0x1  }
0x1aa: {  	v5 =	vld [tilespmem:s14+$0x220];
	_ =	sdelay $0x2  }
0x1ab: {  	v3 =	vshrl.u32 v3, $0x3  }
0x1ac: {  	v4 =	vshll.u32 v3, $0x7  }
0x1ad: {  	v3 =	vshrl.u32 v5, $0x3;
	(v2sf) =	vpush v4, $0x0  }
0x1ae: {  	v3 =	vshll.u32 v3, $0x7  }
0x1af: {  	(v2sf) =	vpush v3, $0x0;
	_ =	sdelay $0x1  }
0x1b0: {  	(v2sf) =	vpush v4, $0x1;
	_ =	sdelay $0x2  }
0x1b1: {  	(v2sf) =	vpush v3, $0x1;
	_ =	sdelay $0x7  }
0x1b2: {  	s5 =	spop (v2sf);
	(v2sf) =	vpush v4, $0x2;
	_ =	sdelay $0x1  }
0x1b3: {  	s7 =	spop (v2sf);
	(v2sf) =	vpush v3, $0x2;
	_ =	sdelay $0x1  }
0x1b4: {  	s8 =	spop (v2sf);
	(v2sf) =	vpush v4, $0x3;
	_ =	sdelay $0x2  }
0x1b5: {  	s9 =	spop (v2sf);
	(v2sf) =	vpush v3, $0x3;
	_ =	sdelay $0x1  }
0x1b6: {  	s5 =	sand.u32 $0x1FFFFF80, s5  }
0x1b7: {  	s5 =	sadd.s32 s3, s5  }
0x1b8: {  	[tilespmem:s15], [sflag:$0x1] =	stream.linear.gather [hbm4b:s5+s1], $0x400, $0x38;
	[tilespmem:$0x10700] =	vst v63  }
0x1b9: {  	s5 =	sand.u32 $0x1FFFFF80, s7  }
0x1ba: {  	s5 =	sadd.s32 s4, s5  }
0x1bb: {  	[tilespmem:s16], [sflag:$0x2] =	stream.linear.gather [hbm4b:s5+s1], $0x400, $0x38;
	[tilespmem:$0x10700] =	vst v63  }
0x1bc: {  	s11 =	spop (v2sf);
	(v2sf) =	vpush v4, $0x4  }
0x1bd: {  	s5 =	sand.u32 $0x1FFFFF80, s8  }
0x1be: {  	s6 =	simm.s32 $0x800;
	s5 =	sadd.s32 s3, s5;
	s7 =	spop (v2sf);
	(v2sf) =	vpush v3, $0x4  }
0x1bf: {  	[tilespmem:s6], [sflag:$0x1] =	stream.linear.gather [hbm4b:s5+s1], $0x400, $0x38;
	[tilespmem:$0x10700] =	vst v63  }
0x1c0: {  	s5 =	sand.u32 $0x1FFFFF80, s9;
	s9 =	spop (v2sf);
	(v2sf) =	vpush v4, $0x5  }
0x1c1: {  	s10 =	simm.s32 $0x4800;
	s5 =	sadd.s32 s4, s5  }
0x1c2: {  	[tilespmem:s10], [sflag:$0x2] =	stream.linear.gather [hbm4b:s5+s1], $0x400, $0x38;
	[tilespmem:$0x10700] =	vst v63  }
0x1c3: {  	s5 =	sand.u32 $0x1FFFFF80, s11;
	s11 =	spop (v2sf);
	(v2sf) =	vpush v3, $0x5;
	_ =	sdelay $0x2  }
0x1c4: {  	s14 =	simm.s32 $0xC00;
	s5 =	sadd.s32 s3, s5  }
0x1c5: {  	[tilespmem:s14], [sflag:$0x1] =	stream.linear.gather [hbm4b:s5+s1], $0x400, $0x38;
	[tilespmem:$0x10700] =	vst v63  }
0x1c6: {  	s5 =	sand.u32 $0x1FFFFF80, s7  }
0x1c7: {  	s8 =	simm.s32 $0x4C00;
	s5 =	sadd.s32 s4, s5  }
0x1c8: {  	[tilespmem:s8], [sflag:$0x2] =	stream.linear.gather [hbm4b:s5+s1], $0x400, $0x38;
	[tilespmem:$0x10700] =	vst v63  }
0x1c9: {  	s7 =	spop (v2sf);
	(v2sf) =	vpush v4, $0x6  }
0x1ca: {  	s5 =	sand.u32 $0x1FFFFF80, s9  }
0x1cb: {  	s10 =	simm.s32 $0x1000;
	s5 =	sadd.s32 s3, s5;
	s9 =	spop (v2sf);
	(v2sf) =	vpush v3, $0x6  }
0x1cc: {  	[tilespmem:s10], [sflag:$0x1] =	stream.linear.gather [hbm4b:s5+s1], $0x400, $0x38;
	[tilespmem:$0x10700] =	vst v63  }
0x1cd: {  	s5 =	sand.u32 $0x1FFFFF80, s11;
	s11 =	spop (v2sf);
	(v2sf) =	vpush v4, $0x7  }
0x1ce: {  	s14 =	simm.s32 $0x5000;
	s5 =	sadd.s32 s4, s5  }
0x1cf: {  	[tilespmem:s14], [sflag:$0x2] =	stream.linear.gather [hbm4b:s5+s1], $0x400, $0x38;
	[tilespmem:$0x10700] =	vst v63  }
0x1d0: {  	s5 =	sand.u32 $0x1FFFFF80, s7;
	s7 =	spop (v2sf);
	(v2sf) =	vpush v3, $0x7;
	_ =	sdelay $0x2  }
0x1d1: {  	s8 =	simm.s32 $0x1400;
	s5 =	sadd.s32 s3, s5  }
0x1d2: {  	[tilespmem:s8], [sflag:$0x1] =	stream.linear.gather [hbm4b:s5+s1], $0x400, $0x38;
	[tilespmem:$0x10700] =	vst v63  }
0x1d3: {  	s5 =	sand.u32 $0x1FFFFF80, s9  }
0x1d4: {  	s10 =	simm.s32 $0x5400;
	s5 =	sadd.s32 s4, s5  }
0x1d5: {  	[tilespmem:s10], [sflag:$0x2] =	stream.linear.gather [hbm4b:s5+s1], $0x400, $0x38;
	[tilespmem:$0x10700] =	vst v63  }
0x1d6: {  	s9 =	spop (v2sf);
	(v2sf) =	vpush v4, $0x8  }
0x1d7: {  	s5 =	sand.u32 $0x1FFFFF80, s11  }
0x1d8: {  	s14 =	simm.s32 $0x1800;
	s5 =	sadd.s32 s3, s5;
	s11 =	spop (v2sf);
	(v2sf) =	vpush v3, $0x8  }
0x1d9: {  	[tilespmem:s14], [sflag:$0x1] =	stream.linear.gather [hbm4b:s5+s1], $0x400, $0x38;
	[tilespmem:$0x10700] =	vst v63  }
0x1da: {  	s5 =	sand.u32 $0x1FFFFF80, s7;
	s7 =	spop (v2sf);
	(v2sf) =	vpush v4, $0x9  }
0x1db: {  	s8 =	simm.s32 $0x5800;
	s5 =	sadd.s32 s4, s5  }
0x1dc: {  	[tilespmem:s8], [sflag:$0x2] =	stream.linear.gather [hbm4b:s5+s1], $0x400, $0x38;
	[tilespmem:$0x10700] =	vst v63  }
0x1dd: {  	s5 =	sand.u32 $0x1FFFFF80, s9;
	s9 =	spop (v2sf);
	(v2sf) =	vpush v3, $0x9;
	_ =	sdelay $0x1  }
0x1de: {  	s10 =	simm.s32 $0x1C00;
	s5 =	sadd.s32 s3, s5  }
0x1df: {  	[tilespmem:s10], [sflag:$0x1] =	stream.linear.gather [hbm4b:s5+s1], $0x400, $0x38;
	[tilespmem:$0x10700] =	vst v63  }
0x1e0: {  	s5 =	sand.u32 $0x1FFFFF80, s11  }
0x1e1: {  	s14 =	simm.s32 $0x5C00;
	s5 =	sadd.s32 s4, s5  }
0x1e2: {  	[tilespmem:s14], [sflag:$0x2] =	stream.linear.gather [hbm4b:s5+s1], $0x400, $0x38;
	[tilespmem:$0x10700] =	vst v63  }
0x1e3: {  	s5 =	sand.u32 $0x1FFFFF80, s7  }
0x1e4: {  	s8 =	simm.s32 $0x2000;
	s5 =	sadd.s32 s3, s5;
	s11 =	spop (v2sf);
	(v2sf) =	vpush v4, $0xA  }
0x1e5: {  	[tilespmem:s8], [sflag:$0x1] =	stream.linear.gather [hbm4b:s5+s1], $0x400, $0x38;
	[tilespmem:$0x10700] =	vst v63  }
0x1e6: {  	s7 =	spop (v2sf);
	(v2sf) =	vpush v3, $0xA  }
0x1e7: {  	s5 =	sand.u32 $0x1FFFFF80, s9  }
0x1e8: {  	s10 =	simm.s32 $0x6000;
	s5 =	sadd.s32 s4, s5;
	s9 =	spop (v2sf);
	(v2sf) =	vpush v4, $0xB  }
0x1e9: {  	[tilespmem:s10], [sflag:$0x2] =	stream.linear.gather [hbm4b:s5+s1], $0x400, $0x38;
	[tilespmem:$0x10700] =	vst v63  }
0x1ea: {  	s5 =	sand.u32 $0x1FFFFF80, s11  }
0x1eb: {  	s14 =	simm.s32 $0x2400;
	s5 =	sadd.s32 s3, s5;
	s11 =	spop (v2sf);
	(v2sf) =	vpush v3, $0xB  }
0x1ec: {  	[tilespmem:s14], [sflag:$0x1] =	stream.linear.gather [hbm4b:s5+s1], $0x400, $0x38;
	[tilespmem:$0x10700] =	vst v63  }
0x1ed: {  	s5 =	sand.u32 $0x1FFFFF80, s7  }
0x1ee: {  	s8 =	simm.s32 $0x6400;
	s5 =	sadd.s32 s4, s5  }
0x1ef: {  	[tilespmem:s8], [sflag:$0x2] =	stream.linear.gather [hbm4b:s5+s1], $0x400, $0x38;
	[tilespmem:$0x10700] =	vst v63  }
0x1f0: {  	s5 =	sand.u32 $0x1FFFFF80, s9  }
0x1f1: {  	s10 =	simm.s32 $0x2800;
	s5 =	sadd.s32 s3, s5  }
0x1f2: {  	[tilespmem:s10], [sflag:$0x1] =	stream.linear.gather [hbm4b:s5+s1], $0x400, $0x38;
	[tilespmem:$0x10700] =	vst v63  }
0x1f3: {  	s7 =	spop (v2sf);
	(v2sf) =	vpush v4, $0xC  }
0x1f4: {  	s5 =	sand.u32 $0x1FFFFF80, s11  }
0x1f5: {  	s14 =	simm.s32 $0x6800;
	s5 =	sadd.s32 s4, s5;
	s9 =	spop (v2sf);
	(v2sf) =	vpush v3, $0xC  }
0x1f6: {  	[tilespmem:s14], [sflag:$0x2] =	stream.linear.gather [hbm4b:s5+s1], $0x400, $0x38;
	[tilespmem:$0x10700] =	vst v63  }
0x1f7: {  	s5 =	sand.u32 $0x1FFFFF80, s7;
	s11 =	spop (v2sf);
	(v2sf) =	vpush v4, $0xD  }
0x1f8: {  	s8 =	simm.s32 $0x2C00;
	s5 =	sadd.s32 s3, s5  }
0x1f9: {  	[tilespmem:s8], [sflag:$0x1] =	stream.linear.gather [hbm4b:s5+s1], $0x400, $0x38;
	[tilespmem:$0x10700] =	vst v63  }
0x1fa: {  	s7 =	spop (v2sf);
	(v2sf) =	vpush v3, $0xD  }
0x1fb: {  	s5 =	sand.u32 $0x1FFFFF80, s9  }
0x1fc: {  	s10 =	simm.s32 $0x6C00;
	s5 =	sadd.s32 s4, s5  }
0x1fd: {  	[tilespmem:s10], [sflag:$0x2] =	stream.linear.gather [hbm4b:s5+s1], $0x400, $0x38;
	[tilespmem:$0x10700] =	vst v63  }
0x1fe: {  	s5 =	sand.u32 $0x1FFFFF80, s11  }
0x1ff: {  	s14 =	simm.s32 $0x3000;
	s5 =	sadd.s32 s3, s5  }
0x200: {  	[tilespmem:s14], [sflag:$0x1] =	stream.linear.gather [hbm4b:s5+s1], $0x400, $0x38;
	[tilespmem:$0x10700] =	vst v63  }
0x201: {  	s5 =	sand.u32 $0x1FFFFF80, s7  }
0x202: {  	s8 =	simm.s32 $0x7000;
	s5 =	sadd.s32 s4, s5;
	s9 =	spop (v2sf);
	(v2sf) =	vpush v4, $0xE  }
0x203: {  	[tilespmem:s8], [sflag:$0x2] =	stream.linear.gather [hbm4b:s5+s1], $0x400, $0x38;
	[tilespmem:$0x10700] =	vst v63  }
0x204: {  	s11 =	spop (v2sf);
	(v2sf) =	vpush v3, $0xE  }
0x205: {  	s5 =	sand.u32 $0x1FFFFF80, s9  }
0x206: {  	s10 =	simm.s32 $0x3400;
	s5 =	sadd.s32 s3, s5;
	s7 =	spop (v2sf)  }
0x207: {  	(v2sf) =	vpush v4, $0xF;
	[tilespmem:s10], [sflag:$0x1] =	stream.linear.gather [hbm4b:s5+s1], $0x400, $0x38;
	[tilespmem:$0x10700] =	vst v63  }
0x208: {  	s5 =	sand.u32 $0x1FFFFF80, s11  }
0x209: {  	s14 =	simm.s32 $0x7400;
	s9 =	spop (v2sf);
	s5 =	sadd.s32 s4, s5  }
0x20a: {  	(v2sf) =	vpush v3, $0xF;
	[tilespmem:s14], [sflag:$0x2] =	stream.linear.gather [hbm4b:s5+s1], $0x400, $0x38;
	[tilespmem:$0x10700] =	vst v63  }
0x20b: {  	s5 =	sand.u32 $0x1FFFFF80, s7  }
0x20c: {  	s8 =	simm.s32 $0x3800;
	s5 =	sadd.s32 s3, s5  }
0x20d: {  	[tilespmem:s8], [sflag:$0x1] =	stream.linear.gather [hbm4b:s5+s1], $0x400, $0x38;
	[tilespmem:$0x10700] =	vst v63  }
0x20e: {  	s5 =	sand.u32 $0x1FFFFF80, s9  }
0x20f: {  	s10 =	simm.s32 $0x7800;
	s5 =	sadd.s32 s4, s5  }
0x210: {  	[tilespmem:s10], [sflag:$0x2] =	stream.linear.gather [hbm4b:s5+s1], $0x400, $0x38;
	[tilespmem:$0x10700] =	vst v63  }
0x211: {  	s11 =	spop (v2sf)  }
0x212: {  	s5 =	sand.u32 $0x1FFFFF80, s11  }
0x213: {  	s14 =	simm.s32 $0x3C00;
	s7 =	spop (v2sf);
	s5 =	sadd.s32 s3, s5  }
0x214: {  	[tilespmem:s14], [sflag:$0x1] =	stream.linear.gather [hbm4b:s5+s1], $0x400, $0x38;
	[tilespmem:$0x10700] =	vst v63  }
0x215: {  	s5 =	sand.u32 $0x1FFFFF80, s7  }
0x216: {  	s8 =	simm.s32 $0x7C00;
	s9 =	spop (v2sf);
	s5 =	sadd.s32 s4, s5  }
0x217: {  	[tilespmem:s8], [sflag:$0x2] =	stream.linear.gather [hbm4b:s5+s1], $0x400, $0x38;
	[tilespmem:$0x10700] =	vst v63  }
0x218: {  	s5 =	sand.u32 $0x1FFFFF80, s9  }
0x219: {  	s10 =	simm.s32 $0x4000;
	s11 =	spop (v2sf);
	s5 =	sadd.s32 s3, s5  }
0x21a: {  	[tilespmem:s10], [sflag:$0x1] =	stream.linear.gather [hbm4b:s5+s1], $0x400, $0x38;
	[tilespmem:$0x10700] =	vst v63  }
0x21b: {  	s5 =	sand.u32 $0x1FFFFF80, s11  }
0x21c: {  	s14 =	simm.s32 $0x8000;
	s5 =	sadd.s32 s4, s5  }
0x21d: {  	[tilespmem:s14], [sflag:$0x2] =	stream.linear.gather [hbm4b:s5+s1], $0x400, $0x38;
	[tilespmem:$0x10700] =	vst v63  }
.LBB2_6:
0x21e: {  	_ =	swait.ge [sflag:s0], $0x4000;
	s5 =	simm.s32 $0x0  }
0x21f: {  	s11 =	simm.s32 $0xF;
	s6 =	simm.s32 $0xC;
	s7 =	simm.s32 $0xD  }
0x220: {  	s8 =	simm.s32 $0xE;
	s14 =	simm.s32 $0x9;
	s9 =	simm.s32 $0xA;
	v6 =	vmov s5;
	v7 =	vmov s11  }
0x221: {  	s10 =	simm.s32 $0x7;
	[sflag:s0] =	ssyncset.done $0x0;
	v8 =	vmov s6;
	v9 =	vmov s7;
	s7 =	simm.s32 $0xB;
	v10 =	vmov s8  }
0x222: {  	s8 =	simm.s32 $0x6;
	v11 =	vmov s14;
	v12 =	vmov s9;
	s11 =	simm.s32 $0x8;
	s9 =	simm.s32 $0x3;
	v16 =	vmov s10  }
0x223: {  	s14 =	simm.s32 $0x4;
	s10 =	simm.s32 $0x5;
	[sflag:s0] =	ssyncadd.s32 $0xFFFFC000;
	v13 =	vmov s7;
	v15 =	vmov s8;
	v17 =	vmov s11  }
0x224: {  	v22 =	vmov s9;
	v20 =	vmov s14;
	v19 =	vmov s10;
	_ =	swait.ge [sflag:s2], $0x4000  }
0x225: {  	v6 =	vand.u32 $0x70, v6;
	v24 =	vand.u32 $0x7D, v9;
	v10 =	vand.u32 $0x7E, v10;
	[sflag:s2] =	ssyncset.done $0x0  }
0x226: {  	s11 =	simm.s32 $0x1;
	v7 =	vand.u32 $0x7F, v7;
	v25 =	vand.u32 $0x7A, v12;
	v12 =	vand.u32 $0x7C, v8;
	[sflag:s2] =	ssyncadd.s32 $0xFFFFC000  }
0x227: {  	s14 =	simm.s32 $0x2;
	v9 =	vand.u32 $0x77, v16;
	v18 =	vand.u32 $0x79, v11;
	v14 =	vmov s11;
	v3 =	vld [tilespmem:s13+$0x0]  }
0x228: {  	v23 =	vmov s14;
	v26 =	vand.u32 $0x7B, v13;
	v17 =	vand.u32 $0x78, v17;
	v4 =	vld [tilespmem:s13+$0x200]  }
0x229: {  	v21 =	vbroadcast v6, $0x0;
	v19 =	vand.u32 $0x75, v19;
	v11 =	vand.u32 $0x76, v15  }
0x22a: {  	v20 =	vand.u32 $0x74, v20;
	v10 =	vbroadcast v10, $0x0;
	v8 =	vbroadcast v7, $0x0  }
0x22b: {  	v22 =	vand.u32 $0x73, v22;
	v13 =	vbroadcast v12, $0x0;
	v12 =	vbroadcast v24, $0x0  }
0x22c: {  	v16 =	vbroadcast v25, $0x0;
	v7 =	vimm.f32 $0.0e+00;
	v3 =	vshll.u32 v3, $0x7  }
0x22d: {  	v6 =	vimm.f32 $0.0e+00;
	v5 =	vshll.u32 v4, $0x7;
	v3 =	vand.u32 $0x380, v3  }
0x22e: {  	v23 =	vand.u32 $0x72, v23;
	v4 =	vor.u32 v0, v3;
	v3 =	vand.u32 $0x380, v5  }
0x22f: {  	s5 =	simm.s32 $0x10;
	v15 =	vbroadcast v26, $0x0;
	v5 =	vimm.f32 $0.0e+00;
	v3 =	vor.u32 v0, v3  }
.LBB2_7:
0x230: {  	p0 =	slt.u32 s5, $0x30;
	v14 =	vand.u32 $0x71, v14;
	v17 =	vbroadcast v17, $0x0;
	v18 =	vbroadcast v18, $0x0  }
0x231: {  	v24 =	vor.u32 v4, v21;
	v25 =	vbroadcast v9, $0x0;
	v14 =	vbroadcast v14, $0x0  }
0x232: {  	v21 =	vor.u32 v3, v21;
	v19 =	vbroadcast v19, $0x0;
	v26 =	vbroadcast v11, $0x0  }
0x233: {  	v23 =	vbroadcast v23, $0x0;
	v20 =	vbroadcast v20, $0x0;
	v27 =	vor.u32 v4, v14  }
0x234: {  	v22 =	vbroadcast v22, $0x0;
	v9 =	vor.u32 v4, v8;
	v28 =	vor.u32 v3, v14  }
0x235: {  	v11 =	vor.u32 v4, v10;
	v8 =	vor.u32 v3, v8;
	v29 =	vor.u32 v4, v23  }
0x236: {  	v10 =	vor.u32 v3, v10;
	v23 =	vor.u32 v3, v23;
	v14 =	vor.u32 v4, v12;
	v24 =	vld.idx.msk [tilespmem:v24+s21+$0x0], $0xffff  }
0x237: {  	v31 =	vor.u32 v4, v13;
	v30 =	vor.u32 v4, v22;
	v12 =	vor.u32 v3, v12;
	v21 =	vld.idx.msk [tilespmem:v21+s22+$0x0], $0xffff  }
0x238: {  	v13 =	vor.u32 v3, v13;
	v32 =	vor.u32 v4, v15;
	v22 =	vor.u32 v3, v22;
	v27 =	vld.idx.msk [tilespmem:v27+s21+$0x0], $0xffff  }
0x239: {  	v34 =	vor.u32 v4, v16;
	v15 =	vor.u32 v3, v15;
	v33 =	vor.u32 v4, v20;
	v28 =	vld.idx.msk [tilespmem:v28+s22+$0x0], $0xffff  }
0x23a: {  	v16 =	vor.u32 v3, v16;
	v20 =	vor.u32 v3, v20;
	v35 =	vor.u32 v4, v18;
	v29 =	vld.idx.msk [tilespmem:v29+s21+$0x0], $0xffff  }
0x23b: {  	v36 =	vor.u32 v4, v19;
	v37 =	vor.u32 v4, v17;
	v18 =	vor.u32 v3, v18;
	v23 =	vld.idx.msk [tilespmem:v23+s22+$0x0], $0xffff  }
0x23c: {  	v19 =	vor.u32 v3, v19;
	v38 =	vor.u32 v4, v25;
	v17 =	vor.u32 v3, v17;
	v30 =	vld.idx.msk [tilespmem:v30+s21+$0x0], $0xffff  }
0x23d: {  	v40 =	vor.u32 v4, v26;
	v25 =	vor.u32 v3, v25;
	v39 =	vmul.f32 v21, v24;
	v22 =	vld.idx.msk [tilespmem:v22+s22+$0x0], $0xffff  }
0x23e: {  	v26 =	vor.u32 v3, v26;
	v24 =	vmul.f32 v24, v24;
	v21 =	vmul.f32 v21, v21;
	v33 =	vld.idx.msk [tilespmem:v33+s21+$0x0], $0xffff  }
0x23f: {  	v5 =	vadd.f32 v39, v5;
	v39 =	vmul.f32 v28, v27;
	v27 =	vmul.f32 v27, v27;
	v20 =	vld.idx.msk [tilespmem:v20+s22+$0x0], $0xffff  }
0x240: {  	v7 =	vadd.f32 v24, v7;
	v6 =	vadd.f32 v21, v6;
	v21 =	vmul.f32 v28, v28;
	v24 =	vld.idx.msk [tilespmem:v36+s21+$0x0], $0xffff  }
0x241: {  	v5 =	vadd.f32 v39, v5;
	v28 =	vmul.f32 v23, v29;
	v29 =	vmul.f32 v29, v29;
	v19 =	vld.idx.msk [tilespmem:v19+s22+$0x0], $0xffff  }
0x242: {  	v7 =	vadd.f32 v27, v7;
	v6 =	vadd.f32 v21, v6;
	v21 =	vmul.f32 v23, v23;
	v23 =	vld.idx.msk [tilespmem:v40+s21+$0x0], $0xffff  }
0x243: {  	v5 =	vadd.f32 v28, v5;
	v27 =	vmul.f32 v22, v30;
	v28 =	vmul.f32 v30, v30;
	v26 =	vld.idx.msk [tilespmem:v26+s22+$0x0], $0xffff  }
0x244: {  	v7 =	vadd.f32 v29, v7;
	v6 =	vadd.f32 v21, v6;
	v21 =	vmul.f32 v22, v22;
	v22 =	vld.idx.msk [tilespmem:v38+s21+$0x0], $0xffff  }
0x245: {  	v29 =	vmul.f32 v33, v33;
	v5 =	vadd.f32 v27, v5;
	v27 =	vmul.f32 v20, v33;
	v25 =	vld.idx.msk [tilespmem:v25+s22+$0x0], $0xffff  }
0x246: {  	v7 =	vadd.f32 v28, v7;
	v6 =	vadd.f32 v21, v6;
	v20 =	vmul.f32 v20, v20;
	v21 =	vld.idx.msk [tilespmem:v37+s21+$0x0], $0xffff  }
0x247: {  	v5 =	vadd.f32 v27, v5;
	v27 =	vmul.f32 v19, v24;
	v24 =	vmul.f32 v24, v24;
	v17 =	vld.idx.msk [tilespmem:v17+s22+$0x0], $0xffff  }
0x248: {  	v7 =	vadd.f32 v29, v7;
	v6 =	vadd.f32 v20, v6;
	v19 =	vmul.f32 v19, v19;
	v20 =	vld.idx.msk [tilespmem:v35+s21+$0x0], $0xffff  }
0x249: {  	v5 =	vadd.f32 v27, v5;
	v27 =	vmul.f32 v26, v23;
	v23 =	vmul.f32 v23, v23;
	v18 =	vld.idx.msk [tilespmem:v18+s22+$0x0], $0xffff  }
0x24a: {  	v7 =	vadd.f32 v24, v7;
	v6 =	vadd.f32 v19, v6;
	v19 =	vmul.f32 v26, v26;
	v24 =	vld.idx.msk [tilespmem:v34+s21+$0x0], $0xffff  }
0x24b: {  	v5 =	vadd.f32 v27, v5;
	v26 =	vmul.f32 v25, v22;
	v22 =	vmul.f32 v22, v22;
	v16 =	vld.idx.msk [tilespmem:v16+s22+$0x0], $0xffff  }
0x24c: {  	v7 =	vadd.f32 v23, v7;
	v6 =	vadd.f32 v19, v6;
	v19 =	vmul.f32 v25, v25;
	v23 =	vld.idx.msk [tilespmem:v32+s21+$0x0], $0xffff  }
0x24d: {  	v5 =	vadd.f32 v26, v5;
	v25 =	vmul.f32 v17, v21;
	v21 =	vmul.f32 v21, v21;
	v15 =	vld.idx.msk [tilespmem:v15+s22+$0x0], $0xffff  }
0x24e: {  	v7 =	vadd.f32 v22, v7;
	v6 =	vadd.f32 v19, v6;
	v17 =	vmul.f32 v17, v17;
	v19 =	vld.idx.msk [tilespmem:v31+s21+$0x0], $0xffff  }
0x24f: {  	v5 =	vadd.f32 v25, v5;
	v22 =	vmul.f32 v18, v20;
	v20 =	vmul.f32 v20, v20;
	v13 =	vld.idx.msk [tilespmem:v13+s22+$0x0], $0xffff  }
0x250: {  	v7 =	vadd.f32 v21, v7;
	v6 =	vadd.f32 v17, v6;
	v17 =	vmul.f32 v18, v18;
	v14 =	vld.idx.msk [tilespmem:v14+s21+$0x0], $0xffff  }
0x251: {  	v21 =	vmul.f32 v24, v24;
	v5 =	vadd.f32 v22, v5;
	v18 =	vmul.f32 v16, v24;
	v12 =	vld.idx.msk [tilespmem:v12+s22+$0x0], $0xffff  }
0x252: {  	v7 =	vadd.f32 v20, v7;
	v6 =	vadd.f32 v17, v6;
	v16 =	vmul.f32 v16, v16;
	v11 =	vld.idx.msk [tilespmem:v11+s21+$0x0], $0xffff  }
0x253: {  	v5 =	vadd.f32 v18, v5;
	v17 =	vmul.f32 v15, v23;
	v18 =	vmul.f32 v23, v23;
	v10 =	vld.idx.msk [tilespmem:v10+s22+$0x0], $0xffff  }
0x254: {  	v7 =	vadd.f32 v21, v7;
	v6 =	vadd.f32 v16, v6;
	v15 =	vmul.f32 v15, v15;
	v9 =	vld.idx.msk [tilespmem:v9+s21+$0x0], $0xffff  }
0x255: {  	v5 =	vadd.f32 v17, v5;
	v16 =	vmul.f32 v13, v19;
	v17 =	vmul.f32 v19, v19;
	v8 =	vld.idx.msk [tilespmem:v8+s22+$0x0], $0xffff  }
0x256: {  	v7 =	vadd.f32 v18, v7;
	v6 =	vadd.f32 v15, v6;
	v13 =	vmul.f32 v13, v13  }
0x257: {  	v5 =	vadd.f32 v16, v5;
	v15 =	vmul.f32 v12, v14;
	v14 =	vmul.f32 v14, v14  }
0x258: {  	v7 =	vadd.f32 v17, v7;
	v6 =	vadd.f32 v13, v6;
	v12 =	vmul.f32 v12, v12  }
0x259: {  	v5 =	vadd.f32 v15, v5;
	v13 =	vmul.f32 v10, v11;
	v11 =	vmul.f32 v11, v11  }
0x25a: {  	v7 =	vadd.f32 v14, v7;
	v6 =	vadd.f32 v12, v6;
	v10 =	vmul.f32 v10, v10  }
0x25b: {  	v5 =	vadd.f32 v13, v5;
	v12 =	vmul.f32 v8, v9;
	v9 =	vmul.f32 v9, v9  }
0x25c: {  	v7 =	vadd.f32 v11, v7;
	v6 =	vadd.f32 v10, v6;
	v8 =	vmul.f32 v8, v8  }
0x25d: {  	s6 =	sadd.s32 $0xF, s5;
	v10 =	vmov s5;
	v5 =	vadd.f32 v12, v5  }
0x25e: {  	s7 =	sadd.s32 $0xC, s5;
	s8 =	sadd.s32 $0xD, s5;
	s9 =	sadd.s32 $0xE, s5;
	v11 =	vmov s6;
	v7 =	vadd.f32 v9, v7;
	v6 =	vadd.f32 v8, v6  }
0x25f: {  	s10 =	sadd.s32 $0xA, s5;
	s11 =	sadd.s32 $0xB, s5;
	s6 =	sadd.s32 $0x9, s5;
	v8 =	vmov s7;
	v9 =	vmov s8;
	v12 =	vmov s9  }
0x260: {  	v16 =	vmov s11;
	v15 =	vmov s10;
	v13 =	vmov s6;
	s7 =	sadd.s32 $0x6, s5;
	s8 =	sadd.s32 $0x7, s5;
	s9 =	sadd.s32 $0x8, s5  }
0x261: {  	s11 =	sadd.s32 $0x5, s5;
	s10 =	sadd.s32 $0x4, s5;
	s6 =	sadd.s32 $0x3, s5;
	v20 =	vmov s7;
	v17 =	vmov s8;
	v18 =	vmov s9  }
0x262: {  	v19 =	vmov s11;
	v23 =	vmov s10;
	v22 =	vmov s6;
	s7 =	sadd.s32 $0x1, s5;
	s8 =	sadd.s32 $0x2, s5  }
0x263: {  	v10 =	vand.u32 $0x70, v10;
	v14 =	vmov s7;
	v24 =	vmov s8  }
0x264: {  	v26 =	vand.u32 $0x7F, v11;
	v25 =	vand.u32 $0x7D, v9;
	v12 =	vand.u32 $0x7E, v12  }
0x265: {  	v27 =	vand.u32 $0x7B, v16;
	v15 =	vand.u32 $0x7A, v15;
	v16 =	vand.u32 $0x7C, v8  }
.Ltmp2:
0x266: {  	v9 =	vand.u32 $0x77, v17;
	v17 =	vand.u32 $0x78, v18;
	v18 =	vand.u32 $0x79, v13;
	(pc) =	sbr.rel @p0 .LBB2_7-.Ltmp2, $4  }
0x267: {  	v19 =	vand.u32 $0x75, v19;
	v21 =	vbroadcast v10, $0x0;
	v11 =	vand.u32 $0x76, v20  }
0x268: {  	v8 =	vbroadcast v26, $0x0;
	v20 =	vand.u32 $0x74, v23;
	v10 =	vbroadcast v12, $0x0  }
0x269: {  	v22 =	vand.u32 $0x73, v22;
	v13 =	vbroadcast v16, $0x0;
	v12 =	vbroadcast v25, $0x0  }
0x26a: {  	s5 =	sadd.s32 $0x10, s5;
	v16 =	vbroadcast v15, $0x0;
	v15 =	vbroadcast v27, $0x0;
	v23 =	vand.u32 $0x72, v24  }
0x26b: {  	v14 =	vand.u32 $0x71, v14  }
0x26c: {  	v24 =	vor.u32 v4, v21;
	v14 =	vbroadcast v14, $0x0  }
0x26d: {  	v52 =	vor.u32 v3, v21  }
0x26e: {  	v23 =	vbroadcast v23, $0x0;
	v25 =	vor.u32 v4, v14  }
0x26f: {  	v14 =	vor.u32 v3, v14  }
0x270: {  	v22 =	vbroadcast v22, $0x0;
	v26 =	vor.u32 v4, v23  }
0x271: {  	v23 =	vor.u32 v3, v23;
	v24 =	vld.idx.msk [tilespmem:v24+s21+$0x0], $0xffff  }
0x272: {  	v20 =	vbroadcast v20, $0x0;
	v27 =	vor.u32 v4, v22;
	v21 =	vld.idx.msk [tilespmem:v52+s22+$0x0], $0xffff  }
0x273: {  	v22 =	vor.u32 v3, v22;
	v25 =	vld.idx.msk [tilespmem:v25+s21+$0x0], $0xffff  }
0x274: {  	v19 =	vbroadcast v19, $0x0;
	v28 =	vor.u32 v4, v20;
	v14 =	vld.idx.msk [tilespmem:v14+s22+$0x0], $0xffff  }
0x275: {  	v17 =	vbroadcast v17, $0x0;
	v18 =	vbroadcast v18, $0x0;
	v20 =	vor.u32 v3, v20;
	v26 =	vld.idx.msk [tilespmem:v26+s21+$0x0], $0xffff  }
0x276: {  	v11 =	vbroadcast v11, $0x0;
	v29 =	vor.u32 v4, v19;
	v23 =	vld.idx.msk [tilespmem:v23+s22+$0x0], $0xffff;
	v30 =	vmul.f32 v24, v24  }
0x277: {  	v9 =	vbroadcast v9, $0x0;
	v19 =	vor.u32 v3, v19;
	v27 =	vld.idx.msk [tilespmem:v27+s21+$0x0], $0xffff;
	v31 =	vmul.f32 v21, v21  }
0x278: {  	v32 =	vor.u32 v4, v11;
	v11 =	vor.u32 v3, v11;
	v22 =	vld.idx.msk [tilespmem:v22+s22+$0x0], $0xffff;
	v7 =	vadd.f32 v30, v7  }
0x279: {  	v28 =	vld.idx.msk [tilespmem:v28+s21+$0x0], $0xffff;
	v6 =	vadd.f32 v31, v6;
	v33 =	vmul.f32 v25, v25;
	v53 =	vmul.f32 v14, v14  }
0x27a: {  	v54 =	vor.u32 v4, v9;
	v9 =	vor.u32 v3, v9;
	v20 =	vld.idx.msk [tilespmem:v20+s22+$0x0], $0xffff;
	v34 =	vmul.f32 v26, v26  }
0x27b: {  	v29 =	vld.idx.msk [tilespmem:v29+s21+$0x0], $0xffff;
	v55 =	vmul.f32 v23, v23;
	v7 =	vadd.f32 v33, v7;
	v6 =	vadd.f32 v53, v6  }
0x27c: {  	v56 =	vor.u32 v4, v17;
	v17 =	vor.u32 v3, v17;
	v19 =	vld.idx.msk [tilespmem:v19+s22+$0x0], $0xffff;
	v35 =	vmul.f32 v27, v27  }
0x27d: {  	v32 =	vld.idx.msk [tilespmem:v32+s21+$0x0], $0xffff;
	v57 =	vmul.f32 v22, v22;
	v7 =	vadd.f32 v34, v7;
	v6 =	vadd.f32 v55, v6  }
0x27e: {  	v58 =	vor.u32 v4, v18;
	v18 =	vor.u32 v3, v18;
	v11 =	vld.idx.msk [tilespmem:v11+s22+$0x0], $0xffff;
	v36 =	vmul.f32 v28, v28  }
0x27f: {  	v9 =	vld.idx.msk [tilespmem:v9+s22+$0x0], $0xffff;
	v59 =	vmul.f32 v20, v20;
	v7 =	vadd.f32 v35, v7;
	v6 =	vadd.f32 v57, v6  }
0x280: {  	v60 =	vor.u32 v4, v16;
	v61 =	vor.u32 v3, v16;
	v31 =	vld.idx.msk [tilespmem:v54+s21+$0x0], $0xffff;
	v37 =	vmul.f32 v29, v29  }
0x281: {  	v17 =	vld.idx.msk [tilespmem:v17+s22+$0x0], $0xffff;
	v62 =	vmul.f32 v19, v19;
	v7 =	vadd.f32 v36, v7;
	v6 =	vadd.f32 v59, v6  }
0x282: {  	v63 =	vor.u32 v4, v15;
	v44 =	vor.u32 v3, v15;
	v38 =	vmul.f32 v32, v32;
	v33 =	vld.idx.msk [tilespmem:v56+s21+$0x0], $0xffff  }
0x283: {  	v18 =	vld.idx.msk [tilespmem:v18+s22+$0x0], $0xffff;
	v45 =	vmul.f32 v11, v11;
	v7 =	vadd.f32 v37, v7;
	v6 =	vadd.f32 v62, v6  }
0x284: {  	v46 =	vor.u32 v4, v13;
	v47 =	vor.u32 v3, v13;
	v48 =	vmul.f32 v9, v9;
	v34 =	vld.idx.msk [tilespmem:v58+s21+$0x0], $0xffff  }
0x285: {  	v16 =	vld.idx.msk [tilespmem:v61+s22+$0x0], $0xffff;
	v39 =	vmul.f32 v31, v31;
	v7 =	vadd.f32 v38, v7;
	v6 =	vadd.f32 v45, v6  }
0x286: {  	v49 =	vor.u32 v4, v12;
	v50 =	vor.u32 v3, v12;
	v51 =	vmul.f32 v17, v17;
	v35 =	vld.idx.msk [tilespmem:v60+s21+$0x0], $0xffff  }
0x287: {  	v15 =	vld.idx.msk [tilespmem:v44+s22+$0x0], $0xffff;
	v40 =	vmul.f32 v33, v33;
	v7 =	vadd.f32 v39, v7;
	v6 =	vadd.f32 v48, v6  }
0x288: {  	v52 =	vor.u32 v4, v10;
	v54 =	vor.u32 v3, v10;
	v55 =	vmul.f32 v18, v18;
	v36 =	vld.idx.msk [tilespmem:v63+s21+$0x0], $0xffff  }
0x289: {  	v13 =	vld.idx.msk [tilespmem:v47+s22+$0x0], $0xffff;
	v53 =	vmul.f32 v34, v34;
	v7 =	vadd.f32 v40, v7;
	v6 =	vadd.f32 v51, v6  }
0x28a: {  	v3 =	vor.u32 v3, v8;
	v56 =	vor.u32 v4, v8;
	v58 =	vmul.f32 v16, v16;
	v37 =	vld.idx.msk [tilespmem:v46+s21+$0x0], $0xffff  }
0x28b: {  	v8 =	vld.idx.msk [tilespmem:v49+s21+$0x0], $0xffff;
	v57 =	vmul.f32 v35, v35;
	v7 =	vadd.f32 v53, v7;
	v6 =	vadd.f32 v55, v6  }
0x28c: {  	v12 =	vld.idx.msk [tilespmem:v50+s22+$0x0], $0xffff;
	v60 =	vmul.f32 v15, v15  }
0x28d: {  	v10 =	vld.idx.msk [tilespmem:v54+s22+$0x0], $0xffff;
	v59 =	vmul.f32 v36, v36;
	v7 =	vadd.f32 v57, v7;
	v6 =	vadd.f32 v58, v6  }
0x28e: {  	v62 =	vmul.f32 v13, v13;
	v39 =	vld.idx.msk [tilespmem:v52+s21+$0x0], $0xffff  }
0x28f: {  	v3 =	vld.idx.msk [tilespmem:v3+s22+$0x0], $0xffff;
	v61 =	vmul.f32 v37, v37;
	v7 =	vadd.f32 v59, v7;
	v6 =	vadd.f32 v60, v6  }
0x290: {  	v4 =	vld.idx.msk [tilespmem:v56+s21+$0x0], $0xffff;
	v63 =	vmul.f32 v8, v8  }
0x291: {  	v40 =	vmul.f32 v12, v12;
	v7 =	vadd.f32 v61, v7;
	v6 =	vadd.f32 v62, v6  }
0x292: {  	v42 =	vmul.f32 v10, v10  }
0x293: {  	v41 =	vmul.f32 v39, v39;
	v7 =	vadd.f32 v63, v7;
	v6 =	vadd.f32 v40, v6  }
0x294: {  	v21 =	vmul.f32 v21, v24;
	v44 =	vmul.f32 v3, v3  }
0x295: {  	v43 =	vmul.f32 v4, v4;
	v7 =	vadd.f32 v41, v7;
	v6 =	vadd.f32 v42, v6  }
0x296: {  	v5 =	vadd.f32 v21, v5;
	v14 =	vmul.f32 v14, v25  }
0x297: {  	v7 =	vadd.f32 v43, v7;
	v6 =	vadd.f32 v44, v6  }
0x298: {  	v5 =	vadd.f32 v14, v5;
	v45 =	vmul.f32 v23, v26  }
0x299: {  	v7 =	vmax.f32 v7, $9.999999960e-13;
	v6 =	vmax.f32 v6, $9.999999960e-13  }
0x29a: {  	v46 =	vmul.f32 v22, v27;
	v5 =	vadd.f32 v45, v5;
	v6 =	vmul.f32 v6, v7  }
0x29b: {  	v47 =	vmul.f32 v20, v28  }
0x29c: {  	v5 =	vadd.f32 v46, v5;
	v48 =	vshra.s32 v6, $0x1;
	v6 =	vmul.f32 $5.000000000e-01, v6  }
0x29d: {  	v14 =	vsub.s32 $0x5F3759DF, v48  }
0x29e: {  	v49 =	vmul.f32 v19, v29;
	v5 =	vadd.f32 v47, v5;
	v50 =	vmul.f32 v14, v6;
	_ =	sdelay $0x1  }
0x29f: {  	v51 =	vmul.f32 v11, v32;
	v5 =	vadd.f32 v49, v5;
	v52 =	vmul.f32 v14, v50;
	_ =	sdelay $0x1  }
0x2a0: {  	v53 =	vmul.f32 v9, v31;
	v5 =	vadd.f32 v51, v5;
	v54 =	vsub.f32 $1.500000000e+00, v52;
	_ =	sdelay $0x1  }
0x2a1: {  	v55 =	vmul.f32 v17, v33;
	v5 =	vadd.f32 v53, v5;
	v9 =	vmul.f32 v14, v54;
	_ =	sdelay $0x1  }
0x2a2: {  	v56 =	vmul.f32 v18, v34;
	v5 =	vadd.f32 v55, v5;
	v57 =	vmul.f32 v9, v6;
	_ =	sdelay $0x1  }
0x2a3: {  	v58 =	vmul.f32 v16, v35;
	v5 =	vadd.f32 v56, v5;
	v11 =	vmul.f32 v57, v9;
	_ =	sdelay $0x1  }
0x2a4: {  	v59 =	vmul.f32 v15, v36;
	v5 =	vadd.f32 v58, v5;
	v11 =	vsub.f32 $1.500000000e+00, v11;
	_ =	sdelay $0x1  }
0x2a5: {  	v60 =	vmul.f32 v13, v37;
	v5 =	vadd.f32 v59, v5;
	v9 =	vmul.f32 v11, v9;
	_ =	sdelay $0x1  }
0x2a6: {  	v61 =	vmul.f32 v12, v8;
	v5 =	vadd.f32 v60, v5;
	v6 =	vmul.f32 v9, v6;
	_ =	sdelay $0x1  }
0x2a7: {  	v62 =	vmul.f32 v10, v39;
	v5 =	vadd.f32 v61, v5;
	v6 =	vmul.f32 v6, v9;
	_ =	sdelay $0x1  }
0x2a8: {  	v3 =	vmul.f32 v3, v4;
	v5 =	vadd.f32 v62, v5;
	v63 =	vsub.f32 $1.500000000e+00, v6;
	_ =	sdelay $0x1  }
0x2a9: {  	v3 =	vadd.f32 v3, v5;
	v4 =	vmul.f32 v63, v9;
	_ =	sdelay $0x1  }
0x2aa: {  	v3 =	vmul.f32 v4, v3;
	_ =	sdelay $0x1  }
0x2ab: {  	v3 =	vmul.f32 v3, v1;
	_ =	sdelay $0x1  }
0x2ac: {  	v3 =	vadd.f32 v3, v2;
	_ =	sdelay $0x1  }
0x2ad: {  	v3 =	vsub.f32 $0.0e+00, v3;
	_ =	sdelay $0x1  }
0x2ae: {  	v3 =	vmul.f32 $1.442695020e+00, v3;
	_ =	sdelay $0x1  }
0x2af: {  	(erf) = vpow2.f32 v3;
	_ =	sdelay $0x8  }
0x2b0: {  	v3 =	vpop (erf)  }
0x2b1: {  	v3 =	vadd.f32 $1.000000000e+00, v3;
	_ =	sdelay $0x1  }
0x2b2: {  	(erf) = vrcp.f32 v3;
	_ =	sdelay $0x3  }
0x2b3: {  	s12 =	sadd.s32 $0x1, s12  }
0x2b4: {  	p0 =	sne.s32 s12, $0x10  }
.Ltmp3:
0x2b5: {  	_ = 	snop;
	(pc) =	sbr.rel @p0 .LBB2_2-.Ltmp3, $3  }
0x2b6: {  	_ =	sdelay $0x1  }
0x2b7: {  	v3 =	vpop (erf)  }
0x2b8: {  	[tilespmem:s13+$0x10400] =	vst v3  }
0x2b9: {  	s5 =	rddreg [dreg:$0x9];
	s6 =	simm.s32 $0x10400  }
0x2ba: {  	[hbm4b:s5+s1] =	stream.linear.scatter [tilespmem:s6], [sflag:$0x5], $0x200, $0x38;
	[tilespmem:$0x10700] =	vst v63  }
0x2bb: {  	s6 =	simm.s32 $0x5  }
0x2bc: {  	_ =	swait.ge [sflag:s6], $0x200  }
0x2bd: {  	s7 =	rddreg [dreg:$0xb]  }
0x2be: {  	s14 =	rddreg [dreg:$0xa];
	s7 =	sadd.s32 $0x1, s7  }
0x2bf: {  	p0 =	sne.s32 s7, s14  }
.Ltmp4:
0x2c0: {  	_ = 	snop;
	(pc) =	sbr.rel @p0 .LBB2_1-.Ltmp4, $3  }
0x2c1: {  	_ =	sdelay $0x1  }
0x2c2: {  	[sflag:s6] =	ssyncset.done $0x0  }
0x2c3: {  	[sflag:s6] =	ssyncadd.s32 $0xFFFFFE00  }
0x2c4: {  	_ =	sfence.sel $0x180000  }
0x2c5: {  	[bflag:$0x0] =	sbarrier.arrive $0xFFFF  }
0x2c6: {  	_ =	strace $0x90000047  }
0x2c7: {  	s0 =	stileid.u32;
	[bflag:$0x2] =	sbarrier.arrive $0xFFFF  }
0x2c8: {  	p0 =	sne.s32 s0, $0x0;
	s0 =	rddreg [dreg:$0x4]  }
0x2c9: {  	s0 =	sadd.s32 @!p0 $0x100000, s0  }
0x2ca: {  	[sflag:s0] =	ssyncadd.tile.s32 @!p0 $0x1;
	_ =	shalt  }
.Lfunc_end2:
_tile_overlayer_lowered:
.L_overlay_start_2:
0x2cb: {  	(tag) =	ssettag $0x2  }
0x2cc: {  	s0 =	rddreg [dreg:$0x0];
	s2 =	stileid.u32  }
0x2cd: {  	s1 =	rddreg [dreg:$0x1];
	p0 =	sne.s32 s2, $0x0  }
0x2ce: {  	s3 =	rddreg [dreg:$0x2];
	[bflag:$0x3] =	sbarrier.arrive $0xFFFF;
	s2 =	simm.s32 @!p0 $0x1C05  }
0x2cf: {  	[timem:s3], [sflag:s2] =	dma.local @!p0 [hbm:s0], s1  }
0x2d0: {  	s0 =	simm.s32 @!p0 $0x5  }
0x2d1: {  	_ =	swait.ge @!p0 [sflag:s0], s1  }
0x2d2: {  	s1 =	ssub.s32 @!p0 $0x0, s1;
	[sflag:s0] =	ssyncset.done @!p0 $0x0  }
0x2d3: {  	[sflag:s0] =	ssyncadd.s32 @!p0 s1  }
0x2d4: {  	[bflag:$0x3] =	sbarrier.arrive $0xFFFF  }
0x2d5: {  	_ =	shalt  }

</sc_bundles>
